<compile_context>
chip_gen: v7x
topology: tpu7x:2x2x1
jax: 0.10.2.dev20260603
libtpu: 0.0.44.dev20260713+nightly
codegen_flags: <defaults>
</compile_context>

<pallas_src>
import functools

import jax
import jax.numpy as jnp
from jax import lax
from jax.experimental import pallas as pl
from jax.experimental.pallas import tpu as pltpu
from jax.experimental.pallas import tpu_sc as plsc


def _segment_sum_sc(messages, tgt_indices, B, E, D, N):
    NC, NS = 2, 16
    BATCHES_PER_CORE = B // NC
    EPS = 1024
    ROWS = 128
    NBUF = 4
    FULL_LOADS = tuple((li % NBUF, li * ROWS, ROWS) for li in range(EPS // ROWS))
    LAST_LOADS = tuple((li % NBUF, li * ROWS, ROWS) for li in range(5))
    NPAD = ((N + 8 * NS - 1) // (8 * NS)) * (8 * NS)
    ZROWS = NPAD // NS
    ZSUB = 8
    LAST_OROWS = N - (NS - 1) * ZROWS

    mesh = plsc.VectorSubcoreMesh(core_axis_name="c", subcore_axis_name="s")

    @functools.partial(
        pl.kernel,
        out_type=jax.ShapeDtypeStruct((B, N, D), jnp.float32),
        mesh=mesh,
        scratch_types=[
            *[pltpu.VMEM((ROWS, D), jnp.float32) for _ in range(NBUF)],
            *[pltpu.VMEM((1, ROWS), jnp.int32) for _ in range(NBUF)],
            pltpu.VMEM((ZSUB, D), jnp.float32),
            pltpu.VMEM_SHARED((NPAD, D), jnp.float32),
            pltpu.VMEM_SHARED((NPAD, D), jnp.float32),
            *[pltpu.SemaphoreType.DMA for _ in range(NBUF)],
            *[pltpu.SemaphoreType.DMA for _ in range(NBUF)],
            *[pltpu.SemaphoreType.DMA for _ in range(NBUF)],
            pltpu.SemaphoreType.DMA,
            pltpu.SemaphoreType.DMA,
            pltpu.SemaphoreType.DMA,
        ],
    )
    def k(msg_hbm, tgt_hbm, out_hbm, *rest):
        msg_vs = rest[:NBUF]
        idx_vs = rest[NBUF : 2 * NBUF]
        zeros_v = rest[2 * NBUF]
        accs = rest[2 * NBUF + 1 : 2 * NBUF + 3]
        isems = rest[2 * NBUF + 3 : 3 * NBUF + 3]
        msems = rest[3 * NBUF + 3 : 4 * NBUF + 3]
        ssems = rest[4 * NBUF + 3 : 5 * NBUF + 3]
        zsem, osem0, osem1 = rest[5 * NBUF + 3 :]
        osems = (osem0, osem1)
        c = lax.axis_index("c")
        s = lax.axis_index("s")
        b0 = c * BATCHES_PER_CORE

        def out_copy(b, p, rows):
            r0 = s * ZROWS
            return pltpu.make_async_copy(
                accs[p].at[pl.ds(r0, rows)], out_hbm.at[b, pl.ds(r0, rows)], osems[p]
            )

        def out_start(b, p):
            @pl.when(s < NS - 1)
            def _():
                out_copy(b, p, ZROWS).start()

            @pl.when(s == NS - 1)
            def _():
                out_copy(b, p, LAST_OROWS).start()

        def out_wait(p):
            @pl.when(s < NS - 1)
            def _():
                out_copy(0, p, ZROWS).wait()

            @pl.when(s == NS - 1)
            def _():
                out_copy(0, p, LAST_OROWS).wait()

        def msg_copy(b, loads, li):
            buf, eoff, rows = loads[li]
            ebase = s * EPS
            return pltpu.make_async_copy(
                msg_hbm.at[b, pl.ds(ebase + eoff, rows)],
                msg_vs[buf].at[pl.ds(0, rows)],
                msems[buf],
            )

        def idx_ref(loads, li):
            buf, _, rows = loads[li]
            return idx_vs[buf].at[0]

        def idx_copy(b, loads, li):
            buf, eoff, rows = loads[li]
            ebase = s * EPS
            return pltpu.make_async_copy(
                tgt_hbm.at[b, pl.ds(ebase + eoff, rows)],
                idx_ref(loads, li),
                isems[buf],
            )

        def scatter_desc(acc, loads, li):
            buf, eoff, rows = loads[li]
            return pltpu.make_async_copy(
                msg_vs[buf].at[pl.ds(0, rows)],
                acc.at[idx_ref(loads, li)],
                ssems[buf],
            )

        def prefetch(b, loads):
            for li in range(min(NBUF, len(loads))):
                msg_copy(b, loads, li).start()
                idx_copy(b, loads, li).start()

        def scatter_phase(b, acc, loads, more):
            n = len(loads)
            for li in range(n):
                idx_copy(b, loads, li).wait()
                msg_copy(b, loads, li).wait()
                scatter_desc(acc, loads, li).start(add=True)
                if li >= 1:
                    scatter_desc(acc, loads, li - 1).wait()
                    if li - 1 + NBUF < n:
                        msg_copy(b, loads, li - 1 + NBUF).start()
                        idx_copy(b, loads, li - 1 + NBUF).start()
            scatter_desc(acc, loads, n - 1).wait()
            @pl.when(more)
            def _():
                prefetch(b + 1, loads)

        @pl.loop(0, ZSUB)
        def _(r):
            @pl.loop(0, D, step=16)
            def _(col):
                zeros_v[r, pl.ds(col, 16)] = jnp.zeros((16,), jnp.float32)

        @pl.when(s < NS - 1)
        def _():
            prefetch(b0, FULL_LOADS)

        @pl.when(s == NS - 1)
        def _():
            prefetch(b0, LAST_LOADS)

        @pl.loop(0, BATCHES_PER_CORE, step=2)
        def _(bi0):
            for p in range(2):
                bi = bi0 + p
                b = b0 + bi
                acc = accs[p]
                more = bi < BATCHES_PER_CORE - 1

                @pl.when(bi >= 2)
                def _():
                    out_wait(p)

                for z in range(ZROWS // ZSUB):
                    pltpu.make_async_copy(
                        zeros_v, acc.at[pl.ds(s * ZROWS + z * ZSUB, ZSUB)], zsem
                    ).start()

                for z in range(ZROWS // ZSUB):
                    pltpu.make_async_copy(
                        zeros_v, acc.at[pl.ds(s * ZROWS + z * ZSUB, ZSUB)], zsem
                    ).wait()

                plsc.subcore_barrier()

                @pl.when(s < NS - 1)
                def _():
                    scatter_phase(b, acc, FULL_LOADS, more)

                @pl.when(s == NS - 1)
                def _():
                    scatter_phase(b, acc, LAST_LOADS, more)

                plsc.subcore_barrier()

                out_start(b, p)

        out_wait(0)
        out_wait(1)

    return k(messages, tgt_indices)


@jax.jit
def kernel(messages, tgt_indices, atom_features_ref):
    B, E, D = messages.shape
    N = atom_features_ref.shape[1]
    return _segment_sum_sc(messages, tgt_indices, B, E, D, N)

# --- scband reference (transcript-rebuilt; emitter-appended) ---
"""Pipeline reference for scband-reduce-88579405512820 (READ-ONLY COPY).

The authoritative reference and input builder live on the scoring server;
editing this copy changes nothing except your own understanding.
"""

import jax, jax.numpy as jnp
import numpy as np


def setup_inputs(seed: int = 0) -> dict:
    key = jax.random.key(seed)
    k1, k2, k3 = jax.random.split(key, 3)
    B, E, D, N = 32, 16000, 128, 1000
    messages = jax.random.normal(k1, (B, E, D), dtype=jnp.float32)
    tgt_indices = jax.random.randint(k2, (B, E), 0, N, dtype=jnp.int32)
    atom_features_ref = jax.random.normal(k3, (B, N, D), dtype=jnp.float32)
    return {"messages": messages, "tgt_indices": tgt_indices, "atom_features_ref": atom_features_ref}


def reference(messages, tgt_indices, atom_features_ref):
    B, E, D = messages.shape
    N = atom_features_ref.shape[1]
    offset = (jnp.arange(B, dtype=tgt_indices.dtype) * N)[:, None]
    flat_indices = (tgt_indices + offset).reshape(-1)
    flat_messages = messages.reshape(-1, D)
    total_atoms = B * N
    aggregated_flat = jax.ops.segment_sum(flat_messages, flat_indices, num_segments=total_atoms)
    aggregated = aggregated_flat.reshape(B, N, D)
    return aggregated

if __name__ == "__main__":
    import jax
    _d = setup_inputs()
    print(jax.jit(kernel)(*tuple(_d.values())))

</pallas_src>

<mosaic_0001>
#map = affine_map<(d0, d1) -> (0, 0, 0)>
#map1 = affine_map<(d0, d1) -> (0, 0)>
module attributes {stable_mosaic.version = 14 : i64} {
  func.func @k(%arg0: i32, %arg1: i32, %arg2: memref<32x16000x128xf32, #tpu.memory_space<hbm>>, %arg3: memref<32x16000xi32, #tpu.memory_space<hbm>>, %arg4: memref<32x1000x128xf32, #tpu.memory_space<hbm>>, %arg5: memref<128x128xf32, #tpu.memory_space<vmem>>, %arg6: memref<128x128xf32, #tpu.memory_space<vmem>>, %arg7: memref<128x128xf32, #tpu.memory_space<vmem>>, %arg8: memref<128x128xf32, #tpu.memory_space<vmem>>, %arg9: memref<1x128xi32, #tpu.memory_space<vmem>>, %arg10: memref<1x128xi32, #tpu.memory_space<vmem>>, %arg11: memref<1x128xi32, #tpu.memory_space<vmem>>, %arg12: memref<1x128xi32, #tpu.memory_space<vmem>>, %arg13: memref<8x128xf32, #tpu.memory_space<vmem>>, %arg14: memref<1024x128xf32, #tpu.memory_space<vmem_shared>>, %arg15: memref<1024x128xf32, #tpu.memory_space<vmem_shared>>, %arg16: memref<!tpu.dma_semaphore, #tpu.memory_space<semaphore_mem>>, %arg17: memref<!tpu.dma_semaphore, #tpu.memory_space<semaphore_mem>>, %arg18: memref<!tpu.dma_semaphore, #tpu.memory_space<semaphore_mem>>, %arg19: memref<!tpu.dma_semaphore, #tpu.memory_space<semaphore_mem>>, %arg20: memref<!tpu.dma_semaphore, #tpu.memory_space<semaphore_mem>>, %arg21: memref<!tpu.dma_semaphore, #tpu.memory_space<semaphore_mem>>, %arg22: memref<!tpu.dma_semaphore, #tpu.memory_space<semaphore_mem>>, %arg23: memref<!tpu.dma_semaphore, #tpu.memory_space<semaphore_mem>>, %arg24: memref<!tpu.dma_semaphore, #tpu.memory_space<semaphore_mem>>, %arg25: memref<!tpu.dma_semaphore, #tpu.memory_space<semaphore_mem>>, %arg26: memref<!tpu.dma_semaphore, #tpu.memory_space<semaphore_mem>>, %arg27: memref<!tpu.dma_semaphore, #tpu.memory_space<semaphore_mem>>, %arg28: memref<!tpu.dma_semaphore, #tpu.memory_space<semaphore_mem>>, %arg29: memref<!tpu.dma_semaphore, #tpu.memory_space<semaphore_mem>>, %arg30: memref<!tpu.dma_semaphore, #tpu.memory_space<semaphore_mem>>) attributes {dimension_semantics = [#tpu.dimension_semantics<core_parallel>, #tpu.dimension_semantics<subcore_parallel>], iteration_bounds = array<i64: 2, 16>, scalar_prefetch = 0 : i64, scratch_operands = 26 : i64, tpu.core_type = #tpu.core_type<sc_vector_subcore>, window_params = [{transform_indices = #map}, {transform_indices = #map1}, {transform_indices = #map}]} {
    %mul3A = arith.constant 16 : i32
    %mul3A_0 = arith.muli %arg0, %mul3A : i32
    %scan3A = arith.constant 0 : i32
    %scan3A_1 = arith.constant 8 : i32
    %scan3A_2 = arith.addi %scan3A, %scan3A_1 : i32
    %scan3A_3 = arith.constant 1 : i32
    scf.for %scan3A_36 = %scan3A to %scan3A_2 step %scan3A_3  : i32 {
      %mul3A_37 = arith.constant 1 : i32
      %mul3A_38 = arith.muli %scan3A_36, %mul3A_37 : i32
      %add3A = arith.constant 0 : i32
      %add3A_39 = arith.addi %add3A, %mul3A_38 : i32
      %scan3A_40 = arith.constant 0 : i32
      %scan3A_41 = arith.constant 8 : i32
      %scan3A_42 = arith.addi %scan3A_40, %scan3A_41 : i32
      %scan3A_43 = arith.constant 1 : i32
      scf.for %scan3A_45 = %scan3A_40 to %scan3A_42 step %scan3A_43  : i32 {
        %mul3A_46 = arith.constant 16 : i32
        %mul3A_47 = arith.muli %scan3A_45, %mul3A_46 : i32
        %add3A_48 = arith.constant 0 : i32
        %add3A_49 = arith.addi %add3A_48, %mul3A_47 : i32
        %broadcast_in_dim3A = arith.constant 0.000000e+00 : f32
        %broadcast_in_dim3A_50 = vector.broadcast %broadcast_in_dim3A : f32 to vector<16xf32>
        %swap3A = arith.index_cast %add3A_39 : i32 to index
        %swap3A_51 = arith.index_cast %add3A_49 : i32 to index
        %swap3A_52 = tpu.vector_load %arg13[%swap3A, %swap3A_51] {strides = array<i32>} : memref<8x128xf32, #tpu.memory_space<vmem>>, vector<1x16xf32>,
        %swap3A_53 = vector.shape_cast %swap3A_52 : vector<1x16xf32> to vector<16xf32>
        %swap3A_54 = vector.shape_cast %broadcast_in_dim3A_50 : vector<16xf32> to vector<1x16xf32>
        tpu.vector_store %arg13[%swap3A, %swap3A_51], %swap3A_54 {strides = array<i32>} : memref<8x128xf32, #tpu.memory_space<vmem>>, vector<1x16xf32>,
      }
      %scan3A_44 = arith.constant 8 : i32
    }
    %scan3A_4 = arith.constant 8 : i32
    %lt3A = arith.constant 15 : i32
    %lt3A_5 = arith.cmpi slt, %arg1, %lt3A : i32
    %convert_element_type3A = arith.extui %lt3A_5 : i1 to i32
    %cond3A = arith.constant 0 : i32
    %cond3A_6 = arith.cmpi ne, %convert_element_type3A, %cond3A : i32
    scf.if %cond3A_6 {
      %mul3A_36 = arith.constant 1024 : i32
      %mul3A_37 = arith.muli %arg1, %mul3A_36 : i32
      %add3A = arith.constant 0 : i32
      %add3A_38 = arith.addi %mul3A_37, %add3A : i32
      %dma_start3A = arith.constant 0 : i32
      %dma_start3A_39 = arith.constant 0 : i32
      %dma_start3A_40 = tpu.memref_slice %arg5[%dma_start3A, %dma_start3A_39] : memref<128x128xf32, #tpu.memory_space<vmem>> -> memref<128x128xf32, #tpu.memory_space<vmem>>
      %dma_start3A_41 = arith.constant 0 : i32
      %dma_start3A_42 = tpu.memref_slice %arg2[%mul3A_0, %add3A_38, %dma_start3A_41] : memref<32x16000x128xf32, #tpu.memory_space<hbm>> -> memref<1x128x128xf32, #tpu.memory_space<hbm>>
      %dma_start3A_43 = tpu.memref_squeeze %dma_start3A_42 : memref<1x128x128xf32, #tpu.memory_space<hbm>> -> memref<128x128xf32, #tpu.memory_space<hbm>>
      %dma_start3A_44 = arith.constant 0 : i32
      %dma_start3A_45 = arith.constant 0 : i32
      %dma_start3A_46 = tpu.memref_slice %arg5[%dma_start3A_44, %dma_start3A_45] : memref<128x128xf32, #tpu.memory_space<vmem>> -> memref<128x128xf32, #tpu.memory_space<vmem>>
      %dma_start3A_47 = arith.constant 0 : i32
      %dma_start3A_48 = tpu.memref_slice %arg2[%mul3A_0, %add3A_38, %dma_start3A_47] : memref<32x16000x128xf32, #tpu.memory_space<hbm>> -> memref<1x128x128xf32, #tpu.memory_space<hbm>>
      %dma_start3A_49 = tpu.memref_squeeze %dma_start3A_48 : memref<1x128x128xf32, #tpu.memory_space<hbm>> -> memref<128x128xf32, #tpu.memory_space<hbm>>
      tpu.enqueue_dma source(%dma_start3A_49 : memref<128x128xf32, #tpu.memory_space<hbm>>) target(%dma_start3A_46 : memref<128x128xf32, #tpu.memory_space<vmem>>) target_semaphore(%arg20 : memref<!tpu.dma_semaphore, #tpu.memory_space<semaphore_mem>>)
      %mul3A_50 = arith.constant 1024 : i32
      %mul3A_51 = arith.muli %arg1, %mul3A_50 : i32
      %add3A_52 = arith.constant 0 : i32
      %add3A_53 = arith.addi %mul3A_51, %add3A_52 : i32
      %dma_start3A_54 = arith.constant 0 : i32
      %dma_start3A_55 = arith.constant 0 : i32
      %dma_start3A_56 = tpu.memref_slice %arg9[%dma_start3A_54, %dma_start3A_55] : memref<1x128xi32, #tpu.memory_space<vmem>> -> memref<1x128xi32, #tpu.memory_space<vmem>>
      %dma_start3A_57 = tpu.memref_squeeze %dma_start3A_56 : memref<1x128xi32, #tpu.memory_space<vmem>> -> memref<128xi32, #tpu.memory_space<vmem>>
      %dma_start3A_58 = tpu.memref_slice %arg3[%mul3A_0, %add3A_53] : memref<32x16000xi32, #tpu.memory_space<hbm>> -> memref<1x128xi32, #tpu.memory_space<hbm>>
      %dma_start3A_59 = tpu.memref_squeeze %dma_start3A_58 : memref<1x128xi32, #tpu.memory_space<hbm>> -> memref<128xi32, #tpu.memory_space<hbm>>
      %dma_start3A_60 = arith.constant 0 : i32
      %dma_start3A_61 = tpu.memref_slice %arg9[%dma_start3A_54, %dma_start3A_60] : memref<1x128xi32, #tpu.memory_space<vmem>> -> memref<1x128xi32, #tpu.memory_space<vmem>>
      %dma_start3A_62 = tpu.memref_squeeze %dma_start3A_61 : memref<1x128xi32, #tpu.memory_space<vmem>> -> memref<128xi32, #tpu.memory_space<vmem>>
      %dma_start3A_63 = tpu.memref_slice %arg3[%mul3A_0, %add3A_53] : memref<32x16000xi32, #tpu.memory_space<hbm>> -> memref<1x128xi32, #tpu.memory_space<hbm>>
      %dma_start3A_64 = tpu.memref_squeeze %dma_start3A_63 : memref<1x128xi32, #tpu.memory_space<hbm>> -> memref<128xi32, #tpu.memory_space<hbm>>
      tpu.enqueue_dma source(%dma_start3A_64 : memref<128xi32, #tpu.memory_space<hbm>>) target(%dma_start3A_62 : memref<128xi32, #tpu.memory_space<vmem>>) target_semaphore(%arg16 : memref<!tpu.dma_semaphore, #tpu.memory_space<semaphore_mem>>)
      %mul3A_65 = arith.constant 1024 : i32
      %mul3A_66 = arith.muli %arg1, %mul3A_65 : i32
      %add3A_67 = arith.constant 128 : i32
      %add3A_68 = arith.addi %mul3A_66, %add3A_67 : i32
      %dma_start3A_69 = arith.constant 0 : i32
      %dma_start3A_70 = arith.constant 0 : i32
      %dma_start3A_71 = tpu.memref_slice %arg6[%dma_start3A_69, %dma_start3A_70] : memref<128x128xf32, #tpu.memory_space<vmem>> -> memref<128x128xf32, #tpu.memory_space<vmem>>
      %dma_start3A_72 = arith.constant 0 : i32
      %dma_start3A_73 = tpu.memref_slice %arg2[%mul3A_0, %add3A_68, %dma_start3A_72] : memref<32x16000x128xf32, #tpu.memory_space<hbm>> -> memref<1x128x128xf32, #tpu.memory_space<hbm>>
      %dma_start3A_74 = tpu.memref_squeeze %dma_start3A_73 : memref<1x128x128xf32, #tpu.memory_space<hbm>> -> memref<128x128xf32, #tpu.memory_space<hbm>>
      %dma_start3A_75 = arith.constant 0 : i32
      %dma_start3A_76 = arith.constant 0 : i32
      %dma_start3A_77 = tpu.memref_slice %arg6[%dma_start3A_75, %dma_start3A_76] : memref<128x128xf32, #tpu.memory_space<vmem>> -> memref<128x128xf32, #tpu.memory_space<vmem>>
      %dma_start3A_78 = arith.constant 0 : i32
      %dma_start3A_79 = tpu.memref_slice %arg2[%mul3A_0, %add3A_68, %dma_start3A_78] : memref<32x16000x128xf32, #tpu.memory_space<hbm>> -> memref<1x128x128xf32, #tpu.memory_space<hbm>>
      %dma_start3A_80 = tpu.memref_squeeze %dma_start3A_79 : memref<1x128x128xf32, #tpu.memory_space<hbm>> -> memref<128x128xf32, #tpu.memory_space<hbm>>
      tpu.enqueue_dma source(%dma_start3A_80 : memref<128x128xf32, #tpu.memory_space<hbm>>) target(%dma_start3A_77 : memref<128x128xf32, #tpu.memory_space<vmem>>) target_semaphore(%arg21 : memref<!tpu.dma_semaphore, #tpu.memory_space<semaphore_mem>>)
      %mul3A_81 = arith.constant 1024 : i32
      %mul3A_82 = arith.muli %arg1, %mul3A_81 : i32
      %add3A_83 = arith.constant 128 : i32
      %add3A_84 = arith.addi %mul3A_82, %add3A_83 : i32
      %dma_start3A_85 = arith.constant 0 : i32
      %dma_start3A_86 = arith.constant 0 : i32
      %dma_start3A_87 = tpu.memref_slice %arg10[%dma_start3A_85, %dma_start3A_86] : memref<1x128xi32, #tpu.memory_space<vmem>> -> memref<1x128xi32, #tpu.memory_space<vmem>>
      %dma_start3A_88 = tpu.memref_squeeze %dma_start3A_87 : memref<1x128xi32, #tpu.memory_space<vmem>> -> memref<128xi32, #tpu.memory_space<vmem>>
      %dma_start3A_89 = tpu.memref_slice %arg3[%mul3A_0, %add3A_84] : memref<32x16000xi32, #tpu.memory_space<hbm>> -> memref<1x128xi32, #tpu.memory_space<hbm>>
      %dma_start3A_90 = tpu.memref_squeeze %dma_start3A_89 : memref<1x128xi32, #tpu.memory_space<hbm>> -> memref<128xi32, #tpu.memory_space<hbm>>
      %dma_start3A_91 = arith.constant 0 : i32
      %dma_start3A_92 = tpu.memref_slice %arg10[%dma_start3A_85, %dma_start3A_91] : memref<1x128xi32, #tpu.memory_space<vmem>> -> memref<1x128xi32, #tpu.memory_space<vmem>>
      %dma_start3A_93 = tpu.memref_squeeze %dma_start3A_92 : memref<1x128xi32, #tpu.memory_space<vmem>> -> memref<128xi32, #tpu.memory_space<vmem>>
      %dma_start3A_94 = tpu.memref_slice %arg3[%mul3A_0, %add3A_84] : memref<32x16000xi32, #tpu.memory_space<hbm>> -> memref<1x128xi32, #tpu.memory_space<hbm>>
      %dma_start3A_95 = tpu.memref_squeeze %dma_start3A_94 : memref<1x128xi32, #tpu.memory_space<hbm>> -> memref<128xi32, #tpu.memory_space<hbm>>
      tpu.enqueue_dma source(%dma_start3A_95 : memref<128xi32, #tpu.memory_space<hbm>>) target(%dma_start3A_93 : memref<128xi32, #tpu.memory_space<vmem>>) target_semaphore(%arg17 : memref<!tpu.dma_semaphore, #tpu.memory_space<semaphore_mem>>)
      %mul3A_96 = arith.constant 1024 : i32
      %mul3A_97 = arith.muli %arg1, %mul3A_96 : i32
      %add3A_98 = arith.constant 256 : i32
      %add3A_99 = arith.addi %mul3A_97, %add3A_98 : i32
      %dma_start3A_100 = arith.constant 0 : i32
      %dma_start3A_101 = arith.constant 0 : i32
      %dma_start3A_102 = tpu.memref_slice %arg7[%dma_start3A_100, %dma_start3A_101] : memref<128x128xf32, #tpu.memory_space<vmem>> -> memref<128x128xf32, #tpu.memory_space<vmem>>
      %dma_start3A_103 = arith.constant 0 : i32
      %dma_start3A_104 = tpu.memref_slice %arg2[%mul3A_0, %add3A_99, %dma_start3A_103] : memref<32x16000x128xf32, #tpu.memory_space<hbm>> -> memref<1x128x128xf32, #tpu.memory_space<hbm>>
      %dma_start3A_105 = tpu.memref_squeeze %dma_start3A_104 : memref<1x128x128xf32, #tpu.memory_space<hbm>> -> memref<128x128xf32, #tpu.memory_space<hbm>>
      %dma_start3A_106 = arith.constant 0 : i32
      %dma_start3A_107 = arith.constant 0 : i32
      %dma_start3A_108 = tpu.memref_slice %arg7[%dma_start3A_106, %dma_start3A_107] : memref<128x128xf32, #tpu.memory_space<vmem>> -> memref<128x128xf32, #tpu.memory_space<vmem>>
      %dma_start3A_109 = arith.constant 0 : i32
      %dma_start3A_110 = tpu.memref_slice %arg2[%mul3A_0, %add3A_99, %dma_start3A_109] : memref<32x16000x128xf32, #tpu.memory_space<hbm>> -> memref<1x128x128xf32, #tpu.memory_space<hbm>>
      %dma_start3A_111 = tpu.memref_squeeze %dma_start3A_110 : memref<1x128x128xf32, #tpu.memory_space<hbm>> -> memref<128x128xf32, #tpu.memory_space<hbm>>
      tpu.enqueue_dma source(%dma_start3A_111 : memref<128x128xf32, #tpu.memory_space<hbm>>) target(%dma_start3A_108 : memref<128x128xf32, #tpu.memory_space<vmem>>) target_semaphore(%arg22 : memref<!tpu.dma_semaphore, #tpu.memory_space<semaphore_mem>>)
      %mul3A_112 = arith.constant 1024 : i32
      %mul3A_113 = arith.muli %arg1, %mul3A_112 : i32
      %add3A_114 = arith.constant 256 : i32
      %add3A_115 = arith.addi %mul3A_113, %add3A_114 : i32
      %dma_start3A_116 = arith.constant 0 : i32
      %dma_start3A_117 = arith.constant 0 : i32
      %dma_start3A_118 = tpu.memref_slice %arg11[%dma_start3A_116, %dma_start3A_117] : memref<1x128xi32, #tpu.memory_space<vmem>> -> memref<1x128xi32, #tpu.memory_space<vmem>>
      %dma_start3A_119 = tpu.memref_squeeze %dma_start3A_118 : memref<1x128xi32, #tpu.memory_space<vmem>> -> memref<128xi32, #tpu.memory_space<vmem>>
      %dma_start3A_120 = tpu.memref_slice %arg3[%mul3A_0, %add3A_115] : memref<32x16000xi32, #tpu.memory_space<hbm>> -> memref<1x128xi32, #tpu.memory_space<hbm>>
      %dma_start3A_121 = tpu.memref_squeeze %dma_start3A_120 : memref<1x128xi32, #tpu.memory_space<hbm>> -> memref<128xi32, #tpu.memory_space<hbm>>
      %dma_start3A_122 = arith.constant 0 : i32
      %dma_start3A_123 = tpu.memref_slice %arg11[%dma_start3A_116, %dma_start3A_122] : memref<1x128xi32, #tpu.memory_space<vmem>> -> memref<1x128xi32, #tpu.memory_space<vmem>>
      %dma_start3A_124 = tpu.memref_squeeze %dma_start3A_123 : memref<1x128xi32, #tpu.memory_space<vmem>> -> memref<128xi32, #tpu.memory_space<vmem>>
      %dma_start3A_125 = tpu.memref_slice %arg3[%mul3A_0, %add3A_115] : memref<32x16000xi32, #tpu.memory_space<hbm>> -> memref<1x128xi32, #tpu.memory_space<hbm>>
      %dma_start3A_126 = tpu.memref_squeeze %dma_start3A_125 : memref<1x128xi32, #tpu.memory_space<hbm>> -> memref<128xi32, #tpu.memory_space<hbm>>
      tpu.enqueue_dma source(%dma_start3A_126 : memref<128xi32, #tpu.memory_space<hbm>>) target(%dma_start3A_124 : memref<128xi32, #tpu.memory_space<vmem>>) target_semaphore(%arg18 : memref<!tpu.dma_semaphore, #tpu.memory_space<semaphore_mem>>)
      %mul3A_127 = arith.constant 1024 : i32
      %mul3A_128 = arith.muli %arg1, %mul3A_127 : i32
      %add3A_129 = arith.constant 384 : i32
      %add3A_130 = arith.addi %mul3A_128, %add3A_129 : i32
      %dma_start3A_131 = arith.constant 0 : i32
      %dma_start3A_132 = arith.constant 0 : i32
      %dma_start3A_133 = tpu.memref_slice %arg8[%dma_start3A_131, %dma_start3A_132] : memref<128x128xf32, #tpu.memory_space<vmem>> -> memref<128x128xf32, #tpu.memory_space<vmem>>
      %dma_start3A_134 = arith.constant 0 : i32
      %dma_start3A_135 = tpu.memref_slice %arg2[%mul3A_0, %add3A_130, %dma_start3A_134] : memref<32x16000x128xf32, #tpu.memory_space<hbm>> -> memref<1x128x128xf32, #tpu.memory_space<hbm>>
      %dma_start3A_136 = tpu.memref_squeeze %dma_start3A_135 : memref<1x128x128xf32, #tpu.memory_space<hbm>> -> memref<128x128xf32, #tpu.memory_space<hbm>>
      %dma_start3A_137 = arith.constant 0 : i32
      %dma_start3A_138 = arith.constant 0 : i32
      %dma_start3A_139 = tpu.memref_slice %arg8[%dma_start3A_137, %dma_start3A_138] : memref<128x128xf32, #tpu.memory_space<vmem>> -> memref<128x128xf32, #tpu.memory_space<vmem>>
      %dma_start3A_140 = arith.constant 0 : i32
      %dma_start3A_141 = tpu.memref_slice %arg2[%mul3A_0, %add3A_130, %dma_start3A_140] : memref<32x16000x128xf32, #tpu.memory_space<hbm>> -> memref<1x128x128xf32, #tpu.memory_space<hbm>>
      %dma_start3A_142 = tpu.memref_squeeze %dma_start3A_141 : memref<1x128x128xf32, #tpu.memory_space<hbm>> -> memref<128x128xf32, #tpu.memory_space<hbm>>
      tpu.enqueue_dma source(%dma_start3A_142 : memref<128x128xf32, #tpu.memory_space<hbm>>) target(%dma_start3A_139 : memref<128x128xf32, #tpu.memory_space<vmem>>) target_semaphore(%arg23 : memref<!tpu.dma_semaphore, #tpu.memory_space<semaphore_mem>>)
      %mul3A_143 = arith.constant 1024 : i32
      %mul3A_144 = arith.muli %arg1, %mul3A_143 : i32
      %add3A_145 = arith.constant 384 : i32
      %add3A_146 = arith.addi %mul3A_144, %add3A_145 : i32
      %dma_start3A_147 = arith.constant 0 : i32
      %dma_start3A_148 = arith.constant 0 : i32
      %dma_start3A_149 = tpu.memref_slice %arg12[%dma_start3A_147, %dma_start3A_148] : memref<1x128xi32, #tpu.memory_space<vmem>> -> memref<1x128xi32, #tpu.memory_space<vmem>>
      %dma_start3A_150 = tpu.memref_squeeze %dma_start3A_149 : memref<1x128xi32, #tpu.memory_space<vmem>> -> memref<128xi32, #tpu.memory_space<vmem>>
      %dma_start3A_151 = tpu.memref_slice %arg3[%mul3A_0, %add3A_146] : memref<32x16000xi32, #tpu.memory_space<hbm>> -> memref<1x128xi32, #tpu.memory_space<hbm>>
      %dma_start3A_152 = tpu.memref_squeeze %dma_start3A_151 : memref<1x128xi32, #tpu.memory_space<hbm>> -> memref<128xi32, #tpu.memory_space<hbm>>
      %dma_start3A_153 = arith.constant 0 : i32
      %dma_start3A_154 = tpu.memref_slice %arg12[%dma_start3A_147, %dma_start3A_153] : memref<1x128xi32, #tpu.memory_space<vmem>> -> memref<1x128xi32, #tpu.memory_space<vmem>>
      %dma_start3A_155 = tpu.memref_squeeze %dma_start3A_154 : memref<1x128xi32, #tpu.memory_space<vmem>> -> memref<128xi32, #tpu.memory_space<vmem>>
      %dma_start3A_156 = tpu.memref_slice %arg3[%mul3A_0, %add3A_146] : memref<32x16000xi32, #tpu.memory_space<hbm>> -> memref<1x128xi32, #tpu.memory_space<hbm>>
      %dma_start3A_157 = tpu.memref_squeeze %dma_start3A_156 : memref<1x128xi32, #tpu.memory_space<hbm>> -> memref<128xi32, #tpu.memory_space<hbm>>
      tpu.enqueue_dma source(%dma_start3A_157 : memref<128xi32, #tpu.memory_space<hbm>>) target(%dma_start3A_155 : memref<128xi32, #tpu.memory_space<vmem>>) target_semaphore(%arg19 : memref<!tpu.dma_semaphore, #tpu.memory_space<semaphore_mem>>)
    } else {
    }
    %eq3A = arith.constant 15 : i32
    %eq3A_7 = arith.cmpi eq, %arg1, %eq3A : i32
    %convert_element_type3A_8 = arith.extui %eq3A_7 : i1 to i32
    %cond3A_9 = arith.constant 0 : i32
    %cond3A_10 = arith.cmpi ne, %convert_element_type3A_8, %cond3A_9 : i32
    scf.if %cond3A_10 {
      %mul3A_36 = arith.constant 1024 : i32
      %mul3A_37 = arith.muli %arg1, %mul3A_36 : i32
      %add3A = arith.constant 0 : i32
      %add3A_38 = arith.addi %mul3A_37, %add3A : i32
      %dma_start3A = arith.constant 0 : i32
      %dma_start3A_39 = arith.constant 0 : i32
      %dma_start3A_40 = tpu.memref_slice %arg5[%dma_start3A, %dma_start3A_39] : memref<128x128xf32, #tpu.memory_space<vmem>> -> memref<128x128xf32, #tpu.memory_space<vmem>>
      %dma_start3A_41 = arith.constant 0 : i32
      %dma_start3A_42 = tpu.memref_slice %arg2[%mul3A_0, %add3A_38, %dma_start3A_41] : memref<32x16000x128xf32, #tpu.memory_space<hbm>> -> memref<1x128x128xf32, #tpu.memory_space<hbm>>
      %dma_start3A_43 = tpu.memref_squeeze %dma_start3A_42 : memref<1x128x128xf32, #tpu.memory_space<hbm>> -> memref<128x128xf32, #tpu.memory_space<hbm>>
      %dma_start3A_44 = arith.constant 0 : i32
      %dma_start3A_45 = arith.constant 0 : i32
      %dma_start3A_46 = tpu.memref_slice %arg5[%dma_start3A_44, %dma_start3A_45] : memref<128x128xf32, #tpu.memory_space<vmem>> -> memref<128x128xf32, #tpu.memory_space<vmem>>
      %dma_start3A_47 = arith.constant 0 : i32
      %dma_start3A_48 = tpu.memref_slice %arg2[%mul3A_0, %add3A_38, %dma_start3A_47] : memref<32x16000x128xf32, #tpu.memory_space<hbm>> -> memref<1x128x128xf32, #tpu.memory_space<hbm>>
      %dma_start3A_49 = tpu.memref_squeeze %dma_start3A_48 : memref<1x128x128xf32, #tpu.memory_space<hbm>> -> memref<128x128xf32, #tpu.memory_space<hbm>>
      tpu.enqueue_dma source(%dma_start3A_49 : memref<128x128xf32, #tpu.memory_space<hbm>>) target(%dma_start3A_46 : memref<128x128xf32, #tpu.memory_space<vmem>>) target_semaphore(%arg20 : memref<!tpu.dma_semaphore, #tpu.memory_space<semaphore_mem>>)
      %mul3A_50 = arith.constant 1024 : i32
      %mul3A_51 = arith.muli %arg1, %mul3A_50 : i32
      %add3A_52 = arith.constant 0 : i32
      %add3A_53 = arith.addi %mul3A_51, %add3A_52 : i32
      %dma_start3A_54 = arith.constant 0 : i32
      %dma_start3A_55 = arith.constant 0 : i32
      %dma_start3A_56 = tpu.memref_slice %arg9[%dma_start3A_54, %dma_start3A_55] : memref<1x128xi32, #tpu.memory_space<vmem>> -> memref<1x128xi32, #tpu.memory_space<vmem>>
      %dma_start3A_57 = tpu.memref_squeeze %dma_start3A_56 : memref<1x128xi32, #tpu.memory_space<vmem>> -> memref<128xi32, #tpu.memory_space<vmem>>
      %dma_start3A_58 = tpu.memref_slice %arg3[%mul3A_0, %add3A_53] : memref<32x16000xi32, #tpu.memory_space<hbm>> -> memref<1x128xi32, #tpu.memory_space<hbm>>
      %dma_start3A_59 = tpu.memref_squeeze %dma_start3A_58 : memref<1x128xi32, #tpu.memory_space<hbm>> -> memref<128xi32, #tpu.memory_space<hbm>>
      %dma_start3A_60 = arith.constant 0 : i32
      %dma_start3A_61 = tpu.memref_slice %arg9[%dma_start3A_54, %dma_start3A_60] : memref<1x128xi32, #tpu.memory_space<vmem>> -> memref<1x128xi32, #tpu.memory_space<vmem>>
      %dma_start3A_62 = tpu.memref_squeeze %dma_start3A_61 : memref<1x128xi32, #tpu.memory_space<vmem>> -> memref<128xi32, #tpu.memory_space<vmem>>
      %dma_start3A_63 = tpu.memref_slice %arg3[%mul3A_0, %add3A_53] : memref<32x16000xi32, #tpu.memory_space<hbm>> -> memref<1x128xi32, #tpu.memory_space<hbm>>
      %dma_start3A_64 = tpu.memref_squeeze %dma_start3A_63 : memref<1x128xi32, #tpu.memory_space<hbm>> -> memref<128xi32, #tpu.memory_space<hbm>>
      tpu.enqueue_dma source(%dma_start3A_64 : memref<128xi32, #tpu.memory_space<hbm>>) target(%dma_start3A_62 : memref<128xi32, #tpu.memory_space<vmem>>) target_semaphore(%arg16 : memref<!tpu.dma_semaphore, #tpu.memory_space<semaphore_mem>>)
      %mul3A_65 = arith.constant 1024 : i32
      %mul3A_66 = arith.muli %arg1, %mul3A_65 : i32
      %add3A_67 = arith.constant 128 : i32
      %add3A_68 = arith.addi %mul3A_66, %add3A_67 : i32
      %dma_start3A_69 = arith.constant 0 : i32
      %dma_start3A_70 = arith.constant 0 : i32
      %dma_start3A_71 = tpu.memref_slice %arg6[%dma_start3A_69, %dma_start3A_70] : memref<128x128xf32, #tpu.memory_space<vmem>> -> memref<128x128xf32, #tpu.memory_space<vmem>>
      %dma_start3A_72 = arith.constant 0 : i32
      %dma_start3A_73 = tpu.memref_slice %arg2[%mul3A_0, %add3A_68, %dma_start3A_72] : memref<32x16000x128xf32, #tpu.memory_space<hbm>> -> memref<1x128x128xf32, #tpu.memory_space<hbm>>
      %dma_start3A_74 = tpu.memref_squeeze %dma_start3A_73 : memref<1x128x128xf32, #tpu.memory_space<hbm>> -> memref<128x128xf32, #tpu.memory_space<hbm>>
      %dma_start3A_75 = arith.constant 0 : i32
      %dma_start3A_76 = arith.constant 0 : i32
      %dma_start3A_77 = tpu.memref_slice %arg6[%dma_start3A_75, %dma_start3A_76] : memref<128x128xf32, #tpu.memory_space<vmem>> -> memref<128x128xf32, #tpu.memory_space<vmem>>
      %dma_start3A_78 = arith.constant 0 : i32
      %dma_start3A_79 = tpu.memref_slice %arg2[%mul3A_0, %add3A_68, %dma_start3A_78] : memref<32x16000x128xf32, #tpu.memory_space<hbm>> -> memref<1x128x128xf32, #tpu.memory_space<hbm>>
      %dma_start3A_80 = tpu.memref_squeeze %dma_start3A_79 : memref<1x128x128xf32, #tpu.memory_space<hbm>> -> memref<128x128xf32, #tpu.memory_space<hbm>>
      tpu.enqueue_dma source(%dma_start3A_80 : memref<128x128xf32, #tpu.memory_space<hbm>>) target(%dma_start3A_77 : memref<128x128xf32, #tpu.memory_space<vmem>>) target_semaphore(%arg21 : memref<!tpu.dma_semaphore, #tpu.memory_space<semaphore_mem>>)
      %mul3A_81 = arith.constant 1024 : i32
      %mul3A_82 = arith.muli %arg1, %mul3A_81 : i32
      %add3A_83 = arith.constant 128 : i32
      %add3A_84 = arith.addi %mul3A_82, %add3A_83 : i32
      %dma_start3A_85 = arith.constant 0 : i32
      %dma_start3A_86 = arith.constant 0 : i32
      %dma_start3A_87 = tpu.memref_slice %arg10[%dma_start3A_85, %dma_start3A_86] : memref<1x128xi32, #tpu.memory_space<vmem>> -> memref<1x128xi32, #tpu.memory_space<vmem>>
      %dma_start3A_88 = tpu.memref_squeeze %dma_start3A_87 : memref<1x128xi32, #tpu.memory_space<vmem>> -> memref<128xi32, #tpu.memory_space<vmem>>
      %dma_start3A_89 = tpu.memref_slice %arg3[%mul3A_0, %add3A_84] : memref<32x16000xi32, #tpu.memory_space<hbm>> -> memref<1x128xi32, #tpu.memory_space<hbm>>
      %dma_start3A_90 = tpu.memref_squeeze %dma_start3A_89 : memref<1x128xi32, #tpu.memory_space<hbm>> -> memref<128xi32, #tpu.memory_space<hbm>>
      %dma_start3A_91 = arith.constant 0 : i32
      %dma_start3A_92 = tpu.memref_slice %arg10[%dma_start3A_85, %dma_start3A_91] : memref<1x128xi32, #tpu.memory_space<vmem>> -> memref<1x128xi32, #tpu.memory_space<vmem>>
      %dma_start3A_93 = tpu.memref_squeeze %dma_start3A_92 : memref<1x128xi32, #tpu.memory_space<vmem>> -> memref<128xi32, #tpu.memory_space<vmem>>
      %dma_start3A_94 = tpu.memref_slice %arg3[%mul3A_0, %add3A_84] : memref<32x16000xi32, #tpu.memory_space<hbm>> -> memref<1x128xi32, #tpu.memory_space<hbm>>
      %dma_start3A_95 = tpu.memref_squeeze %dma_start3A_94 : memref<1x128xi32, #tpu.memory_space<hbm>> -> memref<128xi32, #tpu.memory_space<hbm>>
      tpu.enqueue_dma source(%dma_start3A_95 : memref<128xi32, #tpu.memory_space<hbm>>) target(%dma_start3A_93 : memref<128xi32, #tpu.memory_space<vmem>>) target_semaphore(%arg17 : memref<!tpu.dma_semaphore, #tpu.memory_space<semaphore_mem>>)
      %mul3A_96 = arith.constant 1024 : i32
      %mul3A_97 = arith.muli %arg1, %mul3A_96 : i32
      %add3A_98 = arith.constant 256 : i32
      %add3A_99 = arith.addi %mul3A_97, %add3A_98 : i32
      %dma_start3A_100 = arith.constant 0 : i32
      %dma_start3A_101 = arith.constant 0 : i32
      %dma_start3A_102 = tpu.memref_slice %arg7[%dma_start3A_100, %dma_start3A_101] : memref<128x128xf32, #tpu.memory_space<vmem>> -> memref<128x128xf32, #tpu.memory_space<vmem>>
      %dma_start3A_103 = arith.constant 0 : i32
      %dma_start3A_104 = tpu.memref_slice %arg2[%mul3A_0, %add3A_99, %dma_start3A_103] : memref<32x16000x128xf32, #tpu.memory_space<hbm>> -> memref<1x128x128xf32, #tpu.memory_space<hbm>>
      %dma_start3A_105 = tpu.memref_squeeze %dma_start3A_104 : memref<1x128x128xf32, #tpu.memory_space<hbm>> -> memref<128x128xf32, #tpu.memory_space<hbm>>
      %dma_start3A_106 = arith.constant 0 : i32
      %dma_start3A_107 = arith.constant 0 : i32
      %dma_start3A_108 = tpu.memref_slice %arg7[%dma_start3A_106, %dma_start3A_107] : memref<128x128xf32, #tpu.memory_space<vmem>> -> memref<128x128xf32, #tpu.memory_space<vmem>>
      %dma_start3A_109 = arith.constant 0 : i32
      %dma_start3A_110 = tpu.memref_slice %arg2[%mul3A_0, %add3A_99, %dma_start3A_109] : memref<32x16000x128xf32, #tpu.memory_space<hbm>> -> memref<1x128x128xf32, #tpu.memory_space<hbm>>
      %dma_start3A_111 = tpu.memref_squeeze %dma_start3A_110 : memref<1x128x128xf32, #tpu.memory_space<hbm>> -> memref<128x128xf32, #tpu.memory_space<hbm>>
      tpu.enqueue_dma source(%dma_start3A_111 : memref<128x128xf32, #tpu.memory_space<hbm>>) target(%dma_start3A_108 : memref<128x128xf32, #tpu.memory_space<vmem>>) target_semaphore(%arg22 : memref<!tpu.dma_semaphore, #tpu.memory_space<semaphore_mem>>)
      %mul3A_112 = arith.constant 1024 : i32
      %mul3A_113 = arith.muli %arg1, %mul3A_112 : i32
      %add3A_114 = arith.constant 256 : i32
      %add3A_115 = arith.addi %mul3A_113, %add3A_114 : i32
      %dma_start3A_116 = arith.constant 0 : i32
      %dma_start3A_117 = arith.constant 0 : i32
      %dma_start3A_118 = tpu.memref_slice %arg11[%dma_start3A_116, %dma_start3A_117] : memref<1x128xi32, #tpu.memory_space<vmem>> -> memref<1x128xi32, #tpu.memory_space<vmem>>
      %dma_start3A_119 = tpu.memref_squeeze %dma_start3A_118 : memref<1x128xi32, #tpu.memory_space<vmem>> -> memref<128xi32, #tpu.memory_space<vmem>>
      %dma_start3A_120 = tpu.memref_slice %arg3[%mul3A_0, %add3A_115] : memref<32x16000xi32, #tpu.memory_space<hbm>> -> memref<1x128xi32, #tpu.memory_space<hbm>>
      %dma_start3A_121 = tpu.memref_squeeze %dma_start3A_120 : memref<1x128xi32, #tpu.memory_space<hbm>> -> memref<128xi32, #tpu.memory_space<hbm>>
      %dma_start3A_122 = arith.constant 0 : i32
      %dma_start3A_123 = tpu.memref_slice %arg11[%dma_start3A_116, %dma_start3A_122] : memref<1x128xi32, #tpu.memory_space<vmem>> -> memref<1x128xi32, #tpu.memory_space<vmem>>
      %dma_start3A_124 = tpu.memref_squeeze %dma_start3A_123 : memref<1x128xi32, #tpu.memory_space<vmem>> -> memref<128xi32, #tpu.memory_space<vmem>>
      %dma_start3A_125 = tpu.memref_slice %arg3[%mul3A_0, %add3A_115] : memref<32x16000xi32, #tpu.memory_space<hbm>> -> memref<1x128xi32, #tpu.memory_space<hbm>>
      %dma_start3A_126 = tpu.memref_squeeze %dma_start3A_125 : memref<1x128xi32, #tpu.memory_space<hbm>> -> memref<128xi32, #tpu.memory_space<hbm>>
      tpu.enqueue_dma source(%dma_start3A_126 : memref<128xi32, #tpu.memory_space<hbm>>) target(%dma_start3A_124 : memref<128xi32, #tpu.memory_space<vmem>>) target_semaphore(%arg18 : memref<!tpu.dma_semaphore, #tpu.memory_space<semaphore_mem>>)
      %mul3A_127 = arith.constant 1024 : i32
      %mul3A_128 = arith.muli %arg1, %mul3A_127 : i32
      %add3A_129 = arith.constant 384 : i32
      %add3A_130 = arith.addi %mul3A_128, %add3A_129 : i32
      %dma_start3A_131 = arith.constant 0 : i32
      %dma_start3A_132 = arith.constant 0 : i32
      %dma_start3A_133 = tpu.memref_slice %arg8[%dma_start3A_131, %dma_start3A_132] : memref<128x128xf32, #tpu.memory_space<vmem>> -> memref<128x128xf32, #tpu.memory_space<vmem>>
      %dma_start3A_134 = arith.constant 0 : i32
      %dma_start3A_135 = tpu.memref_slice %arg2[%mul3A_0, %add3A_130, %dma_start3A_134] : memref<32x16000x128xf32, #tpu.memory_space<hbm>> -> memref<1x128x128xf32, #tpu.memory_space<hbm>>
      %dma_start3A_136 = tpu.memref_squeeze %dma_start3A_135 : memref<1x128x128xf32, #tpu.memory_space<hbm>> -> memref<128x128xf32, #tpu.memory_space<hbm>>
      %dma_start3A_137 = arith.constant 0 : i32
      %dma_start3A_138 = arith.constant 0 : i32
      %dma_start3A_139 = tpu.memref_slice %arg8[%dma_start3A_137, %dma_start3A_138] : memref<128x128xf32, #tpu.memory_space<vmem>> -> memref<128x128xf32, #tpu.memory_space<vmem>>
      %dma_start3A_140 = arith.constant 0 : i32
      %dma_start3A_141 = tpu.memref_slice %arg2[%mul3A_0, %add3A_130, %dma_start3A_140] : memref<32x16000x128xf32, #tpu.memory_space<hbm>> -> memref<1x128x128xf32, #tpu.memory_space<hbm>>
      %dma_start3A_142 = tpu.memref_squeeze %dma_start3A_141 : memref<1x128x128xf32, #tpu.memory_space<hbm>> -> memref<128x128xf32, #tpu.memory_space<hbm>>
      tpu.enqueue_dma source(%dma_start3A_142 : memref<128x128xf32, #tpu.memory_space<hbm>>) target(%dma_start3A_139 : memref<128x128xf32, #tpu.memory_space<vmem>>) target_semaphore(%arg23 : memref<!tpu.dma_semaphore, #tpu.memory_space<semaphore_mem>>)
      %mul3A_143 = arith.constant 1024 : i32
      %mul3A_144 = arith.muli %arg1, %mul3A_143 : i32
      %add3A_145 = arith.constant 384 : i32
      %add3A_146 = arith.addi %mul3A_144, %add3A_145 : i32
      %dma_start3A_147 = arith.constant 0 : i32
      %dma_start3A_148 = arith.constant 0 : i32
      %dma_start3A_149 = tpu.memref_slice %arg12[%dma_start3A_147, %dma_start3A_148] : memref<1x128xi32, #tpu.memory_space<vmem>> -> memref<1x128xi32, #tpu.memory_space<vmem>>
      %dma_start3A_150 = tpu.memref_squeeze %dma_start3A_149 : memref<1x128xi32, #tpu.memory_space<vmem>> -> memref<128xi32, #tpu.memory_space<vmem>>
      %dma_start3A_151 = tpu.memref_slice %arg3[%mul3A_0, %add3A_146] : memref<32x16000xi32, #tpu.memory_space<hbm>> -> memref<1x128xi32, #tpu.memory_space<hbm>>
      %dma_start3A_152 = tpu.memref_squeeze %dma_start3A_151 : memref<1x128xi32, #tpu.memory_space<hbm>> -> memref<128xi32, #tpu.memory_space<hbm>>
      %dma_start3A_153 = arith.constant 0 : i32
      %dma_start3A_154 = tpu.memref_slice %arg12[%dma_start3A_147, %dma_start3A_153] : memref<1x128xi32, #tpu.memory_space<vmem>> -> memref<1x128xi32, #tpu.memory_space<vmem>>
      %dma_start3A_155 = tpu.memref_squeeze %dma_start3A_154 : memref<1x128xi32, #tpu.memory_space<vmem>> -> memref<128xi32, #tpu.memory_space<vmem>>
      %dma_start3A_156 = tpu.memref_slice %arg3[%mul3A_0, %add3A_146] : memref<32x16000xi32, #tpu.memory_space<hbm>> -> memref<1x128xi32, #tpu.memory_space<hbm>>
      %dma_start3A_157 = tpu.memref_squeeze %dma_start3A_156 : memref<1x128xi32, #tpu.memory_space<hbm>> -> memref<128xi32, #tpu.memory_space<hbm>>
      tpu.enqueue_dma source(%dma_start3A_157 : memref<128xi32, #tpu.memory_space<hbm>>) target(%dma_start3A_155 : memref<128xi32, #tpu.memory_space<vmem>>) target_semaphore(%arg19 : memref<!tpu.dma_semaphore, #tpu.memory_space<semaphore_mem>>)
    } else {
    }
    %scan3A_11 = arith.constant 0 : i32
    %scan3A_12 = arith.constant 8 : i32
    %scan3A_13 = arith.addi %scan3A_11, %scan3A_12 : i32
    %scan3A_14 = arith.constant 1 : i32
    scf.for %scan3A_36 = %scan3A_11 to %scan3A_13 step %scan3A_14  : i32 {
      %mul3A_37 = arith.constant 2 : i32
      %mul3A_38 = arith.muli %scan3A_36, %mul3A_37 : i32
      %add3A = arith.constant 0 : i32
      %add3A_39 = arith.addi %add3A, %mul3A_38 : i32
      %add3A_40 = arith.constant 0 : i32
      %add3A_41 = arith.addi %add3A_39, %add3A_40 : i32
      %add3A_42 = arith.addi %mul3A_0, %add3A_41 : i32
      %lt3A_43 = arith.constant 15 : i32
      %lt3A_44 = arith.cmpi slt, %add3A_41, %lt3A_43 : i32
      %ge3A = arith.constant 2 : i32
      %ge3A_45 = arith.cmpi sge, %add3A_41, %ge3A : i32
      %convert_element_type3A_46 = arith.extui %ge3A_45 : i1 to i32
      %cond3A_47 = arith.constant 0 : i32
      %cond3A_48 = arith.cmpi ne, %convert_element_type3A_46, %cond3A_47 : i32
      scf.if %cond3A_48 {
        %lt3A_356 = arith.constant 15 : i32
        %lt3A_357 = arith.cmpi slt, %arg1, %lt3A_356 : i32
        %convert_element_type3A_358 = arith.extui %lt3A_357 : i1 to i32
        %cond3A_359 = arith.constant 0 : i32
        %cond3A_360 = arith.cmpi ne, %convert_element_type3A_358, %cond3A_359 : i32
        scf.if %cond3A_360 {
          %mul3A_366 = arith.constant 64 : i32
          %mul3A_367 = arith.muli %arg1, %mul3A_366 : i32
          %dma_wait3A_368 = arith.constant 0 : i32
          %dma_wait3A_369 = arith.constant 0 : i32
          %dma_wait3A_370 = tpu.memref_slice %arg4[%dma_wait3A_368, %mul3A_367, %dma_wait3A_369] : memref<32x1000x128xf32, #tpu.memory_space<hbm>> -> memref<1x64x128xf32, #tpu.memory_space<hbm>>
          %dma_wait3A_371 = tpu.memref_squeeze %dma_wait3A_370 : memref<1x64x128xf32, #tpu.memory_space<hbm>> -> memref<64x128xf32, #tpu.memory_space<hbm>>
          %dma_wait3A_372 = arith.constant 0 : i32
          %dma_wait3A_373 = tpu.memref_slice %arg14[%mul3A_367, %dma_wait3A_372] : memref<1024x128xf32, #tpu.memory_space<vmem_shared>> -> memref<64x128xf32, #tpu.memory_space<vmem_shared>>
          tpu.wait_dma2 semaphore(%arg29 : memref<!tpu.dma_semaphore, #tpu.memory_space<semaphore_mem>>) src(%dma_wait3A_373 : memref<64x128xf32, #tpu.memory_space<vmem_shared>>) dst(%dma_wait3A_371 : memref<64x128xf32, #tpu.memory_space<hbm>>)
        } else {
        }
        %eq3A_361 = arith.constant 15 : i32
        %eq3A_362 = arith.cmpi eq, %arg1, %eq3A_361 : i32
        %convert_element_type3A_363 = arith.extui %eq3A_362 : i1 to i32
        %cond3A_364 = arith.constant 0 : i32
        %cond3A_365 = arith.cmpi ne, %convert_element_type3A_363, %cond3A_364 : i32
        scf.if %cond3A_365 {
          %mul3A_366 = arith.constant 64 : i32
          %mul3A_367 = arith.muli %arg1, %mul3A_366 : i32
          %dma_wait3A_368 = arith.constant 0 : i32
          %dma_wait3A_369 = arith.constant 0 : i32
          %dma_wait3A_370 = tpu.memref_slice %arg4[%dma_wait3A_368, %mul3A_367, %dma_wait3A_369] : memref<32x1000x128xf32, #tpu.memory_space<hbm>> -> memref<1x40x128xf32, #tpu.memory_space<hbm>>
          %dma_wait3A_371 = tpu.memref_squeeze %dma_wait3A_370 : memref<1x40x128xf32, #tpu.memory_space<hbm>> -> memref<40x128xf32, #tpu.memory_space<hbm>>
          %dma_wait3A_372 = arith.constant 0 : i32
          %dma_wait3A_373 = tpu.memref_slice %arg14[%mul3A_367, %dma_wait3A_372] : memref<1024x128xf32, #tpu.memory_space<vmem_shared>> -> memref<40x128xf32, #tpu.memory_space<vmem_shared>>
          tpu.wait_dma2 semaphore(%arg29 : memref<!tpu.dma_semaphore, #tpu.memory_space<semaphore_mem>>) src(%dma_wait3A_373 : memref<40x128xf32, #tpu.memory_space<vmem_shared>>) dst(%dma_wait3A_371 : memref<40x128xf32, #tpu.memory_space<hbm>>)
        } else {
        }
      } else {
      }
      %mul3A_49 = arith.constant 64 : i32
      %mul3A_50 = arith.muli %arg1, %mul3A_49 : i32
      %add3A_51 = arith.constant 0 : i32
      %add3A_52 = arith.addi %mul3A_50, %add3A_51 : i32
      %dma_start3A = arith.constant 0 : i32
      %dma_start3A_53 = tpu.memref_slice %arg14[%add3A_52, %dma_start3A] : memref<1024x128xf32, #tpu.memory_space<vmem_shared>> -> memref<8x128xf32, #tpu.memory_space<vmem_shared>>
      %dma_start3A_54 = arith.constant 0 : i32
      %dma_start3A_55 = tpu.memref_slice %arg14[%add3A_52, %dma_start3A_54] : memref<1024x128xf32, #tpu.memory_space<vmem_shared>> -> memref<8x128xf32, #tpu.memory_space<vmem_shared>>
      tpu.enqueue_dma source(%arg13 : memref<8x128xf32, #tpu.memory_space<vmem>>) target(%dma_start3A_55 : memref<8x128xf32, #tpu.memory_space<vmem_shared>>) target_semaphore(%arg28 : memref<!tpu.dma_semaphore, #tpu.memory_space<semaphore_mem>>)
      %mul3A_56 = arith.constant 64 : i32
      %mul3A_57 = arith.muli %arg1, %mul3A_56 : i32
      %add3A_58 = arith.constant 8 : i32
      %add3A_59 = arith.addi %mul3A_57, %add3A_58 : i32
      %dma_start3A_60 = arith.constant 0 : i32
      %dma_start3A_61 = tpu.memref_slice %arg14[%add3A_59, %dma_start3A_60] : memref<1024x128xf32, #tpu.memory_space<vmem_shared>> -> memref<8x128xf32, #tpu.memory_space<vmem_shared>>
      %dma_start3A_62 = arith.constant 0 : i32
      %dma_start3A_63 = tpu.memref_slice %arg14[%add3A_59, %dma_start3A_62] : memref<1024x128xf32, #tpu.memory_space<vmem_shared>> -> memref<8x128xf32, #tpu.memory_space<vmem_shared>>
      tpu.enqueue_dma source(%arg13 : memref<8x128xf32, #tpu.memory_space<vmem>>) target(%dma_start3A_63 : memref<8x128xf32, #tpu.memory_space<vmem_shared>>) target_semaphore(%arg28 : memref<!tpu.dma_semaphore, #tpu.memory_space<semaphore_mem>>)
      %mul3A_64 = arith.constant 64 : i32
      %mul3A_65 = arith.muli %arg1, %mul3A_64 : i32
      %add3A_66 = arith.constant 16 : i32
      %add3A_67 = arith.addi %mul3A_65, %add3A_66 : i32
      %dma_start3A_68 = arith.constant 0 : i32
      %dma_start3A_69 = tpu.memref_slice %arg14[%add3A_67, %dma_start3A_68] : memref<1024x128xf32, #tpu.memory_space<vmem_shared>> -> memref<8x128xf32, #tpu.memory_space<vmem_shared>>
      %dma_start3A_70 = arith.constant 0 : i32
      %dma_start3A_71 = tpu.memref_slice %arg14[%add3A_67, %dma_start3A_70] : memref<1024x128xf32, #tpu.memory_space<vmem_shared>> -> memref<8x128xf32, #tpu.memory_space<vmem_shared>>
      tpu.enqueue_dma source(%arg13 : memref<8x128xf32, #tpu.memory_space<vmem>>) target(%dma_start3A_71 : memref<8x128xf32, #tpu.memory_space<vmem_shared>>) target_semaphore(%arg28 : memref<!tpu.dma_semaphore, #tpu.memory_space<semaphore_mem>>)
      %mul3A_72 = arith.constant 64 : i32
      %mul3A_73 = arith.muli %arg1, %mul3A_72 : i32
      %add3A_74 = arith.constant 24 : i32
      %add3A_75 = arith.addi %mul3A_73, %add3A_74 : i32
      %dma_start3A_76 = arith.constant 0 : i32
      %dma_start3A_77 = tpu.memref_slice %arg14[%add3A_75, %dma_start3A_76] : memref<1024x128xf32, #tpu.memory_space<vmem_shared>> -> memref<8x128xf32, #tpu.memory_space<vmem_shared>>
      %dma_start3A_78 = arith.constant 0 : i32
      %dma_start3A_79 = tpu.memref_slice %arg14[%add3A_75, %dma_start3A_78] : memref<1024x128xf32, #tpu.memory_space<vmem_shared>> -> memref<8x128xf32, #tpu.memory_space<vmem_shared>>
      tpu.enqueue_dma source(%arg13 : memref<8x128xf32, #tpu.memory_space<vmem>>) target(%dma_start3A_79 : memref<8x128xf32, #tpu.memory_space<vmem_shared>>) target_semaphore(%arg28 : memref<!tpu.dma_semaphore, #tpu.memory_space<semaphore_mem>>)
      %mul3A_80 = arith.constant 64 : i32
      %mul3A_81 = arith.muli %arg1, %mul3A_80 : i32
      %add3A_82 = arith.constant 32 : i32
      %add3A_83 = arith.addi %mul3A_81, %add3A_82 : i32
      %dma_start3A_84 = arith.constant 0 : i32
      %dma_start3A_85 = tpu.memref_slice %arg14[%add3A_83, %dma_start3A_84] : memref<1024x128xf32, #tpu.memory_space<vmem_shared>> -> memref<8x128xf32, #tpu.memory_space<vmem_shared>>
      %dma_start3A_86 = arith.constant 0 : i32
      %dma_start3A_87 = tpu.memref_slice %arg14[%add3A_83, %dma_start3A_86] : memref<1024x128xf32, #tpu.memory_space<vmem_shared>> -> memref<8x128xf32, #tpu.memory_space<vmem_shared>>
      tpu.enqueue_dma source(%arg13 : memref<8x128xf32, #tpu.memory_space<vmem>>) target(%dma_start3A_87 : memref<8x128xf32, #tpu.memory_space<vmem_shared>>) target_semaphore(%arg28 : memref<!tpu.dma_semaphore, #tpu.memory_space<semaphore_mem>>)
      %mul3A_88 = arith.constant 64 : i32
      %mul3A_89 = arith.muli %arg1, %mul3A_88 : i32
      %add3A_90 = arith.constant 40 : i32
      %add3A_91 = arith.addi %mul3A_89, %add3A_90 : i32
      %dma_start3A_92 = arith.constant 0 : i32
      %dma_start3A_93 = tpu.memref_slice %arg14[%add3A_91, %dma_start3A_92] : memref<1024x128xf32, #tpu.memory_space<vmem_shared>> -> memref<8x128xf32, #tpu.memory_space<vmem_shared>>
      %dma_start3A_94 = arith.constant 0 : i32
      %dma_start3A_95 = tpu.memref_slice %arg14[%add3A_91, %dma_start3A_94] : memref<1024x128xf32, #tpu.memory_space<vmem_shared>> -> memref<8x128xf32, #tpu.memory_space<vmem_shared>>
      tpu.enqueue_dma source(%arg13 : memref<8x128xf32, #tpu.memory_space<vmem>>) target(%dma_start3A_95 : memref<8x128xf32, #tpu.memory_space<vmem_shared>>) target_semaphore(%arg28 : memref<!tpu.dma_semaphore, #tpu.memory_space<semaphore_mem>>)
      %mul3A_96 = arith.constant 64 : i32
      %mul3A_97 = arith.muli %arg1, %mul3A_96 : i32
      %add3A_98 = arith.constant 48 : i32
      %add3A_99 = arith.addi %mul3A_97, %add3A_98 : i32
      %dma_start3A_100 = arith.constant 0 : i32
      %dma_start3A_101 = tpu.memref_slice %arg14[%add3A_99, %dma_start3A_100] : memref<1024x128xf32, #tpu.memory_space<vmem_shared>> -> memref<8x128xf32, #tpu.memory_space<vmem_shared>>
      %dma_start3A_102 = arith.constant 0 : i32
      %dma_start3A_103 = tpu.memref_slice %arg14[%add3A_99, %dma_start3A_102] : memref<1024x128xf32, #tpu.memory_space<vmem_shared>> -> memref<8x128xf32, #tpu.memory_space<vmem_shared>>
      tpu.enqueue_dma source(%arg13 : memref<8x128xf32, #tpu.memory_space<vmem>>) target(%dma_start3A_103 : memref<8x128xf32, #tpu.memory_space<vmem_shared>>) target_semaphore(%arg28 : memref<!tpu.dma_semaphore, #tpu.memory_space<semaphore_mem>>)
      %mul3A_104 = arith.constant 64 : i32
      %mul3A_105 = arith.muli %arg1, %mul3A_104 : i32
      %add3A_106 = arith.constant 56 : i32
      %add3A_107 = arith.addi %mul3A_105, %add3A_106 : i32
      %dma_start3A_108 = arith.constant 0 : i32
      %dma_start3A_109 = tpu.memref_slice %arg14[%add3A_107, %dma_start3A_108] : memref<1024x128xf32, #tpu.memory_space<vmem_shared>> -> memref<8x128xf32, #tpu.memory_space<vmem_shared>>
      %dma_start3A_110 = arith.constant 0 : i32
      %dma_start3A_111 = tpu.memref_slice %arg14[%add3A_107, %dma_start3A_110] : memref<1024x128xf32, #tpu.memory_space<vmem_shared>> -> memref<8x128xf32, #tpu.memory_space<vmem_shared>>
      tpu.enqueue_dma source(%arg13 : memref<8x128xf32, #tpu.memory_space<vmem>>) target(%dma_start3A_111 : memref<8x128xf32, #tpu.memory_space<vmem_shared>>) target_semaphore(%arg28 : memref<!tpu.dma_semaphore, #tpu.memory_space<semaphore_mem>>)
      %mul3A_112 = arith.constant 64 : i32
      %mul3A_113 = arith.muli %arg1, %mul3A_112 : i32
      %add3A_114 = arith.constant 0 : i32
      %add3A_115 = arith.addi %mul3A_113, %add3A_114 : i32
      %dma_wait3A = arith.constant 0 : i32
      %dma_wait3A_116 = tpu.memref_slice %arg14[%add3A_115, %dma_wait3A] : memref<1024x128xf32, #tpu.memory_space<vmem_shared>> -> memref<8x128xf32, #tpu.memory_space<vmem_shared>>
      %dma_wait3A_117 = arith.constant 0 : i32
      %dma_wait3A_118 = tpu.memref_slice %arg14[%add3A_115, %dma_wait3A_117] : memref<1024x128xf32, #tpu.memory_space<vmem_shared>> -> memref<8x128xf32, #tpu.memory_space<vmem_shared>>
      tpu.wait_dma2 semaphore(%arg28 : memref<!tpu.dma_semaphore, #tpu.memory_space<semaphore_mem>>) src(%arg13 : memref<8x128xf32, #tpu.memory_space<vmem>>) dst(%dma_wait3A_118 : memref<8x128xf32, #tpu.memory_space<vmem_shared>>)
      %mul3A_119 = arith.constant 64 : i32
      %mul3A_120 = arith.muli %arg1, %mul3A_119 : i32
      %add3A_121 = arith.constant 8 : i32
      %add3A_122 = arith.addi %mul3A_120, %add3A_121 : i32
      %dma_wait3A_123 = arith.constant 0 : i32
      %dma_wait3A_124 = tpu.memref_slice %arg14[%add3A_122, %dma_wait3A_123] : memref<1024x128xf32, #tpu.memory_space<vmem_shared>> -> memref<8x128xf32, #tpu.memory_space<vmem_shared>>
      %dma_wait3A_125 = arith.constant 0 : i32
      %dma_wait3A_126 = tpu.memref_slice %arg14[%add3A_122, %dma_wait3A_125] : memref<1024x128xf32, #tpu.memory_space<vmem_shared>> -> memref<8x128xf32, #tpu.memory_space<vmem_shared>>
      tpu.wait_dma2 semaphore(%arg28 : memref<!tpu.dma_semaphore, #tpu.memory_space<semaphore_mem>>) src(%arg13 : memref<8x128xf32, #tpu.memory_space<vmem>>) dst(%dma_wait3A_126 : memref<8x128xf32, #tpu.memory_space<vmem_shared>>)
      %mul3A_127 = arith.constant 64 : i32
      %mul3A_128 = arith.muli %arg1, %mul3A_127 : i32
      %add3A_129 = arith.constant 16 : i32
      %add3A_130 = arith.addi %mul3A_128, %add3A_129 : i32
      %dma_wait3A_131 = arith.constant 0 : i32
      %dma_wait3A_132 = tpu.memref_slice %arg14[%add3A_130, %dma_wait3A_131] : memref<1024x128xf32, #tpu.memory_space<vmem_shared>> -> memref<8x128xf32, #tpu.memory_space<vmem_shared>>
      %dma_wait3A_133 = arith.constant 0 : i32
      %dma_wait3A_134 = tpu.memref_slice %arg14[%add3A_130, %dma_wait3A_133] : memref<1024x128xf32, #tpu.memory_space<vmem_shared>> -> memref<8x128xf32, #tpu.memory_space<vmem_shared>>
      tpu.wait_dma2 semaphore(%arg28 : memref<!tpu.dma_semaphore, #tpu.memory_space<semaphore_mem>>) src(%arg13 : memref<8x128xf32, #tpu.memory_space<vmem>>) dst(%dma_wait3A_134 : memref<8x128xf32, #tpu.memory_space<vmem_shared>>)
      %mul3A_135 = arith.constant 64 : i32
      %mul3A_136 = arith.muli %arg1, %mul3A_135 : i32
      %add3A_137 = arith.constant 24 : i32
      %add3A_138 = arith.addi %mul3A_136, %add3A_137 : i32
      %dma_wait3A_139 = arith.constant 0 : i32
      %dma_wait3A_140 = tpu.memref_slice %arg14[%add3A_138, %dma_wait3A_139] : memref<1024x128xf32, #tpu.memory_space<vmem_shared>> -> memref<8x128xf32, #tpu.memory_space<vmem_shared>>
      %dma_wait3A_141 = arith.constant 0 : i32
      %dma_wait3A_142 = tpu.memref_slice %arg14[%add3A_138, %dma_wait3A_141] : memref<1024x128xf32, #tpu.memory_space<vmem_shared>> -> memref<8x128xf32, #tpu.memory_space<vmem_shared>>
      tpu.wait_dma2 semaphore(%arg28 : memref<!tpu.dma_semaphore, #tpu.memory_space<semaphore_mem>>) src(%arg13 : memref<8x128xf32, #tpu.memory_space<vmem>>) dst(%dma_wait3A_142 : memref<8x128xf32, #tpu.memory_space<vmem_shared>>)
      %mul3A_143 = arith.constant 64 : i32
      %mul3A_144 = arith.muli %arg1, %mul3A_143 : i32
      %add3A_145 = arith.constant 32 : i32
      %add3A_146 = arith.addi %mul3A_144, %add3A_145 : i32
      %dma_wait3A_147 = arith.constant 0 : i32
      %dma_wait3A_148 = tpu.memref_slice %arg14[%add3A_146, %dma_wait3A_147] : memref<1024x128xf32, #tpu.memory_space<vmem_shared>> -> memref<8x128xf32, #tpu.memory_space<vmem_shared>>
      %dma_wait3A_149 = arith.constant 0 : i32
      %dma_wait3A_150 = tpu.memref_slice %arg14[%add3A_146, %dma_wait3A_149] : memref<1024x128xf32, #tpu.memory_space<vmem_shared>> -> memref<8x128xf32, #tpu.memory_space<vmem_shared>>
      tpu.wait_dma2 semaphore(%arg28 : memref<!tpu.dma_semaphore, #tpu.memory_space<semaphore_mem>>) src(%arg13 : memref<8x128xf32, #tpu.memory_space<vmem>>) dst(%dma_wait3A_150 : memref<8x128xf32, #tpu.memory_space<vmem_shared>>)
      %mul3A_151 = arith.constant 64 : i32
      %mul3A_152 = arith.muli %arg1, %mul3A_151 : i32
      %add3A_153 = arith.constant 40 : i32
      %add3A_154 = arith.addi %mul3A_152, %add3A_153 : i32
      %dma_wait3A_155 = arith.constant 0 : i32
      %dma_wait3A_156 = tpu.memref_slice %arg14[%add3A_154, %dma_wait3A_155] : memref<1024x128xf32, #tpu.memory_space<vmem_shared>> -> memref<8x128xf32, #tpu.memory_space<vmem_shared>>
      %dma_wait3A_157 = arith.constant 0 : i32
      %dma_wait3A_158 = tpu.memref_slice %arg14[%add3A_154, %dma_wait3A_157] : memref<1024x128xf32, #tpu.memory_space<vmem_shared>> -> memref<8x128xf32, #tpu.memory_space<vmem_shared>>
      tpu.wait_dma2 semaphore(%arg28 : memref<!tpu.dma_semaphore, #tpu.memory_space<semaphore_mem>>) src(%arg13 : memref<8x128xf32, #tpu.memory_space<vmem>>) dst(%dma_wait3A_158 : memref<8x128xf32, #tpu.memory_space<vmem_shared>>)
      %mul3A_159 = arith.constant 64 : i32
      %mul3A_160 = arith.muli %arg1, %mul3A_159 : i32
      %add3A_161 = arith.constant 48 : i32
      %add3A_162 = arith.addi %mul3A_160, %add3A_161 : i32
      %dma_wait3A_163 = arith.constant 0 : i32
      %dma_wait3A_164 = tpu.memref_slice %arg14[%add3A_162, %dma_wait3A_163] : memref<1024x128xf32, #tpu.memory_space<vmem_shared>> -> memref<8x128xf32, #tpu.memory_space<vmem_shared>>
      %dma_wait3A_165 = arith.constant 0 : i32
      %dma_wait3A_166 = tpu.memref_slice %arg14[%add3A_162, %dma_wait3A_165] : memref<1024x128xf32, #tpu.memory_space<vmem_shared>> -> memref<8x128xf32, #tpu.memory_space<vmem_shared>>
      tpu.wait_dma2 semaphore(%arg28 : memref<!tpu.dma_semaphore, #tpu.memory_space<semaphore_mem>>) src(%arg13 : memref<8x128xf32, #tpu.memory_space<vmem>>) dst(%dma_wait3A_166 : memref<8x128xf32, #tpu.memory_space<vmem_shared>>)
      %mul3A_167 = arith.constant 64 : i32
      %mul3A_168 = arith.muli %arg1, %mul3A_167 : i32
      %add3A_169 = arith.constant 56 : i32
      %add3A_170 = arith.addi %mul3A_168, %add3A_169 : i32
      %dma_wait3A_171 = arith.constant 0 : i32
      %dma_wait3A_172 = tpu.memref_slice %arg14[%add3A_170, %dma_wait3A_171] : memref<1024x128xf32, #tpu.memory_space<vmem_shared>> -> memref<8x128xf32, #tpu.memory_space<vmem_shared>>
      %dma_wait3A_173 = arith.constant 0 : i32
      %dma_wait3A_174 = tpu.memref_slice %arg14[%add3A_170, %dma_wait3A_173] : memref<1024x128xf32, #tpu.memory_space<vmem_shared>> -> memref<8x128xf32, #tpu.memory_space<vmem_shared>>
      tpu.wait_dma2 semaphore(%arg28 : memref<!tpu.dma_semaphore, #tpu.memory_space<semaphore_mem>>) src(%arg13 : memref<8x128xf32, #tpu.memory_space<vmem>>) dst(%dma_wait3A_174 : memref<8x128xf32, #tpu.memory_space<vmem_shared>>)
      %barrier3A = arith.constant 0 : index
      tpu.barrier barrier_id(%barrier3A)
      %lt3A_175 = arith.constant 15 : i32
      %lt3A_176 = arith.cmpi slt, %arg1, %lt3A_175 : i32
      %convert_element_type3A_177 = arith.extui %lt3A_176 : i1 to i32
      %cond3A_178 = arith.constant 0 : i32
      %cond3A_179 = arith.cmpi ne, %convert_element_type3A_177, %cond3A_178 : i32
      scf.if %cond3A_179 {
        %mul3A_356 = arith.constant 1024 : i32
        %mul3A_357 = arith.muli %arg1, %mul3A_356 : i32
        %add3A_358 = arith.constant 0 : i32
        %add3A_359 = arith.addi %mul3A_357, %add3A_358 : i32
        %dma_wait3A_360 = arith.constant 0 : i32
        %dma_wait3A_361 = arith.constant 0 : i32
        %dma_wait3A_362 = tpu.memref_slice %arg9[%dma_wait3A_360, %dma_wait3A_361] : memref<1x128xi32, #tpu.memory_space<vmem>> -> memref<1x128xi32, #tpu.memory_space<vmem>>
        %dma_wait3A_363 = tpu.memref_squeeze %dma_wait3A_362 : memref<1x128xi32, #tpu.memory_space<vmem>> -> memref<128xi32, #tpu.memory_space<vmem>>
        %dma_wait3A_364 = tpu.memref_slice %arg3[%add3A_42, %add3A_359] : memref<32x16000xi32, #tpu.memory_space<hbm>> -> memref<1x128xi32, #tpu.memory_space<hbm>>
        %dma_wait3A_365 = tpu.memref_squeeze %dma_wait3A_364 : memref<1x128xi32, #tpu.memory_space<hbm>> -> memref<128xi32, #tpu.memory_space<hbm>>
        %dma_wait3A_366 = arith.constant 0 : i32
        %dma_wait3A_367 = tpu.memref_slice %arg9[%dma_wait3A_360, %dma_wait3A_366] : memref<1x128xi32, #tpu.memory_space<vmem>> -> memref<1x128xi32, #tpu.memory_space<vmem>>
        %dma_wait3A_368 = tpu.memref_squeeze %dma_wait3A_367 : memref<1x128xi32, #tpu.memory_space<vmem>> -> memref<128xi32, #tpu.memory_space<vmem>>
        %dma_wait3A_369 = tpu.memref_slice %arg3[%add3A_42, %add3A_359] : memref<32x16000xi32, #tpu.memory_space<hbm>> -> memref<1x128xi32, #tpu.memory_space<hbm>>
        %dma_wait3A_370 = tpu.memref_squeeze %dma_wait3A_369 : memref<1x128xi32, #tpu.memory_space<hbm>> -> memref<128xi32, #tpu.memory_space<hbm>>
        tpu.wait_dma2 semaphore(%arg16 : memref<!tpu.dma_semaphore, #tpu.memory_space<semaphore_mem>>) src(%dma_wait3A_370 : memref<128xi32, #tpu.memory_space<hbm>>) dst(%dma_wait3A_368 : memref<128xi32, #tpu.memory_space<vmem>>)
        %mul3A_371 = arith.constant 1024 : i32
        %mul3A_372 = arith.muli %arg1, %mul3A_371 : i32
        %add3A_373 = arith.constant 0 : i32
        %add3A_374 = arith.addi %mul3A_372, %add3A_373 : i32
        %dma_wait3A_375 = arith.constant 0 : i32
        %dma_wait3A_376 = arith.constant 0 : i32
        %dma_wait3A_377 = tpu.memref_slice %arg5[%dma_wait3A_375, %dma_wait3A_376] : memref<128x128xf32, #tpu.memory_space<vmem>> -> memref<128x128xf32, #tpu.memory_space<vmem>>
        %dma_wait3A_378 = arith.constant 0 : i32
        %dma_wait3A_379 = tpu.memref_slice %arg2[%add3A_42, %add3A_374, %dma_wait3A_378] : memref<32x16000x128xf32, #tpu.memory_space<hbm>> -> memref<1x128x128xf32, #tpu.memory_space<hbm>>
        %dma_wait3A_380 = tpu.memref_squeeze %dma_wait3A_379 : memref<1x128x128xf32, #tpu.memory_space<hbm>> -> memref<128x128xf32, #tpu.memory_space<hbm>>
        %dma_wait3A_381 = arith.constant 0 : i32
        %dma_wait3A_382 = arith.constant 0 : i32
        %dma_wait3A_383 = tpu.memref_slice %arg5[%dma_wait3A_381, %dma_wait3A_382] : memref<128x128xf32, #tpu.memory_space<vmem>> -> memref<128x128xf32, #tpu.memory_space<vmem>>
        %dma_wait3A_384 = arith.constant 0 : i32
        %dma_wait3A_385 = tpu.memref_slice %arg2[%add3A_42, %add3A_374, %dma_wait3A_384] : memref<32x16000x128xf32, #tpu.memory_space<hbm>> -> memref<1x128x128xf32, #tpu.memory_space<hbm>>
        %dma_wait3A_386 = tpu.memref_squeeze %dma_wait3A_385 : memref<1x128x128xf32, #tpu.memory_space<hbm>> -> memref<128x128xf32, #tpu.memory_space<hbm>>
        tpu.wait_dma2 semaphore(%arg20 : memref<!tpu.dma_semaphore, #tpu.memory_space<semaphore_mem>>) src(%dma_wait3A_386 : memref<128x128xf32, #tpu.memory_space<hbm>>) dst(%dma_wait3A_383 : memref<128x128xf32, #tpu.memory_space<vmem>>)
        %dma_start3A_387 = arith.constant 0 : i32
        %dma_start3A_388 = arith.constant 0 : i32
        %dma_start3A_389 = arith.constant 0 : i32
        %dma_start3A_390 = tpu.memref_slice %arg5[%dma_start3A_388, %dma_start3A_389] : memref<128x128xf32, #tpu.memory_space<vmem>> -> memref<128x128xf32, #tpu.memory_space<vmem>>
        %dma_start3A_391 = arith.constant 0 : i32
        %dma_start3A_392 = tpu.memref_slice %arg9[%dma_start3A_387, %dma_start3A_391] : memref<1x128xi32, #tpu.memory_space<vmem>> -> memref<1x128xi32, #tpu.memory_space<vmem>>
        %dma_start3A_393 = tpu.memref_squeeze %dma_start3A_392 : memref<1x128xi32, #tpu.memory_space<vmem>> -> memref<128xi32, #tpu.memory_space<vmem>>
        %dma_start3A_394 = arith.constant 0 : i32
        %dma_start3A_395 = arith.constant 0 : i32
        %dma_start3A_396 = tpu.memref_slice %arg14[%dma_start3A_394, %dma_start3A_395] : memref<1024x128xf32, #tpu.memory_space<vmem_shared>> -> memref<1024x128xf32, #tpu.memory_space<vmem_shared>>
        tpu.enqueue_indirect_dma source(%dma_start3A_390 : memref<128x128xf32, #tpu.memory_space<vmem>>) target(%dma_start3A_396 : memref<1024x128xf32, #tpu.memory_space<vmem_shared>>) offsets(%dma_start3A_393 : memref<128xi32, #tpu.memory_space<vmem>>) semaphore(%arg24 : memref<!tpu.dma_semaphore, #tpu.memory_space<semaphore_mem>>) {add = true}
        %mul3A_397 = arith.constant 1024 : i32
        %mul3A_398 = arith.muli %arg1, %mul3A_397 : i32
        %add3A_399 = arith.constant 128 : i32
        %add3A_400 = arith.addi %mul3A_398, %add3A_399 : i32
        %dma_wait3A_401 = arith.constant 0 : i32
        %dma_wait3A_402 = arith.constant 0 : i32
        %dma_wait3A_403 = tpu.memref_slice %arg10[%dma_wait3A_401, %dma_wait3A_402] : memref<1x128xi32, #tpu.memory_space<vmem>> -> memref<1x128xi32, #tpu.memory_space<vmem>>
        %dma_wait3A_404 = tpu.memref_squeeze %dma_wait3A_403 : memref<1x128xi32, #tpu.memory_space<vmem>> -> memref<128xi32, #tpu.memory_space<vmem>>
        %dma_wait3A_405 = tpu.memref_slice %arg3[%add3A_42, %add3A_400] : memref<32x16000xi32, #tpu.memory_space<hbm>> -> memref<1x128xi32, #tpu.memory_space<hbm>>
        %dma_wait3A_406 = tpu.memref_squeeze %dma_wait3A_405 : memref<1x128xi32, #tpu.memory_space<hbm>> -> memref<128xi32, #tpu.memory_space<hbm>>
        %dma_wait3A_407 = arith.constant 0 : i32
        %dma_wait3A_408 = tpu.memref_slice %arg10[%dma_wait3A_401, %dma_wait3A_407] : memref<1x128xi32, #tpu.memory_space<vmem>> -> memref<1x128xi32, #tpu.memory_space<vmem>>
        %dma_wait3A_409 = tpu.memref_squeeze %dma_wait3A_408 : memref<1x128xi32, #tpu.memory_space<vmem>> -> memref<128xi32, #tpu.memory_space<vmem>>
        %dma_wait3A_410 = tpu.memref_slice %arg3[%add3A_42, %add3A_400] : memref<32x16000xi32, #tpu.memory_space<hbm>> -> memref<1x128xi32, #tpu.memory_space<hbm>>
        %dma_wait3A_411 = tpu.memref_squeeze %dma_wait3A_410 : memref<1x128xi32, #tpu.memory_space<hbm>> -> memref<128xi32, #tpu.memory_space<hbm>>
        tpu.wait_dma2 semaphore(%arg17 : memref<!tpu.dma_semaphore, #tpu.memory_space<semaphore_mem>>) src(%dma_wait3A_411 : memref<128xi32, #tpu.memory_space<hbm>>) dst(%dma_wait3A_409 : memref<128xi32, #tpu.memory_space<vmem>>)
        %mul3A_412 = arith.constant 1024 : i32
        %mul3A_413 = arith.muli %arg1, %mul3A_412 : i32
        %add3A_414 = arith.constant 128 : i32
        %add3A_415 = arith.addi %mul3A_413, %add3A_414 : i32
        %dma_wait3A_416 = arith.constant 0 : i32
        %dma_wait3A_417 = arith.constant 0 : i32
        %dma_wait3A_418 = tpu.memref_slice %arg6[%dma_wait3A_416, %dma_wait3A_417] : memref<128x128xf32, #tpu.memory_space<vmem>> -> memref<128x128xf32, #tpu.memory_space<vmem>>
        %dma_wait3A_419 = arith.constant 0 : i32
        %dma_wait3A_420 = tpu.memref_slice %arg2[%add3A_42, %add3A_415, %dma_wait3A_419] : memref<32x16000x128xf32, #tpu.memory_space<hbm>> -> memref<1x128x128xf32, #tpu.memory_space<hbm>>
        %dma_wait3A_421 = tpu.memref_squeeze %dma_wait3A_420 : memref<1x128x128xf32, #tpu.memory_space<hbm>> -> memref<128x128xf32, #tpu.memory_space<hbm>>
        %dma_wait3A_422 = arith.constant 0 : i32
        %dma_wait3A_423 = arith.constant 0 : i32
        %dma_wait3A_424 = tpu.memref_slice %arg6[%dma_wait3A_422, %dma_wait3A_423] : memref<128x128xf32, #tpu.memory_space<vmem>> -> memref<128x128xf32, #tpu.memory_space<vmem>>
        %dma_wait3A_425 = arith.constant 0 : i32
        %dma_wait3A_426 = tpu.memref_slice %arg2[%add3A_42, %add3A_415, %dma_wait3A_425] : memref<32x16000x128xf32, #tpu.memory_space<hbm>> -> memref<1x128x128xf32, #tpu.memory_space<hbm>>
        %dma_wait3A_427 = tpu.memref_squeeze %dma_wait3A_426 : memref<1x128x128xf32, #tpu.memory_space<hbm>> -> memref<128x128xf32, #tpu.memory_space<hbm>>
        tpu.wait_dma2 semaphore(%arg21 : memref<!tpu.dma_semaphore, #tpu.memory_space<semaphore_mem>>) src(%dma_wait3A_427 : memref<128x128xf32, #tpu.memory_space<hbm>>) dst(%dma_wait3A_424 : memref<128x128xf32, #tpu.memory_space<vmem>>)
        %dma_start3A_428 = arith.constant 0 : i32
        %dma_start3A_429 = arith.constant 0 : i32
        %dma_start3A_430 = arith.constant 0 : i32
        %dma_start3A_431 = tpu.memref_slice %arg6[%dma_start3A_429, %dma_start3A_430] : memref<128x128xf32, #tpu.memory_space<vmem>> -> memref<128x128xf32, #tpu.memory_space<vmem>>
        %dma_start3A_432 = arith.constant 0 : i32
        %dma_start3A_433 = tpu.memref_slice %arg10[%dma_start3A_428, %dma_start3A_432] : memref<1x128xi32, #tpu.memory_space<vmem>> -> memref<1x128xi32, #tpu.memory_space<vmem>>
        %dma_start3A_434 = tpu.memref_squeeze %dma_start3A_433 : memref<1x128xi32, #tpu.memory_space<vmem>> -> memref<128xi32, #tpu.memory_space<vmem>>
        %dma_start3A_435 = arith.constant 0 : i32
        %dma_start3A_436 = arith.constant 0 : i32
        %dma_start3A_437 = tpu.memref_slice %arg14[%dma_start3A_435, %dma_start3A_436] : memref<1024x128xf32, #tpu.memory_space<vmem_shared>> -> memref<1024x128xf32, #tpu.memory_space<vmem_shared>>
        tpu.enqueue_indirect_dma source(%dma_start3A_431 : memref<128x128xf32, #tpu.memory_space<vmem>>) target(%dma_start3A_437 : memref<1024x128xf32, #tpu.memory_space<vmem_shared>>) offsets(%dma_start3A_434 : memref<128xi32, #tpu.memory_space<vmem>>) semaphore(%arg25 : memref<!tpu.dma_semaphore, #tpu.memory_space<semaphore_mem>>) {add = true}
        %dma_wait3A_438 = arith.constant 0 : i32
        %dma_wait3A_439 = arith.constant 0 : i32
        %dma_wait3A_440 = arith.constant 0 : i32
        %dma_wait3A_441 = tpu.memref_slice %arg5[%dma_wait3A_439, %dma_wait3A_440] : memref<128x128xf32, #tpu.memory_space<vmem>> -> memref<128x128xf32, #tpu.memory_space<vmem>>
        %dma_wait3A_442 = arith.constant 0 : i32
        %dma_wait3A_443 = tpu.memref_slice %arg9[%dma_wait3A_438, %dma_wait3A_442] : memref<1x128xi32, #tpu.memory_space<vmem>> -> memref<1x128xi32, #tpu.memory_space<vmem>>
        %dma_wait3A_444 = tpu.memref_squeeze %dma_wait3A_443 : memref<1x128xi32, #tpu.memory_space<vmem>> -> memref<128xi32, #tpu.memory_space<vmem>>
        %dma_wait3A_445 = arith.constant 0 : i32
        %dma_wait3A_446 = arith.constant 0 : i32
        %dma_wait3A_447 = tpu.memref_slice %arg14[%dma_wait3A_445, %dma_wait3A_446] : memref<1024x128xf32, #tpu.memory_space<vmem_shared>> -> memref<1024x128xf32, #tpu.memory_space<vmem_shared>>
        tpu.wait_indirect_dma semaphore(%arg24 : memref<!tpu.dma_semaphore, #tpu.memory_space<semaphore_mem>>) src(%dma_wait3A_441 : memref<128x128xf32, #tpu.memory_space<vmem>>) dst(%dma_wait3A_447 : memref<1024x128xf32, #tpu.memory_space<vmem_shared>>)
        %mul3A_448 = arith.constant 1024 : i32
        %mul3A_449 = arith.muli %arg1, %mul3A_448 : i32
        %add3A_450 = arith.constant 512 : i32
        %add3A_451 = arith.addi %mul3A_449, %add3A_450 : i32
        %dma_start3A_452 = arith.constant 0 : i32
        %dma_start3A_453 = arith.constant 0 : i32
        %dma_start3A_454 = tpu.memref_slice %arg5[%dma_start3A_452, %dma_start3A_453] : memref<128x128xf32, #tpu.memory_space<vmem>> -> memref<128x128xf32, #tpu.memory_space<vmem>>
        %dma_start3A_455 = arith.constant 0 : i32
        %dma_start3A_456 = tpu.memref_slice %arg2[%add3A_42, %add3A_451, %dma_start3A_455] : memref<32x16000x128xf32, #tpu.memory_space<hbm>> -> memref<1x128x128xf32, #tpu.memory_space<hbm>>
        %dma_start3A_457 = tpu.memref_squeeze %dma_start3A_456 : memref<1x128x128xf32, #tpu.memory_space<hbm>> -> memref<128x128xf32, #tpu.memory_space<hbm>>
        %dma_start3A_458 = arith.constant 0 : i32
        %dma_start3A_459 = arith.constant 0 : i32
        %dma_start3A_460 = tpu.memref_slice %arg5[%dma_start3A_458, %dma_start3A_459] : memref<128x128xf32, #tpu.memory_space<vmem>> -> memref<128x128xf32, #tpu.memory_space<vmem>>
        %dma_start3A_461 = arith.constant 0 : i32
        %dma_start3A_462 = tpu.memref_slice %arg2[%add3A_42, %add3A_451, %dma_start3A_461] : memref<32x16000x128xf32, #tpu.memory_space<hbm>> -> memref<1x128x128xf32, #tpu.memory_space<hbm>>
        %dma_start3A_463 = tpu.memref_squeeze %dma_start3A_462 : memref<1x128x128xf32, #tpu.memory_space<hbm>> -> memref<128x128xf32, #tpu.memory_space<hbm>>
        tpu.enqueue_dma source(%dma_start3A_463 : memref<128x128xf32, #tpu.memory_space<hbm>>) target(%dma_start3A_460 : memref<128x128xf32, #tpu.memory_space<vmem>>) target_semaphore(%arg20 : memref<!tpu.dma_semaphore, #tpu.memory_space<semaphore_mem>>)
        %mul3A_464 = arith.constant 1024 : i32
        %mul3A_465 = arith.muli %arg1, %mul3A_464 : i32
        %add3A_466 = arith.constant 512 : i32
        %add3A_467 = arith.addi %mul3A_465, %add3A_466 : i32
        %dma_start3A_468 = arith.constant 0 : i32
        %dma_start3A_469 = arith.constant 0 : i32
        %dma_start3A_470 = tpu.memref_slice %arg9[%dma_start3A_468, %dma_start3A_469] : memref<1x128xi32, #tpu.memory_space<vmem>> -> memref<1x128xi32, #tpu.memory_space<vmem>>
        %dma_start3A_471 = tpu.memref_squeeze %dma_start3A_470 : memref<1x128xi32, #tpu.memory_space<vmem>> -> memref<128xi32, #tpu.memory_space<vmem>>
        %dma_start3A_472 = tpu.memref_slice %arg3[%add3A_42, %add3A_467] : memref<32x16000xi32, #tpu.memory_space<hbm>> -> memref<1x128xi32, #tpu.memory_space<hbm>>
        %dma_start3A_473 = tpu.memref_squeeze %dma_start3A_472 : memref<1x128xi32, #tpu.memory_space<hbm>> -> memref<128xi32, #tpu.memory_space<hbm>>
        %dma_start3A_474 = arith.constant 0 : i32
        %dma_start3A_475 = tpu.memref_slice %arg9[%dma_start3A_468, %dma_start3A_474] : memref<1x128xi32, #tpu.memory_space<vmem>> -> memref<1x128xi32, #tpu.memory_space<vmem>>
        %dma_start3A_476 = tpu.memref_squeeze %dma_start3A_475 : memref<1x128xi32, #tpu.memory_space<vmem>> -> memref<128xi32, #tpu.memory_space<vmem>>
        %dma_start3A_477 = tpu.memref_slice %arg3[%add3A_42, %add3A_467] : memref<32x16000xi32, #tpu.memory_space<hbm>> -> memref<1x128xi32, #tpu.memory_space<hbm>>
        %dma_start3A_478 = tpu.memref_squeeze %dma_start3A_477 : memref<1x128xi32, #tpu.memory_space<hbm>> -> memref<128xi32, #tpu.memory_space<hbm>>
        tpu.enqueue_dma source(%dma_start3A_478 : memref<128xi32, #tpu.memory_space<hbm>>) target(%dma_start3A_476 : memref<128xi32, #tpu.memory_space<vmem>>) target_semaphore(%arg16 : memref<!tpu.dma_semaphore, #tpu.memory_space<semaphore_mem>>)
        %mul3A_479 = arith.constant 1024 : i32
        %mul3A_480 = arith.muli %arg1, %mul3A_479 : i32
        %add3A_481 = arith.constant 256 : i32
        %add3A_482 = arith.addi %mul3A_480, %add3A_481 : i32
        %dma_wait3A_483 = arith.constant 0 : i32
        %dma_wait3A_484 = arith.constant 0 : i32
        %dma_wait3A_485 = tpu.memref_slice %arg11[%dma_wait3A_483, %dma_wait3A_484] : memref<1x128xi32, #tpu.memory_space<vmem>> -> memref<1x128xi32, #tpu.memory_space<vmem>>
        %dma_wait3A_486 = tpu.memref_squeeze %dma_wait3A_485 : memref<1x128xi32, #tpu.memory_space<vmem>> -> memref<128xi32, #tpu.memory_space<vmem>>
        %dma_wait3A_487 = tpu.memref_slice %arg3[%add3A_42, %add3A_482] : memref<32x16000xi32, #tpu.memory_space<hbm>> -> memref<1x128xi32, #tpu.memory_space<hbm>>
        %dma_wait3A_488 = tpu.memref_squeeze %dma_wait3A_487 : memref<1x128xi32, #tpu.memory_space<hbm>> -> memref<128xi32, #tpu.memory_space<hbm>>
        %dma_wait3A_489 = arith.constant 0 : i32
        %dma_wait3A_490 = tpu.memref_slice %arg11[%dma_wait3A_483, %dma_wait3A_489] : memref<1x128xi32, #tpu.memory_space<vmem>> -> memref<1x128xi32, #tpu.memory_space<vmem>>
        %dma_wait3A_491 = tpu.memref_squeeze %dma_wait3A_490 : memref<1x128xi32, #tpu.memory_space<vmem>> -> memref<128xi32, #tpu.memory_space<vmem>>
        %dma_wait3A_492 = tpu.memref_slice %arg3[%add3A_42, %add3A_482] : memref<32x16000xi32, #tpu.memory_space<hbm>> -> memref<1x128xi32, #tpu.memory_space<hbm>>
        %dma_wait3A_493 = tpu.memref_squeeze %dma_wait3A_492 : memref<1x128xi32, #tpu.memory_space<hbm>> -> memref<128xi32, #tpu.memory_space<hbm>>
        tpu.wait_dma2 semaphore(%arg18 : memref<!tpu.dma_semaphore, #tpu.memory_space<semaphore_mem>>) src(%dma_wait3A_493 : memref<128xi32, #tpu.memory_space<hbm>>) dst(%dma_wait3A_491 : memref<128xi32, #tpu.memory_space<vmem>>)
        %mul3A_494 = arith.constant 1024 : i32
        %mul3A_495 = arith.muli %arg1, %mul3A_494 : i32
        %add3A_496 = arith.constant 256 : i32
        %add3A_497 = arith.addi %mul3A_495, %add3A_496 : i32
        %dma_wait3A_498 = arith.constant 0 : i32
        %dma_wait3A_499 = arith.constant 0 : i32
        %dma_wait3A_500 = tpu.memref_slice %arg7[%dma_wait3A_498, %dma_wait3A_499] : memref<128x128xf32, #tpu.memory_space<vmem>> -> memref<128x128xf32, #tpu.memory_space<vmem>>
        %dma_wait3A_501 = arith.constant 0 : i32
        %dma_wait3A_502 = tpu.memref_slice %arg2[%add3A_42, %add3A_497, %dma_wait3A_501] : memref<32x16000x128xf32, #tpu.memory_space<hbm>> -> memref<1x128x128xf32, #tpu.memory_space<hbm>>
        %dma_wait3A_503 = tpu.memref_squeeze %dma_wait3A_502 : memref<1x128x128xf32, #tpu.memory_space<hbm>> -> memref<128x128xf32, #tpu.memory_space<hbm>>
        %dma_wait3A_504 = arith.constant 0 : i32
        %dma_wait3A_505 = arith.constant 0 : i32
        %dma_wait3A_506 = tpu.memref_slice %arg7[%dma_wait3A_504, %dma_wait3A_505] : memref<128x128xf32, #tpu.memory_space<vmem>> -> memref<128x128xf32, #tpu.memory_space<vmem>>
        %dma_wait3A_507 = arith.constant 0 : i32
        %dma_wait3A_508 = tpu.memref_slice %arg2[%add3A_42, %add3A_497, %dma_wait3A_507] : memref<32x16000x128xf32, #tpu.memory_space<hbm>> -> memref<1x128x128xf32, #tpu.memory_space<hbm>>
        %dma_wait3A_509 = tpu.memref_squeeze %dma_wait3A_508 : memref<1x128x128xf32, #tpu.memory_space<hbm>> -> memref<128x128xf32, #tpu.memory_space<hbm>>
        tpu.wait_dma2 semaphore(%arg22 : memref<!tpu.dma_semaphore, #tpu.memory_space<semaphore_mem>>) src(%dma_wait3A_509 : memref<128x128xf32, #tpu.memory_space<hbm>>) dst(%dma_wait3A_506 : memref<128x128xf32, #tpu.memory_space<vmem>>)
        %dma_start3A_510 = arith.constant 0 : i32
        %dma_start3A_511 = arith.constant 0 : i32
        %dma_start3A_512 = arith.constant 0 : i32
        %dma_start3A_513 = tpu.memref_slice %arg7[%dma_start3A_511, %dma_start3A_512] : memref<128x128xf32, #tpu.memory_space<vmem>> -> memref<128x128xf32, #tpu.memory_space<vmem>>
        %dma_start3A_514 = arith.constant 0 : i32
        %dma_start3A_515 = tpu.memref_slice %arg11[%dma_start3A_510, %dma_start3A_514] : memref<1x128xi32, #tpu.memory_space<vmem>> -> memref<1x128xi32, #tpu.memory_space<vmem>>
        %dma_start3A_516 = tpu.memref_squeeze %dma_start3A_515 : memref<1x128xi32, #tpu.memory_space<vmem>> -> memref<128xi32, #tpu.memory_space<vmem>>
        %dma_start3A_517 = arith.constant 0 : i32
        %dma_start3A_518 = arith.constant 0 : i32
        %dma_start3A_519 = tpu.memref_slice %arg14[%dma_start3A_517, %dma_start3A_518] : memref<1024x128xf32, #tpu.memory_space<vmem_shared>> -> memref<1024x128xf32, #tpu.memory_space<vmem_shared>>
        tpu.enqueue_indirect_dma source(%dma_start3A_513 : memref<128x128xf32, #tpu.memory_space<vmem>>) target(%dma_start3A_519 : memref<1024x128xf32, #tpu.memory_space<vmem_shared>>) offsets(%dma_start3A_516 : memref<128xi32, #tpu.memory_space<vmem>>) semaphore(%arg26 : memref<!tpu.dma_semaphore, #tpu.memory_space<semaphore_mem>>) {add = true}
        %dma_wait3A_520 = arith.constant 0 : i32
        %dma_wait3A_521 = arith.constant 0 : i32
        %dma_wait3A_522 = arith.constant 0 : i32
        %dma_wait3A_523 = tpu.memref_slice %arg6[%dma_wait3A_521, %dma_wait3A_522] : memref<128x128xf32, #tpu.memory_space<vmem>> -> memref<128x128xf32, #tpu.memory_space<vmem>>
        %dma_wait3A_524 = arith.constant 0 : i32
        %dma_wait3A_525 = tpu.memref_slice %arg10[%dma_wait3A_520, %dma_wait3A_524] : memref<1x128xi32, #tpu.memory_space<vmem>> -> memref<1x128xi32, #tpu.memory_space<vmem>>
        %dma_wait3A_526 = tpu.memref_squeeze %dma_wait3A_525 : memref<1x128xi32, #tpu.memory_space<vmem>> -> memref<128xi32, #tpu.memory_space<vmem>>
        %dma_wait3A_527 = arith.constant 0 : i32
        %dma_wait3A_528 = arith.constant 0 : i32
        %dma_wait3A_529 = tpu.memref_slice %arg14[%dma_wait3A_527, %dma_wait3A_528] : memref<1024x128xf32, #tpu.memory_space<vmem_shared>> -> memref<1024x128xf32, #tpu.memory_space<vmem_shared>>
        tpu.wait_indirect_dma semaphore(%arg25 : memref<!tpu.dma_semaphore, #tpu.memory_space<semaphore_mem>>) src(%dma_wait3A_523 : memref<128x128xf32, #tpu.memory_space<vmem>>) dst(%dma_wait3A_529 : memref<1024x128xf32, #tpu.memory_space<vmem_shared>>)
        %mul3A_530 = arith.constant 1024 : i32
        %mul3A_531 = arith.muli %arg1, %mul3A_530 : i32
        %add3A_532 = arith.constant 640 : i32
        %add3A_533 = arith.addi %mul3A_531, %add3A_532 : i32
        %dma_start3A_534 = arith.constant 0 : i32
        %dma_start3A_535 = arith.constant 0 : i32
        %dma_start3A_536 = tpu.memref_slice %arg6[%dma_start3A_534, %dma_start3A_535] : memref<128x128xf32, #tpu.memory_space<vmem>> -> memref<128x128xf32, #tpu.memory_space<vmem>>
        %dma_start3A_537 = arith.constant 0 : i32
        %dma_start3A_538 = tpu.memref_slice %arg2[%add3A_42, %add3A_533, %dma_start3A_537] : memref<32x16000x128xf32, #tpu.memory_space<hbm>> -> memref<1x128x128xf32, #tpu.memory_space<hbm>>
        %dma_start3A_539 = tpu.memref_squeeze %dma_start3A_538 : memref<1x128x128xf32, #tpu.memory_space<hbm>> -> memref<128x128xf32, #tpu.memory_space<hbm>>
        %dma_start3A_540 = arith.constant 0 : i32
        %dma_start3A_541 = arith.constant 0 : i32
        %dma_start3A_542 = tpu.memref_slice %arg6[%dma_start3A_540, %dma_start3A_541] : memref<128x128xf32, #tpu.memory_space<vmem>> -> memref<128x128xf32, #tpu.memory_space<vmem>>
        %dma_start3A_543 = arith.constant 0 : i32
        %dma_start3A_544 = tpu.memref_slice %arg2[%add3A_42, %add3A_533, %dma_start3A_543] : memref<32x16000x128xf32, #tpu.memory_space<hbm>> -> memref<1x128x128xf32, #tpu.memory_space<hbm>>
        %dma_start3A_545 = tpu.memref_squeeze %dma_start3A_544 : memref<1x128x128xf32, #tpu.memory_space<hbm>> -> memref<128x128xf32, #tpu.memory_space<hbm>>
        tpu.enqueue_dma source(%dma_start3A_545 : memref<128x128xf32, #tpu.memory_space<hbm>>) target(%dma_start3A_542 : memref<128x128xf32, #tpu.memory_space<vmem>>) target_semaphore(%arg21 : memref<!tpu.dma_semaphore, #tpu.memory_space<semaphore_mem>>)
        %mul3A_546 = arith.constant 1024 : i32
        %mul3A_547 = arith.muli %arg1, %mul3A_546 : i32
        %add3A_548 = arith.constant 640 : i32
        %add3A_549 = arith.addi %mul3A_547, %add3A_548 : i32
        %dma_start3A_550 = arith.constant 0 : i32
        %dma_start3A_551 = arith.constant 0 : i32
        %dma_start3A_552 = tpu.memref_slice %arg10[%dma_start3A_550, %dma_start3A_551] : memref<1x128xi32, #tpu.memory_space<vmem>> -> memref<1x128xi32, #tpu.memory_space<vmem>>
        %dma_start3A_553 = tpu.memref_squeeze %dma_start3A_552 : memref<1x128xi32, #tpu.memory_space<vmem>> -> memref<128xi32, #tpu.memory_space<vmem>>
        %dma_start3A_554 = tpu.memref_slice %arg3[%add3A_42, %add3A_549] : memref<32x16000xi32, #tpu.memory_space<hbm>> -> memref<1x128xi32, #tpu.memory_space<hbm>>
        %dma_start3A_555 = tpu.memref_squeeze %dma_start3A_554 : memref<1x128xi32, #tpu.memory_space<hbm>> -> memref<128xi32, #tpu.memory_space<hbm>>
        %dma_start3A_556 = arith.constant 0 : i32
        %dma_start3A_557 = tpu.memref_slice %arg10[%dma_start3A_550, %dma_start3A_556] : memref<1x128xi32, #tpu.memory_space<vmem>> -> memref<1x128xi32, #tpu.memory_space<vmem>>
        %dma_start3A_558 = tpu.memref_squeeze %dma_start3A_557 : memref<1x128xi32, #tpu.memory_space<vmem>> -> memref<128xi32, #tpu.memory_space<vmem>>
        %dma_start3A_559 = tpu.memref_slice %arg3[%add3A_42, %add3A_549] : memref<32x16000xi32, #tpu.memory_space<hbm>> -> memref<1x128xi32, #tpu.memory_space<hbm>>
        %dma_start3A_560 = tpu.memref_squeeze %dma_start3A_559 : memref<1x128xi32, #tpu.memory_space<hbm>> -> memref<128xi32, #tpu.memory_space<hbm>>
        tpu.enqueue_dma source(%dma_start3A_560 : memref<128xi32, #tpu.memory_space<hbm>>) target(%dma_start3A_558 : memref<128xi32, #tpu.memory_space<vmem>>) target_semaphore(%arg17 : memref<!tpu.dma_semaphore, #tpu.memory_space<semaphore_mem>>)
        %mul3A_561 = arith.constant 1024 : i32
        %mul3A_562 = arith.muli %arg1, %mul3A_561 : i32
        %add3A_563 = arith.constant 384 : i32
        %add3A_564 = arith.addi %mul3A_562, %add3A_563 : i32
        %dma_wait3A_565 = arith.constant 0 : i32
        %dma_wait3A_566 = arith.constant 0 : i32
        %dma_wait3A_567 = tpu.memref_slice %arg12[%dma_wait3A_565, %dma_wait3A_566] : memref<1x128xi32, #tpu.memory_space<vmem>> -> memref<1x128xi32, #tpu.memory_space<vmem>>
        %dma_wait3A_568 = tpu.memref_squeeze %dma_wait3A_567 : memref<1x128xi32, #tpu.memory_space<vmem>> -> memref<128xi32, #tpu.memory_space<vmem>>
        %dma_wait3A_569 = tpu.memref_slice %arg3[%add3A_42, %add3A_564] : memref<32x16000xi32, #tpu.memory_space<hbm>> -> memref<1x128xi32, #tpu.memory_space<hbm>>
        %dma_wait3A_570 = tpu.memref_squeeze %dma_wait3A_569 : memref<1x128xi32, #tpu.memory_space<hbm>> -> memref<128xi32, #tpu.memory_space<hbm>>
        %dma_wait3A_571 = arith.constant 0 : i32
        %dma_wait3A_572 = tpu.memref_slice %arg12[%dma_wait3A_565, %dma_wait3A_571] : memref<1x128xi32, #tpu.memory_space<vmem>> -> memref<1x128xi32, #tpu.memory_space<vmem>>
        %dma_wait3A_573 = tpu.memref_squeeze %dma_wait3A_572 : memref<1x128xi32, #tpu.memory_space<vmem>> -> memref<128xi32, #tpu.memory_space<vmem>>
        %dma_wait3A_574 = tpu.memref_slice %arg3[%add3A_42, %add3A_564] : memref<32x16000xi32, #tpu.memory_space<hbm>> -> memref<1x128xi32, #tpu.memory_space<hbm>>
        %dma_wait3A_575 = tpu.memref_squeeze %dma_wait3A_574 : memref<1x128xi32, #tpu.memory_space<hbm>> -> memref<128xi32, #tpu.memory_space<hbm>>
        tpu.wait_dma2 semaphore(%arg19 : memref<!tpu.dma_semaphore, #tpu.memory_space<semaphore_mem>>) src(%dma_wait3A_575 : memref<128xi32, #tpu.memory_space<hbm>>) dst(%dma_wait3A_573 : memref<128xi32, #tpu.memory_space<vmem>>)
        %mul3A_576 = arith.constant 1024 : i32
        %mul3A_577 = arith.muli %arg1, %mul3A_576 : i32
        %add3A_578 = arith.constant 384 : i32
        %add3A_579 = arith.addi %mul3A_577, %add3A_578 : i32
        %dma_wait3A_580 = arith.constant 0 : i32
        %dma_wait3A_581 = arith.constant 0 : i32
        %dma_wait3A_582 = tpu.memref_slice %arg8[%dma_wait3A_580, %dma_wait3A_581] : memref<128x128xf32, #tpu.memory_space<vmem>> -> memref<128x128xf32, #tpu.memory_space<vmem>>
        %dma_wait3A_583 = arith.constant 0 : i32
        %dma_wait3A_584 = tpu.memref_slice %arg2[%add3A_42, %add3A_579, %dma_wait3A_583] : memref<32x16000x128xf32, #tpu.memory_space<hbm>> -> memref<1x128x128xf32, #tpu.memory_space<hbm>>
        %dma_wait3A_585 = tpu.memref_squeeze %dma_wait3A_584 : memref<1x128x128xf32, #tpu.memory_space<hbm>> -> memref<128x128xf32, #tpu.memory_space<hbm>>
        %dma_wait3A_586 = arith.constant 0 : i32
        %dma_wait3A_587 = arith.constant 0 : i32
        %dma_wait3A_588 = tpu.memref_slice %arg8[%dma_wait3A_586, %dma_wait3A_587] : memref<128x128xf32, #tpu.memory_space<vmem>> -> memref<128x128xf32, #tpu.memory_space<vmem>>
        %dma_wait3A_589 = arith.constant 0 : i32
        %dma_wait3A_590 = tpu.memref_slice %arg2[%add3A_42, %add3A_579, %dma_wait3A_589] : memref<32x16000x128xf32, #tpu.memory_space<hbm>> -> memref<1x128x128xf32, #tpu.memory_space<hbm>>
        %dma_wait3A_591 = tpu.memref_squeeze %dma_wait3A_590 : memref<1x128x128xf32, #tpu.memory_space<hbm>> -> memref<128x128xf32, #tpu.memory_space<hbm>>
        tpu.wait_dma2 semaphore(%arg23 : memref<!tpu.dma_semaphore, #tpu.memory_space<semaphore_mem>>) src(%dma_wait3A_591 : memref<128x128xf32, #tpu.memory_space<hbm>>) dst(%dma_wait3A_588 : memref<128x128xf32, #tpu.memory_space<vmem>>)
        %dma_start3A_592 = arith.constant 0 : i32
        %dma_start3A_593 = arith.constant 0 : i32
        %dma_start3A_594 = arith.constant 0 : i32
        %dma_start3A_595 = tpu.memref_slice %arg8[%dma_start3A_593, %dma_start3A_594] : memref<128x128xf32, #tpu.memory_space<vmem>> -> memref<128x128xf32, #tpu.memory_space<vmem>>
        %dma_start3A_596 = arith.constant 0 : i32
        %dma_start3A_597 = tpu.memref_slice %arg12[%dma_start3A_592, %dma_start3A_596] : memref<1x128xi32, #tpu.memory_space<vmem>> -> memref<1x128xi32, #tpu.memory_space<vmem>>
        %dma_start3A_598 = tpu.memref_squeeze %dma_start3A_597 : memref<1x128xi32, #tpu.memory_space<vmem>> -> memref<128xi32, #tpu.memory_space<vmem>>
        %dma_start3A_599 = arith.constant 0 : i32
        %dma_start3A_600 = arith.constant 0 : i32
        %dma_start3A_601 = tpu.memref_slice %arg14[%dma_start3A_599, %dma_start3A_600] : memref<1024x128xf32, #tpu.memory_space<vmem_shared>> -> memref<1024x128xf32, #tpu.memory_space<vmem_shared>>
        tpu.enqueue_indirect_dma source(%dma_start3A_595 : memref<128x128xf32, #tpu.memory_space<vmem>>) target(%dma_start3A_601 : memref<1024x128xf32, #tpu.memory_space<vmem_shared>>) offsets(%dma_start3A_598 : memref<128xi32, #tpu.memory_space<vmem>>) semaphore(%arg27 : memref<!tpu.dma_semaphore, #tpu.memory_space<semaphore_mem>>) {add = true}
        %dma_wait3A_602 = arith.constant 0 : i32
        %dma_wait3A_603 = arith.constant 0 : i32
        %dma_wait3A_604 = arith.constant 0 : i32
        %dma_wait3A_605 = tpu.memref_slice %arg7[%dma_wait3A_603, %dma_wait3A_604] : memref<128x128xf32, #tpu.memory_space<vmem>> -> memref<128x128xf32, #tpu.memory_space<vmem>>
        %dma_wait3A_606 = arith.constant 0 : i32
        %dma_wait3A_607 = tpu.memref_slice %arg11[%dma_wait3A_602, %dma_wait3A_606] : memref<1x128xi32, #tpu.memory_space<vmem>> -> memref<1x128xi32, #tpu.memory_space<vmem>>
        %dma_wait3A_608 = tpu.memref_squeeze %dma_wait3A_607 : memref<1x128xi32, #tpu.memory_space<vmem>> -> memref<128xi32, #tpu.memory_space<vmem>>
        %dma_wait3A_609 = arith.constant 0 : i32
        %dma_wait3A_610 = arith.constant 0 : i32
        %dma_wait3A_611 = tpu.memref_slice %arg14[%dma_wait3A_609, %dma_wait3A_610] : memref<1024x128xf32, #tpu.memory_space<vmem_shared>> -> memref<1024x128xf32, #tpu.memory_space<vmem_shared>>
        tpu.wait_indirect_dma semaphore(%arg26 : memref<!tpu.dma_semaphore, #tpu.memory_space<semaphore_mem>>) src(%dma_wait3A_605 : memref<128x128xf32, #tpu.memory_space<vmem>>) dst(%dma_wait3A_611 : memref<1024x128xf32, #tpu.memory_space<vmem_shared>>)
        %mul3A_612 = arith.constant 1024 : i32
        %mul3A_613 = arith.muli %arg1, %mul3A_612 : i32
        %add3A_614 = arith.constant 768 : i32
        %add3A_615 = arith.addi %mul3A_613, %add3A_614 : i32
        %dma_start3A_616 = arith.constant 0 : i32
        %dma_start3A_617 = arith.constant 0 : i32
        %dma_start3A_618 = tpu.memref_slice %arg7[%dma_start3A_616, %dma_start3A_617] : memref<128x128xf32, #tpu.memory_space<vmem>> -> memref<128x128xf32, #tpu.memory_space<vmem>>
        %dma_start3A_619 = arith.constant 0 : i32
        %dma_start3A_620 = tpu.memref_slice %arg2[%add3A_42, %add3A_615, %dma_start3A_619] : memref<32x16000x128xf32, #tpu.memory_space<hbm>> -> memref<1x128x128xf32, #tpu.memory_space<hbm>>
        %dma_start3A_621 = tpu.memref_squeeze %dma_start3A_620 : memref<1x128x128xf32, #tpu.memory_space<hbm>> -> memref<128x128xf32, #tpu.memory_space<hbm>>
        %dma_start3A_622 = arith.constant 0 : i32
        %dma_start3A_623 = arith.constant 0 : i32
        %dma_start3A_624 = tpu.memref_slice %arg7[%dma_start3A_622, %dma_start3A_623] : memref<128x128xf32, #tpu.memory_space<vmem>> -> memref<128x128xf32, #tpu.memory_space<vmem>>
        %dma_start3A_625 = arith.constant 0 : i32
        %dma_start3A_626 = tpu.memref_slice %arg2[%add3A_42, %add3A_615, %dma_start3A_625] : memref<32x16000x128xf32, #tpu.memory_space<hbm>> -> memref<1x128x128xf32, #tpu.memory_space<hbm>>
        %dma_start3A_627 = tpu.memref_squeeze %dma_start3A_626 : memref<1x128x128xf32, #tpu.memory_space<hbm>> -> memref<128x128xf32, #tpu.memory_space<hbm>>
        tpu.enqueue_dma source(%dma_start3A_627 : memref<128x128xf32, #tpu.memory_space<hbm>>) target(%dma_start3A_624 : memref<128x128xf32, #tpu.memory_space<vmem>>) target_semaphore(%arg22 : memref<!tpu.dma_semaphore, #tpu.memory_space<semaphore_mem>>)
        %mul3A_628 = arith.constant 1024 : i32
        %mul3A_629 = arith.muli %arg1, %mul3A_628 : i32
        %add3A_630 = arith.constant 768 : i32
        %add3A_631 = arith.addi %mul3A_629, %add3A_630 : i32
        %dma_start3A_632 = arith.constant 0 : i32
        %dma_start3A_633 = arith.constant 0 : i32
        %dma_start3A_634 = tpu.memref_slice %arg11[%dma_start3A_632, %dma_start3A_633] : memref<1x128xi32, #tpu.memory_space<vmem>> -> memref<1x128xi32, #tpu.memory_space<vmem>>
        %dma_start3A_635 = tpu.memref_squeeze %dma_start3A_634 : memref<1x128xi32, #tpu.memory_space<vmem>> -> memref<128xi32, #tpu.memory_space<vmem>>
        %dma_start3A_636 = tpu.memref_slice %arg3[%add3A_42, %add3A_631] : memref<32x16000xi32, #tpu.memory_space<hbm>> -> memref<1x128xi32, #tpu.memory_space<hbm>>
        %dma_start3A_637 = tpu.memref_squeeze %dma_start3A_636 : memref<1x128xi32, #tpu.memory_space<hbm>> -> memref<128xi32, #tpu.memory_space<hbm>>
        %dma_start3A_638 = arith.constant 0 : i32
        %dma_start3A_639 = tpu.memref_slice %arg11[%dma_start3A_632, %dma_start3A_638] : memref<1x128xi32, #tpu.memory_space<vmem>> -> memref<1x128xi32, #tpu.memory_space<vmem>>
        %dma_start3A_640 = tpu.memref_squeeze %dma_start3A_639 : memref<1x128xi32, #tpu.memory_space<vmem>> -> memref<128xi32, #tpu.memory_space<vmem>>
        %dma_start3A_641 = tpu.memref_slice %arg3[%add3A_42, %add3A_631] : memref<32x16000xi32, #tpu.memory_space<hbm>> -> memref<1x128xi32, #tpu.memory_space<hbm>>
        %dma_start3A_642 = tpu.memref_squeeze %dma_start3A_641 : memref<1x128xi32, #tpu.memory_space<hbm>> -> memref<128xi32, #tpu.memory_space<hbm>>
        tpu.enqueue_dma source(%dma_start3A_642 : memref<128xi32, #tpu.memory_space<hbm>>) target(%dma_start3A_640 : memref<128xi32, #tpu.memory_space<vmem>>) target_semaphore(%arg18 : memref<!tpu.dma_semaphore, #tpu.memory_space<semaphore_mem>>)
        %mul3A_643 = arith.constant 1024 : i32
        %mul3A_644 = arith.muli %arg1, %mul3A_643 : i32
        %add3A_645 = arith.constant 512 : i32
        %add3A_646 = arith.addi %mul3A_644, %add3A_645 : i32
        %dma_wait3A_647 = arith.constant 0 : i32
        %dma_wait3A_648 = arith.constant 0 : i32
        %dma_wait3A_649 = tpu.memref_slice %arg9[%dma_wait3A_647, %dma_wait3A_648] : memref<1x128xi32, #tpu.memory_space<vmem>> -> memref<1x128xi32, #tpu.memory_space<vmem>>
        %dma_wait3A_650 = tpu.memref_squeeze %dma_wait3A_649 : memref<1x128xi32, #tpu.memory_space<vmem>> -> memref<128xi32, #tpu.memory_space<vmem>>
        %dma_wait3A_651 = tpu.memref_slice %arg3[%add3A_42, %add3A_646] : memref<32x16000xi32, #tpu.memory_space<hbm>> -> memref<1x128xi32, #tpu.memory_space<hbm>>
        %dma_wait3A_652 = tpu.memref_squeeze %dma_wait3A_651 : memref<1x128xi32, #tpu.memory_space<hbm>> -> memref<128xi32, #tpu.memory_space<hbm>>
        %dma_wait3A_653 = arith.constant 0 : i32
        %dma_wait3A_654 = tpu.memref_slice %arg9[%dma_wait3A_647, %dma_wait3A_653] : memref<1x128xi32, #tpu.memory_space<vmem>> -> memref<1x128xi32, #tpu.memory_space<vmem>>
        %dma_wait3A_655 = tpu.memref_squeeze %dma_wait3A_654 : memref<1x128xi32, #tpu.memory_space<vmem>> -> memref<128xi32, #tpu.memory_space<vmem>>
        %dma_wait3A_656 = tpu.memref_slice %arg3[%add3A_42, %add3A_646] : memref<32x16000xi32, #tpu.memory_space<hbm>> -> memref<1x128xi32, #tpu.memory_space<hbm>>
        %dma_wait3A_657 = tpu.memref_squeeze %dma_wait3A_656 : memref<1x128xi32, #tpu.memory_space<hbm>> -> memref<128xi32, #tpu.memory_space<hbm>>
        tpu.wait_dma2 semaphore(%arg16 : memref<!tpu.dma_semaphore, #tpu.memory_space<semaphore_mem>>) src(%dma_wait3A_657 : memref<128xi32, #tpu.memory_space<hbm>>) dst(%dma_wait3A_655 : memref<128xi32, #tpu.memory_space<vmem>>)
        %mul3A_658 = arith.constant 1024 : i32
        %mul3A_659 = arith.muli %arg1, %mul3A_658 : i32
        %add3A_660 = arith.constant 512 : i32
        %add3A_661 = arith.addi %mul3A_659, %add3A_660 : i32
        %dma_wait3A_662 = arith.constant 0 : i32
        %dma_wait3A_663 = arith.constant 0 : i32
        %dma_wait3A_664 = tpu.memref_slice %arg5[%dma_wait3A_662, %dma_wait3A_663] : memref<128x128xf32, #tpu.memory_space<vmem>> -> memref<128x128xf32, #tpu.memory_space<vmem>>
        %dma_wait3A_665 = arith.constant 0 : i32
        %dma_wait3A_666 = tpu.memref_slice %arg2[%add3A_42, %add3A_661, %dma_wait3A_665] : memref<32x16000x128xf32, #tpu.memory_space<hbm>> -> memref<1x128x128xf32, #tpu.memory_space<hbm>>
        %dma_wait3A_667 = tpu.memref_squeeze %dma_wait3A_666 : memref<1x128x128xf32, #tpu.memory_space<hbm>> -> memref<128x128xf32, #tpu.memory_space<hbm>>
        %dma_wait3A_668 = arith.constant 0 : i32
        %dma_wait3A_669 = arith.constant 0 : i32
        %dma_wait3A_670 = tpu.memref_slice %arg5[%dma_wait3A_668, %dma_wait3A_669] : memref<128x128xf32, #tpu.memory_space<vmem>> -> memref<128x128xf32, #tpu.memory_space<vmem>>
        %dma_wait3A_671 = arith.constant 0 : i32
        %dma_wait3A_672 = tpu.memref_slice %arg2[%add3A_42, %add3A_661, %dma_wait3A_671] : memref<32x16000x128xf32, #tpu.memory_space<hbm>> -> memref<1x128x128xf32, #tpu.memory_space<hbm>>
        %dma_wait3A_673 = tpu.memref_squeeze %dma_wait3A_672 : memref<1x128x128xf32, #tpu.memory_space<hbm>> -> memref<128x128xf32, #tpu.memory_space<hbm>>
        tpu.wait_dma2 semaphore(%arg20 : memref<!tpu.dma_semaphore, #tpu.memory_space<semaphore_mem>>) src(%dma_wait3A_673 : memref<128x128xf32, #tpu.memory_space<hbm>>) dst(%dma_wait3A_670 : memref<128x128xf32, #tpu.memory_space<vmem>>)
        %dma_start3A_674 = arith.constant 0 : i32
        %dma_start3A_675 = arith.constant 0 : i32
        %dma_start3A_676 = arith.constant 0 : i32
        %dma_start3A_677 = tpu.memref_slice %arg5[%dma_start3A_675, %dma_start3A_676] : memref<128x128xf32, #tpu.memory_space<vmem>> -> memref<128x128xf32, #tpu.memory_space<vmem>>
        %dma_start3A_678 = arith.constant 0 : i32
        %dma_start3A_679 = tpu.memref_slice %arg9[%dma_start3A_674, %dma_start3A_678] : memref<1x128xi32, #tpu.memory_space<vmem>> -> memref<1x128xi32, #tpu.memory_space<vmem>>
        %dma_start3A_680 = tpu.memref_squeeze %dma_start3A_679 : memref<1x128xi32, #tpu.memory_space<vmem>> -> memref<128xi32, #tpu.memory_space<vmem>>
        %dma_start3A_681 = arith.constant 0 : i32
        %dma_start3A_682 = arith.constant 0 : i32
        %dma_start3A_683 = tpu.memref_slice %arg14[%dma_start3A_681, %dma_start3A_682] : memref<1024x128xf32, #tpu.memory_space<vmem_shared>> -> memref<1024x128xf32, #tpu.memory_space<vmem_shared>>
        tpu.enqueue_indirect_dma source(%dma_start3A_677 : memref<128x128xf32, #tpu.memory_space<vmem>>) target(%dma_start3A_683 : memref<1024x128xf32, #tpu.memory_space<vmem_shared>>) offsets(%dma_start3A_680 : memref<128xi32, #tpu.memory_space<vmem>>) semaphore(%arg24 : memref<!tpu.dma_semaphore, #tpu.memory_space<semaphore_mem>>) {add = true}
        %dma_wait3A_684 = arith.constant 0 : i32
        %dma_wait3A_685 = arith.constant 0 : i32
        %dma_wait3A_686 = arith.constant 0 : i32
        %dma_wait3A_687 = tpu.memref_slice %arg8[%dma_wait3A_685, %dma_wait3A_686] : memref<128x128xf32, #tpu.memory_space<vmem>> -> memref<128x128xf32, #tpu.memory_space<vmem>>
        %dma_wait3A_688 = arith.constant 0 : i32
        %dma_wait3A_689 = tpu.memref_slice %arg12[%dma_wait3A_684, %dma_wait3A_688] : memref<1x128xi32, #tpu.memory_space<vmem>> -> memref<1x128xi32, #tpu.memory_space<vmem>>
        %dma_wait3A_690 = tpu.memref_squeeze %dma_wait3A_689 : memref<1x128xi32, #tpu.memory_space<vmem>> -> memref<128xi32, #tpu.memory_space<vmem>>
        %dma_wait3A_691 = arith.constant 0 : i32
        %dma_wait3A_692 = arith.constant 0 : i32
        %dma_wait3A_693 = tpu.memref_slice %arg14[%dma_wait3A_691, %dma_wait3A_692] : memref<1024x128xf32, #tpu.memory_space<vmem_shared>> -> memref<1024x128xf32, #tpu.memory_space<vmem_shared>>
        tpu.wait_indirect_dma semaphore(%arg27 : memref<!tpu.dma_semaphore, #tpu.memory_space<semaphore_mem>>) src(%dma_wait3A_687 : memref<128x128xf32, #tpu.memory_space<vmem>>) dst(%dma_wait3A_693 : memref<1024x128xf32, #tpu.memory_space<vmem_shared>>)
        %mul3A_694 = arith.constant 1024 : i32
        %mul3A_695 = arith.muli %arg1, %mul3A_694 : i32
        %add3A_696 = arith.constant 896 : i32
        %add3A_697 = arith.addi %mul3A_695, %add3A_696 : i32
        %dma_start3A_698 = arith.constant 0 : i32
        %dma_start3A_699 = arith.constant 0 : i32
        %dma_start3A_700 = tpu.memref_slice %arg8[%dma_start3A_698, %dma_start3A_699] : memref<128x128xf32, #tpu.memory_space<vmem>> -> memref<128x128xf32, #tpu.memory_space<vmem>>
        %dma_start3A_701 = arith.constant 0 : i32
        %dma_start3A_702 = tpu.memref_slice %arg2[%add3A_42, %add3A_697, %dma_start3A_701] : memref<32x16000x128xf32, #tpu.memory_space<hbm>> -> memref<1x128x128xf32, #tpu.memory_space<hbm>>
        %dma_start3A_703 = tpu.memref_squeeze %dma_start3A_702 : memref<1x128x128xf32, #tpu.memory_space<hbm>> -> memref<128x128xf32, #tpu.memory_space<hbm>>
        %dma_start3A_704 = arith.constant 0 : i32
        %dma_start3A_705 = arith.constant 0 : i32
        %dma_start3A_706 = tpu.memref_slice %arg8[%dma_start3A_704, %dma_start3A_705] : memref<128x128xf32, #tpu.memory_space<vmem>> -> memref<128x128xf32, #tpu.memory_space<vmem>>
        %dma_start3A_707 = arith.constant 0 : i32
        %dma_start3A_708 = tpu.memref_slice %arg2[%add3A_42, %add3A_697, %dma_start3A_707] : memref<32x16000x128xf32, #tpu.memory_space<hbm>> -> memref<1x128x128xf32, #tpu.memory_space<hbm>>
        %dma_start3A_709 = tpu.memref_squeeze %dma_start3A_708 : memref<1x128x128xf32, #tpu.memory_space<hbm>> -> memref<128x128xf32, #tpu.memory_space<hbm>>
        tpu.enqueue_dma source(%dma_start3A_709 : memref<128x128xf32, #tpu.memory_space<hbm>>) target(%dma_start3A_706 : memref<128x128xf32, #tpu.memory_space<vmem>>) target_semaphore(%arg23 : memref<!tpu.dma_semaphore, #tpu.memory_space<semaphore_mem>>)
        %mul3A_710 = arith.constant 1024 : i32
        %mul3A_711 = arith.muli %arg1, %mul3A_710 : i32
        %add3A_712 = arith.constant 896 : i32
        %add3A_713 = arith.addi %mul3A_711, %add3A_712 : i32
        %dma_start3A_714 = arith.constant 0 : i32
        %dma_start3A_715 = arith.constant 0 : i32
        %dma_start3A_716 = tpu.memref_slice %arg12[%dma_start3A_714, %dma_start3A_715] : memref<1x128xi32, #tpu.memory_space<vmem>> -> memref<1x128xi32, #tpu.memory_space<vmem>>
        %dma_start3A_717 = tpu.memref_squeeze %dma_start3A_716 : memref<1x128xi32, #tpu.memory_space<vmem>> -> memref<128xi32, #tpu.memory_space<vmem>>
        %dma_start3A_718 = tpu.memref_slice %arg3[%add3A_42, %add3A_713] : memref<32x16000xi32, #tpu.memory_space<hbm>> -> memref<1x128xi32, #tpu.memory_space<hbm>>
        %dma_start3A_719 = tpu.memref_squeeze %dma_start3A_718 : memref<1x128xi32, #tpu.memory_space<hbm>> -> memref<128xi32, #tpu.memory_space<hbm>>
        %dma_start3A_720 = arith.constant 0 : i32
        %dma_start3A_721 = tpu.memref_slice %arg12[%dma_start3A_714, %dma_start3A_720] : memref<1x128xi32, #tpu.memory_space<vmem>> -> memref<1x128xi32, #tpu.memory_space<vmem>>
        %dma_start3A_722 = tpu.memref_squeeze %dma_start3A_721 : memref<1x128xi32, #tpu.memory_space<vmem>> -> memref<128xi32, #tpu.memory_space<vmem>>
        %dma_start3A_723 = tpu.memref_slice %arg3[%add3A_42, %add3A_713] : memref<32x16000xi32, #tpu.memory_space<hbm>> -> memref<1x128xi32, #tpu.memory_space<hbm>>
        %dma_start3A_724 = tpu.memref_squeeze %dma_start3A_723 : memref<1x128xi32, #tpu.memory_space<hbm>> -> memref<128xi32, #tpu.memory_space<hbm>>
        tpu.enqueue_dma source(%dma_start3A_724 : memref<128xi32, #tpu.memory_space<hbm>>) target(%dma_start3A_722 : memref<128xi32, #tpu.memory_space<vmem>>) target_semaphore(%arg19 : memref<!tpu.dma_semaphore, #tpu.memory_space<semaphore_mem>>)
        %mul3A_725 = arith.constant 1024 : i32
        %mul3A_726 = arith.muli %arg1, %mul3A_725 : i32
        %add3A_727 = arith.constant 640 : i32
        %add3A_728 = arith.addi %mul3A_726, %add3A_727 : i32
        %dma_wait3A_729 = arith.constant 0 : i32
        %dma_wait3A_730 = arith.constant 0 : i32
        %dma_wait3A_731 = tpu.memref_slice %arg10[%dma_wait3A_729, %dma_wait3A_730] : memref<1x128xi32, #tpu.memory_space<vmem>> -> memref<1x128xi32, #tpu.memory_space<vmem>>
        %dma_wait3A_732 = tpu.memref_squeeze %dma_wait3A_731 : memref<1x128xi32, #tpu.memory_space<vmem>> -> memref<128xi32, #tpu.memory_space<vmem>>
        %dma_wait3A_733 = tpu.memref_slice %arg3[%add3A_42, %add3A_728] : memref<32x16000xi32, #tpu.memory_space<hbm>> -> memref<1x128xi32, #tpu.memory_space<hbm>>
        %dma_wait3A_734 = tpu.memref_squeeze %dma_wait3A_733 : memref<1x128xi32, #tpu.memory_space<hbm>> -> memref<128xi32, #tpu.memory_space<hbm>>
        %dma_wait3A_735 = arith.constant 0 : i32
        %dma_wait3A_736 = tpu.memref_slice %arg10[%dma_wait3A_729, %dma_wait3A_735] : memref<1x128xi32, #tpu.memory_space<vmem>> -> memref<1x128xi32, #tpu.memory_space<vmem>>
        %dma_wait3A_737 = tpu.memref_squeeze %dma_wait3A_736 : memref<1x128xi32, #tpu.memory_space<vmem>> -> memref<128xi32, #tpu.memory_space<vmem>>
        %dma_wait3A_738 = tpu.memref_slice %arg3[%add3A_42, %add3A_728] : memref<32x16000xi32, #tpu.memory_space<hbm>> -> memref<1x128xi32, #tpu.memory_space<hbm>>
        %dma_wait3A_739 = tpu.memref_squeeze %dma_wait3A_738 : memref<1x128xi32, #tpu.memory_space<hbm>> -> memref<128xi32, #tpu.memory_space<hbm>>
        tpu.wait_dma2 semaphore(%arg17 : memref<!tpu.dma_semaphore, #tpu.memory_space<semaphore_mem>>) src(%dma_wait3A_739 : memref<128xi32, #tpu.memory_space<hbm>>) dst(%dma_wait3A_737 : memref<128xi32, #tpu.memory_space<vmem>>)
        %mul3A_740 = arith.constant 1024 : i32
        %mul3A_741 = arith.muli %arg1, %mul3A_740 : i32
        %add3A_742 = arith.constant 640 : i32
        %add3A_743 = arith.addi %mul3A_741, %add3A_742 : i32
        %dma_wait3A_744 = arith.constant 0 : i32
        %dma_wait3A_745 = arith.constant 0 : i32
        %dma_wait3A_746 = tpu.memref_slice %arg6[%dma_wait3A_744, %dma_wait3A_745] : memref<128x128xf32, #tpu.memory_space<vmem>> -> memref<128x128xf32, #tpu.memory_space<vmem>>
        %dma_wait3A_747 = arith.constant 0 : i32
        %dma_wait3A_748 = tpu.memref_slice %arg2[%add3A_42, %add3A_743, %dma_wait3A_747] : memref<32x16000x128xf32, #tpu.memory_space<hbm>> -> memref<1x128x128xf32, #tpu.memory_space<hbm>>
        %dma_wait3A_749 = tpu.memref_squeeze %dma_wait3A_748 : memref<1x128x128xf32, #tpu.memory_space<hbm>> -> memref<128x128xf32, #tpu.memory_space<hbm>>
        %dma_wait3A_750 = arith.constant 0 : i32
        %dma_wait3A_751 = arith.constant 0 : i32
        %dma_wait3A_752 = tpu.memref_slice %arg6[%dma_wait3A_750, %dma_wait3A_751] : memref<128x128xf32, #tpu.memory_space<vmem>> -> memref<128x128xf32, #tpu.memory_space<vmem>>
        %dma_wait3A_753 = arith.constant 0 : i32
        %dma_wait3A_754 = tpu.memref_slice %arg2[%add3A_42, %add3A_743, %dma_wait3A_753] : memref<32x16000x128xf32, #tpu.memory_space<hbm>> -> memref<1x128x128xf32, #tpu.memory_space<hbm>>
        %dma_wait3A_755 = tpu.memref_squeeze %dma_wait3A_754 : memref<1x128x128xf32, #tpu.memory_space<hbm>> -> memref<128x128xf32, #tpu.memory_space<hbm>>
        tpu.wait_dma2 semaphore(%arg21 : memref<!tpu.dma_semaphore, #tpu.memory_space<semaphore_mem>>) src(%dma_wait3A_755 : memref<128x128xf32, #tpu.memory_space<hbm>>) dst(%dma_wait3A_752 : memref<128x128xf32, #tpu.memory_space<vmem>>)
        %dma_start3A_756 = arith.constant 0 : i32
        %dma_start3A_757 = arith.constant 0 : i32
        %dma_start3A_758 = arith.constant 0 : i32
        %dma_start3A_759 = tpu.memref_slice %arg6[%dma_start3A_757, %dma_start3A_758] : memref<128x128xf32, #tpu.memory_space<vmem>> -> memref<128x128xf32, #tpu.memory_space<vmem>>
        %dma_start3A_760 = arith.constant 0 : i32
        %dma_start3A_761 = tpu.memref_slice %arg10[%dma_start3A_756, %dma_start3A_760] : memref<1x128xi32, #tpu.memory_space<vmem>> -> memref<1x128xi32, #tpu.memory_space<vmem>>
        %dma_start3A_762 = tpu.memref_squeeze %dma_start3A_761 : memref<1x128xi32, #tpu.memory_space<vmem>> -> memref<128xi32, #tpu.memory_space<vmem>>
        %dma_start3A_763 = arith.constant 0 : i32
        %dma_start3A_764 = arith.constant 0 : i32
        %dma_start3A_765 = tpu.memref_slice %arg14[%dma_start3A_763, %dma_start3A_764] : memref<1024x128xf32, #tpu.memory_space<vmem_shared>> -> memref<1024x128xf32, #tpu.memory_space<vmem_shared>>
        tpu.enqueue_indirect_dma source(%dma_start3A_759 : memref<128x128xf32, #tpu.memory_space<vmem>>) target(%dma_start3A_765 : memref<1024x128xf32, #tpu.memory_space<vmem_shared>>) offsets(%dma_start3A_762 : memref<128xi32, #tpu.memory_space<vmem>>) semaphore(%arg25 : memref<!tpu.dma_semaphore, #tpu.memory_space<semaphore_mem>>) {add = true}
        %dma_wait3A_766 = arith.constant 0 : i32
        %dma_wait3A_767 = arith.constant 0 : i32
        %dma_wait3A_768 = arith.constant 0 : i32
        %dma_wait3A_769 = tpu.memref_slice %arg5[%dma_wait3A_767, %dma_wait3A_768] : memref<128x128xf32, #tpu.memory_space<vmem>> -> memref<128x128xf32, #tpu.memory_space<vmem>>
        %dma_wait3A_770 = arith.constant 0 : i32
        %dma_wait3A_771 = tpu.memref_slice %arg9[%dma_wait3A_766, %dma_wait3A_770] : memref<1x128xi32, #tpu.memory_space<vmem>> -> memref<1x128xi32, #tpu.memory_space<vmem>>
        %dma_wait3A_772 = tpu.memref_squeeze %dma_wait3A_771 : memref<1x128xi32, #tpu.memory_space<vmem>> -> memref<128xi32, #tpu.memory_space<vmem>>
        %dma_wait3A_773 = arith.constant 0 : i32
        %dma_wait3A_774 = arith.constant 0 : i32
        %dma_wait3A_775 = tpu.memref_slice %arg14[%dma_wait3A_773, %dma_wait3A_774] : memref<1024x128xf32, #tpu.memory_space<vmem_shared>> -> memref<1024x128xf32, #tpu.memory_space<vmem_shared>>
        tpu.wait_indirect_dma semaphore(%arg24 : memref<!tpu.dma_semaphore, #tpu.memory_space<semaphore_mem>>) src(%dma_wait3A_769 : memref<128x128xf32, #tpu.memory_space<vmem>>) dst(%dma_wait3A_775 : memref<1024x128xf32, #tpu.memory_space<vmem_shared>>)
        %mul3A_776 = arith.constant 1024 : i32
        %mul3A_777 = arith.muli %arg1, %mul3A_776 : i32
        %add3A_778 = arith.constant 768 : i32
        %add3A_779 = arith.addi %mul3A_777, %add3A_778 : i32
        %dma_wait3A_780 = arith.constant 0 : i32
        %dma_wait3A_781 = arith.constant 0 : i32
        %dma_wait3A_782 = tpu.memref_slice %arg11[%dma_wait3A_780, %dma_wait3A_781] : memref<1x128xi32, #tpu.memory_space<vmem>> -> memref<1x128xi32, #tpu.memory_space<vmem>>
        %dma_wait3A_783 = tpu.memref_squeeze %dma_wait3A_782 : memref<1x128xi32, #tpu.memory_space<vmem>> -> memref<128xi32, #tpu.memory_space<vmem>>
        %dma_wait3A_784 = tpu.memref_slice %arg3[%add3A_42, %add3A_779] : memref<32x16000xi32, #tpu.memory_space<hbm>> -> memref<1x128xi32, #tpu.memory_space<hbm>>
        %dma_wait3A_785 = tpu.memref_squeeze %dma_wait3A_784 : memref<1x128xi32, #tpu.memory_space<hbm>> -> memref<128xi32, #tpu.memory_space<hbm>>
        %dma_wait3A_786 = arith.constant 0 : i32
        %dma_wait3A_787 = tpu.memref_slice %arg11[%dma_wait3A_780, %dma_wait3A_786] : memref<1x128xi32, #tpu.memory_space<vmem>> -> memref<1x128xi32, #tpu.memory_space<vmem>>
        %dma_wait3A_788 = tpu.memref_squeeze %dma_wait3A_787 : memref<1x128xi32, #tpu.memory_space<vmem>> -> memref<128xi32, #tpu.memory_space<vmem>>
        %dma_wait3A_789 = tpu.memref_slice %arg3[%add3A_42, %add3A_779] : memref<32x16000xi32, #tpu.memory_space<hbm>> -> memref<1x128xi32, #tpu.memory_space<hbm>>
        %dma_wait3A_790 = tpu.memref_squeeze %dma_wait3A_789 : memref<1x128xi32, #tpu.memory_space<hbm>> -> memref<128xi32, #tpu.memory_space<hbm>>
        tpu.wait_dma2 semaphore(%arg18 : memref<!tpu.dma_semaphore, #tpu.memory_space<semaphore_mem>>) src(%dma_wait3A_790 : memref<128xi32, #tpu.memory_space<hbm>>) dst(%dma_wait3A_788 : memref<128xi32, #tpu.memory_space<vmem>>)
        %mul3A_791 = arith.constant 1024 : i32
        %mul3A_792 = arith.muli %arg1, %mul3A_791 : i32
        %add3A_793 = arith.constant 768 : i32
        %add3A_794 = arith.addi %mul3A_792, %add3A_793 : i32
        %dma_wait3A_795 = arith.constant 0 : i32
        %dma_wait3A_796 = arith.constant 0 : i32
        %dma_wait3A_797 = tpu.memref_slice %arg7[%dma_wait3A_795, %dma_wait3A_796] : memref<128x128xf32, #tpu.memory_space<vmem>> -> memref<128x128xf32, #tpu.memory_space<vmem>>
        %dma_wait3A_798 = arith.constant 0 : i32
        %dma_wait3A_799 = tpu.memref_slice %arg2[%add3A_42, %add3A_794, %dma_wait3A_798] : memref<32x16000x128xf32, #tpu.memory_space<hbm>> -> memref<1x128x128xf32, #tpu.memory_space<hbm>>
        %dma_wait3A_800 = tpu.memref_squeeze %dma_wait3A_799 : memref<1x128x128xf32, #tpu.memory_space<hbm>> -> memref<128x128xf32, #tpu.memory_space<hbm>>
        %dma_wait3A_801 = arith.constant 0 : i32
        %dma_wait3A_802 = arith.constant 0 : i32
        %dma_wait3A_803 = tpu.memref_slice %arg7[%dma_wait3A_801, %dma_wait3A_802] : memref<128x128xf32, #tpu.memory_space<vmem>> -> memref<128x128xf32, #tpu.memory_space<vmem>>
        %dma_wait3A_804 = arith.constant 0 : i32
        %dma_wait3A_805 = tpu.memref_slice %arg2[%add3A_42, %add3A_794, %dma_wait3A_804] : memref<32x16000x128xf32, #tpu.memory_space<hbm>> -> memref<1x128x128xf32, #tpu.memory_space<hbm>>
        %dma_wait3A_806 = tpu.memref_squeeze %dma_wait3A_805 : memref<1x128x128xf32, #tpu.memory_space<hbm>> -> memref<128x128xf32, #tpu.memory_space<hbm>>
        tpu.wait_dma2 semaphore(%arg22 : memref<!tpu.dma_semaphore, #tpu.memory_space<semaphore_mem>>) src(%dma_wait3A_806 : memref<128x128xf32, #tpu.memory_space<hbm>>) dst(%dma_wait3A_803 : memref<128x128xf32, #tpu.memory_space<vmem>>)
        %dma_start3A_807 = arith.constant 0 : i32
        %dma_start3A_808 = arith.constant 0 : i32
        %dma_start3A_809 = arith.constant 0 : i32
        %dma_start3A_810 = tpu.memref_slice %arg7[%dma_start3A_808, %dma_start3A_809] : memref<128x128xf32, #tpu.memory_space<vmem>> -> memref<128x128xf32, #tpu.memory_space<vmem>>
        %dma_start3A_811 = arith.constant 0 : i32
        %dma_start3A_812 = tpu.memref_slice %arg11[%dma_start3A_807, %dma_start3A_811] : memref<1x128xi32, #tpu.memory_space<vmem>> -> memref<1x128xi32, #tpu.memory_space<vmem>>
        %dma_start3A_813 = tpu.memref_squeeze %dma_start3A_812 : memref<1x128xi32, #tpu.memory_space<vmem>> -> memref<128xi32, #tpu.memory_space<vmem>>
        %dma_start3A_814 = arith.constant 0 : i32
        %dma_start3A_815 = arith.constant 0 : i32
        %dma_start3A_816 = tpu.memref_slice %arg14[%dma_start3A_814, %dma_start3A_815] : memref<1024x128xf32, #tpu.memory_space<vmem_shared>> -> memref<1024x128xf32, #tpu.memory_space<vmem_shared>>
        tpu.enqueue_indirect_dma source(%dma_start3A_810 : memref<128x128xf32, #tpu.memory_space<vmem>>) target(%dma_start3A_816 : memref<1024x128xf32, #tpu.memory_space<vmem_shared>>) offsets(%dma_start3A_813 : memref<128xi32, #tpu.memory_space<vmem>>) semaphore(%arg26 : memref<!tpu.dma_semaphore, #tpu.memory_space<semaphore_mem>>) {add = true}
        %dma_wait3A_817 = arith.constant 0 : i32
        %dma_wait3A_818 = arith.constant 0 : i32
        %dma_wait3A_819 = arith.constant 0 : i32
        %dma_wait3A_820 = tpu.memref_slice %arg6[%dma_wait3A_818, %dma_wait3A_819] : memref<128x128xf32, #tpu.memory_space<vmem>> -> memref<128x128xf32, #tpu.memory_space<vmem>>
        %dma_wait3A_821 = arith.constant 0 : i32
        %dma_wait3A_822 = tpu.memref_slice %arg10[%dma_wait3A_817, %dma_wait3A_821] : memref<1x128xi32, #tpu.memory_space<vmem>> -> memref<1x128xi32, #tpu.memory_space<vmem>>
        %dma_wait3A_823 = tpu.memref_squeeze %dma_wait3A_822 : memref<1x128xi32, #tpu.memory_space<vmem>> -> memref<128xi32, #tpu.memory_space<vmem>>
        %dma_wait3A_824 = arith.constant 0 : i32
        %dma_wait3A_825 = arith.constant 0 : i32
        %dma_wait3A_826 = tpu.memref_slice %arg14[%dma_wait3A_824, %dma_wait3A_825] : memref<1024x128xf32, #tpu.memory_space<vmem_shared>> -> memref<1024x128xf32, #tpu.memory_space<vmem_shared>>
        tpu.wait_indirect_dma semaphore(%arg25 : memref<!tpu.dma_semaphore, #tpu.memory_space<semaphore_mem>>) src(%dma_wait3A_820 : memref<128x128xf32, #tpu.memory_space<vmem>>) dst(%dma_wait3A_826 : memref<1024x128xf32, #tpu.memory_space<vmem_shared>>)
        %mul3A_827 = arith.constant 1024 : i32
        %mul3A_828 = arith.muli %arg1, %mul3A_827 : i32
        %add3A_829 = arith.constant 896 : i32
        %add3A_830 = arith.addi %mul3A_828, %add3A_829 : i32
        %dma_wait3A_831 = arith.constant 0 : i32
        %dma_wait3A_832 = arith.constant 0 : i32
        %dma_wait3A_833 = tpu.memref_slice %arg12[%dma_wait3A_831, %dma_wait3A_832] : memref<1x128xi32, #tpu.memory_space<vmem>> -> memref<1x128xi32, #tpu.memory_space<vmem>>
        %dma_wait3A_834 = tpu.memref_squeeze %dma_wait3A_833 : memref<1x128xi32, #tpu.memory_space<vmem>> -> memref<128xi32, #tpu.memory_space<vmem>>
        %dma_wait3A_835 = tpu.memref_slice %arg3[%add3A_42, %add3A_830] : memref<32x16000xi32, #tpu.memory_space<hbm>> -> memref<1x128xi32, #tpu.memory_space<hbm>>
        %dma_wait3A_836 = tpu.memref_squeeze %dma_wait3A_835 : memref<1x128xi32, #tpu.memory_space<hbm>> -> memref<128xi32, #tpu.memory_space<hbm>>
        %dma_wait3A_837 = arith.constant 0 : i32
        %dma_wait3A_838 = tpu.memref_slice %arg12[%dma_wait3A_831, %dma_wait3A_837] : memref<1x128xi32, #tpu.memory_space<vmem>> -> memref<1x128xi32, #tpu.memory_space<vmem>>
        %dma_wait3A_839 = tpu.memref_squeeze %dma_wait3A_838 : memref<1x128xi32, #tpu.memory_space<vmem>> -> memref<128xi32, #tpu.memory_space<vmem>>
        %dma_wait3A_840 = tpu.memref_slice %arg3[%add3A_42, %add3A_830] : memref<32x16000xi32, #tpu.memory_space<hbm>> -> memref<1x128xi32, #tpu.memory_space<hbm>>
        %dma_wait3A_841 = tpu.memref_squeeze %dma_wait3A_840 : memref<1x128xi32, #tpu.memory_space<hbm>> -> memref<128xi32, #tpu.memory_space<hbm>>
        tpu.wait_dma2 semaphore(%arg19 : memref<!tpu.dma_semaphore, #tpu.memory_space<semaphore_mem>>) src(%dma_wait3A_841 : memref<128xi32, #tpu.memory_space<hbm>>) dst(%dma_wait3A_839 : memref<128xi32, #tpu.memory_space<vmem>>)
        %mul3A_842 = arith.constant 1024 : i32
        %mul3A_843 = arith.muli %arg1, %mul3A_842 : i32
        %add3A_844 = arith.constant 896 : i32
        %add3A_845 = arith.addi %mul3A_843, %add3A_844 : i32
        %dma_wait3A_846 = arith.constant 0 : i32
        %dma_wait3A_847 = arith.constant 0 : i32
        %dma_wait3A_848 = tpu.memref_slice %arg8[%dma_wait3A_846, %dma_wait3A_847] : memref<128x128xf32, #tpu.memory_space<vmem>> -> memref<128x128xf32, #tpu.memory_space<vmem>>
        %dma_wait3A_849 = arith.constant 0 : i32
        %dma_wait3A_850 = tpu.memref_slice %arg2[%add3A_42, %add3A_845, %dma_wait3A_849] : memref<32x16000x128xf32, #tpu.memory_space<hbm>> -> memref<1x128x128xf32, #tpu.memory_space<hbm>>
        %dma_wait3A_851 = tpu.memref_squeeze %dma_wait3A_850 : memref<1x128x128xf32, #tpu.memory_space<hbm>> -> memref<128x128xf32, #tpu.memory_space<hbm>>
        %dma_wait3A_852 = arith.constant 0 : i32
        %dma_wait3A_853 = arith.constant 0 : i32
        %dma_wait3A_854 = tpu.memref_slice %arg8[%dma_wait3A_852, %dma_wait3A_853] : memref<128x128xf32, #tpu.memory_space<vmem>> -> memref<128x128xf32, #tpu.memory_space<vmem>>
        %dma_wait3A_855 = arith.constant 0 : i32
        %dma_wait3A_856 = tpu.memref_slice %arg2[%add3A_42, %add3A_845, %dma_wait3A_855] : memref<32x16000x128xf32, #tpu.memory_space<hbm>> -> memref<1x128x128xf32, #tpu.memory_space<hbm>>
        %dma_wait3A_857 = tpu.memref_squeeze %dma_wait3A_856 : memref<1x128x128xf32, #tpu.memory_space<hbm>> -> memref<128x128xf32, #tpu.memory_space<hbm>>
        tpu.wait_dma2 semaphore(%arg23 : memref<!tpu.dma_semaphore, #tpu.memory_space<semaphore_mem>>) src(%dma_wait3A_857 : memref<128x128xf32, #tpu.memory_space<hbm>>) dst(%dma_wait3A_854 : memref<128x128xf32, #tpu.memory_space<vmem>>)
        %dma_start3A_858 = arith.constant 0 : i32
        %dma_start3A_859 = arith.constant 0 : i32
        %dma_start3A_860 = arith.constant 0 : i32
        %dma_start3A_861 = tpu.memref_slice %arg8[%dma_start3A_859, %dma_start3A_860] : memref<128x128xf32, #tpu.memory_space<vmem>> -> memref<128x128xf32, #tpu.memory_space<vmem>>
        %dma_start3A_862 = arith.constant 0 : i32
        %dma_start3A_863 = tpu.memref_slice %arg12[%dma_start3A_858, %dma_start3A_862] : memref<1x128xi32, #tpu.memory_space<vmem>> -> memref<1x128xi32, #tpu.memory_space<vmem>>
        %dma_start3A_864 = tpu.memref_squeeze %dma_start3A_863 : memref<1x128xi32, #tpu.memory_space<vmem>> -> memref<128xi32, #tpu.memory_space<vmem>>
        %dma_start3A_865 = arith.constant 0 : i32
        %dma_start3A_866 = arith.constant 0 : i32
        %dma_start3A_867 = tpu.memref_slice %arg14[%dma_start3A_865, %dma_start3A_866] : memref<1024x128xf32, #tpu.memory_space<vmem_shared>> -> memref<1024x128xf32, #tpu.memory_space<vmem_shared>>
        tpu.enqueue_indirect_dma source(%dma_start3A_861 : memref<128x128xf32, #tpu.memory_space<vmem>>) target(%dma_start3A_867 : memref<1024x128xf32, #tpu.memory_space<vmem_shared>>) offsets(%dma_start3A_864 : memref<128xi32, #tpu.memory_space<vmem>>) semaphore(%arg27 : memref<!tpu.dma_semaphore, #tpu.memory_space<semaphore_mem>>) {add = true}
        %dma_wait3A_868 = arith.constant 0 : i32
        %dma_wait3A_869 = arith.constant 0 : i32
        %dma_wait3A_870 = arith.constant 0 : i32
        %dma_wait3A_871 = tpu.memref_slice %arg7[%dma_wait3A_869, %dma_wait3A_870] : memref<128x128xf32, #tpu.memory_space<vmem>> -> memref<128x128xf32, #tpu.memory_space<vmem>>
        %dma_wait3A_872 = arith.constant 0 : i32
        %dma_wait3A_873 = tpu.memref_slice %arg11[%dma_wait3A_868, %dma_wait3A_872] : memref<1x128xi32, #tpu.memory_space<vmem>> -> memref<1x128xi32, #tpu.memory_space<vmem>>
        %dma_wait3A_874 = tpu.memref_squeeze %dma_wait3A_873 : memref<1x128xi32, #tpu.memory_space<vmem>> -> memref<128xi32, #tpu.memory_space<vmem>>
        %dma_wait3A_875 = arith.constant 0 : i32
        %dma_wait3A_876 = arith.constant 0 : i32
        %dma_wait3A_877 = tpu.memref_slice %arg14[%dma_wait3A_875, %dma_wait3A_876] : memref<1024x128xf32, #tpu.memory_space<vmem_shared>> -> memref<1024x128xf32, #tpu.memory_space<vmem_shared>>
        tpu.wait_indirect_dma semaphore(%arg26 : memref<!tpu.dma_semaphore, #tpu.memory_space<semaphore_mem>>) src(%dma_wait3A_871 : memref<128x128xf32, #tpu.memory_space<vmem>>) dst(%dma_wait3A_877 : memref<1024x128xf32, #tpu.memory_space<vmem_shared>>)
        %dma_wait3A_878 = arith.constant 0 : i32
        %dma_wait3A_879 = arith.constant 0 : i32
        %dma_wait3A_880 = arith.constant 0 : i32
        %dma_wait3A_881 = tpu.memref_slice %arg8[%dma_wait3A_879, %dma_wait3A_880] : memref<128x128xf32, #tpu.memory_space<vmem>> -> memref<128x128xf32, #tpu.memory_space<vmem>>
        %dma_wait3A_882 = arith.constant 0 : i32
        %dma_wait3A_883 = tpu.memref_slice %arg12[%dma_wait3A_878, %dma_wait3A_882] : memref<1x128xi32, #tpu.memory_space<vmem>> -> memref<1x128xi32, #tpu.memory_space<vmem>>
        %dma_wait3A_884 = tpu.memref_squeeze %dma_wait3A_883 : memref<1x128xi32, #tpu.memory_space<vmem>> -> memref<128xi32, #tpu.memory_space<vmem>>
        %dma_wait3A_885 = arith.constant 0 : i32
        %dma_wait3A_886 = arith.constant 0 : i32
        %dma_wait3A_887 = tpu.memref_slice %arg14[%dma_wait3A_885, %dma_wait3A_886] : memref<1024x128xf32, #tpu.memory_space<vmem_shared>> -> memref<1024x128xf32, #tpu.memory_space<vmem_shared>>
        tpu.wait_indirect_dma semaphore(%arg27 : memref<!tpu.dma_semaphore, #tpu.memory_space<semaphore_mem>>) src(%dma_wait3A_881 : memref<128x128xf32, #tpu.memory_space<vmem>>) dst(%dma_wait3A_887 : memref<1024x128xf32, #tpu.memory_space<vmem_shared>>)
        %convert_element_type3A_888 = arith.extui %lt3A_44 : i1 to i32
        %cond3A_889 = arith.constant 0 : i32
        %cond3A_890 = arith.cmpi ne, %convert_element_type3A_888, %cond3A_889 : i32
        scf.if %cond3A_890 {
          %add3A_891 = arith.constant 1 : i32
          %add3A_892 = arith.addi %add3A_42, %add3A_891 : i32
          %mul3A_893 = arith.constant 1024 : i32
          %mul3A_894 = arith.muli %arg1, %mul3A_893 : i32
          %add3A_895 = arith.constant 0 : i32
          %add3A_896 = arith.addi %mul3A_894, %add3A_895 : i32
          %dma_start3A_897 = arith.constant 0 : i32
          %dma_start3A_898 = arith.constant 0 : i32
          %dma_start3A_899 = tpu.memref_slice %arg5[%dma_start3A_897, %dma_start3A_898] : memref<128x128xf32, #tpu.memory_space<vmem>> -> memref<128x128xf32, #tpu.memory_space<vmem>>
          %dma_start3A_900 = arith.constant 0 : i32
          %dma_start3A_901 = tpu.memref_slice %arg2[%add3A_892, %add3A_896, %dma_start3A_900] : memref<32x16000x128xf32, #tpu.memory_space<hbm>> -> memref<1x128x128xf32, #tpu.memory_space<hbm>>
          %dma_start3A_902 = tpu.memref_squeeze %dma_start3A_901 : memref<1x128x128xf32, #tpu.memory_space<hbm>> -> memref<128x128xf32, #tpu.memory_space<hbm>>
          %dma_start3A_903 = arith.constant 0 : i32
          %dma_start3A_904 = arith.constant 0 : i32
          %dma_start3A_905 = tpu.memref_slice %arg5[%dma_start3A_903, %dma_start3A_904] : memref<128x128xf32, #tpu.memory_space<vmem>> -> memref<128x128xf32, #tpu.memory_space<vmem>>
          %dma_start3A_906 = arith.constant 0 : i32
          %dma_start3A_907 = tpu.memref_slice %arg2[%add3A_892, %add3A_896, %dma_start3A_906] : memref<32x16000x128xf32, #tpu.memory_space<hbm>> -> memref<1x128x128xf32, #tpu.memory_space<hbm>>
          %dma_start3A_908 = tpu.memref_squeeze %dma_start3A_907 : memref<1x128x128xf32, #tpu.memory_space<hbm>> -> memref<128x128xf32, #tpu.memory_space<hbm>>
          tpu.enqueue_dma source(%dma_start3A_908 : memref<128x128xf32, #tpu.memory_space<hbm>>) target(%dma_start3A_905 : memref<128x128xf32, #tpu.memory_space<vmem>>) target_semaphore(%arg20 : memref<!tpu.dma_semaphore, #tpu.memory_space<semaphore_mem>>)
          %mul3A_909 = arith.constant 1024 : i32
          %mul3A_910 = arith.muli %arg1, %mul3A_909 : i32
          %add3A_911 = arith.constant 0 : i32
          %add3A_912 = arith.addi %mul3A_910, %add3A_911 : i32
          %dma_start3A_913 = arith.constant 0 : i32
          %dma_start3A_914 = arith.constant 0 : i32
          %dma_start3A_915 = tpu.memref_slice %arg9[%dma_start3A_913, %dma_start3A_914] : memref<1x128xi32, #tpu.memory_space<vmem>> -> memref<1x128xi32, #tpu.memory_space<vmem>>
          %dma_start3A_916 = tpu.memref_squeeze %dma_start3A_915 : memref<1x128xi32, #tpu.memory_space<vmem>> -> memref<128xi32, #tpu.memory_space<vmem>>
          %dma_start3A_917 = tpu.memref_slice %arg3[%add3A_892, %add3A_912] : memref<32x16000xi32, #tpu.memory_space<hbm>> -> memref<1x128xi32, #tpu.memory_space<hbm>>
          %dma_start3A_918 = tpu.memref_squeeze %dma_start3A_917 : memref<1x128xi32, #tpu.memory_space<hbm>> -> memref<128xi32, #tpu.memory_space<hbm>>
          %dma_start3A_919 = arith.constant 0 : i32
          %dma_start3A_920 = tpu.memref_slice %arg9[%dma_start3A_913, %dma_start3A_919] : memref<1x128xi32, #tpu.memory_space<vmem>> -> memref<1x128xi32, #tpu.memory_space<vmem>>
          %dma_start3A_921 = tpu.memref_squeeze %dma_start3A_920 : memref<1x128xi32, #tpu.memory_space<vmem>> -> memref<128xi32, #tpu.memory_space<vmem>>
          %dma_start3A_922 = tpu.memref_slice %arg3[%add3A_892, %add3A_912] : memref<32x16000xi32, #tpu.memory_space<hbm>> -> memref<1x128xi32, #tpu.memory_space<hbm>>
          %dma_start3A_923 = tpu.memref_squeeze %dma_start3A_922 : memref<1x128xi32, #tpu.memory_space<hbm>> -> memref<128xi32, #tpu.memory_space<hbm>>
          tpu.enqueue_dma source(%dma_start3A_923 : memref<128xi32, #tpu.memory_space<hbm>>) target(%dma_start3A_921 : memref<128xi32, #tpu.memory_space<vmem>>) target_semaphore(%arg16 : memref<!tpu.dma_semaphore, #tpu.memory_space<semaphore_mem>>)
          %mul3A_924 = arith.constant 1024 : i32
          %mul3A_925 = arith.muli %arg1, %mul3A_924 : i32
          %add3A_926 = arith.constant 128 : i32
          %add3A_927 = arith.addi %mul3A_925, %add3A_926 : i32
          %dma_start3A_928 = arith.constant 0 : i32
          %dma_start3A_929 = arith.constant 0 : i32
          %dma_start3A_930 = tpu.memref_slice %arg6[%dma_start3A_928, %dma_start3A_929] : memref<128x128xf32, #tpu.memory_space<vmem>> -> memref<128x128xf32, #tpu.memory_space<vmem>>
          %dma_start3A_931 = arith.constant 0 : i32
          %dma_start3A_932 = tpu.memref_slice %arg2[%add3A_892, %add3A_927, %dma_start3A_931] : memref<32x16000x128xf32, #tpu.memory_space<hbm>> -> memref<1x128x128xf32, #tpu.memory_space<hbm>>
          %dma_start3A_933 = tpu.memref_squeeze %dma_start3A_932 : memref<1x128x128xf32, #tpu.memory_space<hbm>> -> memref<128x128xf32, #tpu.memory_space<hbm>>
          %dma_start3A_934 = arith.constant 0 : i32
          %dma_start3A_935 = arith.constant 0 : i32
          %dma_start3A_936 = tpu.memref_slice %arg6[%dma_start3A_934, %dma_start3A_935] : memref<128x128xf32, #tpu.memory_space<vmem>> -> memref<128x128xf32, #tpu.memory_space<vmem>>
          %dma_start3A_937 = arith.constant 0 : i32
          %dma_start3A_938 = tpu.memref_slice %arg2[%add3A_892, %add3A_927, %dma_start3A_937] : memref<32x16000x128xf32, #tpu.memory_space<hbm>> -> memref<1x128x128xf32, #tpu.memory_space<hbm>>
          %dma_start3A_939 = tpu.memref_squeeze %dma_start3A_938 : memref<1x128x128xf32, #tpu.memory_space<hbm>> -> memref<128x128xf32, #tpu.memory_space<hbm>>
          tpu.enqueue_dma source(%dma_start3A_939 : memref<128x128xf32, #tpu.memory_space<hbm>>) target(%dma_start3A_936 : memref<128x128xf32, #tpu.memory_space<vmem>>) target_semaphore(%arg21 : memref<!tpu.dma_semaphore, #tpu.memory_space<semaphore_mem>>)
          %mul3A_940 = arith.constant 1024 : i32
          %mul3A_941 = arith.muli %arg1, %mul3A_940 : i32
          %add3A_942 = arith.constant 128 : i32
          %add3A_943 = arith.addi %mul3A_941, %add3A_942 : i32
          %dma_start3A_944 = arith.constant 0 : i32
          %dma_start3A_945 = arith.constant 0 : i32
          %dma_start3A_946 = tpu.memref_slice %arg10[%dma_start3A_944, %dma_start3A_945] : memref<1x128xi32, #tpu.memory_space<vmem>> -> memref<1x128xi32, #tpu.memory_space<vmem>>
          %dma_start3A_947 = tpu.memref_squeeze %dma_start3A_946 : memref<1x128xi32, #tpu.memory_space<vmem>> -> memref<128xi32, #tpu.memory_space<vmem>>
          %dma_start3A_948 = tpu.memref_slice %arg3[%add3A_892, %add3A_943] : memref<32x16000xi32, #tpu.memory_space<hbm>> -> memref<1x128xi32, #tpu.memory_space<hbm>>
          %dma_start3A_949 = tpu.memref_squeeze %dma_start3A_948 : memref<1x128xi32, #tpu.memory_space<hbm>> -> memref<128xi32, #tpu.memory_space<hbm>>
          %dma_start3A_950 = arith.constant 0 : i32
          %dma_start3A_951 = tpu.memref_slice %arg10[%dma_start3A_944, %dma_start3A_950] : memref<1x128xi32, #tpu.memory_space<vmem>> -> memref<1x128xi32, #tpu.memory_space<vmem>>
          %dma_start3A_952 = tpu.memref_squeeze %dma_start3A_951 : memref<1x128xi32, #tpu.memory_space<vmem>> -> memref<128xi32, #tpu.memory_space<vmem>>
          %dma_start3A_953 = tpu.memref_slice %arg3[%add3A_892, %add3A_943] : memref<32x16000xi32, #tpu.memory_space<hbm>> -> memref<1x128xi32, #tpu.memory_space<hbm>>
          %dma_start3A_954 = tpu.memref_squeeze %dma_start3A_953 : memref<1x128xi32, #tpu.memory_space<hbm>> -> memref<128xi32, #tpu.memory_space<hbm>>
          tpu.enqueue_dma source(%dma_start3A_954 : memref<128xi32, #tpu.memory_space<hbm>>) target(%dma_start3A_952 : memref<128xi32, #tpu.memory_space<vmem>>) target_semaphore(%arg17 : memref<!tpu.dma_semaphore, #tpu.memory_space<semaphore_mem>>)
          %mul3A_955 = arith.constant 1024 : i32
          %mul3A_956 = arith.muli %arg1, %mul3A_955 : i32
          %add3A_957 = arith.constant 256 : i32
          %add3A_958 = arith.addi %mul3A_956, %add3A_957 : i32
          %dma_start3A_959 = arith.constant 0 : i32
          %dma_start3A_960 = arith.constant 0 : i32
          %dma_start3A_961 = tpu.memref_slice %arg7[%dma_start3A_959, %dma_start3A_960] : memref<128x128xf32, #tpu.memory_space<vmem>> -> memref<128x128xf32, #tpu.memory_space<vmem>>
          %dma_start3A_962 = arith.constant 0 : i32
          %dma_start3A_963 = tpu.memref_slice %arg2[%add3A_892, %add3A_958, %dma_start3A_962] : memref<32x16000x128xf32, #tpu.memory_space<hbm>> -> memref<1x128x128xf32, #tpu.memory_space<hbm>>
          %dma_start3A_964 = tpu.memref_squeeze %dma_start3A_963 : memref<1x128x128xf32, #tpu.memory_space<hbm>> -> memref<128x128xf32, #tpu.memory_space<hbm>>
          %dma_start3A_965 = arith.constant 0 : i32
          %dma_start3A_966 = arith.constant 0 : i32
          %dma_start3A_967 = tpu.memref_slice %arg7[%dma_start3A_965, %dma_start3A_966] : memref<128x128xf32, #tpu.memory_space<vmem>> -> memref<128x128xf32, #tpu.memory_space<vmem>>
          %dma_start3A_968 = arith.constant 0 : i32
          %dma_start3A_969 = tpu.memref_slice %arg2[%add3A_892, %add3A_958, %dma_start3A_968] : memref<32x16000x128xf32, #tpu.memory_space<hbm>> -> memref<1x128x128xf32, #tpu.memory_space<hbm>>
          %dma_start3A_970 = tpu.memref_squeeze %dma_start3A_969 : memref<1x128x128xf32, #tpu.memory_space<hbm>> -> memref<128x128xf32, #tpu.memory_space<hbm>>
          tpu.enqueue_dma source(%dma_start3A_970 : memref<128x128xf32, #tpu.memory_space<hbm>>) target(%dma_start3A_967 : memref<128x128xf32, #tpu.memory_space<vmem>>) target_semaphore(%arg22 : memref<!tpu.dma_semaphore, #tpu.memory_space<semaphore_mem>>)
          %mul3A_971 = arith.constant 1024 : i32
          %mul3A_972 = arith.muli %arg1, %mul3A_971 : i32
          %add3A_973 = arith.constant 256 : i32
          %add3A_974 = arith.addi %mul3A_972, %add3A_973 : i32
          %dma_start3A_975 = arith.constant 0 : i32
          %dma_start3A_976 = arith.constant 0 : i32
          %dma_start3A_977 = tpu.memref_slice %arg11[%dma_start3A_975, %dma_start3A_976] : memref<1x128xi32, #tpu.memory_space<vmem>> -> memref<1x128xi32, #tpu.memory_space<vmem>>
          %dma_start3A_978 = tpu.memref_squeeze %dma_start3A_977 : memref<1x128xi32, #tpu.memory_space<vmem>> -> memref<128xi32, #tpu.memory_space<vmem>>
          %dma_start3A_979 = tpu.memref_slice %arg3[%add3A_892, %add3A_974] : memref<32x16000xi32, #tpu.memory_space<hbm>> -> memref<1x128xi32, #tpu.memory_space<hbm>>
          %dma_start3A_980 = tpu.memref_squeeze %dma_start3A_979 : memref<1x128xi32, #tpu.memory_space<hbm>> -> memref<128xi32, #tpu.memory_space<hbm>>
          %dma_start3A_981 = arith.constant 0 : i32
          %dma_start3A_982 = tpu.memref_slice %arg11[%dma_start3A_975, %dma_start3A_981] : memref<1x128xi32, #tpu.memory_space<vmem>> -> memref<1x128xi32, #tpu.memory_space<vmem>>
          %dma_start3A_983 = tpu.memref_squeeze %dma_start3A_982 : memref<1x128xi32, #tpu.memory_space<vmem>> -> memref<128xi32, #tpu.memory_space<vmem>>
          %dma_start3A_984 = tpu.memref_slice %arg3[%add3A_892, %add3A_974] : memref<32x16000xi32, #tpu.memory_space<hbm>> -> memref<1x128xi32, #tpu.memory_space<hbm>>
          %dma_start3A_985 = tpu.memref_squeeze %dma_start3A_984 : memref<1x128xi32, #tpu.memory_space<hbm>> -> memref<128xi32, #tpu.memory_space<hbm>>
          tpu.enqueue_dma source(%dma_start3A_985 : memref<128xi32, #tpu.memory_space<hbm>>) target(%dma_start3A_983 : memref<128xi32, #tpu.memory_space<vmem>>) target_semaphore(%arg18 : memref<!tpu.dma_semaphore, #tpu.memory_space<semaphore_mem>>)
          %mul3A_986 = arith.constant 1024 : i32
          %mul3A_987 = arith.muli %arg1, %mul3A_986 : i32
          %add3A_988 = arith.constant 384 : i32
          %add3A_989 = arith.addi %mul3A_987, %add3A_988 : i32
          %dma_start3A_990 = arith.constant 0 : i32
          %dma_start3A_991 = arith.constant 0 : i32
          %dma_start3A_992 = tpu.memref_slice %arg8[%dma_start3A_990, %dma_start3A_991] : memref<128x128xf32, #tpu.memory_space<vmem>> -> memref<128x128xf32, #tpu.memory_space<vmem>>
          %dma_start3A_993 = arith.constant 0 : i32
          %dma_start3A_994 = tpu.memref_slice %arg2[%add3A_892, %add3A_989, %dma_start3A_993] : memref<32x16000x128xf32, #tpu.memory_space<hbm>> -> memref<1x128x128xf32, #tpu.memory_space<hbm>>
          %dma_start3A_995 = tpu.memref_squeeze %dma_start3A_994 : memref<1x128x128xf32, #tpu.memory_space<hbm>> -> memref<128x128xf32, #tpu.memory_space<hbm>>
          %dma_start3A_996 = arith.constant 0 : i32
          %dma_start3A_997 = arith.constant 0 : i32
          %dma_start3A_998 = tpu.memref_slice %arg8[%dma_start3A_996, %dma_start3A_997] : memref<128x128xf32, #tpu.memory_space<vmem>> -> memref<128x128xf32, #tpu.memory_space<vmem>>
          %dma_start3A_999 = arith.constant 0 : i32
          %dma_start3A_1000 = tpu.memref_slice %arg2[%add3A_892, %add3A_989, %dma_start3A_999] : memref<32x16000x128xf32, #tpu.memory_space<hbm>> -> memref<1x128x128xf32, #tpu.memory_space<hbm>>
          %dma_start3A_1001 = tpu.memref_squeeze %dma_start3A_1000 : memref<1x128x128xf32, #tpu.memory_space<hbm>> -> memref<128x128xf32, #tpu.memory_space<hbm>>
          tpu.enqueue_dma source(%dma_start3A_1001 : memref<128x128xf32, #tpu.memory_space<hbm>>) target(%dma_start3A_998 : memref<128x128xf32, #tpu.memory_space<vmem>>) target_semaphore(%arg23 : memref<!tpu.dma_semaphore, #tpu.memory_space<semaphore_mem>>)
          %mul3A_1002 = arith.constant 1024 : i32
          %mul3A_1003 = arith.muli %arg1, %mul3A_1002 : i32
          %add3A_1004 = arith.constant 384 : i32
          %add3A_1005 = arith.addi %mul3A_1003, %add3A_1004 : i32
          %dma_start3A_1006 = arith.constant 0 : i32
          %dma_start3A_1007 = arith.constant 0 : i32
          %dma_start3A_1008 = tpu.memref_slice %arg12[%dma_start3A_1006, %dma_start3A_1007] : memref<1x128xi32, #tpu.memory_space<vmem>> -> memref<1x128xi32, #tpu.memory_space<vmem>>
          %dma_start3A_1009 = tpu.memref_squeeze %dma_start3A_1008 : memref<1x128xi32, #tpu.memory_space<vmem>> -> memref<128xi32, #tpu.memory_space<vmem>>
          %dma_start3A_1010 = tpu.memref_slice %arg3[%add3A_892, %add3A_1005] : memref<32x16000xi32, #tpu.memory_space<hbm>> -> memref<1x128xi32, #tpu.memory_space<hbm>>
          %dma_start3A_1011 = tpu.memref_squeeze %dma_start3A_1010 : memref<1x128xi32, #tpu.memory_space<hbm>> -> memref<128xi32, #tpu.memory_space<hbm>>
          %dma_start3A_1012 = arith.constant 0 : i32
          %dma_start3A_1013 = tpu.memref_slice %arg12[%dma_start3A_1006, %dma_start3A_1012] : memref<1x128xi32, #tpu.memory_space<vmem>> -> memref<1x128xi32, #tpu.memory_space<vmem>>
          %dma_start3A_1014 = tpu.memref_squeeze %dma_start3A_1013 : memref<1x128xi32, #tpu.memory_space<vmem>> -> memref<128xi32, #tpu.memory_space<vmem>>
          %dma_start3A_1015 = tpu.memref_slice %arg3[%add3A_892, %add3A_1005] : memref<32x16000xi32, #tpu.memory_space<hbm>> -> memref<1x128xi32, #tpu.memory_space<hbm>>
          %dma_start3A_1016 = tpu.memref_squeeze %dma_start3A_1015 : memref<1x128xi32, #tpu.memory_space<hbm>> -> memref<128xi32, #tpu.memory_space<hbm>>
          tpu.enqueue_dma source(%dma_start3A_1016 : memref<128xi32, #tpu.memory_space<hbm>>) target(%dma_start3A_1014 : memref<128xi32, #tpu.memory_space<vmem>>) target_semaphore(%arg19 : memref<!tpu.dma_semaphore, #tpu.memory_space<semaphore_mem>>)
        } else {
        }
      } else {
      }
      %eq3A_180 = arith.constant 15 : i32
      %eq3A_181 = arith.cmpi eq, %arg1, %eq3A_180 : i32
      %convert_element_type3A_182 = arith.extui %eq3A_181 : i1 to i32
      %cond3A_183 = arith.constant 0 : i32
      %cond3A_184 = arith.cmpi ne, %convert_element_type3A_182, %cond3A_183 : i32
      scf.if %cond3A_184 {
        %mul3A_356 = arith.constant 1024 : i32
        %mul3A_357 = arith.muli %arg1, %mul3A_356 : i32
        %add3A_358 = arith.constant 0 : i32
        %add3A_359 = arith.addi %mul3A_357, %add3A_358 : i32
        %dma_wait3A_360 = arith.constant 0 : i32
        %dma_wait3A_361 = arith.constant 0 : i32
        %dma_wait3A_362 = tpu.memref_slice %arg9[%dma_wait3A_360, %dma_wait3A_361] : memref<1x128xi32, #tpu.memory_space<vmem>> -> memref<1x128xi32, #tpu.memory_space<vmem>>
        %dma_wait3A_363 = tpu.memref_squeeze %dma_wait3A_362 : memref<1x128xi32, #tpu.memory_space<vmem>> -> memref<128xi32, #tpu.memory_space<vmem>>
        %dma_wait3A_364 = tpu.memref_slice %arg3[%add3A_42, %add3A_359] : memref<32x16000xi32, #tpu.memory_space<hbm>> -> memref<1x128xi32, #tpu.memory_space<hbm>>
        %dma_wait3A_365 = tpu.memref_squeeze %dma_wait3A_364 : memref<1x128xi32, #tpu.memory_space<hbm>> -> memref<128xi32, #tpu.memory_space<hbm>>
        %dma_wait3A_366 = arith.constant 0 : i32
        %dma_wait3A_367 = tpu.memref_slice %arg9[%dma_wait3A_360, %dma_wait3A_366] : memref<1x128xi32, #tpu.memory_space<vmem>> -> memref<1x128xi32, #tpu.memory_space<vmem>>
        %dma_wait3A_368 = tpu.memref_squeeze %dma_wait3A_367 : memref<1x128xi32, #tpu.memory_space<vmem>> -> memref<128xi32, #tpu.memory_space<vmem>>
        %dma_wait3A_369 = tpu.memref_slice %arg3[%add3A_42, %add3A_359] : memref<32x16000xi32, #tpu.memory_space<hbm>> -> memref<1x128xi32, #tpu.memory_space<hbm>>
        %dma_wait3A_370 = tpu.memref_squeeze %dma_wait3A_369 : memref<1x128xi32, #tpu.memory_space<hbm>> -> memref<128xi32, #tpu.memory_space<hbm>>
        tpu.wait_dma2 semaphore(%arg16 : memref<!tpu.dma_semaphore, #tpu.memory_space<semaphore_mem>>) src(%dma_wait3A_370 : memref<128xi32, #tpu.memory_space<hbm>>) dst(%dma_wait3A_368 : memref<128xi32, #tpu.memory_space<vmem>>)
        %mul3A_371 = arith.constant 1024 : i32
        %mul3A_372 = arith.muli %arg1, %mul3A_371 : i32
        %add3A_373 = arith.constant 0 : i32
        %add3A_374 = arith.addi %mul3A_372, %add3A_373 : i32
        %dma_wait3A_375 = arith.constant 0 : i32
        %dma_wait3A_376 = arith.constant 0 : i32
        %dma_wait3A_377 = tpu.memref_slice %arg5[%dma_wait3A_375, %dma_wait3A_376] : memref<128x128xf32, #tpu.memory_space<vmem>> -> memref<128x128xf32, #tpu.memory_space<vmem>>
        %dma_wait3A_378 = arith.constant 0 : i32
        %dma_wait3A_379 = tpu.memref_slice %arg2[%add3A_42, %add3A_374, %dma_wait3A_378] : memref<32x16000x128xf32, #tpu.memory_space<hbm>> -> memref<1x128x128xf32, #tpu.memory_space<hbm>>
        %dma_wait3A_380 = tpu.memref_squeeze %dma_wait3A_379 : memref<1x128x128xf32, #tpu.memory_space<hbm>> -> memref<128x128xf32, #tpu.memory_space<hbm>>
        %dma_wait3A_381 = arith.constant 0 : i32
        %dma_wait3A_382 = arith.constant 0 : i32
        %dma_wait3A_383 = tpu.memref_slice %arg5[%dma_wait3A_381, %dma_wait3A_382] : memref<128x128xf32, #tpu.memory_space<vmem>> -> memref<128x128xf32, #tpu.memory_space<vmem>>
        %dma_wait3A_384 = arith.constant 0 : i32
        %dma_wait3A_385 = tpu.memref_slice %arg2[%add3A_42, %add3A_374, %dma_wait3A_384] : memref<32x16000x128xf32, #tpu.memory_space<hbm>> -> memref<1x128x128xf32, #tpu.memory_space<hbm>>
        %dma_wait3A_386 = tpu.memref_squeeze %dma_wait3A_385 : memref<1x128x128xf32, #tpu.memory_space<hbm>> -> memref<128x128xf32, #tpu.memory_space<hbm>>
        tpu.wait_dma2 semaphore(%arg20 : memref<!tpu.dma_semaphore, #tpu.memory_space<semaphore_mem>>) src(%dma_wait3A_386 : memref<128x128xf32, #tpu.memory_space<hbm>>) dst(%dma_wait3A_383 : memref<128x128xf32, #tpu.memory_space<vmem>>)
        %dma_start3A_387 = arith.constant 0 : i32
        %dma_start3A_388 = arith.constant 0 : i32
        %dma_start3A_389 = arith.constant 0 : i32
        %dma_start3A_390 = tpu.memref_slice %arg5[%dma_start3A_388, %dma_start3A_389] : memref<128x128xf32, #tpu.memory_space<vmem>> -> memref<128x128xf32, #tpu.memory_space<vmem>>
        %dma_start3A_391 = arith.constant 0 : i32
        %dma_start3A_392 = tpu.memref_slice %arg9[%dma_start3A_387, %dma_start3A_391] : memref<1x128xi32, #tpu.memory_space<vmem>> -> memref<1x128xi32, #tpu.memory_space<vmem>>
        %dma_start3A_393 = tpu.memref_squeeze %dma_start3A_392 : memref<1x128xi32, #tpu.memory_space<vmem>> -> memref<128xi32, #tpu.memory_space<vmem>>
        %dma_start3A_394 = arith.constant 0 : i32
        %dma_start3A_395 = arith.constant 0 : i32
        %dma_start3A_396 = tpu.memref_slice %arg14[%dma_start3A_394, %dma_start3A_395] : memref<1024x128xf32, #tpu.memory_space<vmem_shared>> -> memref<1024x128xf32, #tpu.memory_space<vmem_shared>>
        tpu.enqueue_indirect_dma source(%dma_start3A_390 : memref<128x128xf32, #tpu.memory_space<vmem>>) target(%dma_start3A_396 : memref<1024x128xf32, #tpu.memory_space<vmem_shared>>) offsets(%dma_start3A_393 : memref<128xi32, #tpu.memory_space<vmem>>) semaphore(%arg24 : memref<!tpu.dma_semaphore, #tpu.memory_space<semaphore_mem>>) {add = true}
        %mul3A_397 = arith.constant 1024 : i32
        %mul3A_398 = arith.muli %arg1, %mul3A_397 : i32
        %add3A_399 = arith.constant 128 : i32
        %add3A_400 = arith.addi %mul3A_398, %add3A_399 : i32
        %dma_wait3A_401 = arith.constant 0 : i32
        %dma_wait3A_402 = arith.constant 0 : i32
        %dma_wait3A_403 = tpu.memref_slice %arg10[%dma_wait3A_401, %dma_wait3A_402] : memref<1x128xi32, #tpu.memory_space<vmem>> -> memref<1x128xi32, #tpu.memory_space<vmem>>
        %dma_wait3A_404 = tpu.memref_squeeze %dma_wait3A_403 : memref<1x128xi32, #tpu.memory_space<vmem>> -> memref<128xi32, #tpu.memory_space<vmem>>
        %dma_wait3A_405 = tpu.memref_slice %arg3[%add3A_42, %add3A_400] : memref<32x16000xi32, #tpu.memory_space<hbm>> -> memref<1x128xi32, #tpu.memory_space<hbm>>
        %dma_wait3A_406 = tpu.memref_squeeze %dma_wait3A_405 : memref<1x128xi32, #tpu.memory_space<hbm>> -> memref<128xi32, #tpu.memory_space<hbm>>
        %dma_wait3A_407 = arith.constant 0 : i32
        %dma_wait3A_408 = tpu.memref_slice %arg10[%dma_wait3A_401, %dma_wait3A_407] : memref<1x128xi32, #tpu.memory_space<vmem>> -> memref<1x128xi32, #tpu.memory_space<vmem>>
        %dma_wait3A_409 = tpu.memref_squeeze %dma_wait3A_408 : memref<1x128xi32, #tpu.memory_space<vmem>> -> memref<128xi32, #tpu.memory_space<vmem>>
        %dma_wait3A_410 = tpu.memref_slice %arg3[%add3A_42, %add3A_400] : memref<32x16000xi32, #tpu.memory_space<hbm>> -> memref<1x128xi32, #tpu.memory_space<hbm>>
        %dma_wait3A_411 = tpu.memref_squeeze %dma_wait3A_410 : memref<1x128xi32, #tpu.memory_space<hbm>> -> memref<128xi32, #tpu.memory_space<hbm>>
        tpu.wait_dma2 semaphore(%arg17 : memref<!tpu.dma_semaphore, #tpu.memory_space<semaphore_mem>>) src(%dma_wait3A_411 : memref<128xi32, #tpu.memory_space<hbm>>) dst(%dma_wait3A_409 : memref<128xi32, #tpu.memory_space<vmem>>)
        %mul3A_412 = arith.constant 1024 : i32
        %mul3A_413 = arith.muli %arg1, %mul3A_412 : i32
        %add3A_414 = arith.constant 128 : i32
        %add3A_415 = arith.addi %mul3A_413, %add3A_414 : i32
        %dma_wait3A_416 = arith.constant 0 : i32
        %dma_wait3A_417 = arith.constant 0 : i32
        %dma_wait3A_418 = tpu.memref_slice %arg6[%dma_wait3A_416, %dma_wait3A_417] : memref<128x128xf32, #tpu.memory_space<vmem>> -> memref<128x128xf32, #tpu.memory_space<vmem>>
        %dma_wait3A_419 = arith.constant 0 : i32
        %dma_wait3A_420 = tpu.memref_slice %arg2[%add3A_42, %add3A_415, %dma_wait3A_419] : memref<32x16000x128xf32, #tpu.memory_space<hbm>> -> memref<1x128x128xf32, #tpu.memory_space<hbm>>
        %dma_wait3A_421 = tpu.memref_squeeze %dma_wait3A_420 : memref<1x128x128xf32, #tpu.memory_space<hbm>> -> memref<128x128xf32, #tpu.memory_space<hbm>>
        %dma_wait3A_422 = arith.constant 0 : i32
        %dma_wait3A_423 = arith.constant 0 : i32
        %dma_wait3A_424 = tpu.memref_slice %arg6[%dma_wait3A_422, %dma_wait3A_423] : memref<128x128xf32, #tpu.memory_space<vmem>> -> memref<128x128xf32, #tpu.memory_space<vmem>>
        %dma_wait3A_425 = arith.constant 0 : i32
        %dma_wait3A_426 = tpu.memref_slice %arg2[%add3A_42, %add3A_415, %dma_wait3A_425] : memref<32x16000x128xf32, #tpu.memory_space<hbm>> -> memref<1x128x128xf32, #tpu.memory_space<hbm>>
        %dma_wait3A_427 = tpu.memref_squeeze %dma_wait3A_426 : memref<1x128x128xf32, #tpu.memory_space<hbm>> -> memref<128x128xf32, #tpu.memory_space<hbm>>
        tpu.wait_dma2 semaphore(%arg21 : memref<!tpu.dma_semaphore, #tpu.memory_space<semaphore_mem>>) src(%dma_wait3A_427 : memref<128x128xf32, #tpu.memory_space<hbm>>) dst(%dma_wait3A_424 : memref<128x128xf32, #tpu.memory_space<vmem>>)
        %dma_start3A_428 = arith.constant 0 : i32
        %dma_start3A_429 = arith.constant 0 : i32
        %dma_start3A_430 = arith.constant 0 : i32
        %dma_start3A_431 = tpu.memref_slice %arg6[%dma_start3A_429, %dma_start3A_430] : memref<128x128xf32, #tpu.memory_space<vmem>> -> memref<128x128xf32, #tpu.memory_space<vmem>>
        %dma_start3A_432 = arith.constant 0 : i32
        %dma_start3A_433 = tpu.memref_slice %arg10[%dma_start3A_428, %dma_start3A_432] : memref<1x128xi32, #tpu.memory_space<vmem>> -> memref<1x128xi32, #tpu.memory_space<vmem>>
        %dma_start3A_434 = tpu.memref_squeeze %dma_start3A_433 : memref<1x128xi32, #tpu.memory_space<vmem>> -> memref<128xi32, #tpu.memory_space<vmem>>
        %dma_start3A_435 = arith.constant 0 : i32
        %dma_start3A_436 = arith.constant 0 : i32
        %dma_start3A_437 = tpu.memref_slice %arg14[%dma_start3A_435, %dma_start3A_436] : memref<1024x128xf32, #tpu.memory_space<vmem_shared>> -> memref<1024x128xf32, #tpu.memory_space<vmem_shared>>
        tpu.enqueue_indirect_dma source(%dma_start3A_431 : memref<128x128xf32, #tpu.memory_space<vmem>>) target(%dma_start3A_437 : memref<1024x128xf32, #tpu.memory_space<vmem_shared>>) offsets(%dma_start3A_434 : memref<128xi32, #tpu.memory_space<vmem>>) semaphore(%arg25 : memref<!tpu.dma_semaphore, #tpu.memory_space<semaphore_mem>>) {add = true}
        %dma_wait3A_438 = arith.constant 0 : i32
        %dma_wait3A_439 = arith.constant 0 : i32
        %dma_wait3A_440 = arith.constant 0 : i32
        %dma_wait3A_441 = tpu.memref_slice %arg5[%dma_wait3A_439, %dma_wait3A_440] : memref<128x128xf32, #tpu.memory_space<vmem>> -> memref<128x128xf32, #tpu.memory_space<vmem>>
        %dma_wait3A_442 = arith.constant 0 : i32
        %dma_wait3A_443 = tpu.memref_slice %arg9[%dma_wait3A_438, %dma_wait3A_442] : memref<1x128xi32, #tpu.memory_space<vmem>> -> memref<1x128xi32, #tpu.memory_space<vmem>>
        %dma_wait3A_444 = tpu.memref_squeeze %dma_wait3A_443 : memref<1x128xi32, #tpu.memory_space<vmem>> -> memref<128xi32, #tpu.memory_space<vmem>>
        %dma_wait3A_445 = arith.constant 0 : i32
        %dma_wait3A_446 = arith.constant 0 : i32
        %dma_wait3A_447 = tpu.memref_slice %arg14[%dma_wait3A_445, %dma_wait3A_446] : memref<1024x128xf32, #tpu.memory_space<vmem_shared>> -> memref<1024x128xf32, #tpu.memory_space<vmem_shared>>
        tpu.wait_indirect_dma semaphore(%arg24 : memref<!tpu.dma_semaphore, #tpu.memory_space<semaphore_mem>>) src(%dma_wait3A_441 : memref<128x128xf32, #tpu.memory_space<vmem>>) dst(%dma_wait3A_447 : memref<1024x128xf32, #tpu.memory_space<vmem_shared>>)
        %mul3A_448 = arith.constant 1024 : i32
        %mul3A_449 = arith.muli %arg1, %mul3A_448 : i32
        %add3A_450 = arith.constant 512 : i32
        %add3A_451 = arith.addi %mul3A_449, %add3A_450 : i32
        %dma_start3A_452 = arith.constant 0 : i32
        %dma_start3A_453 = arith.constant 0 : i32
        %dma_start3A_454 = tpu.memref_slice %arg5[%dma_start3A_452, %dma_start3A_453] : memref<128x128xf32, #tpu.memory_space<vmem>> -> memref<128x128xf32, #tpu.memory_space<vmem>>
        %dma_start3A_455 = arith.constant 0 : i32
        %dma_start3A_456 = tpu.memref_slice %arg2[%add3A_42, %add3A_451, %dma_start3A_455] : memref<32x16000x128xf32, #tpu.memory_space<hbm>> -> memref<1x128x128xf32, #tpu.memory_space<hbm>>
        %dma_start3A_457 = tpu.memref_squeeze %dma_start3A_456 : memref<1x128x128xf32, #tpu.memory_space<hbm>> -> memref<128x128xf32, #tpu.memory_space<hbm>>
        %dma_start3A_458 = arith.constant 0 : i32
        %dma_start3A_459 = arith.constant 0 : i32
        %dma_start3A_460 = tpu.memref_slice %arg5[%dma_start3A_458, %dma_start3A_459] : memref<128x128xf32, #tpu.memory_space<vmem>> -> memref<128x128xf32, #tpu.memory_space<vmem>>
        %dma_start3A_461 = arith.constant 0 : i32
        %dma_start3A_462 = tpu.memref_slice %arg2[%add3A_42, %add3A_451, %dma_start3A_461] : memref<32x16000x128xf32, #tpu.memory_space<hbm>> -> memref<1x128x128xf32, #tpu.memory_space<hbm>>
        %dma_start3A_463 = tpu.memref_squeeze %dma_start3A_462 : memref<1x128x128xf32, #tpu.memory_space<hbm>> -> memref<128x128xf32, #tpu.memory_space<hbm>>
        tpu.enqueue_dma source(%dma_start3A_463 : memref<128x128xf32, #tpu.memory_space<hbm>>) target(%dma_start3A_460 : memref<128x128xf32, #tpu.memory_space<vmem>>) target_semaphore(%arg20 : memref<!tpu.dma_semaphore, #tpu.memory_space<semaphore_mem>>)
        %mul3A_464 = arith.constant 1024 : i32
        %mul3A_465 = arith.muli %arg1, %mul3A_464 : i32
        %add3A_466 = arith.constant 512 : i32
        %add3A_467 = arith.addi %mul3A_465, %add3A_466 : i32
        %dma_start3A_468 = arith.constant 0 : i32
        %dma_start3A_469 = arith.constant 0 : i32
        %dma_start3A_470 = tpu.memref_slice %arg9[%dma_start3A_468, %dma_start3A_469] : memref<1x128xi32, #tpu.memory_space<vmem>> -> memref<1x128xi32, #tpu.memory_space<vmem>>
        %dma_start3A_471 = tpu.memref_squeeze %dma_start3A_470 : memref<1x128xi32, #tpu.memory_space<vmem>> -> memref<128xi32, #tpu.memory_space<vmem>>
        %dma_start3A_472 = tpu.memref_slice %arg3[%add3A_42, %add3A_467] : memref<32x16000xi32, #tpu.memory_space<hbm>> -> memref<1x128xi32, #tpu.memory_space<hbm>>
        %dma_start3A_473 = tpu.memref_squeeze %dma_start3A_472 : memref<1x128xi32, #tpu.memory_space<hbm>> -> memref<128xi32, #tpu.memory_space<hbm>>
        %dma_start3A_474 = arith.constant 0 : i32
        %dma_start3A_475 = tpu.memref_slice %arg9[%dma_start3A_468, %dma_start3A_474] : memref<1x128xi32, #tpu.memory_space<vmem>> -> memref<1x128xi32, #tpu.memory_space<vmem>>
        %dma_start3A_476 = tpu.memref_squeeze %dma_start3A_475 : memref<1x128xi32, #tpu.memory_space<vmem>> -> memref<128xi32, #tpu.memory_space<vmem>>
        %dma_start3A_477 = tpu.memref_slice %arg3[%add3A_42, %add3A_467] : memref<32x16000xi32, #tpu.memory_space<hbm>> -> memref<1x128xi32, #tpu.memory_space<hbm>>
        %dma_start3A_478 = tpu.memref_squeeze %dma_start3A_477 : memref<1x128xi32, #tpu.memory_space<hbm>> -> memref<128xi32, #tpu.memory_space<hbm>>
        tpu.enqueue_dma source(%dma_start3A_478 : memref<128xi32, #tpu.memory_space<hbm>>) target(%dma_start3A_476 : memref<128xi32, #tpu.memory_space<vmem>>) target_semaphore(%arg16 : memref<!tpu.dma_semaphore, #tpu.memory_space<semaphore_mem>>)
        %mul3A_479 = arith.constant 1024 : i32
        %mul3A_480 = arith.muli %arg1, %mul3A_479 : i32
        %add3A_481 = arith.constant 256 : i32
        %add3A_482 = arith.addi %mul3A_480, %add3A_481 : i32
        %dma_wait3A_483 = arith.constant 0 : i32
        %dma_wait3A_484 = arith.constant 0 : i32
        %dma_wait3A_485 = tpu.memref_slice %arg11[%dma_wait3A_483, %dma_wait3A_484] : memref<1x128xi32, #tpu.memory_space<vmem>> -> memref<1x128xi32, #tpu.memory_space<vmem>>
        %dma_wait3A_486 = tpu.memref_squeeze %dma_wait3A_485 : memref<1x128xi32, #tpu.memory_space<vmem>> -> memref<128xi32, #tpu.memory_space<vmem>>
        %dma_wait3A_487 = tpu.memref_slice %arg3[%add3A_42, %add3A_482] : memref<32x16000xi32, #tpu.memory_space<hbm>> -> memref<1x128xi32, #tpu.memory_space<hbm>>
        %dma_wait3A_488 = tpu.memref_squeeze %dma_wait3A_487 : memref<1x128xi32, #tpu.memory_space<hbm>> -> memref<128xi32, #tpu.memory_space<hbm>>
        %dma_wait3A_489 = arith.constant 0 : i32
        %dma_wait3A_490 = tpu.memref_slice %arg11[%dma_wait3A_483, %dma_wait3A_489] : memref<1x128xi32, #tpu.memory_space<vmem>> -> memref<1x128xi32, #tpu.memory_space<vmem>>
        %dma_wait3A_491 = tpu.memref_squeeze %dma_wait3A_490 : memref<1x128xi32, #tpu.memory_space<vmem>> -> memref<128xi32, #tpu.memory_space<vmem>>
        %dma_wait3A_492 = tpu.memref_slice %arg3[%add3A_42, %add3A_482] : memref<32x16000xi32, #tpu.memory_space<hbm>> -> memref<1x128xi32, #tpu.memory_space<hbm>>
        %dma_wait3A_493 = tpu.memref_squeeze %dma_wait3A_492 : memref<1x128xi32, #tpu.memory_space<hbm>> -> memref<128xi32, #tpu.memory_space<hbm>>
        tpu.wait_dma2 semaphore(%arg18 : memref<!tpu.dma_semaphore, #tpu.memory_space<semaphore_mem>>) src(%dma_wait3A_493 : memref<128xi32, #tpu.memory_space<hbm>>) dst(%dma_wait3A_491 : memref<128xi32, #tpu.memory_space<vmem>>)
        %mul3A_494 = arith.constant 1024 : i32
        %mul3A_495 = arith.muli %arg1, %mul3A_494 : i32
        %add3A_496 = arith.constant 256 : i32
        %add3A_497 = arith.addi %mul3A_495, %add3A_496 : i32
        %dma_wait3A_498 = arith.constant 0 : i32
        %dma_wait3A_499 = arith.constant 0 : i32
        %dma_wait3A_500 = tpu.memref_slice %arg7[%dma_wait3A_498, %dma_wait3A_499] : memref<128x128xf32, #tpu.memory_space<vmem>> -> memref<128x128xf32, #tpu.memory_space<vmem>>
        %dma_wait3A_501 = arith.constant 0 : i32
        %dma_wait3A_502 = tpu.memref_slice %arg2[%add3A_42, %add3A_497, %dma_wait3A_501] : memref<32x16000x128xf32, #tpu.memory_space<hbm>> -> memref<1x128x128xf32, #tpu.memory_space<hbm>>
        %dma_wait3A_503 = tpu.memref_squeeze %dma_wait3A_502 : memref<1x128x128xf32, #tpu.memory_space<hbm>> -> memref<128x128xf32, #tpu.memory_space<hbm>>
        %dma_wait3A_504 = arith.constant 0 : i32
        %dma_wait3A_505 = arith.constant 0 : i32
        %dma_wait3A_506 = tpu.memref_slice %arg7[%dma_wait3A_504, %dma_wait3A_505] : memref<128x128xf32, #tpu.memory_space<vmem>> -> memref<128x128xf32, #tpu.memory_space<vmem>>
        %dma_wait3A_507 = arith.constant 0 : i32
        %dma_wait3A_508 = tpu.memref_slice %arg2[%add3A_42, %add3A_497, %dma_wait3A_507] : memref<32x16000x128xf32, #tpu.memory_space<hbm>> -> memref<1x128x128xf32, #tpu.memory_space<hbm>>
        %dma_wait3A_509 = tpu.memref_squeeze %dma_wait3A_508 : memref<1x128x128xf32, #tpu.memory_space<hbm>> -> memref<128x128xf32, #tpu.memory_space<hbm>>
        tpu.wait_dma2 semaphore(%arg22 : memref<!tpu.dma_semaphore, #tpu.memory_space<semaphore_mem>>) src(%dma_wait3A_509 : memref<128x128xf32, #tpu.memory_space<hbm>>) dst(%dma_wait3A_506 : memref<128x128xf32, #tpu.memory_space<vmem>>)
        %dma_start3A_510 = arith.constant 0 : i32
        %dma_start3A_511 = arith.constant 0 : i32
        %dma_start3A_512 = arith.constant 0 : i32
        %dma_start3A_513 = tpu.memref_slice %arg7[%dma_start3A_511, %dma_start3A_512] : memref<128x128xf32, #tpu.memory_space<vmem>> -> memref<128x128xf32, #tpu.memory_space<vmem>>
        %dma_start3A_514 = arith.constant 0 : i32
        %dma_start3A_515 = tpu.memref_slice %arg11[%dma_start3A_510, %dma_start3A_514] : memref<1x128xi32, #tpu.memory_space<vmem>> -> memref<1x128xi32, #tpu.memory_space<vmem>>
        %dma_start3A_516 = tpu.memref_squeeze %dma_start3A_515 : memref<1x128xi32, #tpu.memory_space<vmem>> -> memref<128xi32, #tpu.memory_space<vmem>>
        %dma_start3A_517 = arith.constant 0 : i32
        %dma_start3A_518 = arith.constant 0 : i32
        %dma_start3A_519 = tpu.memref_slice %arg14[%dma_start3A_517, %dma_start3A_518] : memref<1024x128xf32, #tpu.memory_space<vmem_shared>> -> memref<1024x128xf32, #tpu.memory_space<vmem_shared>>
        tpu.enqueue_indirect_dma source(%dma_start3A_513 : memref<128x128xf32, #tpu.memory_space<vmem>>) target(%dma_start3A_519 : memref<1024x128xf32, #tpu.memory_space<vmem_shared>>) offsets(%dma_start3A_516 : memref<128xi32, #tpu.memory_space<vmem>>) semaphore(%arg26 : memref<!tpu.dma_semaphore, #tpu.memory_space<semaphore_mem>>) {add = true}
        %dma_wait3A_520 = arith.constant 0 : i32
        %dma_wait3A_521 = arith.constant 0 : i32
        %dma_wait3A_522 = arith.constant 0 : i32
        %dma_wait3A_523 = tpu.memref_slice %arg6[%dma_wait3A_521, %dma_wait3A_522] : memref<128x128xf32, #tpu.memory_space<vmem>> -> memref<128x128xf32, #tpu.memory_space<vmem>>
        %dma_wait3A_524 = arith.constant 0 : i32
        %dma_wait3A_525 = tpu.memref_slice %arg10[%dma_wait3A_520, %dma_wait3A_524] : memref<1x128xi32, #tpu.memory_space<vmem>> -> memref<1x128xi32, #tpu.memory_space<vmem>>
        %dma_wait3A_526 = tpu.memref_squeeze %dma_wait3A_525 : memref<1x128xi32, #tpu.memory_space<vmem>> -> memref<128xi32, #tpu.memory_space<vmem>>
        %dma_wait3A_527 = arith.constant 0 : i32
        %dma_wait3A_528 = arith.constant 0 : i32
        %dma_wait3A_529 = tpu.memref_slice %arg14[%dma_wait3A_527, %dma_wait3A_528] : memref<1024x128xf32, #tpu.memory_space<vmem_shared>> -> memref<1024x128xf32, #tpu.memory_space<vmem_shared>>
        tpu.wait_indirect_dma semaphore(%arg25 : memref<!tpu.dma_semaphore, #tpu.memory_space<semaphore_mem>>) src(%dma_wait3A_523 : memref<128x128xf32, #tpu.memory_space<vmem>>) dst(%dma_wait3A_529 : memref<1024x128xf32, #tpu.memory_space<vmem_shared>>)
        %mul3A_530 = arith.constant 1024 : i32
        %mul3A_531 = arith.muli %arg1, %mul3A_530 : i32
        %add3A_532 = arith.constant 384 : i32
        %add3A_533 = arith.addi %mul3A_531, %add3A_532 : i32
        %dma_wait3A_534 = arith.constant 0 : i32
        %dma_wait3A_535 = arith.constant 0 : i32
        %dma_wait3A_536 = tpu.memref_slice %arg12[%dma_wait3A_534, %dma_wait3A_535] : memref<1x128xi32, #tpu.memory_space<vmem>> -> memref<1x128xi32, #tpu.memory_space<vmem>>
        %dma_wait3A_537 = tpu.memref_squeeze %dma_wait3A_536 : memref<1x128xi32, #tpu.memory_space<vmem>> -> memref<128xi32, #tpu.memory_space<vmem>>
        %dma_wait3A_538 = tpu.memref_slice %arg3[%add3A_42, %add3A_533] : memref<32x16000xi32, #tpu.memory_space<hbm>> -> memref<1x128xi32, #tpu.memory_space<hbm>>
        %dma_wait3A_539 = tpu.memref_squeeze %dma_wait3A_538 : memref<1x128xi32, #tpu.memory_space<hbm>> -> memref<128xi32, #tpu.memory_space<hbm>>
        %dma_wait3A_540 = arith.constant 0 : i32
        %dma_wait3A_541 = tpu.memref_slice %arg12[%dma_wait3A_534, %dma_wait3A_540] : memref<1x128xi32, #tpu.memory_space<vmem>> -> memref<1x128xi32, #tpu.memory_space<vmem>>
        %dma_wait3A_542 = tpu.memref_squeeze %dma_wait3A_541 : memref<1x128xi32, #tpu.memory_space<vmem>> -> memref<128xi32, #tpu.memory_space<vmem>>
        %dma_wait3A_543 = tpu.memref_slice %arg3[%add3A_42, %add3A_533] : memref<32x16000xi32, #tpu.memory_space<hbm>> -> memref<1x128xi32, #tpu.memory_space<hbm>>
        %dma_wait3A_544 = tpu.memref_squeeze %dma_wait3A_543 : memref<1x128xi32, #tpu.memory_space<hbm>> -> memref<128xi32, #tpu.memory_space<hbm>>
        tpu.wait_dma2 semaphore(%arg19 : memref<!tpu.dma_semaphore, #tpu.memory_space<semaphore_mem>>) src(%dma_wait3A_544 : memref<128xi32, #tpu.memory_space<hbm>>) dst(%dma_wait3A_542 : memref<128xi32, #tpu.memory_space<vmem>>)
        %mul3A_545 = arith.constant 1024 : i32
        %mul3A_546 = arith.muli %arg1, %mul3A_545 : i32
        %add3A_547 = arith.constant 384 : i32
        %add3A_548 = arith.addi %mul3A_546, %add3A_547 : i32
        %dma_wait3A_549 = arith.constant 0 : i32
        %dma_wait3A_550 = arith.constant 0 : i32
        %dma_wait3A_551 = tpu.memref_slice %arg8[%dma_wait3A_549, %dma_wait3A_550] : memref<128x128xf32, #tpu.memory_space<vmem>> -> memref<128x128xf32, #tpu.memory_space<vmem>>
        %dma_wait3A_552 = arith.constant 0 : i32
        %dma_wait3A_553 = tpu.memref_slice %arg2[%add3A_42, %add3A_548, %dma_wait3A_552] : memref<32x16000x128xf32, #tpu.memory_space<hbm>> -> memref<1x128x128xf32, #tpu.memory_space<hbm>>
        %dma_wait3A_554 = tpu.memref_squeeze %dma_wait3A_553 : memref<1x128x128xf32, #tpu.memory_space<hbm>> -> memref<128x128xf32, #tpu.memory_space<hbm>>
        %dma_wait3A_555 = arith.constant 0 : i32
        %dma_wait3A_556 = arith.constant 0 : i32
        %dma_wait3A_557 = tpu.memref_slice %arg8[%dma_wait3A_555, %dma_wait3A_556] : memref<128x128xf32, #tpu.memory_space<vmem>> -> memref<128x128xf32, #tpu.memory_space<vmem>>
        %dma_wait3A_558 = arith.constant 0 : i32
        %dma_wait3A_559 = tpu.memref_slice %arg2[%add3A_42, %add3A_548, %dma_wait3A_558] : memref<32x16000x128xf32, #tpu.memory_space<hbm>> -> memref<1x128x128xf32, #tpu.memory_space<hbm>>
        %dma_wait3A_560 = tpu.memref_squeeze %dma_wait3A_559 : memref<1x128x128xf32, #tpu.memory_space<hbm>> -> memref<128x128xf32, #tpu.memory_space<hbm>>
        tpu.wait_dma2 semaphore(%arg23 : memref<!tpu.dma_semaphore, #tpu.memory_space<semaphore_mem>>) src(%dma_wait3A_560 : memref<128x128xf32, #tpu.memory_space<hbm>>) dst(%dma_wait3A_557 : memref<128x128xf32, #tpu.memory_space<vmem>>)
        %dma_start3A_561 = arith.constant 0 : i32
        %dma_start3A_562 = arith.constant 0 : i32
        %dma_start3A_563 = arith.constant 0 : i32
        %dma_start3A_564 = tpu.memref_slice %arg8[%dma_start3A_562, %dma_start3A_563] : memref<128x128xf32, #tpu.memory_space<vmem>> -> memref<128x128xf32, #tpu.memory_space<vmem>>
        %dma_start3A_565 = arith.constant 0 : i32
        %dma_start3A_566 = tpu.memref_slice %arg12[%dma_start3A_561, %dma_start3A_565] : memref<1x128xi32, #tpu.memory_space<vmem>> -> memref<1x128xi32, #tpu.memory_space<vmem>>
        %dma_start3A_567 = tpu.memref_squeeze %dma_start3A_566 : memref<1x128xi32, #tpu.memory_space<vmem>> -> memref<128xi32, #tpu.memory_space<vmem>>
        %dma_start3A_568 = arith.constant 0 : i32
        %dma_start3A_569 = arith.constant 0 : i32
        %dma_start3A_570 = tpu.memref_slice %arg14[%dma_start3A_568, %dma_start3A_569] : memref<1024x128xf32, #tpu.memory_space<vmem_shared>> -> memref<1024x128xf32, #tpu.memory_space<vmem_shared>>
        tpu.enqueue_indirect_dma source(%dma_start3A_564 : memref<128x128xf32, #tpu.memory_space<vmem>>) target(%dma_start3A_570 : memref<1024x128xf32, #tpu.memory_space<vmem_shared>>) offsets(%dma_start3A_567 : memref<128xi32, #tpu.memory_space<vmem>>) semaphore(%arg27 : memref<!tpu.dma_semaphore, #tpu.memory_space<semaphore_mem>>) {add = true}
        %dma_wait3A_571 = arith.constant 0 : i32
        %dma_wait3A_572 = arith.constant 0 : i32
        %dma_wait3A_573 = arith.constant 0 : i32
        %dma_wait3A_574 = tpu.memref_slice %arg7[%dma_wait3A_572, %dma_wait3A_573] : memref<128x128xf32, #tpu.memory_space<vmem>> -> memref<128x128xf32, #tpu.memory_space<vmem>>
        %dma_wait3A_575 = arith.constant 0 : i32
        %dma_wait3A_576 = tpu.memref_slice %arg11[%dma_wait3A_571, %dma_wait3A_575] : memref<1x128xi32, #tpu.memory_space<vmem>> -> memref<1x128xi32, #tpu.memory_space<vmem>>
        %dma_wait3A_577 = tpu.memref_squeeze %dma_wait3A_576 : memref<1x128xi32, #tpu.memory_space<vmem>> -> memref<128xi32, #tpu.memory_space<vmem>>
        %dma_wait3A_578 = arith.constant 0 : i32
        %dma_wait3A_579 = arith.constant 0 : i32
        %dma_wait3A_580 = tpu.memref_slice %arg14[%dma_wait3A_578, %dma_wait3A_579] : memref<1024x128xf32, #tpu.memory_space<vmem_shared>> -> memref<1024x128xf32, #tpu.memory_space<vmem_shared>>
        tpu.wait_indirect_dma semaphore(%arg26 : memref<!tpu.dma_semaphore, #tpu.memory_space<semaphore_mem>>) src(%dma_wait3A_574 : memref<128x128xf32, #tpu.memory_space<vmem>>) dst(%dma_wait3A_580 : memref<1024x128xf32, #tpu.memory_space<vmem_shared>>)
        %mul3A_581 = arith.constant 1024 : i32
        %mul3A_582 = arith.muli %arg1, %mul3A_581 : i32
        %add3A_583 = arith.constant 512 : i32
        %add3A_584 = arith.addi %mul3A_582, %add3A_583 : i32
        %dma_wait3A_585 = arith.constant 0 : i32
        %dma_wait3A_586 = arith.constant 0 : i32
        %dma_wait3A_587 = tpu.memref_slice %arg9[%dma_wait3A_585, %dma_wait3A_586] : memref<1x128xi32, #tpu.memory_space<vmem>> -> memref<1x128xi32, #tpu.memory_space<vmem>>
        %dma_wait3A_588 = tpu.memref_squeeze %dma_wait3A_587 : memref<1x128xi32, #tpu.memory_space<vmem>> -> memref<128xi32, #tpu.memory_space<vmem>>
        %dma_wait3A_589 = tpu.memref_slice %arg3[%add3A_42, %add3A_584] : memref<32x16000xi32, #tpu.memory_space<hbm>> -> memref<1x128xi32, #tpu.memory_space<hbm>>
        %dma_wait3A_590 = tpu.memref_squeeze %dma_wait3A_589 : memref<1x128xi32, #tpu.memory_space<hbm>> -> memref<128xi32, #tpu.memory_space<hbm>>
        %dma_wait3A_591 = arith.constant 0 : i32
        %dma_wait3A_592 = tpu.memref_slice %arg9[%dma_wait3A_585, %dma_wait3A_591] : memref<1x128xi32, #tpu.memory_space<vmem>> -> memref<1x128xi32, #tpu.memory_space<vmem>>
        %dma_wait3A_593 = tpu.memref_squeeze %dma_wait3A_592 : memref<1x128xi32, #tpu.memory_space<vmem>> -> memref<128xi32, #tpu.memory_space<vmem>>
        %dma_wait3A_594 = tpu.memref_slice %arg3[%add3A_42, %add3A_584] : memref<32x16000xi32, #tpu.memory_space<hbm>> -> memref<1x128xi32, #tpu.memory_space<hbm>>
        %dma_wait3A_595 = tpu.memref_squeeze %dma_wait3A_594 : memref<1x128xi32, #tpu.memory_space<hbm>> -> memref<128xi32, #tpu.memory_space<hbm>>
        tpu.wait_dma2 semaphore(%arg16 : memref<!tpu.dma_semaphore, #tpu.memory_space<semaphore_mem>>) src(%dma_wait3A_595 : memref<128xi32, #tpu.memory_space<hbm>>) dst(%dma_wait3A_593 : memref<128xi32, #tpu.memory_space<vmem>>)
        %mul3A_596 = arith.constant 1024 : i32
        %mul3A_597 = arith.muli %arg1, %mul3A_596 : i32
        %add3A_598 = arith.constant 512 : i32
        %add3A_599 = arith.addi %mul3A_597, %add3A_598 : i32
        %dma_wait3A_600 = arith.constant 0 : i32
        %dma_wait3A_601 = arith.constant 0 : i32
        %dma_wait3A_602 = tpu.memref_slice %arg5[%dma_wait3A_600, %dma_wait3A_601] : memref<128x128xf32, #tpu.memory_space<vmem>> -> memref<128x128xf32, #tpu.memory_space<vmem>>
        %dma_wait3A_603 = arith.constant 0 : i32
        %dma_wait3A_604 = tpu.memref_slice %arg2[%add3A_42, %add3A_599, %dma_wait3A_603] : memref<32x16000x128xf32, #tpu.memory_space<hbm>> -> memref<1x128x128xf32, #tpu.memory_space<hbm>>
        %dma_wait3A_605 = tpu.memref_squeeze %dma_wait3A_604 : memref<1x128x128xf32, #tpu.memory_space<hbm>> -> memref<128x128xf32, #tpu.memory_space<hbm>>
        %dma_wait3A_606 = arith.constant 0 : i32
        %dma_wait3A_607 = arith.constant 0 : i32
        %dma_wait3A_608 = tpu.memref_slice %arg5[%dma_wait3A_606, %dma_wait3A_607] : memref<128x128xf32, #tpu.memory_space<vmem>> -> memref<128x128xf32, #tpu.memory_space<vmem>>
        %dma_wait3A_609 = arith.constant 0 : i32
        %dma_wait3A_610 = tpu.memref_slice %arg2[%add3A_42, %add3A_599, %dma_wait3A_609] : memref<32x16000x128xf32, #tpu.memory_space<hbm>> -> memref<1x128x128xf32, #tpu.memory_space<hbm>>
        %dma_wait3A_611 = tpu.memref_squeeze %dma_wait3A_610 : memref<1x128x128xf32, #tpu.memory_space<hbm>> -> memref<128x128xf32, #tpu.memory_space<hbm>>
        tpu.wait_dma2 semaphore(%arg20 : memref<!tpu.dma_semaphore, #tpu.memory_space<semaphore_mem>>) src(%dma_wait3A_611 : memref<128x128xf32, #tpu.memory_space<hbm>>) dst(%dma_wait3A_608 : memref<128x128xf32, #tpu.memory_space<vmem>>)
        %dma_start3A_612 = arith.constant 0 : i32
        %dma_start3A_613 = arith.constant 0 : i32
        %dma_start3A_614 = arith.constant 0 : i32
        %dma_start3A_615 = tpu.memref_slice %arg5[%dma_start3A_613, %dma_start3A_614] : memref<128x128xf32, #tpu.memory_space<vmem>> -> memref<128x128xf32, #tpu.memory_space<vmem>>
        %dma_start3A_616 = arith.constant 0 : i32
        %dma_start3A_617 = tpu.memref_slice %arg9[%dma_start3A_612, %dma_start3A_616] : memref<1x128xi32, #tpu.memory_space<vmem>> -> memref<1x128xi32, #tpu.memory_space<vmem>>
        %dma_start3A_618 = tpu.memref_squeeze %dma_start3A_617 : memref<1x128xi32, #tpu.memory_space<vmem>> -> memref<128xi32, #tpu.memory_space<vmem>>
        %dma_start3A_619 = arith.constant 0 : i32
        %dma_start3A_620 = arith.constant 0 : i32
        %dma_start3A_621 = tpu.memref_slice %arg14[%dma_start3A_619, %dma_start3A_620] : memref<1024x128xf32, #tpu.memory_space<vmem_shared>> -> memref<1024x128xf32, #tpu.memory_space<vmem_shared>>
        tpu.enqueue_indirect_dma source(%dma_start3A_615 : memref<128x128xf32, #tpu.memory_space<vmem>>) target(%dma_start3A_621 : memref<1024x128xf32, #tpu.memory_space<vmem_shared>>) offsets(%dma_start3A_618 : memref<128xi32, #tpu.memory_space<vmem>>) semaphore(%arg24 : memref<!tpu.dma_semaphore, #tpu.memory_space<semaphore_mem>>) {add = true}
        %dma_wait3A_622 = arith.constant 0 : i32
        %dma_wait3A_623 = arith.constant 0 : i32
        %dma_wait3A_624 = arith.constant 0 : i32
        %dma_wait3A_625 = tpu.memref_slice %arg8[%dma_wait3A_623, %dma_wait3A_624] : memref<128x128xf32, #tpu.memory_space<vmem>> -> memref<128x128xf32, #tpu.memory_space<vmem>>
        %dma_wait3A_626 = arith.constant 0 : i32
        %dma_wait3A_627 = tpu.memref_slice %arg12[%dma_wait3A_622, %dma_wait3A_626] : memref<1x128xi32, #tpu.memory_space<vmem>> -> memref<1x128xi32, #tpu.memory_space<vmem>>
        %dma_wait3A_628 = tpu.memref_squeeze %dma_wait3A_627 : memref<1x128xi32, #tpu.memory_space<vmem>> -> memref<128xi32, #tpu.memory_space<vmem>>
        %dma_wait3A_629 = arith.constant 0 : i32
        %dma_wait3A_630 = arith.constant 0 : i32
        %dma_wait3A_631 = tpu.memref_slice %arg14[%dma_wait3A_629, %dma_wait3A_630] : memref<1024x128xf32, #tpu.memory_space<vmem_shared>> -> memref<1024x128xf32, #tpu.memory_space<vmem_shared>>
        tpu.wait_indirect_dma semaphore(%arg27 : memref<!tpu.dma_semaphore, #tpu.memory_space<semaphore_mem>>) src(%dma_wait3A_625 : memref<128x128xf32, #tpu.memory_space<vmem>>) dst(%dma_wait3A_631 : memref<1024x128xf32, #tpu.memory_space<vmem_shared>>)
        %dma_wait3A_632 = arith.constant 0 : i32
        %dma_wait3A_633 = arith.constant 0 : i32
        %dma_wait3A_634 = arith.constant 0 : i32
        %dma_wait3A_635 = tpu.memref_slice %arg5[%dma_wait3A_633, %dma_wait3A_634] : memref<128x128xf32, #tpu.memory_space<vmem>> -> memref<128x128xf32, #tpu.memory_space<vmem>>
        %dma_wait3A_636 = arith.constant 0 : i32
        %dma_wait3A_637 = tpu.memref_slice %arg9[%dma_wait3A_632, %dma_wait3A_636] : memref<1x128xi32, #tpu.memory_space<vmem>> -> memref<1x128xi32, #tpu.memory_space<vmem>>
        %dma_wait3A_638 = tpu.memref_squeeze %dma_wait3A_637 : memref<1x128xi32, #tpu.memory_space<vmem>> -> memref<128xi32, #tpu.memory_space<vmem>>
        %dma_wait3A_639 = arith.constant 0 : i32
        %dma_wait3A_640 = arith.constant 0 : i32
        %dma_wait3A_641 = tpu.memref_slice %arg14[%dma_wait3A_639, %dma_wait3A_640] : memref<1024x128xf32, #tpu.memory_space<vmem_shared>> -> memref<1024x128xf32, #tpu.memory_space<vmem_shared>>
        tpu.wait_indirect_dma semaphore(%arg24 : memref<!tpu.dma_semaphore, #tpu.memory_space<semaphore_mem>>) src(%dma_wait3A_635 : memref<128x128xf32, #tpu.memory_space<vmem>>) dst(%dma_wait3A_641 : memref<1024x128xf32, #tpu.memory_space<vmem_shared>>)
        %convert_element_type3A_642 = arith.extui %lt3A_44 : i1 to i32
        %cond3A_643 = arith.constant 0 : i32
        %cond3A_644 = arith.cmpi ne, %convert_element_type3A_642, %cond3A_643 : i32
        scf.if %cond3A_644 {
          %add3A_645 = arith.constant 1 : i32
          %add3A_646 = arith.addi %add3A_42, %add3A_645 : i32
          %mul3A_647 = arith.constant 1024 : i32
          %mul3A_648 = arith.muli %arg1, %mul3A_647 : i32
          %add3A_649 = arith.constant 0 : i32
          %add3A_650 = arith.addi %mul3A_648, %add3A_649 : i32
          %dma_start3A_651 = arith.constant 0 : i32
          %dma_start3A_652 = arith.constant 0 : i32
          %dma_start3A_653 = tpu.memref_slice %arg5[%dma_start3A_651, %dma_start3A_652] : memref<128x128xf32, #tpu.memory_space<vmem>> -> memref<128x128xf32, #tpu.memory_space<vmem>>
          %dma_start3A_654 = arith.constant 0 : i32
          %dma_start3A_655 = tpu.memref_slice %arg2[%add3A_646, %add3A_650, %dma_start3A_654] : memref<32x16000x128xf32, #tpu.memory_space<hbm>> -> memref<1x128x128xf32, #tpu.memory_space<hbm>>
          %dma_start3A_656 = tpu.memref_squeeze %dma_start3A_655 : memref<1x128x128xf32, #tpu.memory_space<hbm>> -> memref<128x128xf32, #tpu.memory_space<hbm>>
          %dma_start3A_657 = arith.constant 0 : i32
          %dma_start3A_658 = arith.constant 0 : i32
          %dma_start3A_659 = tpu.memref_slice %arg5[%dma_start3A_657, %dma_start3A_658] : memref<128x128xf32, #tpu.memory_space<vmem>> -> memref<128x128xf32, #tpu.memory_space<vmem>>
          %dma_start3A_660 = arith.constant 0 : i32
          %dma_start3A_661 = tpu.memref_slice %arg2[%add3A_646, %add3A_650, %dma_start3A_660] : memref<32x16000x128xf32, #tpu.memory_space<hbm>> -> memref<1x128x128xf32, #tpu.memory_space<hbm>>
          %dma_start3A_662 = tpu.memref_squeeze %dma_start3A_661 : memref<1x128x128xf32, #tpu.memory_space<hbm>> -> memref<128x128xf32, #tpu.memory_space<hbm>>
          tpu.enqueue_dma source(%dma_start3A_662 : memref<128x128xf32, #tpu.memory_space<hbm>>) target(%dma_start3A_659 : memref<128x128xf32, #tpu.memory_space<vmem>>) target_semaphore(%arg20 : memref<!tpu.dma_semaphore, #tpu.memory_space<semaphore_mem>>)
          %mul3A_663 = arith.constant 1024 : i32
          %mul3A_664 = arith.muli %arg1, %mul3A_663 : i32
          %add3A_665 = arith.constant 0 : i32
          %add3A_666 = arith.addi %mul3A_664, %add3A_665 : i32
          %dma_start3A_667 = arith.constant 0 : i32
          %dma_start3A_668 = arith.constant 0 : i32
          %dma_start3A_669 = tpu.memref_slice %arg9[%dma_start3A_667, %dma_start3A_668] : memref<1x128xi32, #tpu.memory_space<vmem>> -> memref<1x128xi32, #tpu.memory_space<vmem>>
          %dma_start3A_670 = tpu.memref_squeeze %dma_start3A_669 : memref<1x128xi32, #tpu.memory_space<vmem>> -> memref<128xi32, #tpu.memory_space<vmem>>
          %dma_start3A_671 = tpu.memref_slice %arg3[%add3A_646, %add3A_666] : memref<32x16000xi32, #tpu.memory_space<hbm>> -> memref<1x128xi32, #tpu.memory_space<hbm>>
          %dma_start3A_672 = tpu.memref_squeeze %dma_start3A_671 : memref<1x128xi32, #tpu.memory_space<hbm>> -> memref<128xi32, #tpu.memory_space<hbm>>
          %dma_start3A_673 = arith.constant 0 : i32
          %dma_start3A_674 = tpu.memref_slice %arg9[%dma_start3A_667, %dma_start3A_673] : memref<1x128xi32, #tpu.memory_space<vmem>> -> memref<1x128xi32, #tpu.memory_space<vmem>>
          %dma_start3A_675 = tpu.memref_squeeze %dma_start3A_674 : memref<1x128xi32, #tpu.memory_space<vmem>> -> memref<128xi32, #tpu.memory_space<vmem>>
          %dma_start3A_676 = tpu.memref_slice %arg3[%add3A_646, %add3A_666] : memref<32x16000xi32, #tpu.memory_space<hbm>> -> memref<1x128xi32, #tpu.memory_space<hbm>>
          %dma_start3A_677 = tpu.memref_squeeze %dma_start3A_676 : memref<1x128xi32, #tpu.memory_space<hbm>> -> memref<128xi32, #tpu.memory_space<hbm>>
          tpu.enqueue_dma source(%dma_start3A_677 : memref<128xi32, #tpu.memory_space<hbm>>) target(%dma_start3A_675 : memref<128xi32, #tpu.memory_space<vmem>>) target_semaphore(%arg16 : memref<!tpu.dma_semaphore, #tpu.memory_space<semaphore_mem>>)
          %mul3A_678 = arith.constant 1024 : i32
          %mul3A_679 = arith.muli %arg1, %mul3A_678 : i32
          %add3A_680 = arith.constant 128 : i32
          %add3A_681 = arith.addi %mul3A_679, %add3A_680 : i32
          %dma_start3A_682 = arith.constant 0 : i32
          %dma_start3A_683 = arith.constant 0 : i32
          %dma_start3A_684 = tpu.memref_slice %arg6[%dma_start3A_682, %dma_start3A_683] : memref<128x128xf32, #tpu.memory_space<vmem>> -> memref<128x128xf32, #tpu.memory_space<vmem>>
          %dma_start3A_685 = arith.constant 0 : i32
          %dma_start3A_686 = tpu.memref_slice %arg2[%add3A_646, %add3A_681, %dma_start3A_685] : memref<32x16000x128xf32, #tpu.memory_space<hbm>> -> memref<1x128x128xf32, #tpu.memory_space<hbm>>
          %dma_start3A_687 = tpu.memref_squeeze %dma_start3A_686 : memref<1x128x128xf32, #tpu.memory_space<hbm>> -> memref<128x128xf32, #tpu.memory_space<hbm>>
          %dma_start3A_688 = arith.constant 0 : i32
          %dma_start3A_689 = arith.constant 0 : i32
          %dma_start3A_690 = tpu.memref_slice %arg6[%dma_start3A_688, %dma_start3A_689] : memref<128x128xf32, #tpu.memory_space<vmem>> -> memref<128x128xf32, #tpu.memory_space<vmem>>
          %dma_start3A_691 = arith.constant 0 : i32
          %dma_start3A_692 = tpu.memref_slice %arg2[%add3A_646, %add3A_681, %dma_start3A_691] : memref<32x16000x128xf32, #tpu.memory_space<hbm>> -> memref<1x128x128xf32, #tpu.memory_space<hbm>>
          %dma_start3A_693 = tpu.memref_squeeze %dma_start3A_692 : memref<1x128x128xf32, #tpu.memory_space<hbm>> -> memref<128x128xf32, #tpu.memory_space<hbm>>
          tpu.enqueue_dma source(%dma_start3A_693 : memref<128x128xf32, #tpu.memory_space<hbm>>) target(%dma_start3A_690 : memref<128x128xf32, #tpu.memory_space<vmem>>) target_semaphore(%arg21 : memref<!tpu.dma_semaphore, #tpu.memory_space<semaphore_mem>>)
          %mul3A_694 = arith.constant 1024 : i32
          %mul3A_695 = arith.muli %arg1, %mul3A_694 : i32
          %add3A_696 = arith.constant 128 : i32
          %add3A_697 = arith.addi %mul3A_695, %add3A_696 : i32
          %dma_start3A_698 = arith.constant 0 : i32
          %dma_start3A_699 = arith.constant 0 : i32
          %dma_start3A_700 = tpu.memref_slice %arg10[%dma_start3A_698, %dma_start3A_699] : memref<1x128xi32, #tpu.memory_space<vmem>> -> memref<1x128xi32, #tpu.memory_space<vmem>>
          %dma_start3A_701 = tpu.memref_squeeze %dma_start3A_700 : memref<1x128xi32, #tpu.memory_space<vmem>> -> memref<128xi32, #tpu.memory_space<vmem>>
          %dma_start3A_702 = tpu.memref_slice %arg3[%add3A_646, %add3A_697] : memref<32x16000xi32, #tpu.memory_space<hbm>> -> memref<1x128xi32, #tpu.memory_space<hbm>>
          %dma_start3A_703 = tpu.memref_squeeze %dma_start3A_702 : memref<1x128xi32, #tpu.memory_space<hbm>> -> memref<128xi32, #tpu.memory_space<hbm>>
          %dma_start3A_704 = arith.constant 0 : i32
          %dma_start3A_705 = tpu.memref_slice %arg10[%dma_start3A_698, %dma_start3A_704] : memref<1x128xi32, #tpu.memory_space<vmem>> -> memref<1x128xi32, #tpu.memory_space<vmem>>
          %dma_start3A_706 = tpu.memref_squeeze %dma_start3A_705 : memref<1x128xi32, #tpu.memory_space<vmem>> -> memref<128xi32, #tpu.memory_space<vmem>>
          %dma_start3A_707 = tpu.memref_slice %arg3[%add3A_646, %add3A_697] : memref<32x16000xi32, #tpu.memory_space<hbm>> -> memref<1x128xi32, #tpu.memory_space<hbm>>
          %dma_start3A_708 = tpu.memref_squeeze %dma_start3A_707 : memref<1x128xi32, #tpu.memory_space<hbm>> -> memref<128xi32, #tpu.memory_space<hbm>>
          tpu.enqueue_dma source(%dma_start3A_708 : memref<128xi32, #tpu.memory_space<hbm>>) target(%dma_start3A_706 : memref<128xi32, #tpu.memory_space<vmem>>) target_semaphore(%arg17 : memref<!tpu.dma_semaphore, #tpu.memory_space<semaphore_mem>>)
          %mul3A_709 = arith.constant 1024 : i32
          %mul3A_710 = arith.muli %arg1, %mul3A_709 : i32
          %add3A_711 = arith.constant 256 : i32
          %add3A_712 = arith.addi %mul3A_710, %add3A_711 : i32
          %dma_start3A_713 = arith.constant 0 : i32
          %dma_start3A_714 = arith.constant 0 : i32
          %dma_start3A_715 = tpu.memref_slice %arg7[%dma_start3A_713, %dma_start3A_714] : memref<128x128xf32, #tpu.memory_space<vmem>> -> memref<128x128xf32, #tpu.memory_space<vmem>>
          %dma_start3A_716 = arith.constant 0 : i32
          %dma_start3A_717 = tpu.memref_slice %arg2[%add3A_646, %add3A_712, %dma_start3A_716] : memref<32x16000x128xf32, #tpu.memory_space<hbm>> -> memref<1x128x128xf32, #tpu.memory_space<hbm>>
          %dma_start3A_718 = tpu.memref_squeeze %dma_start3A_717 : memref<1x128x128xf32, #tpu.memory_space<hbm>> -> memref<128x128xf32, #tpu.memory_space<hbm>>
          %dma_start3A_719 = arith.constant 0 : i32
          %dma_start3A_720 = arith.constant 0 : i32
          %dma_start3A_721 = tpu.memref_slice %arg7[%dma_start3A_719, %dma_start3A_720] : memref<128x128xf32, #tpu.memory_space<vmem>> -> memref<128x128xf32, #tpu.memory_space<vmem>>
          %dma_start3A_722 = arith.constant 0 : i32
          %dma_start3A_723 = tpu.memref_slice %arg2[%add3A_646, %add3A_712, %dma_start3A_722] : memref<32x16000x128xf32, #tpu.memory_space<hbm>> -> memref<1x128x128xf32, #tpu.memory_space<hbm>>
          %dma_start3A_724 = tpu.memref_squeeze %dma_start3A_723 : memref<1x128x128xf32, #tpu.memory_space<hbm>> -> memref<128x128xf32, #tpu.memory_space<hbm>>
          tpu.enqueue_dma source(%dma_start3A_724 : memref<128x128xf32, #tpu.memory_space<hbm>>) target(%dma_start3A_721 : memref<128x128xf32, #tpu.memory_space<vmem>>) target_semaphore(%arg22 : memref<!tpu.dma_semaphore, #tpu.memory_space<semaphore_mem>>)
          %mul3A_725 = arith.constant 1024 : i32
          %mul3A_726 = arith.muli %arg1, %mul3A_725 : i32
          %add3A_727 = arith.constant 256 : i32
          %add3A_728 = arith.addi %mul3A_726, %add3A_727 : i32
          %dma_start3A_729 = arith.constant 0 : i32
          %dma_start3A_730 = arith.constant 0 : i32
          %dma_start3A_731 = tpu.memref_slice %arg11[%dma_start3A_729, %dma_start3A_730] : memref<1x128xi32, #tpu.memory_space<vmem>> -> memref<1x128xi32, #tpu.memory_space<vmem>>
          %dma_start3A_732 = tpu.memref_squeeze %dma_start3A_731 : memref<1x128xi32, #tpu.memory_space<vmem>> -> memref<128xi32, #tpu.memory_space<vmem>>
          %dma_start3A_733 = tpu.memref_slice %arg3[%add3A_646, %add3A_728] : memref<32x16000xi32, #tpu.memory_space<hbm>> -> memref<1x128xi32, #tpu.memory_space<hbm>>
          %dma_start3A_734 = tpu.memref_squeeze %dma_start3A_733 : memref<1x128xi32, #tpu.memory_space<hbm>> -> memref<128xi32, #tpu.memory_space<hbm>>
          %dma_start3A_735 = arith.constant 0 : i32
          %dma_start3A_736 = tpu.memref_slice %arg11[%dma_start3A_729, %dma_start3A_735] : memref<1x128xi32, #tpu.memory_space<vmem>> -> memref<1x128xi32, #tpu.memory_space<vmem>>
          %dma_start3A_737 = tpu.memref_squeeze %dma_start3A_736 : memref<1x128xi32, #tpu.memory_space<vmem>> -> memref<128xi32, #tpu.memory_space<vmem>>
          %dma_start3A_738 = tpu.memref_slice %arg3[%add3A_646, %add3A_728] : memref<32x16000xi32, #tpu.memory_space<hbm>> -> memref<1x128xi32, #tpu.memory_space<hbm>>
          %dma_start3A_739 = tpu.memref_squeeze %dma_start3A_738 : memref<1x128xi32, #tpu.memory_space<hbm>> -> memref<128xi32, #tpu.memory_space<hbm>>
          tpu.enqueue_dma source(%dma_start3A_739 : memref<128xi32, #tpu.memory_space<hbm>>) target(%dma_start3A_737 : memref<128xi32, #tpu.memory_space<vmem>>) target_semaphore(%arg18 : memref<!tpu.dma_semaphore, #tpu.memory_space<semaphore_mem>>)
          %mul3A_740 = arith.constant 1024 : i32
          %mul3A_741 = arith.muli %arg1, %mul3A_740 : i32
          %add3A_742 = arith.constant 384 : i32
          %add3A_743 = arith.addi %mul3A_741, %add3A_742 : i32
          %dma_start3A_744 = arith.constant 0 : i32
          %dma_start3A_745 = arith.constant 0 : i32
          %dma_start3A_746 = tpu.memref_slice %arg8[%dma_start3A_744, %dma_start3A_745] : memref<128x128xf32, #tpu.memory_space<vmem>> -> memref<128x128xf32, #tpu.memory_space<vmem>>
          %dma_start3A_747 = arith.constant 0 : i32
          %dma_start3A_748 = tpu.memref_slice %arg2[%add3A_646, %add3A_743, %dma_start3A_747] : memref<32x16000x128xf32, #tpu.memory_space<hbm>> -> memref<1x128x128xf32, #tpu.memory_space<hbm>>
          %dma_start3A_749 = tpu.memref_squeeze %dma_start3A_748 : memref<1x128x128xf32, #tpu.memory_space<hbm>> -> memref<128x128xf32, #tpu.memory_space<hbm>>
          %dma_start3A_750 = arith.constant 0 : i32
          %dma_start3A_751 = arith.constant 0 : i32
          %dma_start3A_752 = tpu.memref_slice %arg8[%dma_start3A_750, %dma_start3A_751] : memref<128x128xf32, #tpu.memory_space<vmem>> -> memref<128x128xf32, #tpu.memory_space<vmem>>
          %dma_start3A_753 = arith.constant 0 : i32
          %dma_start3A_754 = tpu.memref_slice %arg2[%add3A_646, %add3A_743, %dma_start3A_753] : memref<32x16000x128xf32, #tpu.memory_space<hbm>> -> memref<1x128x128xf32, #tpu.memory_space<hbm>>
          %dma_start3A_755 = tpu.memref_squeeze %dma_start3A_754 : memref<1x128x128xf32, #tpu.memory_space<hbm>> -> memref<128x128xf32, #tpu.memory_space<hbm>>
          tpu.enqueue_dma source(%dma_start3A_755 : memref<128x128xf32, #tpu.memory_space<hbm>>) target(%dma_start3A_752 : memref<128x128xf32, #tpu.memory_space<vmem>>) target_semaphore(%arg23 : memref<!tpu.dma_semaphore, #tpu.memory_space<semaphore_mem>>)
          %mul3A_756 = arith.constant 1024 : i32
          %mul3A_757 = arith.muli %arg1, %mul3A_756 : i32
          %add3A_758 = arith.constant 384 : i32
          %add3A_759 = arith.addi %mul3A_757, %add3A_758 : i32
          %dma_start3A_760 = arith.constant 0 : i32
          %dma_start3A_761 = arith.constant 0 : i32
          %dma_start3A_762 = tpu.memref_slice %arg12[%dma_start3A_760, %dma_start3A_761] : memref<1x128xi32, #tpu.memory_space<vmem>> -> memref<1x128xi32, #tpu.memory_space<vmem>>
          %dma_start3A_763 = tpu.memref_squeeze %dma_start3A_762 : memref<1x128xi32, #tpu.memory_space<vmem>> -> memref<128xi32, #tpu.memory_space<vmem>>
          %dma_start3A_764 = tpu.memref_slice %arg3[%add3A_646, %add3A_759] : memref<32x16000xi32, #tpu.memory_space<hbm>> -> memref<1x128xi32, #tpu.memory_space<hbm>>
          %dma_start3A_765 = tpu.memref_squeeze %dma_start3A_764 : memref<1x128xi32, #tpu.memory_space<hbm>> -> memref<128xi32, #tpu.memory_space<hbm>>
          %dma_start3A_766 = arith.constant 0 : i32
          %dma_start3A_767 = tpu.memref_slice %arg12[%dma_start3A_760, %dma_start3A_766] : memref<1x128xi32, #tpu.memory_space<vmem>> -> memref<1x128xi32, #tpu.memory_space<vmem>>
          %dma_start3A_768 = tpu.memref_squeeze %dma_start3A_767 : memref<1x128xi32, #tpu.memory_space<vmem>> -> memref<128xi32, #tpu.memory_space<vmem>>
          %dma_start3A_769 = tpu.memref_slice %arg3[%add3A_646, %add3A_759] : memref<32x16000xi32, #tpu.memory_space<hbm>> -> memref<1x128xi32, #tpu.memory_space<hbm>>
          %dma_start3A_770 = tpu.memref_squeeze %dma_start3A_769 : memref<1x128xi32, #tpu.memory_space<hbm>> -> memref<128xi32, #tpu.memory_space<hbm>>
          tpu.enqueue_dma source(%dma_start3A_770 : memref<128xi32, #tpu.memory_space<hbm>>) target(%dma_start3A_768 : memref<128xi32, #tpu.memory_space<vmem>>) target_semaphore(%arg19 : memref<!tpu.dma_semaphore, #tpu.memory_space<semaphore_mem>>)
        } else {
        }
      } else {
      }
      %barrier3A_185 = arith.constant 0 : index
      tpu.barrier barrier_id(%barrier3A_185)
      %lt3A_186 = arith.constant 15 : i32
      %lt3A_187 = arith.cmpi slt, %arg1, %lt3A_186 : i32
      %convert_element_type3A_188 = arith.extui %lt3A_187 : i1 to i32
      %cond3A_189 = arith.constant 0 : i32
      %cond3A_190 = arith.cmpi ne, %convert_element_type3A_188, %cond3A_189 : i32
      scf.if %cond3A_190 {
        %mul3A_356 = arith.constant 64 : i32
        %mul3A_357 = arith.muli %arg1, %mul3A_356 : i32
        %dma_start3A_358 = arith.constant 0 : i32
        %dma_start3A_359 = tpu.memref_slice %arg4[%add3A_42, %mul3A_357, %dma_start3A_358] : memref<32x1000x128xf32, #tpu.memory_space<hbm>> -> memref<1x64x128xf32, #tpu.memory_space<hbm>>
        %dma_start3A_360 = tpu.memref_squeeze %dma_start3A_359 : memref<1x64x128xf32, #tpu.memory_space<hbm>> -> memref<64x128xf32, #tpu.memory_space<hbm>>
        %dma_start3A_361 = arith.constant 0 : i32
        %dma_start3A_362 = tpu.memref_slice %arg14[%mul3A_357, %dma_start3A_361] : memref<1024x128xf32, #tpu.memory_space<vmem_shared>> -> memref<64x128xf32, #tpu.memory_space<vmem_shared>>
        tpu.enqueue_dma source(%dma_start3A_362 : memref<64x128xf32, #tpu.memory_space<vmem_shared>>) target(%dma_start3A_360 : memref<64x128xf32, #tpu.memory_space<hbm>>) target_semaphore(%arg29 : memref<!tpu.dma_semaphore, #tpu.memory_space<semaphore_mem>>)
      } else {
      }
      %eq3A_191 = arith.constant 15 : i32
      %eq3A_192 = arith.cmpi eq, %arg1, %eq3A_191 : i32
      %convert_element_type3A_193 = arith.extui %eq3A_192 : i1 to i32
      %cond3A_194 = arith.constant 0 : i32
      %cond3A_195 = arith.cmpi ne, %convert_element_type3A_193, %cond3A_194 : i32
      scf.if %cond3A_195 {
        %mul3A_356 = arith.constant 64 : i32
        %mul3A_357 = arith.muli %arg1, %mul3A_356 : i32
        %dma_start3A_358 = arith.constant 0 : i32
        %dma_start3A_359 = tpu.memref_slice %arg4[%add3A_42, %mul3A_357, %dma_start3A_358] : memref<32x1000x128xf32, #tpu.memory_space<hbm>> -> memref<1x40x128xf32, #tpu.memory_space<hbm>>
        %dma_start3A_360 = tpu.memref_squeeze %dma_start3A_359 : memref<1x40x128xf32, #tpu.memory_space<hbm>> -> memref<40x128xf32, #tpu.memory_space<hbm>>
        %dma_start3A_361 = arith.constant 0 : i32
        %dma_start3A_362 = tpu.memref_slice %arg14[%mul3A_357, %dma_start3A_361] : memref<1024x128xf32, #tpu.memory_space<vmem_shared>> -> memref<40x128xf32, #tpu.memory_space<vmem_shared>>
        tpu.enqueue_dma source(%dma_start3A_362 : memref<40x128xf32, #tpu.memory_space<vmem_shared>>) target(%dma_start3A_360 : memref<40x128xf32, #tpu.memory_space<hbm>>) target_semaphore(%arg29 : memref<!tpu.dma_semaphore, #tpu.memory_space<semaphore_mem>>)
      } else {
      }
      %add3A_196 = arith.constant 1 : i32
      %add3A_197 = arith.addi %add3A_39, %add3A_196 : i32
      %add3A_198 = arith.addi %mul3A_0, %add3A_197 : i32
      %lt3A_199 = arith.constant 15 : i32
      %lt3A_200 = arith.cmpi slt, %add3A_197, %lt3A_199 : i32
      %ge3A_201 = arith.constant 2 : i32
      %ge3A_202 = arith.cmpi sge, %add3A_197, %ge3A_201 : i32
      %convert_element_type3A_203 = arith.extui %ge3A_202 : i1 to i32
      %cond3A_204 = arith.constant 0 : i32
      %cond3A_205 = arith.cmpi ne, %convert_element_type3A_203, %cond3A_204 : i32
      scf.if %cond3A_205 {
        %lt3A_356 = arith.constant 15 : i32
        %lt3A_357 = arith.cmpi slt, %arg1, %lt3A_356 : i32
        %convert_element_type3A_358 = arith.extui %lt3A_357 : i1 to i32
        %cond3A_359 = arith.constant 0 : i32
        %cond3A_360 = arith.cmpi ne, %convert_element_type3A_358, %cond3A_359 : i32
        scf.if %cond3A_360 {
          %mul3A_366 = arith.constant 64 : i32
          %mul3A_367 = arith.muli %arg1, %mul3A_366 : i32
          %dma_wait3A_368 = arith.constant 0 : i32
          %dma_wait3A_369 = arith.constant 0 : i32
          %dma_wait3A_370 = tpu.memref_slice %arg4[%dma_wait3A_368, %mul3A_367, %dma_wait3A_369] : memref<32x1000x128xf32, #tpu.memory_space<hbm>> -> memref<1x64x128xf32, #tpu.memory_space<hbm>>
          %dma_wait3A_371 = tpu.memref_squeeze %dma_wait3A_370 : memref<1x64x128xf32, #tpu.memory_space<hbm>> -> memref<64x128xf32, #tpu.memory_space<hbm>>
          %dma_wait3A_372 = arith.constant 0 : i32
          %dma_wait3A_373 = tpu.memref_slice %arg15[%mul3A_367, %dma_wait3A_372] : memref<1024x128xf32, #tpu.memory_space<vmem_shared>> -> memref<64x128xf32, #tpu.memory_space<vmem_shared>>
          tpu.wait_dma2 semaphore(%arg30 : memref<!tpu.dma_semaphore, #tpu.memory_space<semaphore_mem>>) src(%dma_wait3A_373 : memref<64x128xf32, #tpu.memory_space<vmem_shared>>) dst(%dma_wait3A_371 : memref<64x128xf32, #tpu.memory_space<hbm>>)
        } else {
        }
        %eq3A_361 = arith.constant 15 : i32
        %eq3A_362 = arith.cmpi eq, %arg1, %eq3A_361 : i32
        %convert_element_type3A_363 = arith.extui %eq3A_362 : i1 to i32
        %cond3A_364 = arith.constant 0 : i32
        %cond3A_365 = arith.cmpi ne, %convert_element_type3A_363, %cond3A_364 : i32
        scf.if %cond3A_365 {
          %mul3A_366 = arith.constant 64 : i32
          %mul3A_367 = arith.muli %arg1, %mul3A_366 : i32
          %dma_wait3A_368 = arith.constant 0 : i32
          %dma_wait3A_369 = arith.constant 0 : i32
          %dma_wait3A_370 = tpu.memref_slice %arg4[%dma_wait3A_368, %mul3A_367, %dma_wait3A_369] : memref<32x1000x128xf32, #tpu.memory_space<hbm>> -> memref<1x40x128xf32, #tpu.memory_space<hbm>>
          %dma_wait3A_371 = tpu.memref_squeeze %dma_wait3A_370 : memref<1x40x128xf32, #tpu.memory_space<hbm>> -> memref<40x128xf32, #tpu.memory_space<hbm>>
          %dma_wait3A_372 = arith.constant 0 : i32
          %dma_wait3A_373 = tpu.memref_slice %arg15[%mul3A_367, %dma_wait3A_372] : memref<1024x128xf32, #tpu.memory_space<vmem_shared>> -> memref<40x128xf32, #tpu.memory_space<vmem_shared>>
          tpu.wait_dma2 semaphore(%arg30 : memref<!tpu.dma_semaphore, #tpu.memory_space<semaphore_mem>>) src(%dma_wait3A_373 : memref<40x128xf32, #tpu.memory_space<vmem_shared>>) dst(%dma_wait3A_371 : memref<40x128xf32, #tpu.memory_space<hbm>>)
        } else {
        }
      } else {
      }
      %mul3A_206 = arith.constant 64 : i32
      %mul3A_207 = arith.muli %arg1, %mul3A_206 : i32
      %add3A_208 = arith.constant 0 : i32
      %add3A_209 = arith.addi %mul3A_207, %add3A_208 : i32
      %dma_start3A_210 = arith.constant 0 : i32
      %dma_start3A_211 = tpu.memref_slice %arg15[%add3A_209, %dma_start3A_210] : memref<1024x128xf32, #tpu.memory_space<vmem_shared>> -> memref<8x128xf32, #tpu.memory_space<vmem_shared>>
      %dma_start3A_212 = arith.constant 0 : i32
      %dma_start3A_213 = tpu.memref_slice %arg15[%add3A_209, %dma_start3A_212] : memref<1024x128xf32, #tpu.memory_space<vmem_shared>> -> memref<8x128xf32, #tpu.memory_space<vmem_shared>>
      tpu.enqueue_dma source(%arg13 : memref<8x128xf32, #tpu.memory_space<vmem>>) target(%dma_start3A_213 : memref<8x128xf32, #tpu.memory_space<vmem_shared>>) target_semaphore(%arg28 : memref<!tpu.dma_semaphore, #tpu.memory_space<semaphore_mem>>)
      %mul3A_214 = arith.constant 64 : i32
      %mul3A_215 = arith.muli %arg1, %mul3A_214 : i32
      %add3A_216 = arith.constant 8 : i32
      %add3A_217 = arith.addi %mul3A_215, %add3A_216 : i32
      %dma_start3A_218 = arith.constant 0 : i32
      %dma_start3A_219 = tpu.memref_slice %arg15[%add3A_217, %dma_start3A_218] : memref<1024x128xf32, #tpu.memory_space<vmem_shared>> -> memref<8x128xf32, #tpu.memory_space<vmem_shared>>
      %dma_start3A_220 = arith.constant 0 : i32
      %dma_start3A_221 = tpu.memref_slice %arg15[%add3A_217, %dma_start3A_220] : memref<1024x128xf32, #tpu.memory_space<vmem_shared>> -> memref<8x128xf32, #tpu.memory_space<vmem_shared>>
      tpu.enqueue_dma source(%arg13 : memref<8x128xf32, #tpu.memory_space<vmem>>) target(%dma_start3A_221 : memref<8x128xf32, #tpu.memory_space<vmem_shared>>) target_semaphore(%arg28 : memref<!tpu.dma_semaphore, #tpu.memory_space<semaphore_mem>>)
      %mul3A_222 = arith.constant 64 : i32
      %mul3A_223 = arith.muli %arg1, %mul3A_222 : i32
      %add3A_224 = arith.constant 16 : i32
      %add3A_225 = arith.addi %mul3A_223, %add3A_224 : i32
      %dma_start3A_226 = arith.constant 0 : i32
      %dma_start3A_227 = tpu.memref_slice %arg15[%add3A_225, %dma_start3A_226] : memref<1024x128xf32, #tpu.memory_space<vmem_shared>> -> memref<8x128xf32, #tpu.memory_space<vmem_shared>>
      %dma_start3A_228 = arith.constant 0 : i32
      %dma_start3A_229 = tpu.memref_slice %arg15[%add3A_225, %dma_start3A_228] : memref<1024x128xf32, #tpu.memory_space<vmem_shared>> -> memref<8x128xf32, #tpu.memory_space<vmem_shared>>
      tpu.enqueue_dma source(%arg13 : memref<8x128xf32, #tpu.memory_space<vmem>>) target(%dma_start3A_229 : memref<8x128xf32, #tpu.memory_space<vmem_shared>>) target_semaphore(%arg28 : memref<!tpu.dma_semaphore, #tpu.memory_space<semaphore_mem>>)
      %mul3A_230 = arith.constant 64 : i32
      %mul3A_231 = arith.muli %arg1, %mul3A_230 : i32
      %add3A_232 = arith.constant 24 : i32
      %add3A_233 = arith.addi %mul3A_231, %add3A_232 : i32
      %dma_start3A_234 = arith.constant 0 : i32
      %dma_start3A_235 = tpu.memref_slice %arg15[%add3A_233, %dma_start3A_234] : memref<1024x128xf32, #tpu.memory_space<vmem_shared>> -> memref<8x128xf32, #tpu.memory_space<vmem_shared>>
      %dma_start3A_236 = arith.constant 0 : i32
      %dma_start3A_237 = tpu.memref_slice %arg15[%add3A_233, %dma_start3A_236] : memref<1024x128xf32, #tpu.memory_space<vmem_shared>> -> memref<8x128xf32, #tpu.memory_space<vmem_shared>>
      tpu.enqueue_dma source(%arg13 : memref<8x128xf32, #tpu.memory_space<vmem>>) target(%dma_start3A_237 : memref<8x128xf32, #tpu.memory_space<vmem_shared>>) target_semaphore(%arg28 : memref<!tpu.dma_semaphore, #tpu.memory_space<semaphore_mem>>)
      %mul3A_238 = arith.constant 64 : i32
      %mul3A_239 = arith.muli %arg1, %mul3A_238 : i32
      %add3A_240 = arith.constant 32 : i32
      %add3A_241 = arith.addi %mul3A_239, %add3A_240 : i32
      %dma_start3A_242 = arith.constant 0 : i32
      %dma_start3A_243 = tpu.memref_slice %arg15[%add3A_241, %dma_start3A_242] : memref<1024x128xf32, #tpu.memory_space<vmem_shared>> -> memref<8x128xf32, #tpu.memory_space<vmem_shared>>
      %dma_start3A_244 = arith.constant 0 : i32
      %dma_start3A_245 = tpu.memref_slice %arg15[%add3A_241, %dma_start3A_244] : memref<1024x128xf32, #tpu.memory_space<vmem_shared>> -> memref<8x128xf32, #tpu.memory_space<vmem_shared>>
      tpu.enqueue_dma source(%arg13 : memref<8x128xf32, #tpu.memory_space<vmem>>) target(%dma_start3A_245 : memref<8x128xf32, #tpu.memory_space<vmem_shared>>) target_semaphore(%arg28 : memref<!tpu.dma_semaphore, #tpu.memory_space<semaphore_mem>>)
      %mul3A_246 = arith.constant 64 : i32
      %mul3A_247 = arith.muli %arg1, %mul3A_246 : i32
      %add3A_248 = arith.constant 40 : i32
      %add3A_249 = arith.addi %mul3A_247, %add3A_248 : i32
      %dma_start3A_250 = arith.constant 0 : i32
      %dma_start3A_251 = tpu.memref_slice %arg15[%add3A_249, %dma_start3A_250] : memref<1024x128xf32, #tpu.memory_space<vmem_shared>> -> memref<8x128xf32, #tpu.memory_space<vmem_shared>>
      %dma_start3A_252 = arith.constant 0 : i32
      %dma_start3A_253 = tpu.memref_slice %arg15[%add3A_249, %dma_start3A_252] : memref<1024x128xf32, #tpu.memory_space<vmem_shared>> -> memref<8x128xf32, #tpu.memory_space<vmem_shared>>
      tpu.enqueue_dma source(%arg13 : memref<8x128xf32, #tpu.memory_space<vmem>>) target(%dma_start3A_253 : memref<8x128xf32, #tpu.memory_space<vmem_shared>>) target_semaphore(%arg28 : memref<!tpu.dma_semaphore, #tpu.memory_space<semaphore_mem>>)
      %mul3A_254 = arith.constant 64 : i32
      %mul3A_255 = arith.muli %arg1, %mul3A_254 : i32
      %add3A_256 = arith.constant 48 : i32
      %add3A_257 = arith.addi %mul3A_255, %add3A_256 : i32
      %dma_start3A_258 = arith.constant 0 : i32
      %dma_start3A_259 = tpu.memref_slice %arg15[%add3A_257, %dma_start3A_258] : memref<1024x128xf32, #tpu.memory_space<vmem_shared>> -> memref<8x128xf32, #tpu.memory_space<vmem_shared>>
      %dma_start3A_260 = arith.constant 0 : i32
      %dma_start3A_261 = tpu.memref_slice %arg15[%add3A_257, %dma_start3A_260] : memref<1024x128xf32, #tpu.memory_space<vmem_shared>> -> memref<8x128xf32, #tpu.memory_space<vmem_shared>>
      tpu.enqueue_dma source(%arg13 : memref<8x128xf32, #tpu.memory_space<vmem>>) target(%dma_start3A_261 : memref<8x128xf32, #tpu.memory_space<vmem_shared>>) target_semaphore(%arg28 : memref<!tpu.dma_semaphore, #tpu.memory_space<semaphore_mem>>)
      %mul3A_262 = arith.constant 64 : i32
      %mul3A_263 = arith.muli %arg1, %mul3A_262 : i32
      %add3A_264 = arith.constant 56 : i32
      %add3A_265 = arith.addi %mul3A_263, %add3A_264 : i32
      %dma_start3A_266 = arith.constant 0 : i32
      %dma_start3A_267 = tpu.memref_slice %arg15[%add3A_265, %dma_start3A_266] : memref<1024x128xf32, #tpu.memory_space<vmem_shared>> -> memref<8x128xf32, #tpu.memory_space<vmem_shared>>
      %dma_start3A_268 = arith.constant 0 : i32
      %dma_start3A_269 = tpu.memref_slice %arg15[%add3A_265, %dma_start3A_268] : memref<1024x128xf32, #tpu.memory_space<vmem_shared>> -> memref<8x128xf32, #tpu.memory_space<vmem_shared>>
      tpu.enqueue_dma source(%arg13 : memref<8x128xf32, #tpu.memory_space<vmem>>) target(%dma_start3A_269 : memref<8x128xf32, #tpu.memory_space<vmem_shared>>) target_semaphore(%arg28 : memref<!tpu.dma_semaphore, #tpu.memory_space<semaphore_mem>>)
      %mul3A_270 = arith.constant 64 : i32
      %mul3A_271 = arith.muli %arg1, %mul3A_270 : i32
      %add3A_272 = arith.constant 0 : i32
      %add3A_273 = arith.addi %mul3A_271, %add3A_272 : i32
      %dma_wait3A_274 = arith.constant 0 : i32
      %dma_wait3A_275 = tpu.memref_slice %arg15[%add3A_273, %dma_wait3A_274] : memref<1024x128xf32, #tpu.memory_space<vmem_shared>> -> memref<8x128xf32, #tpu.memory_space<vmem_shared>>
      %dma_wait3A_276 = arith.constant 0 : i32
      %dma_wait3A_277 = tpu.memref_slice %arg15[%add3A_273, %dma_wait3A_276] : memref<1024x128xf32, #tpu.memory_space<vmem_shared>> -> memref<8x128xf32, #tpu.memory_space<vmem_shared>>
      tpu.wait_dma2 semaphore(%arg28 : memref<!tpu.dma_semaphore, #tpu.memory_space<semaphore_mem>>) src(%arg13 : memref<8x128xf32, #tpu.memory_space<vmem>>) dst(%dma_wait3A_277 : memref<8x128xf32, #tpu.memory_space<vmem_shared>>)
      %mul3A_278 = arith.constant 64 : i32
      %mul3A_279 = arith.muli %arg1, %mul3A_278 : i32
      %add3A_280 = arith.constant 8 : i32
      %add3A_281 = arith.addi %mul3A_279, %add3A_280 : i32
      %dma_wait3A_282 = arith.constant 0 : i32
      %dma_wait3A_283 = tpu.memref_slice %arg15[%add3A_281, %dma_wait3A_282] : memref<1024x128xf32, #tpu.memory_space<vmem_shared>> -> memref<8x128xf32, #tpu.memory_space<vmem_shared>>
      %dma_wait3A_284 = arith.constant 0 : i32
      %dma_wait3A_285 = tpu.memref_slice %arg15[%add3A_281, %dma_wait3A_284] : memref<1024x128xf32, #tpu.memory_space<vmem_shared>> -> memref<8x128xf32, #tpu.memory_space<vmem_shared>>
      tpu.wait_dma2 semaphore(%arg28 : memref<!tpu.dma_semaphore, #tpu.memory_space<semaphore_mem>>) src(%arg13 : memref<8x128xf32, #tpu.memory_space<vmem>>) dst(%dma_wait3A_285 : memref<8x128xf32, #tpu.memory_space<vmem_shared>>)
      %mul3A_286 = arith.constant 64 : i32
      %mul3A_287 = arith.muli %arg1, %mul3A_286 : i32
      %add3A_288 = arith.constant 16 : i32
      %add3A_289 = arith.addi %mul3A_287, %add3A_288 : i32
      %dma_wait3A_290 = arith.constant 0 : i32
      %dma_wait3A_291 = tpu.memref_slice %arg15[%add3A_289, %dma_wait3A_290] : memref<1024x128xf32, #tpu.memory_space<vmem_shared>> -> memref<8x128xf32, #tpu.memory_space<vmem_shared>>
      %dma_wait3A_292 = arith.constant 0 : i32
      %dma_wait3A_293 = tpu.memref_slice %arg15[%add3A_289, %dma_wait3A_292] : memref<1024x128xf32, #tpu.memory_space<vmem_shared>> -> memref<8x128xf32, #tpu.memory_space<vmem_shared>>
      tpu.wait_dma2 semaphore(%arg28 : memref<!tpu.dma_semaphore, #tpu.memory_space<semaphore_mem>>) src(%arg13 : memref<8x128xf32, #tpu.memory_space<vmem>>) dst(%dma_wait3A_293 : memref<8x128xf32, #tpu.memory_space<vmem_shared>>)
      %mul3A_294 = arith.constant 64 : i32
      %mul3A_295 = arith.muli %arg1, %mul3A_294 : i32
      %add3A_296 = arith.constant 24 : i32
      %add3A_297 = arith.addi %mul3A_295, %add3A_296 : i32
      %dma_wait3A_298 = arith.constant 0 : i32
      %dma_wait3A_299 = tpu.memref_slice %arg15[%add3A_297, %dma_wait3A_298] : memref<1024x128xf32, #tpu.memory_space<vmem_shared>> -> memref<8x128xf32, #tpu.memory_space<vmem_shared>>
      %dma_wait3A_300 = arith.constant 0 : i32
      %dma_wait3A_301 = tpu.memref_slice %arg15[%add3A_297, %dma_wait3A_300] : memref<1024x128xf32, #tpu.memory_space<vmem_shared>> -> memref<8x128xf32, #tpu.memory_space<vmem_shared>>
      tpu.wait_dma2 semaphore(%arg28 : memref<!tpu.dma_semaphore, #tpu.memory_space<semaphore_mem>>) src(%arg13 : memref<8x128xf32, #tpu.memory_space<vmem>>) dst(%dma_wait3A_301 : memref<8x128xf32, #tpu.memory_space<vmem_shared>>)
      %mul3A_302 = arith.constant 64 : i32
      %mul3A_303 = arith.muli %arg1, %mul3A_302 : i32
      %add3A_304 = arith.constant 32 : i32
      %add3A_305 = arith.addi %mul3A_303, %add3A_304 : i32
      %dma_wait3A_306 = arith.constant 0 : i32
      %dma_wait3A_307 = tpu.memref_slice %arg15[%add3A_305, %dma_wait3A_306] : memref<1024x128xf32, #tpu.memory_space<vmem_shared>> -> memref<8x128xf32, #tpu.memory_space<vmem_shared>>
      %dma_wait3A_308 = arith.constant 0 : i32
      %dma_wait3A_309 = tpu.memref_slice %arg15[%add3A_305, %dma_wait3A_308] : memref<1024x128xf32, #tpu.memory_space<vmem_shared>> -> memref<8x128xf32, #tpu.memory_space<vmem_shared>>
      tpu.wait_dma2 semaphore(%arg28 : memref<!tpu.dma_semaphore, #tpu.memory_space<semaphore_mem>>) src(%arg13 : memref<8x128xf32, #tpu.memory_space<vmem>>) dst(%dma_wait3A_309 : memref<8x128xf32, #tpu.memory_space<vmem_shared>>)
      %mul3A_310 = arith.constant 64 : i32
      %mul3A_311 = arith.muli %arg1, %mul3A_310 : i32
      %add3A_312 = arith.constant 40 : i32
      %add3A_313 = arith.addi %mul3A_311, %add3A_312 : i32
      %dma_wait3A_314 = arith.constant 0 : i32
      %dma_wait3A_315 = tpu.memref_slice %arg15[%add3A_313, %dma_wait3A_314] : memref<1024x128xf32, #tpu.memory_space<vmem_shared>> -> memref<8x128xf32, #tpu.memory_space<vmem_shared>>
      %dma_wait3A_316 = arith.constant 0 : i32
      %dma_wait3A_317 = tpu.memref_slice %arg15[%add3A_313, %dma_wait3A_316] : memref<1024x128xf32, #tpu.memory_space<vmem_shared>> -> memref<8x128xf32, #tpu.memory_space<vmem_shared>>
      tpu.wait_dma2 semaphore(%arg28 : memref<!tpu.dma_semaphore, #tpu.memory_space<semaphore_mem>>) src(%arg13 : memref<8x128xf32, #tpu.memory_space<vmem>>) dst(%dma_wait3A_317 : memref<8x128xf32, #tpu.memory_space<vmem_shared>>)
      %mul3A_318 = arith.constant 64 : i32
      %mul3A_319 = arith.muli %arg1, %mul3A_318 : i32
      %add3A_320 = arith.constant 48 : i32
      %add3A_321 = arith.addi %mul3A_319, %add3A_320 : i32
      %dma_wait3A_322 = arith.constant 0 : i32
      %dma_wait3A_323 = tpu.memref_slice %arg15[%add3A_321, %dma_wait3A_322] : memref<1024x128xf32, #tpu.memory_space<vmem_shared>> -> memref<8x128xf32, #tpu.memory_space<vmem_shared>>
      %dma_wait3A_324 = arith.constant 0 : i32
      %dma_wait3A_325 = tpu.memref_slice %arg15[%add3A_321, %dma_wait3A_324] : memref<1024x128xf32, #tpu.memory_space<vmem_shared>> -> memref<8x128xf32, #tpu.memory_space<vmem_shared>>
      tpu.wait_dma2 semaphore(%arg28 : memref<!tpu.dma_semaphore, #tpu.memory_space<semaphore_mem>>) src(%arg13 : memref<8x128xf32, #tpu.memory_space<vmem>>) dst(%dma_wait3A_325 : memref<8x128xf32, #tpu.memory_space<vmem_shared>>)
      %mul3A_326 = arith.constant 64 : i32
      %mul3A_327 = arith.muli %arg1, %mul3A_326 : i32
      %add3A_328 = arith.constant 56 : i32
      %add3A_329 = arith.addi %mul3A_327, %add3A_328 : i32
      %dma_wait3A_330 = arith.constant 0 : i32
      %dma_wait3A_331 = tpu.memref_slice %arg15[%add3A_329, %dma_wait3A_330] : memref<1024x128xf32, #tpu.memory_space<vmem_shared>> -> memref<8x128xf32, #tpu.memory_space<vmem_shared>>
      %dma_wait3A_332 = arith.constant 0 : i32
      %dma_wait3A_333 = tpu.memref_slice %arg15[%add3A_329, %dma_wait3A_332] : memref<1024x128xf32, #tpu.memory_space<vmem_shared>> -> memref<8x128xf32, #tpu.memory_space<vmem_shared>>
      tpu.wait_dma2 semaphore(%arg28 : memref<!tpu.dma_semaphore, #tpu.memory_space<semaphore_mem>>) src(%arg13 : memref<8x128xf32, #tpu.memory_space<vmem>>) dst(%dma_wait3A_333 : memref<8x128xf32, #tpu.memory_space<vmem_shared>>)
      %barrier3A_334 = arith.constant 0 : index
      tpu.barrier barrier_id(%barrier3A_334)
      %lt3A_335 = arith.constant 15 : i32
      %lt3A_336 = arith.cmpi slt, %arg1, %lt3A_335 : i32
      %convert_element_type3A_337 = arith.extui %lt3A_336 : i1 to i32
      %cond3A_338 = arith.constant 0 : i32
      %cond3A_339 = arith.cmpi ne, %convert_element_type3A_337, %cond3A_338 : i32
      scf.if %cond3A_339 {
        %mul3A_356 = arith.constant 1024 : i32
        %mul3A_357 = arith.muli %arg1, %mul3A_356 : i32
        %add3A_358 = arith.constant 0 : i32
        %add3A_359 = arith.addi %mul3A_357, %add3A_358 : i32
        %dma_wait3A_360 = arith.constant 0 : i32
        %dma_wait3A_361 = arith.constant 0 : i32
        %dma_wait3A_362 = tpu.memref_slice %arg9[%dma_wait3A_360, %dma_wait3A_361] : memref<1x128xi32, #tpu.memory_space<vmem>> -> memref<1x128xi32, #tpu.memory_space<vmem>>
        %dma_wait3A_363 = tpu.memref_squeeze %dma_wait3A_362 : memref<1x128xi32, #tpu.memory_space<vmem>> -> memref<128xi32, #tpu.memory_space<vmem>>
        %dma_wait3A_364 = tpu.memref_slice %arg3[%add3A_198, %add3A_359] : memref<32x16000xi32, #tpu.memory_space<hbm>> -> memref<1x128xi32, #tpu.memory_space<hbm>>
        %dma_wait3A_365 = tpu.memref_squeeze %dma_wait3A_364 : memref<1x128xi32, #tpu.memory_space<hbm>> -> memref<128xi32, #tpu.memory_space<hbm>>
        %dma_wait3A_366 = arith.constant 0 : i32
        %dma_wait3A_367 = tpu.memref_slice %arg9[%dma_wait3A_360, %dma_wait3A_366] : memref<1x128xi32, #tpu.memory_space<vmem>> -> memref<1x128xi32, #tpu.memory_space<vmem>>
        %dma_wait3A_368 = tpu.memref_squeeze %dma_wait3A_367 : memref<1x128xi32, #tpu.memory_space<vmem>> -> memref<128xi32, #tpu.memory_space<vmem>>
        %dma_wait3A_369 = tpu.memref_slice %arg3[%add3A_198, %add3A_359] : memref<32x16000xi32, #tpu.memory_space<hbm>> -> memref<1x128xi32, #tpu.memory_space<hbm>>
        %dma_wait3A_370 = tpu.memref_squeeze %dma_wait3A_369 : memref<1x128xi32, #tpu.memory_space<hbm>> -> memref<128xi32, #tpu.memory_space<hbm>>
        tpu.wait_dma2 semaphore(%arg16 : memref<!tpu.dma_semaphore, #tpu.memory_space<semaphore_mem>>) src(%dma_wait3A_370 : memref<128xi32, #tpu.memory_space<hbm>>) dst(%dma_wait3A_368 : memref<128xi32, #tpu.memory_space<vmem>>)
        %mul3A_371 = arith.constant 1024 : i32
        %mul3A_372 = arith.muli %arg1, %mul3A_371 : i32
        %add3A_373 = arith.constant 0 : i32
        %add3A_374 = arith.addi %mul3A_372, %add3A_373 : i32
        %dma_wait3A_375 = arith.constant 0 : i32
        %dma_wait3A_376 = arith.constant 0 : i32
        %dma_wait3A_377 = tpu.memref_slice %arg5[%dma_wait3A_375, %dma_wait3A_376] : memref<128x128xf32, #tpu.memory_space<vmem>> -> memref<128x128xf32, #tpu.memory_space<vmem>>
        %dma_wait3A_378 = arith.constant 0 : i32
        %dma_wait3A_379 = tpu.memref_slice %arg2[%add3A_198, %add3A_374, %dma_wait3A_378] : memref<32x16000x128xf32, #tpu.memory_space<hbm>> -> memref<1x128x128xf32, #tpu.memory_space<hbm>>
        %dma_wait3A_380 = tpu.memref_squeeze %dma_wait3A_379 : memref<1x128x128xf32, #tpu.memory_space<hbm>> -> memref<128x128xf32, #tpu.memory_space<hbm>>
        %dma_wait3A_381 = arith.constant 0 : i32
        %dma_wait3A_382 = arith.constant 0 : i32
        %dma_wait3A_383 = tpu.memref_slice %arg5[%dma_wait3A_381, %dma_wait3A_382] : memref<128x128xf32, #tpu.memory_space<vmem>> -> memref<128x128xf32, #tpu.memory_space<vmem>>
        %dma_wait3A_384 = arith.constant 0 : i32
        %dma_wait3A_385 = tpu.memref_slice %arg2[%add3A_198, %add3A_374, %dma_wait3A_384] : memref<32x16000x128xf32, #tpu.memory_space<hbm>> -> memref<1x128x128xf32, #tpu.memory_space<hbm>>
        %dma_wait3A_386 = tpu.memref_squeeze %dma_wait3A_385 : memref<1x128x128xf32, #tpu.memory_space<hbm>> -> memref<128x128xf32, #tpu.memory_space<hbm>>
        tpu.wait_dma2 semaphore(%arg20 : memref<!tpu.dma_semaphore, #tpu.memory_space<semaphore_mem>>) src(%dma_wait3A_386 : memref<128x128xf32, #tpu.memory_space<hbm>>) dst(%dma_wait3A_383 : memref<128x128xf32, #tpu.memory_space<vmem>>)
        %dma_start3A_387 = arith.constant 0 : i32
        %dma_start3A_388 = arith.constant 0 : i32
        %dma_start3A_389 = arith.constant 0 : i32
        %dma_start3A_390 = tpu.memref_slice %arg5[%dma_start3A_388, %dma_start3A_389] : memref<128x128xf32, #tpu.memory_space<vmem>> -> memref<128x128xf32, #tpu.memory_space<vmem>>
        %dma_start3A_391 = arith.constant 0 : i32
        %dma_start3A_392 = tpu.memref_slice %arg9[%dma_start3A_387, %dma_start3A_391] : memref<1x128xi32, #tpu.memory_space<vmem>> -> memref<1x128xi32, #tpu.memory_space<vmem>>
        %dma_start3A_393 = tpu.memref_squeeze %dma_start3A_392 : memref<1x128xi32, #tpu.memory_space<vmem>> -> memref<128xi32, #tpu.memory_space<vmem>>
        %dma_start3A_394 = arith.constant 0 : i32
        %dma_start3A_395 = arith.constant 0 : i32
        %dma_start3A_396 = tpu.memref_slice %arg15[%dma_start3A_394, %dma_start3A_395] : memref<1024x128xf32, #tpu.memory_space<vmem_shared>> -> memref<1024x128xf32, #tpu.memory_space<vmem_shared>>
        tpu.enqueue_indirect_dma source(%dma_start3A_390 : memref<128x128xf32, #tpu.memory_space<vmem>>) target(%dma_start3A_396 : memref<1024x128xf32, #tpu.memory_space<vmem_shared>>) offsets(%dma_start3A_393 : memref<128xi32, #tpu.memory_space<vmem>>) semaphore(%arg24 : memref<!tpu.dma_semaphore, #tpu.memory_space<semaphore_mem>>) {add = true}
        %mul3A_397 = arith.constant 1024 : i32
        %mul3A_398 = arith.muli %arg1, %mul3A_397 : i32
        %add3A_399 = arith.constant 128 : i32
        %add3A_400 = arith.addi %mul3A_398, %add3A_399 : i32
        %dma_wait3A_401 = arith.constant 0 : i32
        %dma_wait3A_402 = arith.constant 0 : i32
        %dma_wait3A_403 = tpu.memref_slice %arg10[%dma_wait3A_401, %dma_wait3A_402] : memref<1x128xi32, #tpu.memory_space<vmem>> -> memref<1x128xi32, #tpu.memory_space<vmem>>
        %dma_wait3A_404 = tpu.memref_squeeze %dma_wait3A_403 : memref<1x128xi32, #tpu.memory_space<vmem>> -> memref<128xi32, #tpu.memory_space<vmem>>
        %dma_wait3A_405 = tpu.memref_slice %arg3[%add3A_198, %add3A_400] : memref<32x16000xi32, #tpu.memory_space<hbm>> -> memref<1x128xi32, #tpu.memory_space<hbm>>
        %dma_wait3A_406 = tpu.memref_squeeze %dma_wait3A_405 : memref<1x128xi32, #tpu.memory_space<hbm>> -> memref<128xi32, #tpu.memory_space<hbm>>
        %dma_wait3A_407 = arith.constant 0 : i32
        %dma_wait3A_408 = tpu.memref_slice %arg10[%dma_wait3A_401, %dma_wait3A_407] : memref<1x128xi32, #tpu.memory_space<vmem>> -> memref<1x128xi32, #tpu.memory_space<vmem>>
        %dma_wait3A_409 = tpu.memref_squeeze %dma_wait3A_408 : memref<1x128xi32, #tpu.memory_space<vmem>> -> memref<128xi32, #tpu.memory_space<vmem>>
        %dma_wait3A_410 = tpu.memref_slice %arg3[%add3A_198, %add3A_400] : memref<32x16000xi32, #tpu.memory_space<hbm>> -> memref<1x128xi32, #tpu.memory_space<hbm>>
        %dma_wait3A_411 = tpu.memref_squeeze %dma_wait3A_410 : memref<1x128xi32, #tpu.memory_space<hbm>> -> memref<128xi32, #tpu.memory_space<hbm>>
        tpu.wait_dma2 semaphore(%arg17 : memref<!tpu.dma_semaphore, #tpu.memory_space<semaphore_mem>>) src(%dma_wait3A_411 : memref<128xi32, #tpu.memory_space<hbm>>) dst(%dma_wait3A_409 : memref<128xi32, #tpu.memory_space<vmem>>)
        %mul3A_412 = arith.constant 1024 : i32
        %mul3A_413 = arith.muli %arg1, %mul3A_412 : i32
        %add3A_414 = arith.constant 128 : i32
        %add3A_415 = arith.addi %mul3A_413, %add3A_414 : i32
        %dma_wait3A_416 = arith.constant 0 : i32
        %dma_wait3A_417 = arith.constant 0 : i32
        %dma_wait3A_418 = tpu.memref_slice %arg6[%dma_wait3A_416, %dma_wait3A_417] : memref<128x128xf32, #tpu.memory_space<vmem>> -> memref<128x128xf32, #tpu.memory_space<vmem>>
        %dma_wait3A_419 = arith.constant 0 : i32
        %dma_wait3A_420 = tpu.memref_slice %arg2[%add3A_198, %add3A_415, %dma_wait3A_419] : memref<32x16000x128xf32, #tpu.memory_space<hbm>> -> memref<1x128x128xf32, #tpu.memory_space<hbm>>
        %dma_wait3A_421 = tpu.memref_squeeze %dma_wait3A_420 : memref<1x128x128xf32, #tpu.memory_space<hbm>> -> memref<128x128xf32, #tpu.memory_space<hbm>>
        %dma_wait3A_422 = arith.constant 0 : i32
        %dma_wait3A_423 = arith.constant 0 : i32
        %dma_wait3A_424 = tpu.memref_slice %arg6[%dma_wait3A_422, %dma_wait3A_423] : memref<128x128xf32, #tpu.memory_space<vmem>> -> memref<128x128xf32, #tpu.memory_space<vmem>>
        %dma_wait3A_425 = arith.constant 0 : i32
        %dma_wait3A_426 = tpu.memref_slice %arg2[%add3A_198, %add3A_415, %dma_wait3A_425] : memref<32x16000x128xf32, #tpu.memory_space<hbm>> -> memref<1x128x128xf32, #tpu.memory_space<hbm>>
        %dma_wait3A_427 = tpu.memref_squeeze %dma_wait3A_426 : memref<1x128x128xf32, #tpu.memory_space<hbm>> -> memref<128x128xf32, #tpu.memory_space<hbm>>
        tpu.wait_dma2 semaphore(%arg21 : memref<!tpu.dma_semaphore, #tpu.memory_space<semaphore_mem>>) src(%dma_wait3A_427 : memref<128x128xf32, #tpu.memory_space<hbm>>) dst(%dma_wait3A_424 : memref<128x128xf32, #tpu.memory_space<vmem>>)
        %dma_start3A_428 = arith.constant 0 : i32
        %dma_start3A_429 = arith.constant 0 : i32
        %dma_start3A_430 = arith.constant 0 : i32
        %dma_start3A_431 = tpu.memref_slice %arg6[%dma_start3A_429, %dma_start3A_430] : memref<128x128xf32, #tpu.memory_space<vmem>> -> memref<128x128xf32, #tpu.memory_space<vmem>>
        %dma_start3A_432 = arith.constant 0 : i32
        %dma_start3A_433 = tpu.memref_slice %arg10[%dma_start3A_428, %dma_start3A_432] : memref<1x128xi32, #tpu.memory_space<vmem>> -> memref<1x128xi32, #tpu.memory_space<vmem>>
        %dma_start3A_434 = tpu.memref_squeeze %dma_start3A_433 : memref<1x128xi32, #tpu.memory_space<vmem>> -> memref<128xi32, #tpu.memory_space<vmem>>
        %dma_start3A_435 = arith.constant 0 : i32
        %dma_start3A_436 = arith.constant 0 : i32
        %dma_start3A_437 = tpu.memref_slice %arg15[%dma_start3A_435, %dma_start3A_436] : memref<1024x128xf32, #tpu.memory_space<vmem_shared>> -> memref<1024x128xf32, #tpu.memory_space<vmem_shared>>
        tpu.enqueue_indirect_dma source(%dma_start3A_431 : memref<128x128xf32, #tpu.memory_space<vmem>>) target(%dma_start3A_437 : memref<1024x128xf32, #tpu.memory_space<vmem_shared>>) offsets(%dma_start3A_434 : memref<128xi32, #tpu.memory_space<vmem>>) semaphore(%arg25 : memref<!tpu.dma_semaphore, #tpu.memory_space<semaphore_mem>>) {add = true}
        %dma_wait3A_438 = arith.constant 0 : i32
        %dma_wait3A_439 = arith.constant 0 : i32
        %dma_wait3A_440 = arith.constant 0 : i32
        %dma_wait3A_441 = tpu.memref_slice %arg5[%dma_wait3A_439, %dma_wait3A_440] : memref<128x128xf32, #tpu.memory_space<vmem>> -> memref<128x128xf32, #tpu.memory_space<vmem>>
        %dma_wait3A_442 = arith.constant 0 : i32
        %dma_wait3A_443 = tpu.memref_slice %arg9[%dma_wait3A_438, %dma_wait3A_442] : memref<1x128xi32, #tpu.memory_space<vmem>> -> memref<1x128xi32, #tpu.memory_space<vmem>>
        %dma_wait3A_444 = tpu.memref_squeeze %dma_wait3A_443 : memref<1x128xi32, #tpu.memory_space<vmem>> -> memref<128xi32, #tpu.memory_space<vmem>>
        %dma_wait3A_445 = arith.constant 0 : i32
        %dma_wait3A_446 = arith.constant 0 : i32
        %dma_wait3A_447 = tpu.memref_slice %arg15[%dma_wait3A_445, %dma_wait3A_446] : memref<1024x128xf32, #tpu.memory_space<vmem_shared>> -> memref<1024x128xf32, #tpu.memory_space<vmem_shared>>
        tpu.wait_indirect_dma semaphore(%arg24 : memref<!tpu.dma_semaphore, #tpu.memory_space<semaphore_mem>>) src(%dma_wait3A_441 : memref<128x128xf32, #tpu.memory_space<vmem>>) dst(%dma_wait3A_447 : memref<1024x128xf32, #tpu.memory_space<vmem_shared>>)
        %mul3A_448 = arith.constant 1024 : i32
        %mul3A_449 = arith.muli %arg1, %mul3A_448 : i32
        %add3A_450 = arith.constant 512 : i32
        %add3A_451 = arith.addi %mul3A_449, %add3A_450 : i32
        %dma_start3A_452 = arith.constant 0 : i32
        %dma_start3A_453 = arith.constant 0 : i32
        %dma_start3A_454 = tpu.memref_slice %arg5[%dma_start3A_452, %dma_start3A_453] : memref<128x128xf32, #tpu.memory_space<vmem>> -> memref<128x128xf32, #tpu.memory_space<vmem>>
        %dma_start3A_455 = arith.constant 0 : i32
        %dma_start3A_456 = tpu.memref_slice %arg2[%add3A_198, %add3A_451, %dma_start3A_455] : memref<32x16000x128xf32, #tpu.memory_space<hbm>> -> memref<1x128x128xf32, #tpu.memory_space<hbm>>
        %dma_start3A_457 = tpu.memref_squeeze %dma_start3A_456 : memref<1x128x128xf32, #tpu.memory_space<hbm>> -> memref<128x128xf32, #tpu.memory_space<hbm>>
        %dma_start3A_458 = arith.constant 0 : i32
        %dma_start3A_459 = arith.constant 0 : i32
        %dma_start3A_460 = tpu.memref_slice %arg5[%dma_start3A_458, %dma_start3A_459] : memref<128x128xf32, #tpu.memory_space<vmem>> -> memref<128x128xf32, #tpu.memory_space<vmem>>
        %dma_start3A_461 = arith.constant 0 : i32
        %dma_start3A_462 = tpu.memref_slice %arg2[%add3A_198, %add3A_451, %dma_start3A_461] : memref<32x16000x128xf32, #tpu.memory_space<hbm>> -> memref<1x128x128xf32, #tpu.memory_space<hbm>>
        %dma_start3A_463 = tpu.memref_squeeze %dma_start3A_462 : memref<1x128x128xf32, #tpu.memory_space<hbm>> -> memref<128x128xf32, #tpu.memory_space<hbm>>
        tpu.enqueue_dma source(%dma_start3A_463 : memref<128x128xf32, #tpu.memory_space<hbm>>) target(%dma_start3A_460 : memref<128x128xf32, #tpu.memory_space<vmem>>) target_semaphore(%arg20 : memref<!tpu.dma_semaphore, #tpu.memory_space<semaphore_mem>>)
        %mul3A_464 = arith.constant 1024 : i32
        %mul3A_465 = arith.muli %arg1, %mul3A_464 : i32
        %add3A_466 = arith.constant 512 : i32
        %add3A_467 = arith.addi %mul3A_465, %add3A_466 : i32
        %dma_start3A_468 = arith.constant 0 : i32
        %dma_start3A_469 = arith.constant 0 : i32
        %dma_start3A_470 = tpu.memref_slice %arg9[%dma_start3A_468, %dma_start3A_469] : memref<1x128xi32, #tpu.memory_space<vmem>> -> memref<1x128xi32, #tpu.memory_space<vmem>>
        %dma_start3A_471 = tpu.memref_squeeze %dma_start3A_470 : memref<1x128xi32, #tpu.memory_space<vmem>> -> memref<128xi32, #tpu.memory_space<vmem>>
        %dma_start3A_472 = tpu.memref_slice %arg3[%add3A_198, %add3A_467] : memref<32x16000xi32, #tpu.memory_space<hbm>> -> memref<1x128xi32, #tpu.memory_space<hbm>>
        %dma_start3A_473 = tpu.memref_squeeze %dma_start3A_472 : memref<1x128xi32, #tpu.memory_space<hbm>> -> memref<128xi32, #tpu.memory_space<hbm>>
        %dma_start3A_474 = arith.constant 0 : i32
        %dma_start3A_475 = tpu.memref_slice %arg9[%dma_start3A_468, %dma_start3A_474] : memref<1x128xi32, #tpu.memory_space<vmem>> -> memref<1x128xi32, #tpu.memory_space<vmem>>
        %dma_start3A_476 = tpu.memref_squeeze %dma_start3A_475 : memref<1x128xi32, #tpu.memory_space<vmem>> -> memref<128xi32, #tpu.memory_space<vmem>>
        %dma_start3A_477 = tpu.memref_slice %arg3[%add3A_198, %add3A_467] : memref<32x16000xi32, #tpu.memory_space<hbm>> -> memref<1x128xi32, #tpu.memory_space<hbm>>
        %dma_start3A_478 = tpu.memref_squeeze %dma_start3A_477 : memref<1x128xi32, #tpu.memory_space<hbm>> -> memref<128xi32, #tpu.memory_space<hbm>>
        tpu.enqueue_dma source(%dma_start3A_478 : memref<128xi32, #tpu.memory_space<hbm>>) target(%dma_start3A_476 : memref<128xi32, #tpu.memory_space<vmem>>) target_semaphore(%arg16 : memref<!tpu.dma_semaphore, #tpu.memory_space<semaphore_mem>>)
        %mul3A_479 = arith.constant 1024 : i32
        %mul3A_480 = arith.muli %arg1, %mul3A_479 : i32
        %add3A_481 = arith.constant 256 : i32
        %add3A_482 = arith.addi %mul3A_480, %add3A_481 : i32
        %dma_wait3A_483 = arith.constant 0 : i32
        %dma_wait3A_484 = arith.constant 0 : i32
        %dma_wait3A_485 = tpu.memref_slice %arg11[%dma_wait3A_483, %dma_wait3A_484] : memref<1x128xi32, #tpu.memory_space<vmem>> -> memref<1x128xi32, #tpu.memory_space<vmem>>
        %dma_wait3A_486 = tpu.memref_squeeze %dma_wait3A_485 : memref<1x128xi32, #tpu.memory_space<vmem>> -> memref<128xi32, #tpu.memory_space<vmem>>
        %dma_wait3A_487 = tpu.memref_slice %arg3[%add3A_198, %add3A_482] : memref<32x16000xi32, #tpu.memory_space<hbm>> -> memref<1x128xi32, #tpu.memory_space<hbm>>
        %dma_wait3A_488 = tpu.memref_squeeze %dma_wait3A_487 : memref<1x128xi32, #tpu.memory_space<hbm>> -> memref<128xi32, #tpu.memory_space<hbm>>
        %dma_wait3A_489 = arith.constant 0 : i32
        %dma_wait3A_490 = tpu.memref_slice %arg11[%dma_wait3A_483, %dma_wait3A_489] : memref<1x128xi32, #tpu.memory_space<vmem>> -> memref<1x128xi32, #tpu.memory_space<vmem>>
        %dma_wait3A_491 = tpu.memref_squeeze %dma_wait3A_490 : memref<1x128xi32, #tpu.memory_space<vmem>> -> memref<128xi32, #tpu.memory_space<vmem>>
        %dma_wait3A_492 = tpu.memref_slice %arg3[%add3A_198, %add3A_482] : memref<32x16000xi32, #tpu.memory_space<hbm>> -> memref<1x128xi32, #tpu.memory_space<hbm>>
        %dma_wait3A_493 = tpu.memref_squeeze %dma_wait3A_492 : memref<1x128xi32, #tpu.memory_space<hbm>> -> memref<128xi32, #tpu.memory_space<hbm>>
        tpu.wait_dma2 semaphore(%arg18 : memref<!tpu.dma_semaphore, #tpu.memory_space<semaphore_mem>>) src(%dma_wait3A_493 : memref<128xi32, #tpu.memory_space<hbm>>) dst(%dma_wait3A_491 : memref<128xi32, #tpu.memory_space<vmem>>)
        %mul3A_494 = arith.constant 1024 : i32
        %mul3A_495 = arith.muli %arg1, %mul3A_494 : i32
        %add3A_496 = arith.constant 256 : i32
        %add3A_497 = arith.addi %mul3A_495, %add3A_496 : i32
        %dma_wait3A_498 = arith.constant 0 : i32
        %dma_wait3A_499 = arith.constant 0 : i32
        %dma_wait3A_500 = tpu.memref_slice %arg7[%dma_wait3A_498, %dma_wait3A_499] : memref<128x128xf32, #tpu.memory_space<vmem>> -> memref<128x128xf32, #tpu.memory_space<vmem>>
        %dma_wait3A_501 = arith.constant 0 : i32
        %dma_wait3A_502 = tpu.memref_slice %arg2[%add3A_198, %add3A_497, %dma_wait3A_501] : memref<32x16000x128xf32, #tpu.memory_space<hbm>> -> memref<1x128x128xf32, #tpu.memory_space<hbm>>
        %dma_wait3A_503 = tpu.memref_squeeze %dma_wait3A_502 : memref<1x128x128xf32, #tpu.memory_space<hbm>> -> memref<128x128xf32, #tpu.memory_space<hbm>>
        %dma_wait3A_504 = arith.constant 0 : i32
        %dma_wait3A_505 = arith.constant 0 : i32
        %dma_wait3A_506 = tpu.memref_slice %arg7[%dma_wait3A_504, %dma_wait3A_505] : memref<128x128xf32, #tpu.memory_space<vmem>> -> memref<128x128xf32, #tpu.memory_space<vmem>>
        %dma_wait3A_507 = arith.constant 0 : i32
        %dma_wait3A_508 = tpu.memref_slice %arg2[%add3A_198, %add3A_497, %dma_wait3A_507] : memref<32x16000x128xf32, #tpu.memory_space<hbm>> -> memref<1x128x128xf32, #tpu.memory_space<hbm>>
        %dma_wait3A_509 = tpu.memref_squeeze %dma_wait3A_508 : memref<1x128x128xf32, #tpu.memory_space<hbm>> -> memref<128x128xf32, #tpu.memory_space<hbm>>
        tpu.wait_dma2 semaphore(%arg22 : memref<!tpu.dma_semaphore, #tpu.memory_space<semaphore_mem>>) src(%dma_wait3A_509 : memref<128x128xf32, #tpu.memory_space<hbm>>) dst(%dma_wait3A_506 : memref<128x128xf32, #tpu.memory_space<vmem>>)
        %dma_start3A_510 = arith.constant 0 : i32
        %dma_start3A_511 = arith.constant 0 : i32
        %dma_start3A_512 = arith.constant 0 : i32
        %dma_start3A_513 = tpu.memref_slice %arg7[%dma_start3A_511, %dma_start3A_512] : memref<128x128xf32, #tpu.memory_space<vmem>> -> memref<128x128xf32, #tpu.memory_space<vmem>>
        %dma_start3A_514 = arith.constant 0 : i32
        %dma_start3A_515 = tpu.memref_slice %arg11[%dma_start3A_510, %dma_start3A_514] : memref<1x128xi32, #tpu.memory_space<vmem>> -> memref<1x128xi32, #tpu.memory_space<vmem>>
        %dma_start3A_516 = tpu.memref_squeeze %dma_start3A_515 : memref<1x128xi32, #tpu.memory_space<vmem>> -> memref<128xi32, #tpu.memory_space<vmem>>
        %dma_start3A_517 = arith.constant 0 : i32
        %dma_start3A_518 = arith.constant 0 : i32
        %dma_start3A_519 = tpu.memref_slice %arg15[%dma_start3A_517, %dma_start3A_518] : memref<1024x128xf32, #tpu.memory_space<vmem_shared>> -> memref<1024x128xf32, #tpu.memory_space<vmem_shared>>
        tpu.enqueue_indirect_dma source(%dma_start3A_513 : memref<128x128xf32, #tpu.memory_space<vmem>>) target(%dma_start3A_519 : memref<1024x128xf32, #tpu.memory_space<vmem_shared>>) offsets(%dma_start3A_516 : memref<128xi32, #tpu.memory_space<vmem>>) semaphore(%arg26 : memref<!tpu.dma_semaphore, #tpu.memory_space<semaphore_mem>>) {add = true}
        %dma_wait3A_520 = arith.constant 0 : i32
        %dma_wait3A_521 = arith.constant 0 : i32
        %dma_wait3A_522 = arith.constant 0 : i32
        %dma_wait3A_523 = tpu.memref_slice %arg6[%dma_wait3A_521, %dma_wait3A_522] : memref<128x128xf32, #tpu.memory_space<vmem>> -> memref<128x128xf32, #tpu.memory_space<vmem>>
        %dma_wait3A_524 = arith.constant 0 : i32
        %dma_wait3A_525 = tpu.memref_slice %arg10[%dma_wait3A_520, %dma_wait3A_524] : memref<1x128xi32, #tpu.memory_space<vmem>> -> memref<1x128xi32, #tpu.memory_space<vmem>>
        %dma_wait3A_526 = tpu.memref_squeeze %dma_wait3A_525 : memref<1x128xi32, #tpu.memory_space<vmem>> -> memref<128xi32, #tpu.memory_space<vmem>>
        %dma_wait3A_527 = arith.constant 0 : i32
        %dma_wait3A_528 = arith.constant 0 : i32
        %dma_wait3A_529 = tpu.memref_slice %arg15[%dma_wait3A_527, %dma_wait3A_528] : memref<1024x128xf32, #tpu.memory_space<vmem_shared>> -> memref<1024x128xf32, #tpu.memory_space<vmem_shared>>
        tpu.wait_indirect_dma semaphore(%arg25 : memref<!tpu.dma_semaphore, #tpu.memory_space<semaphore_mem>>) src(%dma_wait3A_523 : memref<128x128xf32, #tpu.memory_space<vmem>>) dst(%dma_wait3A_529 : memref<1024x128xf32, #tpu.memory_space<vmem_shared>>)
        %mul3A_530 = arith.constant 1024 : i32
        %mul3A_531 = arith.muli %arg1, %mul3A_530 : i32
        %add3A_532 = arith.constant 640 : i32
        %add3A_533 = arith.addi %mul3A_531, %add3A_532 : i32
        %dma_start3A_534 = arith.constant 0 : i32
        %dma_start3A_535 = arith.constant 0 : i32
        %dma_start3A_536 = tpu.memref_slice %arg6[%dma_start3A_534, %dma_start3A_535] : memref<128x128xf32, #tpu.memory_space<vmem>> -> memref<128x128xf32, #tpu.memory_space<vmem>>
        %dma_start3A_537 = arith.constant 0 : i32
        %dma_start3A_538 = tpu.memref_slice %arg2[%add3A_198, %add3A_533, %dma_start3A_537] : memref<32x16000x128xf32, #tpu.memory_space<hbm>> -> memref<1x128x128xf32, #tpu.memory_space<hbm>>
        %dma_start3A_539 = tpu.memref_squeeze %dma_start3A_538 : memref<1x128x128xf32, #tpu.memory_space<hbm>> -> memref<128x128xf32, #tpu.memory_space<hbm>>
        %dma_start3A_540 = arith.constant 0 : i32
        %dma_start3A_541 = arith.constant 0 : i32
        %dma_start3A_542 = tpu.memref_slice %arg6[%dma_start3A_540, %dma_start3A_541] : memref<128x128xf32, #tpu.memory_space<vmem>> -> memref<128x128xf32, #tpu.memory_space<vmem>>
        %dma_start3A_543 = arith.constant 0 : i32
        %dma_start3A_544 = tpu.memref_slice %arg2[%add3A_198, %add3A_533, %dma_start3A_543] : memref<32x16000x128xf32, #tpu.memory_space<hbm>> -> memref<1x128x128xf32, #tpu.memory_space<hbm>>
        %dma_start3A_545 = tpu.memref_squeeze %dma_start3A_544 : memref<1x128x128xf32, #tpu.memory_space<hbm>> -> memref<128x128xf32, #tpu.memory_space<hbm>>
        tpu.enqueue_dma source(%dma_start3A_545 : memref<128x128xf32, #tpu.memory_space<hbm>>) target(%dma_start3A_542 : memref<128x128xf32, #tpu.memory_space<vmem>>) target_semaphore(%arg21 : memref<!tpu.dma_semaphore, #tpu.memory_space<semaphore_mem>>)
        %mul3A_546 = arith.constant 1024 : i32
        %mul3A_547 = arith.muli %arg1, %mul3A_546 : i32
        %add3A_548 = arith.constant 640 : i32
        %add3A_549 = arith.addi %mul3A_547, %add3A_548 : i32
        %dma_start3A_550 = arith.constant 0 : i32
        %dma_start3A_551 = arith.constant 0 : i32
        %dma_start3A_552 = tpu.memref_slice %arg10[%dma_start3A_550, %dma_start3A_551] : memref<1x128xi32, #tpu.memory_space<vmem>> -> memref<1x128xi32, #tpu.memory_space<vmem>>
        %dma_start3A_553 = tpu.memref_squeeze %dma_start3A_552 : memref<1x128xi32, #tpu.memory_space<vmem>> -> memref<128xi32, #tpu.memory_space<vmem>>
        %dma_start3A_554 = tpu.memref_slice %arg3[%add3A_198, %add3A_549] : memref<32x16000xi32, #tpu.memory_space<hbm>> -> memref<1x128xi32, #tpu.memory_space<hbm>>
        %dma_start3A_555 = tpu.memref_squeeze %dma_start3A_554 : memref<1x128xi32, #tpu.memory_space<hbm>> -> memref<128xi32, #tpu.memory_space<hbm>>
        %dma_start3A_556 = arith.constant 0 : i32
        %dma_start3A_557 = tpu.memref_slice %arg10[%dma_start3A_550, %dma_start3A_556] : memref<1x128xi32, #tpu.memory_space<vmem>> -> memref<1x128xi32, #tpu.memory_space<vmem>>
        %dma_start3A_558 = tpu.memref_squeeze %dma_start3A_557 : memref<1x128xi32, #tpu.memory_space<vmem>> -> memref<128xi32, #tpu.memory_space<vmem>>
        %dma_start3A_559 = tpu.memref_slice %arg3[%add3A_198, %add3A_549] : memref<32x16000xi32, #tpu.memory_space<hbm>> -> memref<1x128xi32, #tpu.memory_space<hbm>>
        %dma_start3A_560 = tpu.memref_squeeze %dma_start3A_559 : memref<1x128xi32, #tpu.memory_space<hbm>> -> memref<128xi32, #tpu.memory_space<hbm>>
        tpu.enqueue_dma source(%dma_start3A_560 : memref<128xi32, #tpu.memory_space<hbm>>) target(%dma_start3A_558 : memref<128xi32, #tpu.memory_space<vmem>>) target_semaphore(%arg17 : memref<!tpu.dma_semaphore, #tpu.memory_space<semaphore_mem>>)
        %mul3A_561 = arith.constant 1024 : i32
        %mul3A_562 = arith.muli %arg1, %mul3A_561 : i32
        %add3A_563 = arith.constant 384 : i32
        %add3A_564 = arith.addi %mul3A_562, %add3A_563 : i32
        %dma_wait3A_565 = arith.constant 0 : i32
        %dma_wait3A_566 = arith.constant 0 : i32
        %dma_wait3A_567 = tpu.memref_slice %arg12[%dma_wait3A_565, %dma_wait3A_566] : memref<1x128xi32, #tpu.memory_space<vmem>> -> memref<1x128xi32, #tpu.memory_space<vmem>>
        %dma_wait3A_568 = tpu.memref_squeeze %dma_wait3A_567 : memref<1x128xi32, #tpu.memory_space<vmem>> -> memref<128xi32, #tpu.memory_space<vmem>>
        %dma_wait3A_569 = tpu.memref_slice %arg3[%add3A_198, %add3A_564] : memref<32x16000xi32, #tpu.memory_space<hbm>> -> memref<1x128xi32, #tpu.memory_space<hbm>>
        %dma_wait3A_570 = tpu.memref_squeeze %dma_wait3A_569 : memref<1x128xi32, #tpu.memory_space<hbm>> -> memref<128xi32, #tpu.memory_space<hbm>>
        %dma_wait3A_571 = arith.constant 0 : i32
        %dma_wait3A_572 = tpu.memref_slice %arg12[%dma_wait3A_565, %dma_wait3A_571] : memref<1x128xi32, #tpu.memory_space<vmem>> -> memref<1x128xi32, #tpu.memory_space<vmem>>
        %dma_wait3A_573 = tpu.memref_squeeze %dma_wait3A_572 : memref<1x128xi32, #tpu.memory_space<vmem>> -> memref<128xi32, #tpu.memory_space<vmem>>
        %dma_wait3A_574 = tpu.memref_slice %arg3[%add3A_198, %add3A_564] : memref<32x16000xi32, #tpu.memory_space<hbm>> -> memref<1x128xi32, #tpu.memory_space<hbm>>
        %dma_wait3A_575 = tpu.memref_squeeze %dma_wait3A_574 : memref<1x128xi32, #tpu.memory_space<hbm>> -> memref<128xi32, #tpu.memory_space<hbm>>
        tpu.wait_dma2 semaphore(%arg19 : memref<!tpu.dma_semaphore, #tpu.memory_space<semaphore_mem>>) src(%dma_wait3A_575 : memref<128xi32, #tpu.memory_space<hbm>>) dst(%dma_wait3A_573 : memref<128xi32, #tpu.memory_space<vmem>>)
        %mul3A_576 = arith.constant 1024 : i32
        %mul3A_577 = arith.muli %arg1, %mul3A_576 : i32
        %add3A_578 = arith.constant 384 : i32
        %add3A_579 = arith.addi %mul3A_577, %add3A_578 : i32
        %dma_wait3A_580 = arith.constant 0 : i32
        %dma_wait3A_581 = arith.constant 0 : i32
        %dma_wait3A_582 = tpu.memref_slice %arg8[%dma_wait3A_580, %dma_wait3A_581] : memref<128x128xf32, #tpu.memory_space<vmem>> -> memref<128x128xf32, #tpu.memory_space<vmem>>
        %dma_wait3A_583 = arith.constant 0 : i32
        %dma_wait3A_584 = tpu.memref_slice %arg2[%add3A_198, %add3A_579, %dma_wait3A_583] : memref<32x16000x128xf32, #tpu.memory_space<hbm>> -> memref<1x128x128xf32, #tpu.memory_space<hbm>>
        %dma_wait3A_585 = tpu.memref_squeeze %dma_wait3A_584 : memref<1x128x128xf32, #tpu.memory_space<hbm>> -> memref<128x128xf32, #tpu.memory_space<hbm>>
        %dma_wait3A_586 = arith.constant 0 : i32
        %dma_wait3A_587 = arith.constant 0 : i32
        %dma_wait3A_588 = tpu.memref_slice %arg8[%dma_wait3A_586, %dma_wait3A_587] : memref<128x128xf32, #tpu.memory_space<vmem>> -> memref<128x128xf32, #tpu.memory_space<vmem>>
        %dma_wait3A_589 = arith.constant 0 : i32
        %dma_wait3A_590 = tpu.memref_slice %arg2[%add3A_198, %add3A_579, %dma_wait3A_589] : memref<32x16000x128xf32, #tpu.memory_space<hbm>> -> memref<1x128x128xf32, #tpu.memory_space<hbm>>
        %dma_wait3A_591 = tpu.memref_squeeze %dma_wait3A_590 : memref<1x128x128xf32, #tpu.memory_space<hbm>> -> memref<128x128xf32, #tpu.memory_space<hbm>>
        tpu.wait_dma2 semaphore(%arg23 : memref<!tpu.dma_semaphore, #tpu.memory_space<semaphore_mem>>) src(%dma_wait3A_591 : memref<128x128xf32, #tpu.memory_space<hbm>>) dst(%dma_wait3A_588 : memref<128x128xf32, #tpu.memory_space<vmem>>)
        %dma_start3A_592 = arith.constant 0 : i32
        %dma_start3A_593 = arith.constant 0 : i32
        %dma_start3A_594 = arith.constant 0 : i32
        %dma_start3A_595 = tpu.memref_slice %arg8[%dma_start3A_593, %dma_start3A_594] : memref<128x128xf32, #tpu.memory_space<vmem>> -> memref<128x128xf32, #tpu.memory_space<vmem>>
        %dma_start3A_596 = arith.constant 0 : i32
        %dma_start3A_597 = tpu.memref_slice %arg12[%dma_start3A_592, %dma_start3A_596] : memref<1x128xi32, #tpu.memory_space<vmem>> -> memref<1x128xi32, #tpu.memory_space<vmem>>
        %dma_start3A_598 = tpu.memref_squeeze %dma_start3A_597 : memref<1x128xi32, #tpu.memory_space<vmem>> -> memref<128xi32, #tpu.memory_space<vmem>>
        %dma_start3A_599 = arith.constant 0 : i32
        %dma_start3A_600 = arith.constant 0 : i32
        %dma_start3A_601 = tpu.memref_slice %arg15[%dma_start3A_599, %dma_start3A_600] : memref<1024x128xf32, #tpu.memory_space<vmem_shared>> -> memref<1024x128xf32, #tpu.memory_space<vmem_shared>>
        tpu.enqueue_indirect_dma source(%dma_start3A_595 : memref<128x128xf32, #tpu.memory_space<vmem>>) target(%dma_start3A_601 : memref<1024x128xf32, #tpu.memory_space<vmem_shared>>) offsets(%dma_start3A_598 : memref<128xi32, #tpu.memory_space<vmem>>) semaphore(%arg27 : memref<!tpu.dma_semaphore, #tpu.memory_space<semaphore_mem>>) {add = true}
        %dma_wait3A_602 = arith.constant 0 : i32
        %dma_wait3A_603 = arith.constant 0 : i32
        %dma_wait3A_604 = arith.constant 0 : i32
        %dma_wait3A_605 = tpu.memref_slice %arg7[%dma_wait3A_603, %dma_wait3A_604] : memref<128x128xf32, #tpu.memory_space<vmem>> -> memref<128x128xf32, #tpu.memory_space<vmem>>
        %dma_wait3A_606 = arith.constant 0 : i32
        %dma_wait3A_607 = tpu.memref_slice %arg11[%dma_wait3A_602, %dma_wait3A_606] : memref<1x128xi32, #tpu.memory_space<vmem>> -> memref<1x128xi32, #tpu.memory_space<vmem>>
        %dma_wait3A_608 = tpu.memref_squeeze %dma_wait3A_607 : memref<1x128xi32, #tpu.memory_space<vmem>> -> memref<128xi32, #tpu.memory_space<vmem>>
        %dma_wait3A_609 = arith.constant 0 : i32
        %dma_wait3A_610 = arith.constant 0 : i32
        %dma_wait3A_611 = tpu.memref_slice %arg15[%dma_wait3A_609, %dma_wait3A_610] : memref<1024x128xf32, #tpu.memory_space<vmem_shared>> -> memref<1024x128xf32, #tpu.memory_space<vmem_shared>>
        tpu.wait_indirect_dma semaphore(%arg26 : memref<!tpu.dma_semaphore, #tpu.memory_space<semaphore_mem>>) src(%dma_wait3A_605 : memref<128x128xf32, #tpu.memory_space<vmem>>) dst(%dma_wait3A_611 : memref<1024x128xf32, #tpu.memory_space<vmem_shared>>)
        %mul3A_612 = arith.constant 1024 : i32
        %mul3A_613 = arith.muli %arg1, %mul3A_612 : i32
        %add3A_614 = arith.constant 768 : i32
        %add3A_615 = arith.addi %mul3A_613, %add3A_614 : i32
        %dma_start3A_616 = arith.constant 0 : i32
        %dma_start3A_617 = arith.constant 0 : i32
        %dma_start3A_618 = tpu.memref_slice %arg7[%dma_start3A_616, %dma_start3A_617] : memref<128x128xf32, #tpu.memory_space<vmem>> -> memref<128x128xf32, #tpu.memory_space<vmem>>
        %dma_start3A_619 = arith.constant 0 : i32
        %dma_start3A_620 = tpu.memref_slice %arg2[%add3A_198, %add3A_615, %dma_start3A_619] : memref<32x16000x128xf32, #tpu.memory_space<hbm>> -> memref<1x128x128xf32, #tpu.memory_space<hbm>>
        %dma_start3A_621 = tpu.memref_squeeze %dma_start3A_620 : memref<1x128x128xf32, #tpu.memory_space<hbm>> -> memref<128x128xf32, #tpu.memory_space<hbm>>
        %dma_start3A_622 = arith.constant 0 : i32
        %dma_start3A_623 = arith.constant 0 : i32
        %dma_start3A_624 = tpu.memref_slice %arg7[%dma_start3A_622, %dma_start3A_623] : memref<128x128xf32, #tpu.memory_space<vmem>> -> memref<128x128xf32, #tpu.memory_space<vmem>>
        %dma_start3A_625 = arith.constant 0 : i32
        %dma_start3A_626 = tpu.memref_slice %arg2[%add3A_198, %add3A_615, %dma_start3A_625] : memref<32x16000x128xf32, #tpu.memory_space<hbm>> -> memref<1x128x128xf32, #tpu.memory_space<hbm>>
        %dma_start3A_627 = tpu.memref_squeeze %dma_start3A_626 : memref<1x128x128xf32, #tpu.memory_space<hbm>> -> memref<128x128xf32, #tpu.memory_space<hbm>>
        tpu.enqueue_dma source(%dma_start3A_627 : memref<128x128xf32, #tpu.memory_space<hbm>>) target(%dma_start3A_624 : memref<128x128xf32, #tpu.memory_space<vmem>>) target_semaphore(%arg22 : memref<!tpu.dma_semaphore, #tpu.memory_space<semaphore_mem>>)
        %mul3A_628 = arith.constant 1024 : i32
        %mul3A_629 = arith.muli %arg1, %mul3A_628 : i32
        %add3A_630 = arith.constant 768 : i32
        %add3A_631 = arith.addi %mul3A_629, %add3A_630 : i32
        %dma_start3A_632 = arith.constant 0 : i32
        %dma_start3A_633 = arith.constant 0 : i32
        %dma_start3A_634 = tpu.memref_slice %arg11[%dma_start3A_632, %dma_start3A_633] : memref<1x128xi32, #tpu.memory_space<vmem>> -> memref<1x128xi32, #tpu.memory_space<vmem>>
        %dma_start3A_635 = tpu.memref_squeeze %dma_start3A_634 : memref<1x128xi32, #tpu.memory_space<vmem>> -> memref<128xi32, #tpu.memory_space<vmem>>
        %dma_start3A_636 = tpu.memref_slice %arg3[%add3A_198, %add3A_631] : memref<32x16000xi32, #tpu.memory_space<hbm>> -> memref<1x128xi32, #tpu.memory_space<hbm>>
        %dma_start3A_637 = tpu.memref_squeeze %dma_start3A_636 : memref<1x128xi32, #tpu.memory_space<hbm>> -> memref<128xi32, #tpu.memory_space<hbm>>
        %dma_start3A_638 = arith.constant 0 : i32
        %dma_start3A_639 = tpu.memref_slice %arg11[%dma_start3A_632, %dma_start3A_638] : memref<1x128xi32, #tpu.memory_space<vmem>> -> memref<1x128xi32, #tpu.memory_space<vmem>>
        %dma_start3A_640 = tpu.memref_squeeze %dma_start3A_639 : memref<1x128xi32, #tpu.memory_space<vmem>> -> memref<128xi32, #tpu.memory_space<vmem>>
        %dma_start3A_641 = tpu.memref_slice %arg3[%add3A_198, %add3A_631] : memref<32x16000xi32, #tpu.memory_space<hbm>> -> memref<1x128xi32, #tpu.memory_space<hbm>>
        %dma_start3A_642 = tpu.memref_squeeze %dma_start3A_641 : memref<1x128xi32, #tpu.memory_space<hbm>> -> memref<128xi32, #tpu.memory_space<hbm>>
        tpu.enqueue_dma source(%dma_start3A_642 : memref<128xi32, #tpu.memory_space<hbm>>) target(%dma_start3A_640 : memref<128xi32, #tpu.memory_space<vmem>>) target_semaphore(%arg18 : memref<!tpu.dma_semaphore, #tpu.memory_space<semaphore_mem>>)
        %mul3A_643 = arith.constant 1024 : i32
        %mul3A_644 = arith.muli %arg1, %mul3A_643 : i32
        %add3A_645 = arith.constant 512 : i32
        %add3A_646 = arith.addi %mul3A_644, %add3A_645 : i32
        %dma_wait3A_647 = arith.constant 0 : i32
        %dma_wait3A_648 = arith.constant 0 : i32
        %dma_wait3A_649 = tpu.memref_slice %arg9[%dma_wait3A_647, %dma_wait3A_648] : memref<1x128xi32, #tpu.memory_space<vmem>> -> memref<1x128xi32, #tpu.memory_space<vmem>>
        %dma_wait3A_650 = tpu.memref_squeeze %dma_wait3A_649 : memref<1x128xi32, #tpu.memory_space<vmem>> -> memref<128xi32, #tpu.memory_space<vmem>>
        %dma_wait3A_651 = tpu.memref_slice %arg3[%add3A_198, %add3A_646] : memref<32x16000xi32, #tpu.memory_space<hbm>> -> memref<1x128xi32, #tpu.memory_space<hbm>>
        %dma_wait3A_652 = tpu.memref_squeeze %dma_wait3A_651 : memref<1x128xi32, #tpu.memory_space<hbm>> -> memref<128xi32, #tpu.memory_space<hbm>>
        %dma_wait3A_653 = arith.constant 0 : i32
        %dma_wait3A_654 = tpu.memref_slice %arg9[%dma_wait3A_647, %dma_wait3A_653] : memref<1x128xi32, #tpu.memory_space<vmem>> -> memref<1x128xi32, #tpu.memory_space<vmem>>
        %dma_wait3A_655 = tpu.memref_squeeze %dma_wait3A_654 : memref<1x128xi32, #tpu.memory_space<vmem>> -> memref<128xi32, #tpu.memory_space<vmem>>
        %dma_wait3A_656 = tpu.memref_slice %arg3[%add3A_198, %add3A_646] : memref<32x16000xi32, #tpu.memory_space<hbm>> -> memref<1x128xi32, #tpu.memory_space<hbm>>
        %dma_wait3A_657 = tpu.memref_squeeze %dma_wait3A_656 : memref<1x128xi32, #tpu.memory_space<hbm>> -> memref<128xi32, #tpu.memory_space<hbm>>
        tpu.wait_dma2 semaphore(%arg16 : memref<!tpu.dma_semaphore, #tpu.memory_space<semaphore_mem>>) src(%dma_wait3A_657 : memref<128xi32, #tpu.memory_space<hbm>>) dst(%dma_wait3A_655 : memref<128xi32, #tpu.memory_space<vmem>>)
        %mul3A_658 = arith.constant 1024 : i32
        %mul3A_659 = arith.muli %arg1, %mul3A_658 : i32
        %add3A_660 = arith.constant 512 : i32
        %add3A_661 = arith.addi %mul3A_659, %add3A_660 : i32
        %dma_wait3A_662 = arith.constant 0 : i32
        %dma_wait3A_663 = arith.constant 0 : i32
        %dma_wait3A_664 = tpu.memref_slice %arg5[%dma_wait3A_662, %dma_wait3A_663] : memref<128x128xf32, #tpu.memory_space<vmem>> -> memref<128x128xf32, #tpu.memory_space<vmem>>
        %dma_wait3A_665 = arith.constant 0 : i32
        %dma_wait3A_666 = tpu.memref_slice %arg2[%add3A_198, %add3A_661, %dma_wait3A_665] : memref<32x16000x128xf32, #tpu.memory_space<hbm>> -> memref<1x128x128xf32, #tpu.memory_space<hbm>>
        %dma_wait3A_667 = tpu.memref_squeeze %dma_wait3A_666 : memref<1x128x128xf32, #tpu.memory_space<hbm>> -> memref<128x128xf32, #tpu.memory_space<hbm>>
        %dma_wait3A_668 = arith.constant 0 : i32
        %dma_wait3A_669 = arith.constant 0 : i32
        %dma_wait3A_670 = tpu.memref_slice %arg5[%dma_wait3A_668, %dma_wait3A_669] : memref<128x128xf32, #tpu.memory_space<vmem>> -> memref<128x128xf32, #tpu.memory_space<vmem>>
        %dma_wait3A_671 = arith.constant 0 : i32
        %dma_wait3A_672 = tpu.memref_slice %arg2[%add3A_198, %add3A_661, %dma_wait3A_671] : memref<32x16000x128xf32, #tpu.memory_space<hbm>> -> memref<1x128x128xf32, #tpu.memory_space<hbm>>
        %dma_wait3A_673 = tpu.memref_squeeze %dma_wait3A_672 : memref<1x128x128xf32, #tpu.memory_space<hbm>> -> memref<128x128xf32, #tpu.memory_space<hbm>>
        tpu.wait_dma2 semaphore(%arg20 : memref<!tpu.dma_semaphore, #tpu.memory_space<semaphore_mem>>) src(%dma_wait3A_673 : memref<128x128xf32, #tpu.memory_space<hbm>>) dst(%dma_wait3A_670 : memref<128x128xf32, #tpu.memory_space<vmem>>)
        %dma_start3A_674 = arith.constant 0 : i32
        %dma_start3A_675 = arith.constant 0 : i32
        %dma_start3A_676 = arith.constant 0 : i32
        %dma_start3A_677 = tpu.memref_slice %arg5[%dma_start3A_675, %dma_start3A_676] : memref<128x128xf32, #tpu.memory_space<vmem>> -> memref<128x128xf32, #tpu.memory_space<vmem>>
        %dma_start3A_678 = arith.constant 0 : i32
        %dma_start3A_679 = tpu.memref_slice %arg9[%dma_start3A_674, %dma_start3A_678] : memref<1x128xi32, #tpu.memory_space<vmem>> -> memref<1x128xi32, #tpu.memory_space<vmem>>
        %dma_start3A_680 = tpu.memref_squeeze %dma_start3A_679 : memref<1x128xi32, #tpu.memory_space<vmem>> -> memref<128xi32, #tpu.memory_space<vmem>>
        %dma_start3A_681 = arith.constant 0 : i32
        %dma_start3A_682 = arith.constant 0 : i32
        %dma_start3A_683 = tpu.memref_slice %arg15[%dma_start3A_681, %dma_start3A_682] : memref<1024x128xf32, #tpu.memory_space<vmem_shared>> -> memref<1024x128xf32, #tpu.memory_space<vmem_shared>>
        tpu.enqueue_indirect_dma source(%dma_start3A_677 : memref<128x128xf32, #tpu.memory_space<vmem>>) target(%dma_start3A_683 : memref<1024x128xf32, #tpu.memory_space<vmem_shared>>) offsets(%dma_start3A_680 : memref<128xi32, #tpu.memory_space<vmem>>) semaphore(%arg24 : memref<!tpu.dma_semaphore, #tpu.memory_space<semaphore_mem>>) {add = true}
        %dma_wait3A_684 = arith.constant 0 : i32
        %dma_wait3A_685 = arith.constant 0 : i32
        %dma_wait3A_686 = arith.constant 0 : i32
        %dma_wait3A_687 = tpu.memref_slice %arg8[%dma_wait3A_685, %dma_wait3A_686] : memref<128x128xf32, #tpu.memory_space<vmem>> -> memref<128x128xf32, #tpu.memory_space<vmem>>
        %dma_wait3A_688 = arith.constant 0 : i32
        %dma_wait3A_689 = tpu.memref_slice %arg12[%dma_wait3A_684, %dma_wait3A_688] : memref<1x128xi32, #tpu.memory_space<vmem>> -> memref<1x128xi32, #tpu.memory_space<vmem>>
        %dma_wait3A_690 = tpu.memref_squeeze %dma_wait3A_689 : memref<1x128xi32, #tpu.memory_space<vmem>> -> memref<128xi32, #tpu.memory_space<vmem>>
        %dma_wait3A_691 = arith.constant 0 : i32
        %dma_wait3A_692 = arith.constant 0 : i32
        %dma_wait3A_693 = tpu.memref_slice %arg15[%dma_wait3A_691, %dma_wait3A_692] : memref<1024x128xf32, #tpu.memory_space<vmem_shared>> -> memref<1024x128xf32, #tpu.memory_space<vmem_shared>>
        tpu.wait_indirect_dma semaphore(%arg27 : memref<!tpu.dma_semaphore, #tpu.memory_space<semaphore_mem>>) src(%dma_wait3A_687 : memref<128x128xf32, #tpu.memory_space<vmem>>) dst(%dma_wait3A_693 : memref<1024x128xf32, #tpu.memory_space<vmem_shared>>)
        %mul3A_694 = arith.constant 1024 : i32
        %mul3A_695 = arith.muli %arg1, %mul3A_694 : i32
        %add3A_696 = arith.constant 896 : i32
        %add3A_697 = arith.addi %mul3A_695, %add3A_696 : i32
        %dma_start3A_698 = arith.constant 0 : i32
        %dma_start3A_699 = arith.constant 0 : i32
        %dma_start3A_700 = tpu.memref_slice %arg8[%dma_start3A_698, %dma_start3A_699] : memref<128x128xf32, #tpu.memory_space<vmem>> -> memref<128x128xf32, #tpu.memory_space<vmem>>
        %dma_start3A_701 = arith.constant 0 : i32
        %dma_start3A_702 = tpu.memref_slice %arg2[%add3A_198, %add3A_697, %dma_start3A_701] : memref<32x16000x128xf32, #tpu.memory_space<hbm>> -> memref<1x128x128xf32, #tpu.memory_space<hbm>>
        %dma_start3A_703 = tpu.memref_squeeze %dma_start3A_702 : memref<1x128x128xf32, #tpu.memory_space<hbm>> -> memref<128x128xf32, #tpu.memory_space<hbm>>
        %dma_start3A_704 = arith.constant 0 : i32
        %dma_start3A_705 = arith.constant 0 : i32
        %dma_start3A_706 = tpu.memref_slice %arg8[%dma_start3A_704, %dma_start3A_705] : memref<128x128xf32, #tpu.memory_space<vmem>> -> memref<128x128xf32, #tpu.memory_space<vmem>>
        %dma_start3A_707 = arith.constant 0 : i32
        %dma_start3A_708 = tpu.memref_slice %arg2[%add3A_198, %add3A_697, %dma_start3A_707] : memref<32x16000x128xf32, #tpu.memory_space<hbm>> -> memref<1x128x128xf32, #tpu.memory_space<hbm>>
        %dma_start3A_709 = tpu.memref_squeeze %dma_start3A_708 : memref<1x128x128xf32, #tpu.memory_space<hbm>> -> memref<128x128xf32, #tpu.memory_space<hbm>>
        tpu.enqueue_dma source(%dma_start3A_709 : memref<128x128xf32, #tpu.memory_space<hbm>>) target(%dma_start3A_706 : memref<128x128xf32, #tpu.memory_space<vmem>>) target_semaphore(%arg23 : memref<!tpu.dma_semaphore, #tpu.memory_space<semaphore_mem>>)
        %mul3A_710 = arith.constant 1024 : i32
        %mul3A_711 = arith.muli %arg1, %mul3A_710 : i32
        %add3A_712 = arith.constant 896 : i32
        %add3A_713 = arith.addi %mul3A_711, %add3A_712 : i32
        %dma_start3A_714 = arith.constant 0 : i32
        %dma_start3A_715 = arith.constant 0 : i32
        %dma_start3A_716 = tpu.memref_slice %arg12[%dma_start3A_714, %dma_start3A_715] : memref<1x128xi32, #tpu.memory_space<vmem>> -> memref<1x128xi32, #tpu.memory_space<vmem>>
        %dma_start3A_717 = tpu.memref_squeeze %dma_start3A_716 : memref<1x128xi32, #tpu.memory_space<vmem>> -> memref<128xi32, #tpu.memory_space<vmem>>
        %dma_start3A_718 = tpu.memref_slice %arg3[%add3A_198, %add3A_713] : memref<32x16000xi32, #tpu.memory_space<hbm>> -> memref<1x128xi32, #tpu.memory_space<hbm>>
        %dma_start3A_719 = tpu.memref_squeeze %dma_start3A_718 : memref<1x128xi32, #tpu.memory_space<hbm>> -> memref<128xi32, #tpu.memory_space<hbm>>
        %dma_start3A_720 = arith.constant 0 : i32
        %dma_start3A_721 = tpu.memref_slice %arg12[%dma_start3A_714, %dma_start3A_720] : memref<1x128xi32, #tpu.memory_space<vmem>> -> memref<1x128xi32, #tpu.memory_space<vmem>>
        %dma_start3A_722 = tpu.memref_squeeze %dma_start3A_721 : memref<1x128xi32, #tpu.memory_space<vmem>> -> memref<128xi32, #tpu.memory_space<vmem>>
        %dma_start3A_723 = tpu.memref_slice %arg3[%add3A_198, %add3A_713] : memref<32x16000xi32, #tpu.memory_space<hbm>> -> memref<1x128xi32, #tpu.memory_space<hbm>>
        %dma_start3A_724 = tpu.memref_squeeze %dma_start3A_723 : memref<1x128xi32, #tpu.memory_space<hbm>> -> memref<128xi32, #tpu.memory_space<hbm>>
        tpu.enqueue_dma source(%dma_start3A_724 : memref<128xi32, #tpu.memory_space<hbm>>) target(%dma_start3A_722 : memref<128xi32, #tpu.memory_space<vmem>>) target_semaphore(%arg19 : memref<!tpu.dma_semaphore, #tpu.memory_space<semaphore_mem>>)
        %mul3A_725 = arith.constant 1024 : i32
        %mul3A_726 = arith.muli %arg1, %mul3A_725 : i32
        %add3A_727 = arith.constant 640 : i32
        %add3A_728 = arith.addi %mul3A_726, %add3A_727 : i32
        %dma_wait3A_729 = arith.constant 0 : i32
        %dma_wait3A_730 = arith.constant 0 : i32
        %dma_wait3A_731 = tpu.memref_slice %arg10[%dma_wait3A_729, %dma_wait3A_730] : memref<1x128xi32, #tpu.memory_space<vmem>> -> memref<1x128xi32, #tpu.memory_space<vmem>>
        %dma_wait3A_732 = tpu.memref_squeeze %dma_wait3A_731 : memref<1x128xi32, #tpu.memory_space<vmem>> -> memref<128xi32, #tpu.memory_space<vmem>>
        %dma_wait3A_733 = tpu.memref_slice %arg3[%add3A_198, %add3A_728] : memref<32x16000xi32, #tpu.memory_space<hbm>> -> memref<1x128xi32, #tpu.memory_space<hbm>>
        %dma_wait3A_734 = tpu.memref_squeeze %dma_wait3A_733 : memref<1x128xi32, #tpu.memory_space<hbm>> -> memref<128xi32, #tpu.memory_space<hbm>>
        %dma_wait3A_735 = arith.constant 0 : i32
        %dma_wait3A_736 = tpu.memref_slice %arg10[%dma_wait3A_729, %dma_wait3A_735] : memref<1x128xi32, #tpu.memory_space<vmem>> -> memref<1x128xi32, #tpu.memory_space<vmem>>
        %dma_wait3A_737 = tpu.memref_squeeze %dma_wait3A_736 : memref<1x128xi32, #tpu.memory_space<vmem>> -> memref<128xi32, #tpu.memory_space<vmem>>
        %dma_wait3A_738 = tpu.memref_slice %arg3[%add3A_198, %add3A_728] : memref<32x16000xi32, #tpu.memory_space<hbm>> -> memref<1x128xi32, #tpu.memory_space<hbm>>
        %dma_wait3A_739 = tpu.memref_squeeze %dma_wait3A_738 : memref<1x128xi32, #tpu.memory_space<hbm>> -> memref<128xi32, #tpu.memory_space<hbm>>
        tpu.wait_dma2 semaphore(%arg17 : memref<!tpu.dma_semaphore, #tpu.memory_space<semaphore_mem>>) src(%dma_wait3A_739 : memref<128xi32, #tpu.memory_space<hbm>>) dst(%dma_wait3A_737 : memref<128xi32, #tpu.memory_space<vmem>>)
        %mul3A_740 = arith.constant 1024 : i32
        %mul3A_741 = arith.muli %arg1, %mul3A_740 : i32
        %add3A_742 = arith.constant 640 : i32
        %add3A_743 = arith.addi %mul3A_741, %add3A_742 : i32
        %dma_wait3A_744 = arith.constant 0 : i32
        %dma_wait3A_745 = arith.constant 0 : i32
        %dma_wait3A_746 = tpu.memref_slice %arg6[%dma_wait3A_744, %dma_wait3A_745] : memref<128x128xf32, #tpu.memory_space<vmem>> -> memref<128x128xf32, #tpu.memory_space<vmem>>
        %dma_wait3A_747 = arith.constant 0 : i32
        %dma_wait3A_748 = tpu.memref_slice %arg2[%add3A_198, %add3A_743, %dma_wait3A_747] : memref<32x16000x128xf32, #tpu.memory_space<hbm>> -> memref<1x128x128xf32, #tpu.memory_space<hbm>>
        %dma_wait3A_749 = tpu.memref_squeeze %dma_wait3A_748 : memref<1x128x128xf32, #tpu.memory_space<hbm>> -> memref<128x128xf32, #tpu.memory_space<hbm>>
        %dma_wait3A_750 = arith.constant 0 : i32
        %dma_wait3A_751 = arith.constant 0 : i32
        %dma_wait3A_752 = tpu.memref_slice %arg6[%dma_wait3A_750, %dma_wait3A_751] : memref<128x128xf32, #tpu.memory_space<vmem>> -> memref<128x128xf32, #tpu.memory_space<vmem>>
        %dma_wait3A_753 = arith.constant 0 : i32
        %dma_wait3A_754 = tpu.memref_slice %arg2[%add3A_198, %add3A_743, %dma_wait3A_753] : memref<32x16000x128xf32, #tpu.memory_space<hbm>> -> memref<1x128x128xf32, #tpu.memory_space<hbm>>
        %dma_wait3A_755 = tpu.memref_squeeze %dma_wait3A_754 : memref<1x128x128xf32, #tpu.memory_space<hbm>> -> memref<128x128xf32, #tpu.memory_space<hbm>>
        tpu.wait_dma2 semaphore(%arg21 : memref<!tpu.dma_semaphore, #tpu.memory_space<semaphore_mem>>) src(%dma_wait3A_755 : memref<128x128xf32, #tpu.memory_space<hbm>>) dst(%dma_wait3A_752 : memref<128x128xf32, #tpu.memory_space<vmem>>)
        %dma_start3A_756 = arith.constant 0 : i32
        %dma_start3A_757 = arith.constant 0 : i32
        %dma_start3A_758 = arith.constant 0 : i32
        %dma_start3A_759 = tpu.memref_slice %arg6[%dma_start3A_757, %dma_start3A_758] : memref<128x128xf32, #tpu.memory_space<vmem>> -> memref<128x128xf32, #tpu.memory_space<vmem>>
        %dma_start3A_760 = arith.constant 0 : i32
        %dma_start3A_761 = tpu.memref_slice %arg10[%dma_start3A_756, %dma_start3A_760] : memref<1x128xi32, #tpu.memory_space<vmem>> -> memref<1x128xi32, #tpu.memory_space<vmem>>
        %dma_start3A_762 = tpu.memref_squeeze %dma_start3A_761 : memref<1x128xi32, #tpu.memory_space<vmem>> -> memref<128xi32, #tpu.memory_space<vmem>>
        %dma_start3A_763 = arith.constant 0 : i32
        %dma_start3A_764 = arith.constant 0 : i32
        %dma_start3A_765 = tpu.memref_slice %arg15[%dma_start3A_763, %dma_start3A_764] : memref<1024x128xf32, #tpu.memory_space<vmem_shared>> -> memref<1024x128xf32, #tpu.memory_space<vmem_shared>>
        tpu.enqueue_indirect_dma source(%dma_start3A_759 : memref<128x128xf32, #tpu.memory_space<vmem>>) target(%dma_start3A_765 : memref<1024x128xf32, #tpu.memory_space<vmem_shared>>) offsets(%dma_start3A_762 : memref<128xi32, #tpu.memory_space<vmem>>) semaphore(%arg25 : memref<!tpu.dma_semaphore, #tpu.memory_space<semaphore_mem>>) {add = true}
        %dma_wait3A_766 = arith.constant 0 : i32
        %dma_wait3A_767 = arith.constant 0 : i32
        %dma_wait3A_768 = arith.constant 0 : i32
        %dma_wait3A_769 = tpu.memref_slice %arg5[%dma_wait3A_767, %dma_wait3A_768] : memref<128x128xf32, #tpu.memory_space<vmem>> -> memref<128x128xf32, #tpu.memory_space<vmem>>
        %dma_wait3A_770 = arith.constant 0 : i32
        %dma_wait3A_771 = tpu.memref_slice %arg9[%dma_wait3A_766, %dma_wait3A_770] : memref<1x128xi32, #tpu.memory_space<vmem>> -> memref<1x128xi32, #tpu.memory_space<vmem>>
        %dma_wait3A_772 = tpu.memref_squeeze %dma_wait3A_771 : memref<1x128xi32, #tpu.memory_space<vmem>> -> memref<128xi32, #tpu.memory_space<vmem>>
        %dma_wait3A_773 = arith.constant 0 : i32
        %dma_wait3A_774 = arith.constant 0 : i32
        %dma_wait3A_775 = tpu.memref_slice %arg15[%dma_wait3A_773, %dma_wait3A_774] : memref<1024x128xf32, #tpu.memory_space<vmem_shared>> -> memref<1024x128xf32, #tpu.memory_space<vmem_shared>>
        tpu.wait_indirect_dma semaphore(%arg24 : memref<!tpu.dma_semaphore, #tpu.memory_space<semaphore_mem>>) src(%dma_wait3A_769 : memref<128x128xf32, #tpu.memory_space<vmem>>) dst(%dma_wait3A_775 : memref<1024x128xf32, #tpu.memory_space<vmem_shared>>)
        %mul3A_776 = arith.constant 1024 : i32
        %mul3A_777 = arith.muli %arg1, %mul3A_776 : i32
        %add3A_778 = arith.constant 768 : i32
        %add3A_779 = arith.addi %mul3A_777, %add3A_778 : i32
        %dma_wait3A_780 = arith.constant 0 : i32
        %dma_wait3A_781 = arith.constant 0 : i32
        %dma_wait3A_782 = tpu.memref_slice %arg11[%dma_wait3A_780, %dma_wait3A_781] : memref<1x128xi32, #tpu.memory_space<vmem>> -> memref<1x128xi32, #tpu.memory_space<vmem>>
        %dma_wait3A_783 = tpu.memref_squeeze %dma_wait3A_782 : memref<1x128xi32, #tpu.memory_space<vmem>> -> memref<128xi32, #tpu.memory_space<vmem>>
        %dma_wait3A_784 = tpu.memref_slice %arg3[%add3A_198, %add3A_779] : memref<32x16000xi32, #tpu.memory_space<hbm>> -> memref<1x128xi32, #tpu.memory_space<hbm>>
        %dma_wait3A_785 = tpu.memref_squeeze %dma_wait3A_784 : memref<1x128xi32, #tpu.memory_space<hbm>> -> memref<128xi32, #tpu.memory_space<hbm>>
        %dma_wait3A_786 = arith.constant 0 : i32
        %dma_wait3A_787 = tpu.memref_slice %arg11[%dma_wait3A_780, %dma_wait3A_786] : memref<1x128xi32, #tpu.memory_space<vmem>> -> memref<1x128xi32, #tpu.memory_space<vmem>>
        %dma_wait3A_788 = tpu.memref_squeeze %dma_wait3A_787 : memref<1x128xi32, #tpu.memory_space<vmem>> -> memref<128xi32, #tpu.memory_space<vmem>>
        %dma_wait3A_789 = tpu.memref_slice %arg3[%add3A_198, %add3A_779] : memref<32x16000xi32, #tpu.memory_space<hbm>> -> memref<1x128xi32, #tpu.memory_space<hbm>>
        %dma_wait3A_790 = tpu.memref_squeeze %dma_wait3A_789 : memref<1x128xi32, #tpu.memory_space<hbm>> -> memref<128xi32, #tpu.memory_space<hbm>>
        tpu.wait_dma2 semaphore(%arg18 : memref<!tpu.dma_semaphore, #tpu.memory_space<semaphore_mem>>) src(%dma_wait3A_790 : memref<128xi32, #tpu.memory_space<hbm>>) dst(%dma_wait3A_788 : memref<128xi32, #tpu.memory_space<vmem>>)
        %mul3A_791 = arith.constant 1024 : i32
        %mul3A_792 = arith.muli %arg1, %mul3A_791 : i32
        %add3A_793 = arith.constant 768 : i32
        %add3A_794 = arith.addi %mul3A_792, %add3A_793 : i32
        %dma_wait3A_795 = arith.constant 0 : i32
        %dma_wait3A_796 = arith.constant 0 : i32
        %dma_wait3A_797 = tpu.memref_slice %arg7[%dma_wait3A_795, %dma_wait3A_796] : memref<128x128xf32, #tpu.memory_space<vmem>> -> memref<128x128xf32, #tpu.memory_space<vmem>>
        %dma_wait3A_798 = arith.constant 0 : i32
        %dma_wait3A_799 = tpu.memref_slice %arg2[%add3A_198, %add3A_794, %dma_wait3A_798] : memref<32x16000x128xf32, #tpu.memory_space<hbm>> -> memref<1x128x128xf32, #tpu.memory_space<hbm>>
        %dma_wait3A_800 = tpu.memref_squeeze %dma_wait3A_799 : memref<1x128x128xf32, #tpu.memory_space<hbm>> -> memref<128x128xf32, #tpu.memory_space<hbm>>
        %dma_wait3A_801 = arith.constant 0 : i32
        %dma_wait3A_802 = arith.constant 0 : i32
        %dma_wait3A_803 = tpu.memref_slice %arg7[%dma_wait3A_801, %dma_wait3A_802] : memref<128x128xf32, #tpu.memory_space<vmem>> -> memref<128x128xf32, #tpu.memory_space<vmem>>
        %dma_wait3A_804 = arith.constant 0 : i32
        %dma_wait3A_805 = tpu.memref_slice %arg2[%add3A_198, %add3A_794, %dma_wait3A_804] : memref<32x16000x128xf32, #tpu.memory_space<hbm>> -> memref<1x128x128xf32, #tpu.memory_space<hbm>>
        %dma_wait3A_806 = tpu.memref_squeeze %dma_wait3A_805 : memref<1x128x128xf32, #tpu.memory_space<hbm>> -> memref<128x128xf32, #tpu.memory_space<hbm>>
        tpu.wait_dma2 semaphore(%arg22 : memref<!tpu.dma_semaphore, #tpu.memory_space<semaphore_mem>>) src(%dma_wait3A_806 : memref<128x128xf32, #tpu.memory_space<hbm>>) dst(%dma_wait3A_803 : memref<128x128xf32, #tpu.memory_space<vmem>>)
        %dma_start3A_807 = arith.constant 0 : i32
        %dma_start3A_808 = arith.constant 0 : i32
        %dma_start3A_809 = arith.constant 0 : i32
        %dma_start3A_810 = tpu.memref_slice %arg7[%dma_start3A_808, %dma_start3A_809] : memref<128x128xf32, #tpu.memory_space<vmem>> -> memref<128x128xf32, #tpu.memory_space<vmem>>
        %dma_start3A_811 = arith.constant 0 : i32
        %dma_start3A_812 = tpu.memref_slice %arg11[%dma_start3A_807, %dma_start3A_811] : memref<1x128xi32, #tpu.memory_space<vmem>> -> memref<1x128xi32, #tpu.memory_space<vmem>>
        %dma_start3A_813 = tpu.memref_squeeze %dma_start3A_812 : memref<1x128xi32, #tpu.memory_space<vmem>> -> memref<128xi32, #tpu.memory_space<vmem>>
        %dma_start3A_814 = arith.constant 0 : i32
        %dma_start3A_815 = arith.constant 0 : i32
        %dma_start3A_816 = tpu.memref_slice %arg15[%dma_start3A_814, %dma_start3A_815] : memref<1024x128xf32, #tpu.memory_space<vmem_shared>> -> memref<1024x128xf32, #tpu.memory_space<vmem_shared>>
        tpu.enqueue_indirect_dma source(%dma_start3A_810 : memref<128x128xf32, #tpu.memory_space<vmem>>) target(%dma_start3A_816 : memref<1024x128xf32, #tpu.memory_space<vmem_shared>>) offsets(%dma_start3A_813 : memref<128xi32, #tpu.memory_space<vmem>>) semaphore(%arg26 : memref<!tpu.dma_semaphore, #tpu.memory_space<semaphore_mem>>) {add = true}
        %dma_wait3A_817 = arith.constant 0 : i32
        %dma_wait3A_818 = arith.constant 0 : i32
        %dma_wait3A_819 = arith.constant 0 : i32
        %dma_wait3A_820 = tpu.memref_slice %arg6[%dma_wait3A_818, %dma_wait3A_819] : memref<128x128xf32, #tpu.memory_space<vmem>> -> memref<128x128xf32, #tpu.memory_space<vmem>>
        %dma_wait3A_821 = arith.constant 0 : i32
        %dma_wait3A_822 = tpu.memref_slice %arg10[%dma_wait3A_817, %dma_wait3A_821] : memref<1x128xi32, #tpu.memory_space<vmem>> -> memref<1x128xi32, #tpu.memory_space<vmem>>
        %dma_wait3A_823 = tpu.memref_squeeze %dma_wait3A_822 : memref<1x128xi32, #tpu.memory_space<vmem>> -> memref<128xi32, #tpu.memory_space<vmem>>
        %dma_wait3A_824 = arith.constant 0 : i32
        %dma_wait3A_825 = arith.constant 0 : i32
        %dma_wait3A_826 = tpu.memref_slice %arg15[%dma_wait3A_824, %dma_wait3A_825] : memref<1024x128xf32, #tpu.memory_space<vmem_shared>> -> memref<1024x128xf32, #tpu.memory_space<vmem_shared>>
        tpu.wait_indirect_dma semaphore(%arg25 : memref<!tpu.dma_semaphore, #tpu.memory_space<semaphore_mem>>) src(%dma_wait3A_820 : memref<128x128xf32, #tpu.memory_space<vmem>>) dst(%dma_wait3A_826 : memref<1024x128xf32, #tpu.memory_space<vmem_shared>>)
        %mul3A_827 = arith.constant 1024 : i32
        %mul3A_828 = arith.muli %arg1, %mul3A_827 : i32
        %add3A_829 = arith.constant 896 : i32
        %add3A_830 = arith.addi %mul3A_828, %add3A_829 : i32
        %dma_wait3A_831 = arith.constant 0 : i32
        %dma_wait3A_832 = arith.constant 0 : i32
        %dma_wait3A_833 = tpu.memref_slice %arg12[%dma_wait3A_831, %dma_wait3A_832] : memref<1x128xi32, #tpu.memory_space<vmem>> -> memref<1x128xi32, #tpu.memory_space<vmem>>
        %dma_wait3A_834 = tpu.memref_squeeze %dma_wait3A_833 : memref<1x128xi32, #tpu.memory_space<vmem>> -> memref<128xi32, #tpu.memory_space<vmem>>
        %dma_wait3A_835 = tpu.memref_slice %arg3[%add3A_198, %add3A_830] : memref<32x16000xi32, #tpu.memory_space<hbm>> -> memref<1x128xi32, #tpu.memory_space<hbm>>
        %dma_wait3A_836 = tpu.memref_squeeze %dma_wait3A_835 : memref<1x128xi32, #tpu.memory_space<hbm>> -> memref<128xi32, #tpu.memory_space<hbm>>
        %dma_wait3A_837 = arith.constant 0 : i32
        %dma_wait3A_838 = tpu.memref_slice %arg12[%dma_wait3A_831, %dma_wait3A_837] : memref<1x128xi32, #tpu.memory_space<vmem>> -> memref<1x128xi32, #tpu.memory_space<vmem>>
        %dma_wait3A_839 = tpu.memref_squeeze %dma_wait3A_838 : memref<1x128xi32, #tpu.memory_space<vmem>> -> memref<128xi32, #tpu.memory_space<vmem>>
        %dma_wait3A_840 = tpu.memref_slice %arg3[%add3A_198, %add3A_830] : memref<32x16000xi32, #tpu.memory_space<hbm>> -> memref<1x128xi32, #tpu.memory_space<hbm>>
        %dma_wait3A_841 = tpu.memref_squeeze %dma_wait3A_840 : memref<1x128xi32, #tpu.memory_space<hbm>> -> memref<128xi32, #tpu.memory_space<hbm>>
        tpu.wait_dma2 semaphore(%arg19 : memref<!tpu.dma_semaphore, #tpu.memory_space<semaphore_mem>>) src(%dma_wait3A_841 : memref<128xi32, #tpu.memory_space<hbm>>) dst(%dma_wait3A_839 : memref<128xi32, #tpu.memory_space<vmem>>)
        %mul3A_842 = arith.constant 1024 : i32
        %mul3A_843 = arith.muli %arg1, %mul3A_842 : i32
        %add3A_844 = arith.constant 896 : i32
        %add3A_845 = arith.addi %mul3A_843, %add3A_844 : i32
        %dma_wait3A_846 = arith.constant 0 : i32
        %dma_wait3A_847 = arith.constant 0 : i32
        %dma_wait3A_848 = tpu.memref_slice %arg8[%dma_wait3A_846, %dma_wait3A_847] : memref<128x128xf32, #tpu.memory_space<vmem>> -> memref<128x128xf32, #tpu.memory_space<vmem>>
        %dma_wait3A_849 = arith.constant 0 : i32
        %dma_wait3A_850 = tpu.memref_slice %arg2[%add3A_198, %add3A_845, %dma_wait3A_849] : memref<32x16000x128xf32, #tpu.memory_space<hbm>> -> memref<1x128x128xf32, #tpu.memory_space<hbm>>
        %dma_wait3A_851 = tpu.memref_squeeze %dma_wait3A_850 : memref<1x128x128xf32, #tpu.memory_space<hbm>> -> memref<128x128xf32, #tpu.memory_space<hbm>>
        %dma_wait3A_852 = arith.constant 0 : i32
        %dma_wait3A_853 = arith.constant 0 : i32
        %dma_wait3A_854 = tpu.memref_slice %arg8[%dma_wait3A_852, %dma_wait3A_853] : memref<128x128xf32, #tpu.memory_space<vmem>> -> memref<128x128xf32, #tpu.memory_space<vmem>>
        %dma_wait3A_855 = arith.constant 0 : i32
        %dma_wait3A_856 = tpu.memref_slice %arg2[%add3A_198, %add3A_845, %dma_wait3A_855] : memref<32x16000x128xf32, #tpu.memory_space<hbm>> -> memref<1x128x128xf32, #tpu.memory_space<hbm>>
        %dma_wait3A_857 = tpu.memref_squeeze %dma_wait3A_856 : memref<1x128x128xf32, #tpu.memory_space<hbm>> -> memref<128x128xf32, #tpu.memory_space<hbm>>
        tpu.wait_dma2 semaphore(%arg23 : memref<!tpu.dma_semaphore, #tpu.memory_space<semaphore_mem>>) src(%dma_wait3A_857 : memref<128x128xf32, #tpu.memory_space<hbm>>) dst(%dma_wait3A_854 : memref<128x128xf32, #tpu.memory_space<vmem>>)
        %dma_start3A_858 = arith.constant 0 : i32
        %dma_start3A_859 = arith.constant 0 : i32
        %dma_start3A_860 = arith.constant 0 : i32
        %dma_start3A_861 = tpu.memref_slice %arg8[%dma_start3A_859, %dma_start3A_860] : memref<128x128xf32, #tpu.memory_space<vmem>> -> memref<128x128xf32, #tpu.memory_space<vmem>>
        %dma_start3A_862 = arith.constant 0 : i32
        %dma_start3A_863 = tpu.memref_slice %arg12[%dma_start3A_858, %dma_start3A_862] : memref<1x128xi32, #tpu.memory_space<vmem>> -> memref<1x128xi32, #tpu.memory_space<vmem>>
        %dma_start3A_864 = tpu.memref_squeeze %dma_start3A_863 : memref<1x128xi32, #tpu.memory_space<vmem>> -> memref<128xi32, #tpu.memory_space<vmem>>
        %dma_start3A_865 = arith.constant 0 : i32
        %dma_start3A_866 = arith.constant 0 : i32
        %dma_start3A_867 = tpu.memref_slice %arg15[%dma_start3A_865, %dma_start3A_866] : memref<1024x128xf32, #tpu.memory_space<vmem_shared>> -> memref<1024x128xf32, #tpu.memory_space<vmem_shared>>
        tpu.enqueue_indirect_dma source(%dma_start3A_861 : memref<128x128xf32, #tpu.memory_space<vmem>>) target(%dma_start3A_867 : memref<1024x128xf32, #tpu.memory_space<vmem_shared>>) offsets(%dma_start3A_864 : memref<128xi32, #tpu.memory_space<vmem>>) semaphore(%arg27 : memref<!tpu.dma_semaphore, #tpu.memory_space<semaphore_mem>>) {add = true}
        %dma_wait3A_868 = arith.constant 0 : i32
        %dma_wait3A_869 = arith.constant 0 : i32
        %dma_wait3A_870 = arith.constant 0 : i32
        %dma_wait3A_871 = tpu.memref_slice %arg7[%dma_wait3A_869, %dma_wait3A_870] : memref<128x128xf32, #tpu.memory_space<vmem>> -> memref<128x128xf32, #tpu.memory_space<vmem>>
        %dma_wait3A_872 = arith.constant 0 : i32
        %dma_wait3A_873 = tpu.memref_slice %arg11[%dma_wait3A_868, %dma_wait3A_872] : memref<1x128xi32, #tpu.memory_space<vmem>> -> memref<1x128xi32, #tpu.memory_space<vmem>>
        %dma_wait3A_874 = tpu.memref_squeeze %dma_wait3A_873 : memref<1x128xi32, #tpu.memory_space<vmem>> -> memref<128xi32, #tpu.memory_space<vmem>>
        %dma_wait3A_875 = arith.constant 0 : i32
        %dma_wait3A_876 = arith.constant 0 : i32
        %dma_wait3A_877 = tpu.memref_slice %arg15[%dma_wait3A_875, %dma_wait3A_876] : memref<1024x128xf32, #tpu.memory_space<vmem_shared>> -> memref<1024x128xf32, #tpu.memory_space<vmem_shared>>
        tpu.wait_indirect_dma semaphore(%arg26 : memref<!tpu.dma_semaphore, #tpu.memory_space<semaphore_mem>>) src(%dma_wait3A_871 : memref<128x128xf32, #tpu.memory_space<vmem>>) dst(%dma_wait3A_877 : memref<1024x128xf32, #tpu.memory_space<vmem_shared>>)
        %dma_wait3A_878 = arith.constant 0 : i32
        %dma_wait3A_879 = arith.constant 0 : i32
        %dma_wait3A_880 = arith.constant 0 : i32
        %dma_wait3A_881 = tpu.memref_slice %arg8[%dma_wait3A_879, %dma_wait3A_880] : memref<128x128xf32, #tpu.memory_space<vmem>> -> memref<128x128xf32, #tpu.memory_space<vmem>>
        %dma_wait3A_882 = arith.constant 0 : i32
        %dma_wait3A_883 = tpu.memref_slice %arg12[%dma_wait3A_878, %dma_wait3A_882] : memref<1x128xi32, #tpu.memory_space<vmem>> -> memref<1x128xi32, #tpu.memory_space<vmem>>
        %dma_wait3A_884 = tpu.memref_squeeze %dma_wait3A_883 : memref<1x128xi32, #tpu.memory_space<vmem>> -> memref<128xi32, #tpu.memory_space<vmem>>
        %dma_wait3A_885 = arith.constant 0 : i32
        %dma_wait3A_886 = arith.constant 0 : i32
        %dma_wait3A_887 = tpu.memref_slice %arg15[%dma_wait3A_885, %dma_wait3A_886] : memref<1024x128xf32, #tpu.memory_space<vmem_shared>> -> memref<1024x128xf32, #tpu.memory_space<vmem_shared>>
        tpu.wait_indirect_dma semaphore(%arg27 : memref<!tpu.dma_semaphore, #tpu.memory_space<semaphore_mem>>) src(%dma_wait3A_881 : memref<128x128xf32, #tpu.memory_space<vmem>>) dst(%dma_wait3A_887 : memref<1024x128xf32, #tpu.memory_space<vmem_shared>>)
        %convert_element_type3A_888 = arith.extui %lt3A_200 : i1 to i32
        %cond3A_889 = arith.constant 0 : i32
        %cond3A_890 = arith.cmpi ne, %convert_element_type3A_888, %cond3A_889 : i32
        scf.if %cond3A_890 {
          %add3A_891 = arith.constant 1 : i32
          %add3A_892 = arith.addi %add3A_198, %add3A_891 : i32
          %mul3A_893 = arith.constant 1024 : i32
          %mul3A_894 = arith.muli %arg1, %mul3A_893 : i32
          %add3A_895 = arith.constant 0 : i32
          %add3A_896 = arith.addi %mul3A_894, %add3A_895 : i32
          %dma_start3A_897 = arith.constant 0 : i32
          %dma_start3A_898 = arith.constant 0 : i32
          %dma_start3A_899 = tpu.memref_slice %arg5[%dma_start3A_897, %dma_start3A_898] : memref<128x128xf32, #tpu.memory_space<vmem>> -> memref<128x128xf32, #tpu.memory_space<vmem>>
          %dma_start3A_900 = arith.constant 0 : i32
          %dma_start3A_901 = tpu.memref_slice %arg2[%add3A_892, %add3A_896, %dma_start3A_900] : memref<32x16000x128xf32, #tpu.memory_space<hbm>> -> memref<1x128x128xf32, #tpu.memory_space<hbm>>
          %dma_start3A_902 = tpu.memref_squeeze %dma_start3A_901 : memref<1x128x128xf32, #tpu.memory_space<hbm>> -> memref<128x128xf32, #tpu.memory_space<hbm>>
          %dma_start3A_903 = arith.constant 0 : i32
          %dma_start3A_904 = arith.constant 0 : i32
          %dma_start3A_905 = tpu.memref_slice %arg5[%dma_start3A_903, %dma_start3A_904] : memref<128x128xf32, #tpu.memory_space<vmem>> -> memref<128x128xf32, #tpu.memory_space<vmem>>
          %dma_start3A_906 = arith.constant 0 : i32
          %dma_start3A_907 = tpu.memref_slice %arg2[%add3A_892, %add3A_896, %dma_start3A_906] : memref<32x16000x128xf32, #tpu.memory_space<hbm>> -> memref<1x128x128xf32, #tpu.memory_space<hbm>>
          %dma_start3A_908 = tpu.memref_squeeze %dma_start3A_907 : memref<1x128x128xf32, #tpu.memory_space<hbm>> -> memref<128x128xf32, #tpu.memory_space<hbm>>
          tpu.enqueue_dma source(%dma_start3A_908 : memref<128x128xf32, #tpu.memory_space<hbm>>) target(%dma_start3A_905 : memref<128x128xf32, #tpu.memory_space<vmem>>) target_semaphore(%arg20 : memref<!tpu.dma_semaphore, #tpu.memory_space<semaphore_mem>>)
          %mul3A_909 = arith.constant 1024 : i32
          %mul3A_910 = arith.muli %arg1, %mul3A_909 : i32
          %add3A_911 = arith.constant 0 : i32
          %add3A_912 = arith.addi %mul3A_910, %add3A_911 : i32
          %dma_start3A_913 = arith.constant 0 : i32
          %dma_start3A_914 = arith.constant 0 : i32
          %dma_start3A_915 = tpu.memref_slice %arg9[%dma_start3A_913, %dma_start3A_914] : memref<1x128xi32, #tpu.memory_space<vmem>> -> memref<1x128xi32, #tpu.memory_space<vmem>>
          %dma_start3A_916 = tpu.memref_squeeze %dma_start3A_915 : memref<1x128xi32, #tpu.memory_space<vmem>> -> memref<128xi32, #tpu.memory_space<vmem>>
          %dma_start3A_917 = tpu.memref_slice %arg3[%add3A_892, %add3A_912] : memref<32x16000xi32, #tpu.memory_space<hbm>> -> memref<1x128xi32, #tpu.memory_space<hbm>>
          %dma_start3A_918 = tpu.memref_squeeze %dma_start3A_917 : memref<1x128xi32, #tpu.memory_space<hbm>> -> memref<128xi32, #tpu.memory_space<hbm>>
          %dma_start3A_919 = arith.constant 0 : i32
          %dma_start3A_920 = tpu.memref_slice %arg9[%dma_start3A_913, %dma_start3A_919] : memref<1x128xi32, #tpu.memory_space<vmem>> -> memref<1x128xi32, #tpu.memory_space<vmem>>
          %dma_start3A_921 = tpu.memref_squeeze %dma_start3A_920 : memref<1x128xi32, #tpu.memory_space<vmem>> -> memref<128xi32, #tpu.memory_space<vmem>>
          %dma_start3A_922 = tpu.memref_slice %arg3[%add3A_892, %add3A_912] : memref<32x16000xi32, #tpu.memory_space<hbm>> -> memref<1x128xi32, #tpu.memory_space<hbm>>
          %dma_start3A_923 = tpu.memref_squeeze %dma_start3A_922 : memref<1x128xi32, #tpu.memory_space<hbm>> -> memref<128xi32, #tpu.memory_space<hbm>>
          tpu.enqueue_dma source(%dma_start3A_923 : memref<128xi32, #tpu.memory_space<hbm>>) target(%dma_start3A_921 : memref<128xi32, #tpu.memory_space<vmem>>) target_semaphore(%arg16 : memref<!tpu.dma_semaphore, #tpu.memory_space<semaphore_mem>>)
          %mul3A_924 = arith.constant 1024 : i32
          %mul3A_925 = arith.muli %arg1, %mul3A_924 : i32
          %add3A_926 = arith.constant 128 : i32
          %add3A_927 = arith.addi %mul3A_925, %add3A_926 : i32
          %dma_start3A_928 = arith.constant 0 : i32
          %dma_start3A_929 = arith.constant 0 : i32
          %dma_start3A_930 = tpu.memref_slice %arg6[%dma_start3A_928, %dma_start3A_929] : memref<128x128xf32, #tpu.memory_space<vmem>> -> memref<128x128xf32, #tpu.memory_space<vmem>>
          %dma_start3A_931 = arith.constant 0 : i32
          %dma_start3A_932 = tpu.memref_slice %arg2[%add3A_892, %add3A_927, %dma_start3A_931] : memref<32x16000x128xf32, #tpu.memory_space<hbm>> -> memref<1x128x128xf32, #tpu.memory_space<hbm>>
          %dma_start3A_933 = tpu.memref_squeeze %dma_start3A_932 : memref<1x128x128xf32, #tpu.memory_space<hbm>> -> memref<128x128xf32, #tpu.memory_space<hbm>>
          %dma_start3A_934 = arith.constant 0 : i32
          %dma_start3A_935 = arith.constant 0 : i32
          %dma_start3A_936 = tpu.memref_slice %arg6[%dma_start3A_934, %dma_start3A_935] : memref<128x128xf32, #tpu.memory_space<vmem>> -> memref<128x128xf32, #tpu.memory_space<vmem>>
          %dma_start3A_937 = arith.constant 0 : i32
          %dma_start3A_938 = tpu.memref_slice %arg2[%add3A_892, %add3A_927, %dma_start3A_937] : memref<32x16000x128xf32, #tpu.memory_space<hbm>> -> memref<1x128x128xf32, #tpu.memory_space<hbm>>
          %dma_start3A_939 = tpu.memref_squeeze %dma_start3A_938 : memref<1x128x128xf32, #tpu.memory_space<hbm>> -> memref<128x128xf32, #tpu.memory_space<hbm>>
          tpu.enqueue_dma source(%dma_start3A_939 : memref<128x128xf32, #tpu.memory_space<hbm>>) target(%dma_start3A_936 : memref<128x128xf32, #tpu.memory_space<vmem>>) target_semaphore(%arg21 : memref<!tpu.dma_semaphore, #tpu.memory_space<semaphore_mem>>)
          %mul3A_940 = arith.constant 1024 : i32
          %mul3A_941 = arith.muli %arg1, %mul3A_940 : i32
          %add3A_942 = arith.constant 128 : i32
          %add3A_943 = arith.addi %mul3A_941, %add3A_942 : i32
          %dma_start3A_944 = arith.constant 0 : i32
          %dma_start3A_945 = arith.constant 0 : i32
          %dma_start3A_946 = tpu.memref_slice %arg10[%dma_start3A_944, %dma_start3A_945] : memref<1x128xi32, #tpu.memory_space<vmem>> -> memref<1x128xi32, #tpu.memory_space<vmem>>
          %dma_start3A_947 = tpu.memref_squeeze %dma_start3A_946 : memref<1x128xi32, #tpu.memory_space<vmem>> -> memref<128xi32, #tpu.memory_space<vmem>>
          %dma_start3A_948 = tpu.memref_slice %arg3[%add3A_892, %add3A_943] : memref<32x16000xi32, #tpu.memory_space<hbm>> -> memref<1x128xi32, #tpu.memory_space<hbm>>
          %dma_start3A_949 = tpu.memref_squeeze %dma_start3A_948 : memref<1x128xi32, #tpu.memory_space<hbm>> -> memref<128xi32, #tpu.memory_space<hbm>>
          %dma_start3A_950 = arith.constant 0 : i32
          %dma_start3A_951 = tpu.memref_slice %arg10[%dma_start3A_944, %dma_start3A_950] : memref<1x128xi32, #tpu.memory_space<vmem>> -> memref<1x128xi32, #tpu.memory_space<vmem>>
          %dma_start3A_952 = tpu.memref_squeeze %dma_start3A_951 : memref<1x128xi32, #tpu.memory_space<vmem>> -> memref<128xi32, #tpu.memory_space<vmem>>
          %dma_start3A_953 = tpu.memref_slice %arg3[%add3A_892, %add3A_943] : memref<32x16000xi32, #tpu.memory_space<hbm>> -> memref<1x128xi32, #tpu.memory_space<hbm>>
          %dma_start3A_954 = tpu.memref_squeeze %dma_start3A_953 : memref<1x128xi32, #tpu.memory_space<hbm>> -> memref<128xi32, #tpu.memory_space<hbm>>
          tpu.enqueue_dma source(%dma_start3A_954 : memref<128xi32, #tpu.memory_space<hbm>>) target(%dma_start3A_952 : memref<128xi32, #tpu.memory_space<vmem>>) target_semaphore(%arg17 : memref<!tpu.dma_semaphore, #tpu.memory_space<semaphore_mem>>)
          %mul3A_955 = arith.constant 1024 : i32
          %mul3A_956 = arith.muli %arg1, %mul3A_955 : i32
          %add3A_957 = arith.constant 256 : i32
          %add3A_958 = arith.addi %mul3A_956, %add3A_957 : i32
          %dma_start3A_959 = arith.constant 0 : i32
          %dma_start3A_960 = arith.constant 0 : i32
          %dma_start3A_961 = tpu.memref_slice %arg7[%dma_start3A_959, %dma_start3A_960] : memref<128x128xf32, #tpu.memory_space<vmem>> -> memref<128x128xf32, #tpu.memory_space<vmem>>
          %dma_start3A_962 = arith.constant 0 : i32
          %dma_start3A_963 = tpu.memref_slice %arg2[%add3A_892, %add3A_958, %dma_start3A_962] : memref<32x16000x128xf32, #tpu.memory_space<hbm>> -> memref<1x128x128xf32, #tpu.memory_space<hbm>>
          %dma_start3A_964 = tpu.memref_squeeze %dma_start3A_963 : memref<1x128x128xf32, #tpu.memory_space<hbm>> -> memref<128x128xf32, #tpu.memory_space<hbm>>
          %dma_start3A_965 = arith.constant 0 : i32
          %dma_start3A_966 = arith.constant 0 : i32
          %dma_start3A_967 = tpu.memref_slice %arg7[%dma_start3A_965, %dma_start3A_966] : memref<128x128xf32, #tpu.memory_space<vmem>> -> memref<128x128xf32, #tpu.memory_space<vmem>>
          %dma_start3A_968 = arith.constant 0 : i32
          %dma_start3A_969 = tpu.memref_slice %arg2[%add3A_892, %add3A_958, %dma_start3A_968] : memref<32x16000x128xf32, #tpu.memory_space<hbm>> -> memref<1x128x128xf32, #tpu.memory_space<hbm>>
          %dma_start3A_970 = tpu.memref_squeeze %dma_start3A_969 : memref<1x128x128xf32, #tpu.memory_space<hbm>> -> memref<128x128xf32, #tpu.memory_space<hbm>>
          tpu.enqueue_dma source(%dma_start3A_970 : memref<128x128xf32, #tpu.memory_space<hbm>>) target(%dma_start3A_967 : memref<128x128xf32, #tpu.memory_space<vmem>>) target_semaphore(%arg22 : memref<!tpu.dma_semaphore, #tpu.memory_space<semaphore_mem>>)
          %mul3A_971 = arith.constant 1024 : i32
          %mul3A_972 = arith.muli %arg1, %mul3A_971 : i32
          %add3A_973 = arith.constant 256 : i32
          %add3A_974 = arith.addi %mul3A_972, %add3A_973 : i32
          %dma_start3A_975 = arith.constant 0 : i32
          %dma_start3A_976 = arith.constant 0 : i32
          %dma_start3A_977 = tpu.memref_slice %arg11[%dma_start3A_975, %dma_start3A_976] : memref<1x128xi32, #tpu.memory_space<vmem>> -> memref<1x128xi32, #tpu.memory_space<vmem>>
          %dma_start3A_978 = tpu.memref_squeeze %dma_start3A_977 : memref<1x128xi32, #tpu.memory_space<vmem>> -> memref<128xi32, #tpu.memory_space<vmem>>
          %dma_start3A_979 = tpu.memref_slice %arg3[%add3A_892, %add3A_974] : memref<32x16000xi32, #tpu.memory_space<hbm>> -> memref<1x128xi32, #tpu.memory_space<hbm>>
          %dma_start3A_980 = tpu.memref_squeeze %dma_start3A_979 : memref<1x128xi32, #tpu.memory_space<hbm>> -> memref<128xi32, #tpu.memory_space<hbm>>
          %dma_start3A_981 = arith.constant 0 : i32
          %dma_start3A_982 = tpu.memref_slice %arg11[%dma_start3A_975, %dma_start3A_981] : memref<1x128xi32, #tpu.memory_space<vmem>> -> memref<1x128xi32, #tpu.memory_space<vmem>>
          %dma_start3A_983 = tpu.memref_squeeze %dma_start3A_982 : memref<1x128xi32, #tpu.memory_space<vmem>> -> memref<128xi32, #tpu.memory_space<vmem>>
          %dma_start3A_984 = tpu.memref_slice %arg3[%add3A_892, %add3A_974] : memref<32x16000xi32, #tpu.memory_space<hbm>> -> memref<1x128xi32, #tpu.memory_space<hbm>>
          %dma_start3A_985 = tpu.memref_squeeze %dma_start3A_984 : memref<1x128xi32, #tpu.memory_space<hbm>> -> memref<128xi32, #tpu.memory_space<hbm>>
          tpu.enqueue_dma source(%dma_start3A_985 : memref<128xi32, #tpu.memory_space<hbm>>) target(%dma_start3A_983 : memref<128xi32, #tpu.memory_space<vmem>>) target_semaphore(%arg18 : memref<!tpu.dma_semaphore, #tpu.memory_space<semaphore_mem>>)
          %mul3A_986 = arith.constant 1024 : i32
          %mul3A_987 = arith.muli %arg1, %mul3A_986 : i32
          %add3A_988 = arith.constant 384 : i32
          %add3A_989 = arith.addi %mul3A_987, %add3A_988 : i32
          %dma_start3A_990 = arith.constant 0 : i32
          %dma_start3A_991 = arith.constant 0 : i32
          %dma_start3A_992 = tpu.memref_slice %arg8[%dma_start3A_990, %dma_start3A_991] : memref<128x128xf32, #tpu.memory_space<vmem>> -> memref<128x128xf32, #tpu.memory_space<vmem>>
          %dma_start3A_993 = arith.constant 0 : i32
          %dma_start3A_994 = tpu.memref_slice %arg2[%add3A_892, %add3A_989, %dma_start3A_993] : memref<32x16000x128xf32, #tpu.memory_space<hbm>> -> memref<1x128x128xf32, #tpu.memory_space<hbm>>
          %dma_start3A_995 = tpu.memref_squeeze %dma_start3A_994 : memref<1x128x128xf32, #tpu.memory_space<hbm>> -> memref<128x128xf32, #tpu.memory_space<hbm>>
          %dma_start3A_996 = arith.constant 0 : i32
          %dma_start3A_997 = arith.constant 0 : i32
          %dma_start3A_998 = tpu.memref_slice %arg8[%dma_start3A_996, %dma_start3A_997] : memref<128x128xf32, #tpu.memory_space<vmem>> -> memref<128x128xf32, #tpu.memory_space<vmem>>
          %dma_start3A_999 = arith.constant 0 : i32
          %dma_start3A_1000 = tpu.memref_slice %arg2[%add3A_892, %add3A_989, %dma_start3A_999] : memref<32x16000x128xf32, #tpu.memory_space<hbm>> -> memref<1x128x128xf32, #tpu.memory_space<hbm>>
          %dma_start3A_1001 = tpu.memref_squeeze %dma_start3A_1000 : memref<1x128x128xf32, #tpu.memory_space<hbm>> -> memref<128x128xf32, #tpu.memory_space<hbm>>
          tpu.enqueue_dma source(%dma_start3A_1001 : memref<128x128xf32, #tpu.memory_space<hbm>>) target(%dma_start3A_998 : memref<128x128xf32, #tpu.memory_space<vmem>>) target_semaphore(%arg23 : memref<!tpu.dma_semaphore, #tpu.memory_space<semaphore_mem>>)
          %mul3A_1002 = arith.constant 1024 : i32
          %mul3A_1003 = arith.muli %arg1, %mul3A_1002 : i32
          %add3A_1004 = arith.constant 384 : i32
          %add3A_1005 = arith.addi %mul3A_1003, %add3A_1004 : i32
          %dma_start3A_1006 = arith.constant 0 : i32
          %dma_start3A_1007 = arith.constant 0 : i32
          %dma_start3A_1008 = tpu.memref_slice %arg12[%dma_start3A_1006, %dma_start3A_1007] : memref<1x128xi32, #tpu.memory_space<vmem>> -> memref<1x128xi32, #tpu.memory_space<vmem>>
          %dma_start3A_1009 = tpu.memref_squeeze %dma_start3A_1008 : memref<1x128xi32, #tpu.memory_space<vmem>> -> memref<128xi32, #tpu.memory_space<vmem>>
          %dma_start3A_1010 = tpu.memref_slice %arg3[%add3A_892, %add3A_1005] : memref<32x16000xi32, #tpu.memory_space<hbm>> -> memref<1x128xi32, #tpu.memory_space<hbm>>
          %dma_start3A_1011 = tpu.memref_squeeze %dma_start3A_1010 : memref<1x128xi32, #tpu.memory_space<hbm>> -> memref<128xi32, #tpu.memory_space<hbm>>
          %dma_start3A_1012 = arith.constant 0 : i32
          %dma_start3A_1013 = tpu.memref_slice %arg12[%dma_start3A_1006, %dma_start3A_1012] : memref<1x128xi32, #tpu.memory_space<vmem>> -> memref<1x128xi32, #tpu.memory_space<vmem>>
          %dma_start3A_1014 = tpu.memref_squeeze %dma_start3A_1013 : memref<1x128xi32, #tpu.memory_space<vmem>> -> memref<128xi32, #tpu.memory_space<vmem>>
          %dma_start3A_1015 = tpu.memref_slice %arg3[%add3A_892, %add3A_1005] : memref<32x16000xi32, #tpu.memory_space<hbm>> -> memref<1x128xi32, #tpu.memory_space<hbm>>
          %dma_start3A_1016 = tpu.memref_squeeze %dma_start3A_1015 : memref<1x128xi32, #tpu.memory_space<hbm>> -> memref<128xi32, #tpu.memory_space<hbm>>
          tpu.enqueue_dma source(%dma_start3A_1016 : memref<128xi32, #tpu.memory_space<hbm>>) target(%dma_start3A_1014 : memref<128xi32, #tpu.memory_space<vmem>>) target_semaphore(%arg19 : memref<!tpu.dma_semaphore, #tpu.memory_space<semaphore_mem>>)
        } else {
        }
      } else {
      }
      %eq3A_340 = arith.constant 15 : i32
      %eq3A_341 = arith.cmpi eq, %arg1, %eq3A_340 : i32
      %convert_element_type3A_342 = arith.extui %eq3A_341 : i1 to i32
      %cond3A_343 = arith.constant 0 : i32
      %cond3A_344 = arith.cmpi ne, %convert_element_type3A_342, %cond3A_343 : i32
      scf.if %cond3A_344 {
        %mul3A_356 = arith.constant 1024 : i32
        %mul3A_357 = arith.muli %arg1, %mul3A_356 : i32
        %add3A_358 = arith.constant 0 : i32
        %add3A_359 = arith.addi %mul3A_357, %add3A_358 : i32
        %dma_wait3A_360 = arith.constant 0 : i32
        %dma_wait3A_361 = arith.constant 0 : i32
        %dma_wait3A_362 = tpu.memref_slice %arg9[%dma_wait3A_360, %dma_wait3A_361] : memref<1x128xi32, #tpu.memory_space<vmem>> -> memref<1x128xi32, #tpu.memory_space<vmem>>
        %dma_wait3A_363 = tpu.memref_squeeze %dma_wait3A_362 : memref<1x128xi32, #tpu.memory_space<vmem>> -> memref<128xi32, #tpu.memory_space<vmem>>
        %dma_wait3A_364 = tpu.memref_slice %arg3[%add3A_198, %add3A_359] : memref<32x16000xi32, #tpu.memory_space<hbm>> -> memref<1x128xi32, #tpu.memory_space<hbm>>
        %dma_wait3A_365 = tpu.memref_squeeze %dma_wait3A_364 : memref<1x128xi32, #tpu.memory_space<hbm>> -> memref<128xi32, #tpu.memory_space<hbm>>
        %dma_wait3A_366 = arith.constant 0 : i32
        %dma_wait3A_367 = tpu.memref_slice %arg9[%dma_wait3A_360, %dma_wait3A_366] : memref<1x128xi32, #tpu.memory_space<vmem>> -> memref<1x128xi32, #tpu.memory_space<vmem>>
        %dma_wait3A_368 = tpu.memref_squeeze %dma_wait3A_367 : memref<1x128xi32, #tpu.memory_space<vmem>> -> memref<128xi32, #tpu.memory_space<vmem>>
        %dma_wait3A_369 = tpu.memref_slice %arg3[%add3A_198, %add3A_359] : memref<32x16000xi32, #tpu.memory_space<hbm>> -> memref<1x128xi32, #tpu.memory_space<hbm>>
        %dma_wait3A_370 = tpu.memref_squeeze %dma_wait3A_369 : memref<1x128xi32, #tpu.memory_space<hbm>> -> memref<128xi32, #tpu.memory_space<hbm>>
        tpu.wait_dma2 semaphore(%arg16 : memref<!tpu.dma_semaphore, #tpu.memory_space<semaphore_mem>>) src(%dma_wait3A_370 : memref<128xi32, #tpu.memory_space<hbm>>) dst(%dma_wait3A_368 : memref<128xi32, #tpu.memory_space<vmem>>)
        %mul3A_371 = arith.constant 1024 : i32
        %mul3A_372 = arith.muli %arg1, %mul3A_371 : i32
        %add3A_373 = arith.constant 0 : i32
        %add3A_374 = arith.addi %mul3A_372, %add3A_373 : i32
        %dma_wait3A_375 = arith.constant 0 : i32
        %dma_wait3A_376 = arith.constant 0 : i32
        %dma_wait3A_377 = tpu.memref_slice %arg5[%dma_wait3A_375, %dma_wait3A_376] : memref<128x128xf32, #tpu.memory_space<vmem>> -> memref<128x128xf32, #tpu.memory_space<vmem>>
        %dma_wait3A_378 = arith.constant 0 : i32
        %dma_wait3A_379 = tpu.memref_slice %arg2[%add3A_198, %add3A_374, %dma_wait3A_378] : memref<32x16000x128xf32, #tpu.memory_space<hbm>> -> memref<1x128x128xf32, #tpu.memory_space<hbm>>
        %dma_wait3A_380 = tpu.memref_squeeze %dma_wait3A_379 : memref<1x128x128xf32, #tpu.memory_space<hbm>> -> memref<128x128xf32, #tpu.memory_space<hbm>>
        %dma_wait3A_381 = arith.constant 0 : i32
        %dma_wait3A_382 = arith.constant 0 : i32
        %dma_wait3A_383 = tpu.memref_slice %arg5[%dma_wait3A_381, %dma_wait3A_382] : memref<128x128xf32, #tpu.memory_space<vmem>> -> memref<128x128xf32, #tpu.memory_space<vmem>>
        %dma_wait3A_384 = arith.constant 0 : i32
        %dma_wait3A_385 = tpu.memref_slice %arg2[%add3A_198, %add3A_374, %dma_wait3A_384] : memref<32x16000x128xf32, #tpu.memory_space<hbm>> -> memref<1x128x128xf32, #tpu.memory_space<hbm>>
        %dma_wait3A_386 = tpu.memref_squeeze %dma_wait3A_385 : memref<1x128x128xf32, #tpu.memory_space<hbm>> -> memref<128x128xf32, #tpu.memory_space<hbm>>
        tpu.wait_dma2 semaphore(%arg20 : memref<!tpu.dma_semaphore, #tpu.memory_space<semaphore_mem>>) src(%dma_wait3A_386 : memref<128x128xf32, #tpu.memory_space<hbm>>) dst(%dma_wait3A_383 : memref<128x128xf32, #tpu.memory_space<vmem>>)
        %dma_start3A_387 = arith.constant 0 : i32
        %dma_start3A_388 = arith.constant 0 : i32
        %dma_start3A_389 = arith.constant 0 : i32
        %dma_start3A_390 = tpu.memref_slice %arg5[%dma_start3A_388, %dma_start3A_389] : memref<128x128xf32, #tpu.memory_space<vmem>> -> memref<128x128xf32, #tpu.memory_space<vmem>>
        %dma_start3A_391 = arith.constant 0 : i32
        %dma_start3A_392 = tpu.memref_slice %arg9[%dma_start3A_387, %dma_start3A_391] : memref<1x128xi32, #tpu.memory_space<vmem>> -> memref<1x128xi32, #tpu.memory_space<vmem>>
        %dma_start3A_393 = tpu.memref_squeeze %dma_start3A_392 : memref<1x128xi32, #tpu.memory_space<vmem>> -> memref<128xi32, #tpu.memory_space<vmem>>
        %dma_start3A_394 = arith.constant 0 : i32
        %dma_start3A_395 = arith.constant 0 : i32
        %dma_start3A_396 = tpu.memref_slice %arg15[%dma_start3A_394, %dma_start3A_395] : memref<1024x128xf32, #tpu.memory_space<vmem_shared>> -> memref<1024x128xf32, #tpu.memory_space<vmem_shared>>
        tpu.enqueue_indirect_dma source(%dma_start3A_390 : memref<128x128xf32, #tpu.memory_space<vmem>>) target(%dma_start3A_396 : memref<1024x128xf32, #tpu.memory_space<vmem_shared>>) offsets(%dma_start3A_393 : memref<128xi32, #tpu.memory_space<vmem>>) semaphore(%arg24 : memref<!tpu.dma_semaphore, #tpu.memory_space<semaphore_mem>>) {add = true}
        %mul3A_397 = arith.constant 1024 : i32
        %mul3A_398 = arith.muli %arg1, %mul3A_397 : i32
        %add3A_399 = arith.constant 128 : i32
        %add3A_400 = arith.addi %mul3A_398, %add3A_399 : i32
        %dma_wait3A_401 = arith.constant 0 : i32
        %dma_wait3A_402 = arith.constant 0 : i32
        %dma_wait3A_403 = tpu.memref_slice %arg10[%dma_wait3A_401, %dma_wait3A_402] : memref<1x128xi32, #tpu.memory_space<vmem>> -> memref<1x128xi32, #tpu.memory_space<vmem>>
        %dma_wait3A_404 = tpu.memref_squeeze %dma_wait3A_403 : memref<1x128xi32, #tpu.memory_space<vmem>> -> memref<128xi32, #tpu.memory_space<vmem>>
        %dma_wait3A_405 = tpu.memref_slice %arg3[%add3A_198, %add3A_400] : memref<32x16000xi32, #tpu.memory_space<hbm>> -> memref<1x128xi32, #tpu.memory_space<hbm>>
        %dma_wait3A_406 = tpu.memref_squeeze %dma_wait3A_405 : memref<1x128xi32, #tpu.memory_space<hbm>> -> memref<128xi32, #tpu.memory_space<hbm>>
        %dma_wait3A_407 = arith.constant 0 : i32
        %dma_wait3A_408 = tpu.memref_slice %arg10[%dma_wait3A_401, %dma_wait3A_407] : memref<1x128xi32, #tpu.memory_space<vmem>> -> memref<1x128xi32, #tpu.memory_space<vmem>>
        %dma_wait3A_409 = tpu.memref_squeeze %dma_wait3A_408 : memref<1x128xi32, #tpu.memory_space<vmem>> -> memref<128xi32, #tpu.memory_space<vmem>>
        %dma_wait3A_410 = tpu.memref_slice %arg3[%add3A_198, %add3A_400] : memref<32x16000xi32, #tpu.memory_space<hbm>> -> memref<1x128xi32, #tpu.memory_space<hbm>>
        %dma_wait3A_411 = tpu.memref_squeeze %dma_wait3A_410 : memref<1x128xi32, #tpu.memory_space<hbm>> -> memref<128xi32, #tpu.memory_space<hbm>>
        tpu.wait_dma2 semaphore(%arg17 : memref<!tpu.dma_semaphore, #tpu.memory_space<semaphore_mem>>) src(%dma_wait3A_411 : memref<128xi32, #tpu.memory_space<hbm>>) dst(%dma_wait3A_409 : memref<128xi32, #tpu.memory_space<vmem>>)
        %mul3A_412 = arith.constant 1024 : i32
        %mul3A_413 = arith.muli %arg1, %mul3A_412 : i32
        %add3A_414 = arith.constant 128 : i32
        %add3A_415 = arith.addi %mul3A_413, %add3A_414 : i32
        %dma_wait3A_416 = arith.constant 0 : i32
        %dma_wait3A_417 = arith.constant 0 : i32
        %dma_wait3A_418 = tpu.memref_slice %arg6[%dma_wait3A_416, %dma_wait3A_417] : memref<128x128xf32, #tpu.memory_space<vmem>> -> memref<128x128xf32, #tpu.memory_space<vmem>>
        %dma_wait3A_419 = arith.constant 0 : i32
        %dma_wait3A_420 = tpu.memref_slice %arg2[%add3A_198, %add3A_415, %dma_wait3A_419] : memref<32x16000x128xf32, #tpu.memory_space<hbm>> -> memref<1x128x128xf32, #tpu.memory_space<hbm>>
        %dma_wait3A_421 = tpu.memref_squeeze %dma_wait3A_420 : memref<1x128x128xf32, #tpu.memory_space<hbm>> -> memref<128x128xf32, #tpu.memory_space<hbm>>
        %dma_wait3A_422 = arith.constant 0 : i32
        %dma_wait3A_423 = arith.constant 0 : i32
        %dma_wait3A_424 = tpu.memref_slice %arg6[%dma_wait3A_422, %dma_wait3A_423] : memref<128x128xf32, #tpu.memory_space<vmem>> -> memref<128x128xf32, #tpu.memory_space<vmem>>
        %dma_wait3A_425 = arith.constant 0 : i32
        %dma_wait3A_426 = tpu.memref_slice %arg2[%add3A_198, %add3A_415, %dma_wait3A_425] : memref<32x16000x128xf32, #tpu.memory_space<hbm>> -> memref<1x128x128xf32, #tpu.memory_space<hbm>>
        %dma_wait3A_427 = tpu.memref_squeeze %dma_wait3A_426 : memref<1x128x128xf32, #tpu.memory_space<hbm>> -> memref<128x128xf32, #tpu.memory_space<hbm>>
        tpu.wait_dma2 semaphore(%arg21 : memref<!tpu.dma_semaphore, #tpu.memory_space<semaphore_mem>>) src(%dma_wait3A_427 : memref<128x128xf32, #tpu.memory_space<hbm>>) dst(%dma_wait3A_424 : memref<128x128xf32, #tpu.memory_space<vmem>>)
        %dma_start3A_428 = arith.constant 0 : i32
        %dma_start3A_429 = arith.constant 0 : i32
        %dma_start3A_430 = arith.constant 0 : i32
        %dma_start3A_431 = tpu.memref_slice %arg6[%dma_start3A_429, %dma_start3A_430] : memref<128x128xf32, #tpu.memory_space<vmem>> -> memref<128x128xf32, #tpu.memory_space<vmem>>
        %dma_start3A_432 = arith.constant 0 : i32
        %dma_start3A_433 = tpu.memref_slice %arg10[%dma_start3A_428, %dma_start3A_432] : memref<1x128xi32, #tpu.memory_space<vmem>> -> memref<1x128xi32, #tpu.memory_space<vmem>>
        %dma_start3A_434 = tpu.memref_squeeze %dma_start3A_433 : memref<1x128xi32, #tpu.memory_space<vmem>> -> memref<128xi32, #tpu.memory_space<vmem>>
        %dma_start3A_435 = arith.constant 0 : i32
        %dma_start3A_436 = arith.constant 0 : i32
        %dma_start3A_437 = tpu.memref_slice %arg15[%dma_start3A_435, %dma_start3A_436] : memref<1024x128xf32, #tpu.memory_space<vmem_shared>> -> memref<1024x128xf32, #tpu.memory_space<vmem_shared>>
        tpu.enqueue_indirect_dma source(%dma_start3A_431 : memref<128x128xf32, #tpu.memory_space<vmem>>) target(%dma_start3A_437 : memref<1024x128xf32, #tpu.memory_space<vmem_shared>>) offsets(%dma_start3A_434 : memref<128xi32, #tpu.memory_space<vmem>>) semaphore(%arg25 : memref<!tpu.dma_semaphore, #tpu.memory_space<semaphore_mem>>) {add = true}
        %dma_wait3A_438 = arith.constant 0 : i32
        %dma_wait3A_439 = arith.constant 0 : i32
        %dma_wait3A_440 = arith.constant 0 : i32
        %dma_wait3A_441 = tpu.memref_slice %arg5[%dma_wait3A_439, %dma_wait3A_440] : memref<128x128xf32, #tpu.memory_space<vmem>> -> memref<128x128xf32, #tpu.memory_space<vmem>>
        %dma_wait3A_442 = arith.constant 0 : i32
        %dma_wait3A_443 = tpu.memref_slice %arg9[%dma_wait3A_438, %dma_wait3A_442] : memref<1x128xi32, #tpu.memory_space<vmem>> -> memref<1x128xi32, #tpu.memory_space<vmem>>
        %dma_wait3A_444 = tpu.memref_squeeze %dma_wait3A_443 : memref<1x128xi32, #tpu.memory_space<vmem>> -> memref<128xi32, #tpu.memory_space<vmem>>
        %dma_wait3A_445 = arith.constant 0 : i32
        %dma_wait3A_446 = arith.constant 0 : i32
        %dma_wait3A_447 = tpu.memref_slice %arg15[%dma_wait3A_445, %dma_wait3A_446] : memref<1024x128xf32, #tpu.memory_space<vmem_shared>> -> memref<1024x128xf32, #tpu.memory_space<vmem_shared>>
        tpu.wait_indirect_dma semaphore(%arg24 : memref<!tpu.dma_semaphore, #tpu.memory_space<semaphore_mem>>) src(%dma_wait3A_441 : memref<128x128xf32, #tpu.memory_space<vmem>>) dst(%dma_wait3A_447 : memref<1024x128xf32, #tpu.memory_space<vmem_shared>>)
        %mul3A_448 = arith.constant 1024 : i32
        %mul3A_449 = arith.muli %arg1, %mul3A_448 : i32
        %add3A_450 = arith.constant 512 : i32
        %add3A_451 = arith.addi %mul3A_449, %add3A_450 : i32
        %dma_start3A_452 = arith.constant 0 : i32
        %dma_start3A_453 = arith.constant 0 : i32
        %dma_start3A_454 = tpu.memref_slice %arg5[%dma_start3A_452, %dma_start3A_453] : memref<128x128xf32, #tpu.memory_space<vmem>> -> memref<128x128xf32, #tpu.memory_space<vmem>>
        %dma_start3A_455 = arith.constant 0 : i32
        %dma_start3A_456 = tpu.memref_slice %arg2[%add3A_198, %add3A_451, %dma_start3A_455] : memref<32x16000x128xf32, #tpu.memory_space<hbm>> -> memref<1x128x128xf32, #tpu.memory_space<hbm>>
        %dma_start3A_457 = tpu.memref_squeeze %dma_start3A_456 : memref<1x128x128xf32, #tpu.memory_space<hbm>> -> memref<128x128xf32, #tpu.memory_space<hbm>>
        %dma_start3A_458 = arith.constant 0 : i32
        %dma_start3A_459 = arith.constant 0 : i32
        %dma_start3A_460 = tpu.memref_slice %arg5[%dma_start3A_458, %dma_start3A_459] : memref<128x128xf32, #tpu.memory_space<vmem>> -> memref<128x128xf32, #tpu.memory_space<vmem>>
        %dma_start3A_461 = arith.constant 0 : i32
        %dma_start3A_462 = tpu.memref_slice %arg2[%add3A_198, %add3A_451, %dma_start3A_461] : memref<32x16000x128xf32, #tpu.memory_space<hbm>> -> memref<1x128x128xf32, #tpu.memory_space<hbm>>
        %dma_start3A_463 = tpu.memref_squeeze %dma_start3A_462 : memref<1x128x128xf32, #tpu.memory_space<hbm>> -> memref<128x128xf32, #tpu.memory_space<hbm>>
        tpu.enqueue_dma source(%dma_start3A_463 : memref<128x128xf32, #tpu.memory_space<hbm>>) target(%dma_start3A_460 : memref<128x128xf32, #tpu.memory_space<vmem>>) target_semaphore(%arg20 : memref<!tpu.dma_semaphore, #tpu.memory_space<semaphore_mem>>)
        %mul3A_464 = arith.constant 1024 : i32
        %mul3A_465 = arith.muli %arg1, %mul3A_464 : i32
        %add3A_466 = arith.constant 512 : i32
        %add3A_467 = arith.addi %mul3A_465, %add3A_466 : i32
        %dma_start3A_468 = arith.constant 0 : i32
        %dma_start3A_469 = arith.constant 0 : i32
        %dma_start3A_470 = tpu.memref_slice %arg9[%dma_start3A_468, %dma_start3A_469] : memref<1x128xi32, #tpu.memory_space<vmem>> -> memref<1x128xi32, #tpu.memory_space<vmem>>
        %dma_start3A_471 = tpu.memref_squeeze %dma_start3A_470 : memref<1x128xi32, #tpu.memory_space<vmem>> -> memref<128xi32, #tpu.memory_space<vmem>>
        %dma_start3A_472 = tpu.memref_slice %arg3[%add3A_198, %add3A_467] : memref<32x16000xi32, #tpu.memory_space<hbm>> -> memref<1x128xi32, #tpu.memory_space<hbm>>
        %dma_start3A_473 = tpu.memref_squeeze %dma_start3A_472 : memref<1x128xi32, #tpu.memory_space<hbm>> -> memref<128xi32, #tpu.memory_space<hbm>>
        %dma_start3A_474 = arith.constant 0 : i32
        %dma_start3A_475 = tpu.memref_slice %arg9[%dma_start3A_468, %dma_start3A_474] : memref<1x128xi32, #tpu.memory_space<vmem>> -> memref<1x128xi32, #tpu.memory_space<vmem>>
        %dma_start3A_476 = tpu.memref_squeeze %dma_start3A_475 : memref<1x128xi32, #tpu.memory_space<vmem>> -> memref<128xi32, #tpu.memory_space<vmem>>
        %dma_start3A_477 = tpu.memref_slice %arg3[%add3A_198, %add3A_467] : memref<32x16000xi32, #tpu.memory_space<hbm>> -> memref<1x128xi32, #tpu.memory_space<hbm>>
        %dma_start3A_478 = tpu.memref_squeeze %dma_start3A_477 : memref<1x128xi32, #tpu.memory_space<hbm>> -> memref<128xi32, #tpu.memory_space<hbm>>
        tpu.enqueue_dma source(%dma_start3A_478 : memref<128xi32, #tpu.memory_space<hbm>>) target(%dma_start3A_476 : memref<128xi32, #tpu.memory_space<vmem>>) target_semaphore(%arg16 : memref<!tpu.dma_semaphore, #tpu.memory_space<semaphore_mem>>)
        %mul3A_479 = arith.constant 1024 : i32
        %mul3A_480 = arith.muli %arg1, %mul3A_479 : i32
        %add3A_481 = arith.constant 256 : i32
        %add3A_482 = arith.addi %mul3A_480, %add3A_481 : i32
        %dma_wait3A_483 = arith.constant 0 : i32
        %dma_wait3A_484 = arith.constant 0 : i32
        %dma_wait3A_485 = tpu.memref_slice %arg11[%dma_wait3A_483, %dma_wait3A_484] : memref<1x128xi32, #tpu.memory_space<vmem>> -> memref<1x128xi32, #tpu.memory_space<vmem>>
        %dma_wait3A_486 = tpu.memref_squeeze %dma_wait3A_485 : memref<1x128xi32, #tpu.memory_space<vmem>> -> memref<128xi32, #tpu.memory_space<vmem>>
        %dma_wait3A_487 = tpu.memref_slice %arg3[%add3A_198, %add3A_482] : memref<32x16000xi32, #tpu.memory_space<hbm>> -> memref<1x128xi32, #tpu.memory_space<hbm>>
        %dma_wait3A_488 = tpu.memref_squeeze %dma_wait3A_487 : memref<1x128xi32, #tpu.memory_space<hbm>> -> memref<128xi32, #tpu.memory_space<hbm>>
        %dma_wait3A_489 = arith.constant 0 : i32
        %dma_wait3A_490 = tpu.memref_slice %arg11[%dma_wait3A_483, %dma_wait3A_489] : memref<1x128xi32, #tpu.memory_space<vmem>> -> memref<1x128xi32, #tpu.memory_space<vmem>>
        %dma_wait3A_491 = tpu.memref_squeeze %dma_wait3A_490 : memref<1x128xi32, #tpu.memory_space<vmem>> -> memref<128xi32, #tpu.memory_space<vmem>>
        %dma_wait3A_492 = tpu.memref_slice %arg3[%add3A_198, %add3A_482] : memref<32x16000xi32, #tpu.memory_space<hbm>> -> memref<1x128xi32, #tpu.memory_space<hbm>>
        %dma_wait3A_493 = tpu.memref_squeeze %dma_wait3A_492 : memref<1x128xi32, #tpu.memory_space<hbm>> -> memref<128xi32, #tpu.memory_space<hbm>>
        tpu.wait_dma2 semaphore(%arg18 : memref<!tpu.dma_semaphore, #tpu.memory_space<semaphore_mem>>) src(%dma_wait3A_493 : memref<128xi32, #tpu.memory_space<hbm>>) dst(%dma_wait3A_491 : memref<128xi32, #tpu.memory_space<vmem>>)
        %mul3A_494 = arith.constant 1024 : i32
        %mul3A_495 = arith.muli %arg1, %mul3A_494 : i32
        %add3A_496 = arith.constant 256 : i32
        %add3A_497 = arith.addi %mul3A_495, %add3A_496 : i32
        %dma_wait3A_498 = arith.constant 0 : i32
        %dma_wait3A_499 = arith.constant 0 : i32
        %dma_wait3A_500 = tpu.memref_slice %arg7[%dma_wait3A_498, %dma_wait3A_499] : memref<128x128xf32, #tpu.memory_space<vmem>> -> memref<128x128xf32, #tpu.memory_space<vmem>>
        %dma_wait3A_501 = arith.constant 0 : i32
        %dma_wait3A_502 = tpu.memref_slice %arg2[%add3A_198, %add3A_497, %dma_wait3A_501] : memref<32x16000x128xf32, #tpu.memory_space<hbm>> -> memref<1x128x128xf32, #tpu.memory_space<hbm>>
        %dma_wait3A_503 = tpu.memref_squeeze %dma_wait3A_502 : memref<1x128x128xf32, #tpu.memory_space<hbm>> -> memref<128x128xf32, #tpu.memory_space<hbm>>
        %dma_wait3A_504 = arith.constant 0 : i32
        %dma_wait3A_505 = arith.constant 0 : i32
        %dma_wait3A_506 = tpu.memref_slice %arg7[%dma_wait3A_504, %dma_wait3A_505] : memref<128x128xf32, #tpu.memory_space<vmem>> -> memref<128x128xf32, #tpu.memory_space<vmem>>
        %dma_wait3A_507 = arith.constant 0 : i32
        %dma_wait3A_508 = tpu.memref_slice %arg2[%add3A_198, %add3A_497, %dma_wait3A_507] : memref<32x16000x128xf32, #tpu.memory_space<hbm>> -> memref<1x128x128xf32, #tpu.memory_space<hbm>>
        %dma_wait3A_509 = tpu.memref_squeeze %dma_wait3A_508 : memref<1x128x128xf32, #tpu.memory_space<hbm>> -> memref<128x128xf32, #tpu.memory_space<hbm>>
        tpu.wait_dma2 semaphore(%arg22 : memref<!tpu.dma_semaphore, #tpu.memory_space<semaphore_mem>>) src(%dma_wait3A_509 : memref<128x128xf32, #tpu.memory_space<hbm>>) dst(%dma_wait3A_506 : memref<128x128xf32, #tpu.memory_space<vmem>>)
        %dma_start3A_510 = arith.constant 0 : i32
        %dma_start3A_511 = arith.constant 0 : i32
        %dma_start3A_512 = arith.constant 0 : i32
        %dma_start3A_513 = tpu.memref_slice %arg7[%dma_start3A_511, %dma_start3A_512] : memref<128x128xf32, #tpu.memory_space<vmem>> -> memref<128x128xf32, #tpu.memory_space<vmem>>
        %dma_start3A_514 = arith.constant 0 : i32
        %dma_start3A_515 = tpu.memref_slice %arg11[%dma_start3A_510, %dma_start3A_514] : memref<1x128xi32, #tpu.memory_space<vmem>> -> memref<1x128xi32, #tpu.memory_space<vmem>>
        %dma_start3A_516 = tpu.memref_squeeze %dma_start3A_515 : memref<1x128xi32, #tpu.memory_space<vmem>> -> memref<128xi32, #tpu.memory_space<vmem>>
        %dma_start3A_517 = arith.constant 0 : i32
        %dma_start3A_518 = arith.constant 0 : i32
        %dma_start3A_519 = tpu.memref_slice %arg15[%dma_start3A_517, %dma_start3A_518] : memref<1024x128xf32, #tpu.memory_space<vmem_shared>> -> memref<1024x128xf32, #tpu.memory_space<vmem_shared>>
        tpu.enqueue_indirect_dma source(%dma_start3A_513 : memref<128x128xf32, #tpu.memory_space<vmem>>) target(%dma_start3A_519 : memref<1024x128xf32, #tpu.memory_space<vmem_shared>>) offsets(%dma_start3A_516 : memref<128xi32, #tpu.memory_space<vmem>>) semaphore(%arg26 : memref<!tpu.dma_semaphore, #tpu.memory_space<semaphore_mem>>) {add = true}
        %dma_wait3A_520 = arith.constant 0 : i32
        %dma_wait3A_521 = arith.constant 0 : i32
        %dma_wait3A_522 = arith.constant 0 : i32
        %dma_wait3A_523 = tpu.memref_slice %arg6[%dma_wait3A_521, %dma_wait3A_522] : memref<128x128xf32, #tpu.memory_space<vmem>> -> memref<128x128xf32, #tpu.memory_space<vmem>>
        %dma_wait3A_524 = arith.constant 0 : i32
        %dma_wait3A_525 = tpu.memref_slice %arg10[%dma_wait3A_520, %dma_wait3A_524] : memref<1x128xi32, #tpu.memory_space<vmem>> -> memref<1x128xi32, #tpu.memory_space<vmem>>
        %dma_wait3A_526 = tpu.memref_squeeze %dma_wait3A_525 : memref<1x128xi32, #tpu.memory_space<vmem>> -> memref<128xi32, #tpu.memory_space<vmem>>
        %dma_wait3A_527 = arith.constant 0 : i32
        %dma_wait3A_528 = arith.constant 0 : i32
        %dma_wait3A_529 = tpu.memref_slice %arg15[%dma_wait3A_527, %dma_wait3A_528] : memref<1024x128xf32, #tpu.memory_space<vmem_shared>> -> memref<1024x128xf32, #tpu.memory_space<vmem_shared>>
        tpu.wait_indirect_dma semaphore(%arg25 : memref<!tpu.dma_semaphore, #tpu.memory_space<semaphore_mem>>) src(%dma_wait3A_523 : memref<128x128xf32, #tpu.memory_space<vmem>>) dst(%dma_wait3A_529 : memref<1024x128xf32, #tpu.memory_space<vmem_shared>>)
        %mul3A_530 = arith.constant 1024 : i32
        %mul3A_531 = arith.muli %arg1, %mul3A_530 : i32
        %add3A_532 = arith.constant 384 : i32
        %add3A_533 = arith.addi %mul3A_531, %add3A_532 : i32
        %dma_wait3A_534 = arith.constant 0 : i32
        %dma_wait3A_535 = arith.constant 0 : i32
        %dma_wait3A_536 = tpu.memref_slice %arg12[%dma_wait3A_534, %dma_wait3A_535] : memref<1x128xi32, #tpu.memory_space<vmem>> -> memref<1x128xi32, #tpu.memory_space<vmem>>
        %dma_wait3A_537 = tpu.memref_squeeze %dma_wait3A_536 : memref<1x128xi32, #tpu.memory_space<vmem>> -> memref<128xi32, #tpu.memory_space<vmem>>
        %dma_wait3A_538 = tpu.memref_slice %arg3[%add3A_198, %add3A_533] : memref<32x16000xi32, #tpu.memory_space<hbm>> -> memref<1x128xi32, #tpu.memory_space<hbm>>
        %dma_wait3A_539 = tpu.memref_squeeze %dma_wait3A_538 : memref<1x128xi32, #tpu.memory_space<hbm>> -> memref<128xi32, #tpu.memory_space<hbm>>
        %dma_wait3A_540 = arith.constant 0 : i32
        %dma_wait3A_541 = tpu.memref_slice %arg12[%dma_wait3A_534, %dma_wait3A_540] : memref<1x128xi32, #tpu.memory_space<vmem>> -> memref<1x128xi32, #tpu.memory_space<vmem>>
        %dma_wait3A_542 = tpu.memref_squeeze %dma_wait3A_541 : memref<1x128xi32, #tpu.memory_space<vmem>> -> memref<128xi32, #tpu.memory_space<vmem>>
        %dma_wait3A_543 = tpu.memref_slice %arg3[%add3A_198, %add3A_533] : memref<32x16000xi32, #tpu.memory_space<hbm>> -> memref<1x128xi32, #tpu.memory_space<hbm>>
        %dma_wait3A_544 = tpu.memref_squeeze %dma_wait3A_543 : memref<1x128xi32, #tpu.memory_space<hbm>> -> memref<128xi32, #tpu.memory_space<hbm>>
        tpu.wait_dma2 semaphore(%arg19 : memref<!tpu.dma_semaphore, #tpu.memory_space<semaphore_mem>>) src(%dma_wait3A_544 : memref<128xi32, #tpu.memory_space<hbm>>) dst(%dma_wait3A_542 : memref<128xi32, #tpu.memory_space<vmem>>)
        %mul3A_545 = arith.constant 1024 : i32
        %mul3A_546 = arith.muli %arg1, %mul3A_545 : i32
        %add3A_547 = arith.constant 384 : i32
        %add3A_548 = arith.addi %mul3A_546, %add3A_547 : i32
        %dma_wait3A_549 = arith.constant 0 : i32
        %dma_wait3A_550 = arith.constant 0 : i32
        %dma_wait3A_551 = tpu.memref_slice %arg8[%dma_wait3A_549, %dma_wait3A_550] : memref<128x128xf32, #tpu.memory_space<vmem>> -> memref<128x128xf32, #tpu.memory_space<vmem>>
        %dma_wait3A_552 = arith.constant 0 : i32
        %dma_wait3A_553 = tpu.memref_slice %arg2[%add3A_198, %add3A_548, %dma_wait3A_552] : memref<32x16000x128xf32, #tpu.memory_space<hbm>> -> memref<1x128x128xf32, #tpu.memory_space<hbm>>
        %dma_wait3A_554 = tpu.memref_squeeze %dma_wait3A_553 : memref<1x128x128xf32, #tpu.memory_space<hbm>> -> memref<128x128xf32, #tpu.memory_space<hbm>>
        %dma_wait3A_555 = arith.constant 0 : i32
        %dma_wait3A_556 = arith.constant 0 : i32
        %dma_wait3A_557 = tpu.memref_slice %arg8[%dma_wait3A_555, %dma_wait3A_556] : memref<128x128xf32, #tpu.memory_space<vmem>> -> memref<128x128xf32, #tpu.memory_space<vmem>>
        %dma_wait3A_558 = arith.constant 0 : i32
        %dma_wait3A_559 = tpu.memref_slice %arg2[%add3A_198, %add3A_548, %dma_wait3A_558] : memref<32x16000x128xf32, #tpu.memory_space<hbm>> -> memref<1x128x128xf32, #tpu.memory_space<hbm>>
        %dma_wait3A_560 = tpu.memref_squeeze %dma_wait3A_559 : memref<1x128x128xf32, #tpu.memory_space<hbm>> -> memref<128x128xf32, #tpu.memory_space<hbm>>
        tpu.wait_dma2 semaphore(%arg23 : memref<!tpu.dma_semaphore, #tpu.memory_space<semaphore_mem>>) src(%dma_wait3A_560 : memref<128x128xf32, #tpu.memory_space<hbm>>) dst(%dma_wait3A_557 : memref<128x128xf32, #tpu.memory_space<vmem>>)
        %dma_start3A_561 = arith.constant 0 : i32
        %dma_start3A_562 = arith.constant 0 : i32
        %dma_start3A_563 = arith.constant 0 : i32
        %dma_start3A_564 = tpu.memref_slice %arg8[%dma_start3A_562, %dma_start3A_563] : memref<128x128xf32, #tpu.memory_space<vmem>> -> memref<128x128xf32, #tpu.memory_space<vmem>>
        %dma_start3A_565 = arith.constant 0 : i32
        %dma_start3A_566 = tpu.memref_slice %arg12[%dma_start3A_561, %dma_start3A_565] : memref<1x128xi32, #tpu.memory_space<vmem>> -> memref<1x128xi32, #tpu.memory_space<vmem>>
        %dma_start3A_567 = tpu.memref_squeeze %dma_start3A_566 : memref<1x128xi32, #tpu.memory_space<vmem>> -> memref<128xi32, #tpu.memory_space<vmem>>
        %dma_start3A_568 = arith.constant 0 : i32
        %dma_start3A_569 = arith.constant 0 : i32
        %dma_start3A_570 = tpu.memref_slice %arg15[%dma_start3A_568, %dma_start3A_569] : memref<1024x128xf32, #tpu.memory_space<vmem_shared>> -> memref<1024x128xf32, #tpu.memory_space<vmem_shared>>
        tpu.enqueue_indirect_dma source(%dma_start3A_564 : memref<128x128xf32, #tpu.memory_space<vmem>>) target(%dma_start3A_570 : memref<1024x128xf32, #tpu.memory_space<vmem_shared>>) offsets(%dma_start3A_567 : memref<128xi32, #tpu.memory_space<vmem>>) semaphore(%arg27 : memref<!tpu.dma_semaphore, #tpu.memory_space<semaphore_mem>>) {add = true}
        %dma_wait3A_571 = arith.constant 0 : i32
        %dma_wait3A_572 = arith.constant 0 : i32
        %dma_wait3A_573 = arith.constant 0 : i32
        %dma_wait3A_574 = tpu.memref_slice %arg7[%dma_wait3A_572, %dma_wait3A_573] : memref<128x128xf32, #tpu.memory_space<vmem>> -> memref<128x128xf32, #tpu.memory_space<vmem>>
        %dma_wait3A_575 = arith.constant 0 : i32
        %dma_wait3A_576 = tpu.memref_slice %arg11[%dma_wait3A_571, %dma_wait3A_575] : memref<1x128xi32, #tpu.memory_space<vmem>> -> memref<1x128xi32, #tpu.memory_space<vmem>>
        %dma_wait3A_577 = tpu.memref_squeeze %dma_wait3A_576 : memref<1x128xi32, #tpu.memory_space<vmem>> -> memref<128xi32, #tpu.memory_space<vmem>>
        %dma_wait3A_578 = arith.constant 0 : i32
        %dma_wait3A_579 = arith.constant 0 : i32
        %dma_wait3A_580 = tpu.memref_slice %arg15[%dma_wait3A_578, %dma_wait3A_579] : memref<1024x128xf32, #tpu.memory_space<vmem_shared>> -> memref<1024x128xf32, #tpu.memory_space<vmem_shared>>
        tpu.wait_indirect_dma semaphore(%arg26 : memref<!tpu.dma_semaphore, #tpu.memory_space<semaphore_mem>>) src(%dma_wait3A_574 : memref<128x128xf32, #tpu.memory_space<vmem>>) dst(%dma_wait3A_580 : memref<1024x128xf32, #tpu.memory_space<vmem_shared>>)
        %mul3A_581 = arith.constant 1024 : i32
        %mul3A_582 = arith.muli %arg1, %mul3A_581 : i32
        %add3A_583 = arith.constant 512 : i32
        %add3A_584 = arith.addi %mul3A_582, %add3A_583 : i32
        %dma_wait3A_585 = arith.constant 0 : i32
        %dma_wait3A_586 = arith.constant 0 : i32
        %dma_wait3A_587 = tpu.memref_slice %arg9[%dma_wait3A_585, %dma_wait3A_586] : memref<1x128xi32, #tpu.memory_space<vmem>> -> memref<1x128xi32, #tpu.memory_space<vmem>>
        %dma_wait3A_588 = tpu.memref_squeeze %dma_wait3A_587 : memref<1x128xi32, #tpu.memory_space<vmem>> -> memref<128xi32, #tpu.memory_space<vmem>>
        %dma_wait3A_589 = tpu.memref_slice %arg3[%add3A_198, %add3A_584] : memref<32x16000xi32, #tpu.memory_space<hbm>> -> memref<1x128xi32, #tpu.memory_space<hbm>>
        %dma_wait3A_590 = tpu.memref_squeeze %dma_wait3A_589 : memref<1x128xi32, #tpu.memory_space<hbm>> -> memref<128xi32, #tpu.memory_space<hbm>>
        %dma_wait3A_591 = arith.constant 0 : i32
        %dma_wait3A_592 = tpu.memref_slice %arg9[%dma_wait3A_585, %dma_wait3A_591] : memref<1x128xi32, #tpu.memory_space<vmem>> -> memref<1x128xi32, #tpu.memory_space<vmem>>
        %dma_wait3A_593 = tpu.memref_squeeze %dma_wait3A_592 : memref<1x128xi32, #tpu.memory_space<vmem>> -> memref<128xi32, #tpu.memory_space<vmem>>
        %dma_wait3A_594 = tpu.memref_slice %arg3[%add3A_198, %add3A_584] : memref<32x16000xi32, #tpu.memory_space<hbm>> -> memref<1x128xi32, #tpu.memory_space<hbm>>
        %dma_wait3A_595 = tpu.memref_squeeze %dma_wait3A_594 : memref<1x128xi32, #tpu.memory_space<hbm>> -> memref<128xi32, #tpu.memory_space<hbm>>
        tpu.wait_dma2 semaphore(%arg16 : memref<!tpu.dma_semaphore, #tpu.memory_space<semaphore_mem>>) src(%dma_wait3A_595 : memref<128xi32, #tpu.memory_space<hbm>>) dst(%dma_wait3A_593 : memref<128xi32, #tpu.memory_space<vmem>>)
        %mul3A_596 = arith.constant 1024 : i32
        %mul3A_597 = arith.muli %arg1, %mul3A_596 : i32
        %add3A_598 = arith.constant 512 : i32
        %add3A_599 = arith.addi %mul3A_597, %add3A_598 : i32
        %dma_wait3A_600 = arith.constant 0 : i32
        %dma_wait3A_601 = arith.constant 0 : i32
        %dma_wait3A_602 = tpu.memref_slice %arg5[%dma_wait3A_600, %dma_wait3A_601] : memref<128x128xf32, #tpu.memory_space<vmem>> -> memref<128x128xf32, #tpu.memory_space<vmem>>
        %dma_wait3A_603 = arith.constant 0 : i32
        %dma_wait3A_604 = tpu.memref_slice %arg2[%add3A_198, %add3A_599, %dma_wait3A_603] : memref<32x16000x128xf32, #tpu.memory_space<hbm>> -> memref<1x128x128xf32, #tpu.memory_space<hbm>>
        %dma_wait3A_605 = tpu.memref_squeeze %dma_wait3A_604 : memref<1x128x128xf32, #tpu.memory_space<hbm>> -> memref<128x128xf32, #tpu.memory_space<hbm>>
        %dma_wait3A_606 = arith.constant 0 : i32
        %dma_wait3A_607 = arith.constant 0 : i32
        %dma_wait3A_608 = tpu.memref_slice %arg5[%dma_wait3A_606, %dma_wait3A_607] : memref<128x128xf32, #tpu.memory_space<vmem>> -> memref<128x128xf32, #tpu.memory_space<vmem>>
        %dma_wait3A_609 = arith.constant 0 : i32
        %dma_wait3A_610 = tpu.memref_slice %arg2[%add3A_198, %add3A_599, %dma_wait3A_609] : memref<32x16000x128xf32, #tpu.memory_space<hbm>> -> memref<1x128x128xf32, #tpu.memory_space<hbm>>
        %dma_wait3A_611 = tpu.memref_squeeze %dma_wait3A_610 : memref<1x128x128xf32, #tpu.memory_space<hbm>> -> memref<128x128xf32, #tpu.memory_space<hbm>>
        tpu.wait_dma2 semaphore(%arg20 : memref<!tpu.dma_semaphore, #tpu.memory_space<semaphore_mem>>) src(%dma_wait3A_611 : memref<128x128xf32, #tpu.memory_space<hbm>>) dst(%dma_wait3A_608 : memref<128x128xf32, #tpu.memory_space<vmem>>)
        %dma_start3A_612 = arith.constant 0 : i32
        %dma_start3A_613 = arith.constant 0 : i32
        %dma_start3A_614 = arith.constant 0 : i32
        %dma_start3A_615 = tpu.memref_slice %arg5[%dma_start3A_613, %dma_start3A_614] : memref<128x128xf32, #tpu.memory_space<vmem>> -> memref<128x128xf32, #tpu.memory_space<vmem>>
        %dma_start3A_616 = arith.constant 0 : i32
        %dma_start3A_617 = tpu.memref_slice %arg9[%dma_start3A_612, %dma_start3A_616] : memref<1x128xi32, #tpu.memory_space<vmem>> -> memref<1x128xi32, #tpu.memory_space<vmem>>
        %dma_start3A_618 = tpu.memref_squeeze %dma_start3A_617 : memref<1x128xi32, #tpu.memory_space<vmem>> -> memref<128xi32, #tpu.memory_space<vmem>>
        %dma_start3A_619 = arith.constant 0 : i32
        %dma_start3A_620 = arith.constant 0 : i32
        %dma_start3A_621 = tpu.memref_slice %arg15[%dma_start3A_619, %dma_start3A_620] : memref<1024x128xf32, #tpu.memory_space<vmem_shared>> -> memref<1024x128xf32, #tpu.memory_space<vmem_shared>>
        tpu.enqueue_indirect_dma source(%dma_start3A_615 : memref<128x128xf32, #tpu.memory_space<vmem>>) target(%dma_start3A_621 : memref<1024x128xf32, #tpu.memory_space<vmem_shared>>) offsets(%dma_start3A_618 : memref<128xi32, #tpu.memory_space<vmem>>) semaphore(%arg24 : memref<!tpu.dma_semaphore, #tpu.memory_space<semaphore_mem>>) {add = true}
        %dma_wait3A_622 = arith.constant 0 : i32
        %dma_wait3A_623 = arith.constant 0 : i32
        %dma_wait3A_624 = arith.constant 0 : i32
        %dma_wait3A_625 = tpu.memref_slice %arg8[%dma_wait3A_623, %dma_wait3A_624] : memref<128x128xf32, #tpu.memory_space<vmem>> -> memref<128x128xf32, #tpu.memory_space<vmem>>
        %dma_wait3A_626 = arith.constant 0 : i32
        %dma_wait3A_627 = tpu.memref_slice %arg12[%dma_wait3A_622, %dma_wait3A_626] : memref<1x128xi32, #tpu.memory_space<vmem>> -> memref<1x128xi32, #tpu.memory_space<vmem>>
        %dma_wait3A_628 = tpu.memref_squeeze %dma_wait3A_627 : memref<1x128xi32, #tpu.memory_space<vmem>> -> memref<128xi32, #tpu.memory_space<vmem>>
        %dma_wait3A_629 = arith.constant 0 : i32
        %dma_wait3A_630 = arith.constant 0 : i32
        %dma_wait3A_631 = tpu.memref_slice %arg15[%dma_wait3A_629, %dma_wait3A_630] : memref<1024x128xf32, #tpu.memory_space<vmem_shared>> -> memref<1024x128xf32, #tpu.memory_space<vmem_shared>>
        tpu.wait_indirect_dma semaphore(%arg27 : memref<!tpu.dma_semaphore, #tpu.memory_space<semaphore_mem>>) src(%dma_wait3A_625 : memref<128x128xf32, #tpu.memory_space<vmem>>) dst(%dma_wait3A_631 : memref<1024x128xf32, #tpu.memory_space<vmem_shared>>)
        %dma_wait3A_632 = arith.constant 0 : i32
        %dma_wait3A_633 = arith.constant 0 : i32
        %dma_wait3A_634 = arith.constant 0 : i32
        %dma_wait3A_635 = tpu.memref_slice %arg5[%dma_wait3A_633, %dma_wait3A_634] : memref<128x128xf32, #tpu.memory_space<vmem>> -> memref<128x128xf32, #tpu.memory_space<vmem>>
        %dma_wait3A_636 = arith.constant 0 : i32
        %dma_wait3A_637 = tpu.memref_slice %arg9[%dma_wait3A_632, %dma_wait3A_636] : memref<1x128xi32, #tpu.memory_space<vmem>> -> memref<1x128xi32, #tpu.memory_space<vmem>>
        %dma_wait3A_638 = tpu.memref_squeeze %dma_wait3A_637 : memref<1x128xi32, #tpu.memory_space<vmem>> -> memref<128xi32, #tpu.memory_space<vmem>>
        %dma_wait3A_639 = arith.constant 0 : i32
        %dma_wait3A_640 = arith.constant 0 : i32
        %dma_wait3A_641 = tpu.memref_slice %arg15[%dma_wait3A_639, %dma_wait3A_640] : memref<1024x128xf32, #tpu.memory_space<vmem_shared>> -> memref<1024x128xf32, #tpu.memory_space<vmem_shared>>
        tpu.wait_indirect_dma semaphore(%arg24 : memref<!tpu.dma_semaphore, #tpu.memory_space<semaphore_mem>>) src(%dma_wait3A_635 : memref<128x128xf32, #tpu.memory_space<vmem>>) dst(%dma_wait3A_641 : memref<1024x128xf32, #tpu.memory_space<vmem_shared>>)
        %convert_element_type3A_642 = arith.extui %lt3A_200 : i1 to i32
        %cond3A_643 = arith.constant 0 : i32
        %cond3A_644 = arith.cmpi ne, %convert_element_type3A_642, %cond3A_643 : i32
        scf.if %cond3A_644 {
          %add3A_645 = arith.constant 1 : i32
          %add3A_646 = arith.addi %add3A_198, %add3A_645 : i32
          %mul3A_647 = arith.constant 1024 : i32
          %mul3A_648 = arith.muli %arg1, %mul3A_647 : i32
          %add3A_649 = arith.constant 0 : i32
          %add3A_650 = arith.addi %mul3A_648, %add3A_649 : i32
          %dma_start3A_651 = arith.constant 0 : i32
          %dma_start3A_652 = arith.constant 0 : i32
          %dma_start3A_653 = tpu.memref_slice %arg5[%dma_start3A_651, %dma_start3A_652] : memref<128x128xf32, #tpu.memory_space<vmem>> -> memref<128x128xf32, #tpu.memory_space<vmem>>
          %dma_start3A_654 = arith.constant 0 : i32
          %dma_start3A_655 = tpu.memref_slice %arg2[%add3A_646, %add3A_650, %dma_start3A_654] : memref<32x16000x128xf32, #tpu.memory_space<hbm>> -> memref<1x128x128xf32, #tpu.memory_space<hbm>>
          %dma_start3A_656 = tpu.memref_squeeze %dma_start3A_655 : memref<1x128x128xf32, #tpu.memory_space<hbm>> -> memref<128x128xf32, #tpu.memory_space<hbm>>
          %dma_start3A_657 = arith.constant 0 : i32
          %dma_start3A_658 = arith.constant 0 : i32
          %dma_start3A_659 = tpu.memref_slice %arg5[%dma_start3A_657, %dma_start3A_658] : memref<128x128xf32, #tpu.memory_space<vmem>> -> memref<128x128xf32, #tpu.memory_space<vmem>>
          %dma_start3A_660 = arith.constant 0 : i32
          %dma_start3A_661 = tpu.memref_slice %arg2[%add3A_646, %add3A_650, %dma_start3A_660] : memref<32x16000x128xf32, #tpu.memory_space<hbm>> -> memref<1x128x128xf32, #tpu.memory_space<hbm>>
          %dma_start3A_662 = tpu.memref_squeeze %dma_start3A_661 : memref<1x128x128xf32, #tpu.memory_space<hbm>> -> memref<128x128xf32, #tpu.memory_space<hbm>>
          tpu.enqueue_dma source(%dma_start3A_662 : memref<128x128xf32, #tpu.memory_space<hbm>>) target(%dma_start3A_659 : memref<128x128xf32, #tpu.memory_space<vmem>>) target_semaphore(%arg20 : memref<!tpu.dma_semaphore, #tpu.memory_space<semaphore_mem>>)
          %mul3A_663 = arith.constant 1024 : i32
          %mul3A_664 = arith.muli %arg1, %mul3A_663 : i32
          %add3A_665 = arith.constant 0 : i32
          %add3A_666 = arith.addi %mul3A_664, %add3A_665 : i32
          %dma_start3A_667 = arith.constant 0 : i32
          %dma_start3A_668 = arith.constant 0 : i32
          %dma_start3A_669 = tpu.memref_slice %arg9[%dma_start3A_667, %dma_start3A_668] : memref<1x128xi32, #tpu.memory_space<vmem>> -> memref<1x128xi32, #tpu.memory_space<vmem>>
          %dma_start3A_670 = tpu.memref_squeeze %dma_start3A_669 : memref<1x128xi32, #tpu.memory_space<vmem>> -> memref<128xi32, #tpu.memory_space<vmem>>
          %dma_start3A_671 = tpu.memref_slice %arg3[%add3A_646, %add3A_666] : memref<32x16000xi32, #tpu.memory_space<hbm>> -> memref<1x128xi32, #tpu.memory_space<hbm>>
          %dma_start3A_672 = tpu.memref_squeeze %dma_start3A_671 : memref<1x128xi32, #tpu.memory_space<hbm>> -> memref<128xi32, #tpu.memory_space<hbm>>
          %dma_start3A_673 = arith.constant 0 : i32
          %dma_start3A_674 = tpu.memref_slice %arg9[%dma_start3A_667, %dma_start3A_673] : memref<1x128xi32, #tpu.memory_space<vmem>> -> memref<1x128xi32, #tpu.memory_space<vmem>>
          %dma_start3A_675 = tpu.memref_squeeze %dma_start3A_674 : memref<1x128xi32, #tpu.memory_space<vmem>> -> memref<128xi32, #tpu.memory_space<vmem>>
          %dma_start3A_676 = tpu.memref_slice %arg3[%add3A_646, %add3A_666] : memref<32x16000xi32, #tpu.memory_space<hbm>> -> memref<1x128xi32, #tpu.memory_space<hbm>>
          %dma_start3A_677 = tpu.memref_squeeze %dma_start3A_676 : memref<1x128xi32, #tpu.memory_space<hbm>> -> memref<128xi32, #tpu.memory_space<hbm>>
          tpu.enqueue_dma source(%dma_start3A_677 : memref<128xi32, #tpu.memory_space<hbm>>) target(%dma_start3A_675 : memref<128xi32, #tpu.memory_space<vmem>>) target_semaphore(%arg16 : memref<!tpu.dma_semaphore, #tpu.memory_space<semaphore_mem>>)
          %mul3A_678 = arith.constant 1024 : i32
          %mul3A_679 = arith.muli %arg1, %mul3A_678 : i32
          %add3A_680 = arith.constant 128 : i32
          %add3A_681 = arith.addi %mul3A_679, %add3A_680 : i32
          %dma_start3A_682 = arith.constant 0 : i32
          %dma_start3A_683 = arith.constant 0 : i32
          %dma_start3A_684 = tpu.memref_slice %arg6[%dma_start3A_682, %dma_start3A_683] : memref<128x128xf32, #tpu.memory_space<vmem>> -> memref<128x128xf32, #tpu.memory_space<vmem>>
          %dma_start3A_685 = arith.constant 0 : i32
          %dma_start3A_686 = tpu.memref_slice %arg2[%add3A_646, %add3A_681, %dma_start3A_685] : memref<32x16000x128xf32, #tpu.memory_space<hbm>> -> memref<1x128x128xf32, #tpu.memory_space<hbm>>
          %dma_start3A_687 = tpu.memref_squeeze %dma_start3A_686 : memref<1x128x128xf32, #tpu.memory_space<hbm>> -> memref<128x128xf32, #tpu.memory_space<hbm>>
          %dma_start3A_688 = arith.constant 0 : i32
          %dma_start3A_689 = arith.constant 0 : i32
          %dma_start3A_690 = tpu.memref_slice %arg6[%dma_start3A_688, %dma_start3A_689] : memref<128x128xf32, #tpu.memory_space<vmem>> -> memref<128x128xf32, #tpu.memory_space<vmem>>
          %dma_start3A_691 = arith.constant 0 : i32
          %dma_start3A_692 = tpu.memref_slice %arg2[%add3A_646, %add3A_681, %dma_start3A_691] : memref<32x16000x128xf32, #tpu.memory_space<hbm>> -> memref<1x128x128xf32, #tpu.memory_space<hbm>>
          %dma_start3A_693 = tpu.memref_squeeze %dma_start3A_692 : memref<1x128x128xf32, #tpu.memory_space<hbm>> -> memref<128x128xf32, #tpu.memory_space<hbm>>
          tpu.enqueue_dma source(%dma_start3A_693 : memref<128x128xf32, #tpu.memory_space<hbm>>) target(%dma_start3A_690 : memref<128x128xf32, #tpu.memory_space<vmem>>) target_semaphore(%arg21 : memref<!tpu.dma_semaphore, #tpu.memory_space<semaphore_mem>>)
          %mul3A_694 = arith.constant 1024 : i32
          %mul3A_695 = arith.muli %arg1, %mul3A_694 : i32
          %add3A_696 = arith.constant 128 : i32
          %add3A_697 = arith.addi %mul3A_695, %add3A_696 : i32
          %dma_start3A_698 = arith.constant 0 : i32
          %dma_start3A_699 = arith.constant 0 : i32
          %dma_start3A_700 = tpu.memref_slice %arg10[%dma_start3A_698, %dma_start3A_699] : memref<1x128xi32, #tpu.memory_space<vmem>> -> memref<1x128xi32, #tpu.memory_space<vmem>>
          %dma_start3A_701 = tpu.memref_squeeze %dma_start3A_700 : memref<1x128xi32, #tpu.memory_space<vmem>> -> memref<128xi32, #tpu.memory_space<vmem>>
          %dma_start3A_702 = tpu.memref_slice %arg3[%add3A_646, %add3A_697] : memref<32x16000xi32, #tpu.memory_space<hbm>> -> memref<1x128xi32, #tpu.memory_space<hbm>>
          %dma_start3A_703 = tpu.memref_squeeze %dma_start3A_702 : memref<1x128xi32, #tpu.memory_space<hbm>> -> memref<128xi32, #tpu.memory_space<hbm>>
          %dma_start3A_704 = arith.constant 0 : i32
          %dma_start3A_705 = tpu.memref_slice %arg10[%dma_start3A_698, %dma_start3A_704] : memref<1x128xi32, #tpu.memory_space<vmem>> -> memref<1x128xi32, #tpu.memory_space<vmem>>
          %dma_start3A_706 = tpu.memref_squeeze %dma_start3A_705 : memref<1x128xi32, #tpu.memory_space<vmem>> -> memref<128xi32, #tpu.memory_space<vmem>>
          %dma_start3A_707 = tpu.memref_slice %arg3[%add3A_646, %add3A_697] : memref<32x16000xi32, #tpu.memory_space<hbm>> -> memref<1x128xi32, #tpu.memory_space<hbm>>
          %dma_start3A_708 = tpu.memref_squeeze %dma_start3A_707 : memref<1x128xi32, #tpu.memory_space<hbm>> -> memref<128xi32, #tpu.memory_space<hbm>>
          tpu.enqueue_dma source(%dma_start3A_708 : memref<128xi32, #tpu.memory_space<hbm>>) target(%dma_start3A_706 : memref<128xi32, #tpu.memory_space<vmem>>) target_semaphore(%arg17 : memref<!tpu.dma_semaphore, #tpu.memory_space<semaphore_mem>>)
          %mul3A_709 = arith.constant 1024 : i32
          %mul3A_710 = arith.muli %arg1, %mul3A_709 : i32
          %add3A_711 = arith.constant 256 : i32
          %add3A_712 = arith.addi %mul3A_710, %add3A_711 : i32
          %dma_start3A_713 = arith.constant 0 : i32
          %dma_start3A_714 = arith.constant 0 : i32
          %dma_start3A_715 = tpu.memref_slice %arg7[%dma_start3A_713, %dma_start3A_714] : memref<128x128xf32, #tpu.memory_space<vmem>> -> memref<128x128xf32, #tpu.memory_space<vmem>>
          %dma_start3A_716 = arith.constant 0 : i32
          %dma_start3A_717 = tpu.memref_slice %arg2[%add3A_646, %add3A_712, %dma_start3A_716] : memref<32x16000x128xf32, #tpu.memory_space<hbm>> -> memref<1x128x128xf32, #tpu.memory_space<hbm>>
          %dma_start3A_718 = tpu.memref_squeeze %dma_start3A_717 : memref<1x128x128xf32, #tpu.memory_space<hbm>> -> memref<128x128xf32, #tpu.memory_space<hbm>>
          %dma_start3A_719 = arith.constant 0 : i32
          %dma_start3A_720 = arith.constant 0 : i32
          %dma_start3A_721 = tpu.memref_slice %arg7[%dma_start3A_719, %dma_start3A_720] : memref<128x128xf32, #tpu.memory_space<vmem>> -> memref<128x128xf32, #tpu.memory_space<vmem>>
          %dma_start3A_722 = arith.constant 0 : i32
          %dma_start3A_723 = tpu.memref_slice %arg2[%add3A_646, %add3A_712, %dma_start3A_722] : memref<32x16000x128xf32, #tpu.memory_space<hbm>> -> memref<1x128x128xf32, #tpu.memory_space<hbm>>
          %dma_start3A_724 = tpu.memref_squeeze %dma_start3A_723 : memref<1x128x128xf32, #tpu.memory_space<hbm>> -> memref<128x128xf32, #tpu.memory_space<hbm>>
          tpu.enqueue_dma source(%dma_start3A_724 : memref<128x128xf32, #tpu.memory_space<hbm>>) target(%dma_start3A_721 : memref<128x128xf32, #tpu.memory_space<vmem>>) target_semaphore(%arg22 : memref<!tpu.dma_semaphore, #tpu.memory_space<semaphore_mem>>)
          %mul3A_725 = arith.constant 1024 : i32
          %mul3A_726 = arith.muli %arg1, %mul3A_725 : i32
          %add3A_727 = arith.constant 256 : i32
          %add3A_728 = arith.addi %mul3A_726, %add3A_727 : i32
          %dma_start3A_729 = arith.constant 0 : i32
          %dma_start3A_730 = arith.constant 0 : i32
          %dma_start3A_731 = tpu.memref_slice %arg11[%dma_start3A_729, %dma_start3A_730] : memref<1x128xi32, #tpu.memory_space<vmem>> -> memref<1x128xi32, #tpu.memory_space<vmem>>
          %dma_start3A_732 = tpu.memref_squeeze %dma_start3A_731 : memref<1x128xi32, #tpu.memory_space<vmem>> -> memref<128xi32, #tpu.memory_space<vmem>>
          %dma_start3A_733 = tpu.memref_slice %arg3[%add3A_646, %add3A_728] : memref<32x16000xi32, #tpu.memory_space<hbm>> -> memref<1x128xi32, #tpu.memory_space<hbm>>
          %dma_start3A_734 = tpu.memref_squeeze %dma_start3A_733 : memref<1x128xi32, #tpu.memory_space<hbm>> -> memref<128xi32, #tpu.memory_space<hbm>>
          %dma_start3A_735 = arith.constant 0 : i32
          %dma_start3A_736 = tpu.memref_slice %arg11[%dma_start3A_729, %dma_start3A_735] : memref<1x128xi32, #tpu.memory_space<vmem>> -> memref<1x128xi32, #tpu.memory_space<vmem>>
          %dma_start3A_737 = tpu.memref_squeeze %dma_start3A_736 : memref<1x128xi32, #tpu.memory_space<vmem>> -> memref<128xi32, #tpu.memory_space<vmem>>
          %dma_start3A_738 = tpu.memref_slice %arg3[%add3A_646, %add3A_728] : memref<32x16000xi32, #tpu.memory_space<hbm>> -> memref<1x128xi32, #tpu.memory_space<hbm>>
          %dma_start3A_739 = tpu.memref_squeeze %dma_start3A_738 : memref<1x128xi32, #tpu.memory_space<hbm>> -> memref<128xi32, #tpu.memory_space<hbm>>
          tpu.enqueue_dma source(%dma_start3A_739 : memref<128xi32, #tpu.memory_space<hbm>>) target(%dma_start3A_737 : memref<128xi32, #tpu.memory_space<vmem>>) target_semaphore(%arg18 : memref<!tpu.dma_semaphore, #tpu.memory_space<semaphore_mem>>)
          %mul3A_740 = arith.constant 1024 : i32
          %mul3A_741 = arith.muli %arg1, %mul3A_740 : i32
          %add3A_742 = arith.constant 384 : i32
          %add3A_743 = arith.addi %mul3A_741, %add3A_742 : i32
          %dma_start3A_744 = arith.constant 0 : i32
          %dma_start3A_745 = arith.constant 0 : i32
          %dma_start3A_746 = tpu.memref_slice %arg8[%dma_start3A_744, %dma_start3A_745] : memref<128x128xf32, #tpu.memory_space<vmem>> -> memref<128x128xf32, #tpu.memory_space<vmem>>
          %dma_start3A_747 = arith.constant 0 : i32
          %dma_start3A_748 = tpu.memref_slice %arg2[%add3A_646, %add3A_743, %dma_start3A_747] : memref<32x16000x128xf32, #tpu.memory_space<hbm>> -> memref<1x128x128xf32, #tpu.memory_space<hbm>>
          %dma_start3A_749 = tpu.memref_squeeze %dma_start3A_748 : memref<1x128x128xf32, #tpu.memory_space<hbm>> -> memref<128x128xf32, #tpu.memory_space<hbm>>
          %dma_start3A_750 = arith.constant 0 : i32
          %dma_start3A_751 = arith.constant 0 : i32
          %dma_start3A_752 = tpu.memref_slice %arg8[%dma_start3A_750, %dma_start3A_751] : memref<128x128xf32, #tpu.memory_space<vmem>> -> memref<128x128xf32, #tpu.memory_space<vmem>>
          %dma_start3A_753 = arith.constant 0 : i32
          %dma_start3A_754 = tpu.memref_slice %arg2[%add3A_646, %add3A_743, %dma_start3A_753] : memref<32x16000x128xf32, #tpu.memory_space<hbm>> -> memref<1x128x128xf32, #tpu.memory_space<hbm>>
          %dma_start3A_755 = tpu.memref_squeeze %dma_start3A_754 : memref<1x128x128xf32, #tpu.memory_space<hbm>> -> memref<128x128xf32, #tpu.memory_space<hbm>>
          tpu.enqueue_dma source(%dma_start3A_755 : memref<128x128xf32, #tpu.memory_space<hbm>>) target(%dma_start3A_752 : memref<128x128xf32, #tpu.memory_space<vmem>>) target_semaphore(%arg23 : memref<!tpu.dma_semaphore, #tpu.memory_space<semaphore_mem>>)
          %mul3A_756 = arith.constant 1024 : i32
          %mul3A_757 = arith.muli %arg1, %mul3A_756 : i32
          %add3A_758 = arith.constant 384 : i32
          %add3A_759 = arith.addi %mul3A_757, %add3A_758 : i32
          %dma_start3A_760 = arith.constant 0 : i32
          %dma_start3A_761 = arith.constant 0 : i32
          %dma_start3A_762 = tpu.memref_slice %arg12[%dma_start3A_760, %dma_start3A_761] : memref<1x128xi32, #tpu.memory_space<vmem>> -> memref<1x128xi32, #tpu.memory_space<vmem>>
          %dma_start3A_763 = tpu.memref_squeeze %dma_start3A_762 : memref<1x128xi32, #tpu.memory_space<vmem>> -> memref<128xi32, #tpu.memory_space<vmem>>
          %dma_start3A_764 = tpu.memref_slice %arg3[%add3A_646, %add3A_759] : memref<32x16000xi32, #tpu.memory_space<hbm>> -> memref<1x128xi32, #tpu.memory_space<hbm>>
          %dma_start3A_765 = tpu.memref_squeeze %dma_start3A_764 : memref<1x128xi32, #tpu.memory_space<hbm>> -> memref<128xi32, #tpu.memory_space<hbm>>
          %dma_start3A_766 = arith.constant 0 : i32
          %dma_start3A_767 = tpu.memref_slice %arg12[%dma_start3A_760, %dma_start3A_766] : memref<1x128xi32, #tpu.memory_space<vmem>> -> memref<1x128xi32, #tpu.memory_space<vmem>>
          %dma_start3A_768 = tpu.memref_squeeze %dma_start3A_767 : memref<1x128xi32, #tpu.memory_space<vmem>> -> memref<128xi32, #tpu.memory_space<vmem>>
          %dma_start3A_769 = tpu.memref_slice %arg3[%add3A_646, %add3A_759] : memref<32x16000xi32, #tpu.memory_space<hbm>> -> memref<1x128xi32, #tpu.memory_space<hbm>>
          %dma_start3A_770 = tpu.memref_squeeze %dma_start3A_769 : memref<1x128xi32, #tpu.memory_space<hbm>> -> memref<128xi32, #tpu.memory_space<hbm>>
          tpu.enqueue_dma source(%dma_start3A_770 : memref<128xi32, #tpu.memory_space<hbm>>) target(%dma_start3A_768 : memref<128xi32, #tpu.memory_space<vmem>>) target_semaphore(%arg19 : memref<!tpu.dma_semaphore, #tpu.memory_space<semaphore_mem>>)
        } else {
        }
      } else {
      }
      %barrier3A_345 = arith.constant 0 : index
      tpu.barrier barrier_id(%barrier3A_345)
      %lt3A_346 = arith.constant 15 : i32
      %lt3A_347 = arith.cmpi slt, %arg1, %lt3A_346 : i32
      %convert_element_type3A_348 = arith.extui %lt3A_347 : i1 to i32
      %cond3A_349 = arith.constant 0 : i32
      %cond3A_350 = arith.cmpi ne, %convert_element_type3A_348, %cond3A_349 : i32
      scf.if %cond3A_350 {
        %mul3A_356 = arith.constant 64 : i32
        %mul3A_357 = arith.muli %arg1, %mul3A_356 : i32
        %dma_start3A_358 = arith.constant 0 : i32
        %dma_start3A_359 = tpu.memref_slice %arg4[%add3A_198, %mul3A_357, %dma_start3A_358] : memref<32x1000x128xf32, #tpu.memory_space<hbm>> -> memref<1x64x128xf32, #tpu.memory_space<hbm>>
        %dma_start3A_360 = tpu.memref_squeeze %dma_start3A_359 : memref<1x64x128xf32, #tpu.memory_space<hbm>> -> memref<64x128xf32, #tpu.memory_space<hbm>>
        %dma_start3A_361 = arith.constant 0 : i32
        %dma_start3A_362 = tpu.memref_slice %arg15[%mul3A_357, %dma_start3A_361] : memref<1024x128xf32, #tpu.memory_space<vmem_shared>> -> memref<64x128xf32, #tpu.memory_space<vmem_shared>>
        tpu.enqueue_dma source(%dma_start3A_362 : memref<64x128xf32, #tpu.memory_space<vmem_shared>>) target(%dma_start3A_360 : memref<64x128xf32, #tpu.memory_space<hbm>>) target_semaphore(%arg30 : memref<!tpu.dma_semaphore, #tpu.memory_space<semaphore_mem>>)
      } else {
      }
      %eq3A_351 = arith.constant 15 : i32
      %eq3A_352 = arith.cmpi eq, %arg1, %eq3A_351 : i32
      %convert_element_type3A_353 = arith.extui %eq3A_352 : i1 to i32
      %cond3A_354 = arith.constant 0 : i32
      %cond3A_355 = arith.cmpi ne, %convert_element_type3A_353, %cond3A_354 : i32
      scf.if %cond3A_355 {
        %mul3A_356 = arith.constant 64 : i32
        %mul3A_357 = arith.muli %arg1, %mul3A_356 : i32
        %dma_start3A_358 = arith.constant 0 : i32
        %dma_start3A_359 = tpu.memref_slice %arg4[%add3A_198, %mul3A_357, %dma_start3A_358] : memref<32x1000x128xf32, #tpu.memory_space<hbm>> -> memref<1x40x128xf32, #tpu.memory_space<hbm>>
        %dma_start3A_360 = tpu.memref_squeeze %dma_start3A_359 : memref<1x40x128xf32, #tpu.memory_space<hbm>> -> memref<40x128xf32, #tpu.memory_space<hbm>>
        %dma_start3A_361 = arith.constant 0 : i32
        %dma_start3A_362 = tpu.memref_slice %arg15[%mul3A_357, %dma_start3A_361] : memref<1024x128xf32, #tpu.memory_space<vmem_shared>> -> memref<40x128xf32, #tpu.memory_space<vmem_shared>>
        tpu.enqueue_dma source(%dma_start3A_362 : memref<40x128xf32, #tpu.memory_space<vmem_shared>>) target(%dma_start3A_360 : memref<40x128xf32, #tpu.memory_space<hbm>>) target_semaphore(%arg30 : memref<!tpu.dma_semaphore, #tpu.memory_space<semaphore_mem>>)
      } else {
      }
    }
    %scan3A_15 = arith.constant 8 : i32
    %lt3A_16 = arith.constant 15 : i32
    %lt3A_17 = arith.cmpi slt, %arg1, %lt3A_16 : i32
    %convert_element_type3A_18 = arith.extui %lt3A_17 : i1 to i32
    %cond3A_19 = arith.constant 0 : i32
    %cond3A_20 = arith.cmpi ne, %convert_element_type3A_18, %cond3A_19 : i32
    scf.if %cond3A_20 {
      %mul3A_36 = arith.constant 64 : i32
      %mul3A_37 = arith.muli %arg1, %mul3A_36 : i32
      %dma_wait3A = arith.constant 0 : i32
      %dma_wait3A_38 = arith.constant 0 : i32
      %dma_wait3A_39 = tpu.memref_slice %arg4[%dma_wait3A, %mul3A_37, %dma_wait3A_38] : memref<32x1000x128xf32, #tpu.memory_space<hbm>> -> memref<1x64x128xf32, #tpu.memory_space<hbm>>
      %dma_wait3A_40 = tpu.memref_squeeze %dma_wait3A_39 : memref<1x64x128xf32, #tpu.memory_space<hbm>> -> memref<64x128xf32, #tpu.memory_space<hbm>>
      %dma_wait3A_41 = arith.constant 0 : i32
      %dma_wait3A_42 = tpu.memref_slice %arg14[%mul3A_37, %dma_wait3A_41] : memref<1024x128xf32, #tpu.memory_space<vmem_shared>> -> memref<64x128xf32, #tpu.memory_space<vmem_shared>>
      tpu.wait_dma2 semaphore(%arg29 : memref<!tpu.dma_semaphore, #tpu.memory_space<semaphore_mem>>) src(%dma_wait3A_42 : memref<64x128xf32, #tpu.memory_space<vmem_shared>>) dst(%dma_wait3A_40 : memref<64x128xf32, #tpu.memory_space<hbm>>)
    } else {
    }
    %eq3A_21 = arith.constant 15 : i32
    %eq3A_22 = arith.cmpi eq, %arg1, %eq3A_21 : i32
    %convert_element_type3A_23 = arith.extui %eq3A_22 : i1 to i32
    %cond3A_24 = arith.constant 0 : i32
    %cond3A_25 = arith.cmpi ne, %convert_element_type3A_23, %cond3A_24 : i32
    scf.if %cond3A_25 {
      %mul3A_36 = arith.constant 64 : i32
      %mul3A_37 = arith.muli %arg1, %mul3A_36 : i32
      %dma_wait3A = arith.constant 0 : i32
      %dma_wait3A_38 = arith.constant 0 : i32
      %dma_wait3A_39 = tpu.memref_slice %arg4[%dma_wait3A, %mul3A_37, %dma_wait3A_38] : memref<32x1000x128xf32, #tpu.memory_space<hbm>> -> memref<1x40x128xf32, #tpu.memory_space<hbm>>
      %dma_wait3A_40 = tpu.memref_squeeze %dma_wait3A_39 : memref<1x40x128xf32, #tpu.memory_space<hbm>> -> memref<40x128xf32, #tpu.memory_space<hbm>>
      %dma_wait3A_41 = arith.constant 0 : i32
      %dma_wait3A_42 = tpu.memref_slice %arg14[%mul3A_37, %dma_wait3A_41] : memref<1024x128xf32, #tpu.memory_space<vmem_shared>> -> memref<40x128xf32, #tpu.memory_space<vmem_shared>>
      tpu.wait_dma2 semaphore(%arg29 : memref<!tpu.dma_semaphore, #tpu.memory_space<semaphore_mem>>) src(%dma_wait3A_42 : memref<40x128xf32, #tpu.memory_space<vmem_shared>>) dst(%dma_wait3A_40 : memref<40x128xf32, #tpu.memory_space<hbm>>)
    } else {
    }
    %lt3A_26 = arith.constant 15 : i32
    %lt3A_27 = arith.cmpi slt, %arg1, %lt3A_26 : i32
    %convert_element_type3A_28 = arith.extui %lt3A_27 : i1 to i32
    %cond3A_29 = arith.constant 0 : i32
    %cond3A_30 = arith.cmpi ne, %convert_element_type3A_28, %cond3A_29 : i32
    scf.if %cond3A_30 {
      %mul3A_36 = arith.constant 64 : i32
      %mul3A_37 = arith.muli %arg1, %mul3A_36 : i32
      %dma_wait3A = arith.constant 0 : i32
      %dma_wait3A_38 = arith.constant 0 : i32
      %dma_wait3A_39 = tpu.memref_slice %arg4[%dma_wait3A, %mul3A_37, %dma_wait3A_38] : memref<32x1000x128xf32, #tpu.memory_space<hbm>> -> memref<1x64x128xf32, #tpu.memory_space<hbm>>
      %dma_wait3A_40 = tpu.memref_squeeze %dma_wait3A_39 : memref<1x64x128xf32, #tpu.memory_space<hbm>> -> memref<64x128xf32, #tpu.memory_space<hbm>>
      %dma_wait3A_41 = arith.constant 0 : i32
      %dma_wait3A_42 = tpu.memref_slice %arg15[%mul3A_37, %dma_wait3A_41] : memref<1024x128xf32, #tpu.memory_space<vmem_shared>> -> memref<64x128xf32, #tpu.memory_space<vmem_shared>>
      tpu.wait_dma2 semaphore(%arg30 : memref<!tpu.dma_semaphore, #tpu.memory_space<semaphore_mem>>) src(%dma_wait3A_42 : memref<64x128xf32, #tpu.memory_space<vmem_shared>>) dst(%dma_wait3A_40 : memref<64x128xf32, #tpu.memory_space<hbm>>)
    } else {
    }
    %eq3A_31 = arith.constant 15 : i32
    %eq3A_32 = arith.cmpi eq, %arg1, %eq3A_31 : i32
    %convert_element_type3A_33 = arith.extui %eq3A_32 : i1 to i32
    %cond3A_34 = arith.constant 0 : i32
    %cond3A_35 = arith.cmpi ne, %convert_element_type3A_33, %cond3A_34 : i32
    scf.if %cond3A_35 {
      %mul3A_36 = arith.constant 64 : i32
      %mul3A_37 = arith.muli %arg1, %mul3A_36 : i32
      %dma_wait3A = arith.constant 0 : i32
      %dma_wait3A_38 = arith.constant 0 : i32
      %dma_wait3A_39 = tpu.memref_slice %arg4[%dma_wait3A, %mul3A_37, %dma_wait3A_38] : memref<32x1000x128xf32, #tpu.memory_space<hbm>> -> memref<1x40x128xf32, #tpu.memory_space<hbm>>
      %dma_wait3A_40 = tpu.memref_squeeze %dma_wait3A_39 : memref<1x40x128xf32, #tpu.memory_space<hbm>> -> memref<40x128xf32, #tpu.memory_space<hbm>>
      %dma_wait3A_41 = arith.constant 0 : i32
      %dma_wait3A_42 = tpu.memref_slice %arg15[%mul3A_37, %dma_wait3A_41] : memref<1024x128xf32, #tpu.memory_space<vmem_shared>> -> memref<40x128xf32, #tpu.memory_space<vmem_shared>>
      tpu.wait_dma2 semaphore(%arg30 : memref<!tpu.dma_semaphore, #tpu.memory_space<semaphore_mem>>) src(%dma_wait3A_42 : memref<40x128xf32, #tpu.memory_space<vmem_shared>>) dst(%dma_wait3A_40 : memref<40x128xf32, #tpu.memory_space<hbm>>)
    } else {
    }
    return
  }
}

</mosaic_0001>

<sc_bundles>
// kernel: kernel.3.cloned.1.call-start
scs
__scs_entry_jumppad:
0x0: {  	(pc) =	sbr.rel $0x88, $3  }
0x1: {  	(tag) =	ssettag $0x0;
	lr =	simm.s32 $0x1  }
0x2: {  	[smem:$0x3F9F] =	sst lr;
	_ =	strace $0xD0000000  }
0x3: {  	_ = 	snop  }
0x4: {  	_ = 	snop  }
0x5: {  	_ = 	snop  }
0x6: {  	_ = 	snop  }
0x7: {  	_ = 	snop  }
__scs_overlays_trampoline_lowered:
0x8: {  	[smem:$0x3FAE] =	sst s0  }
0x9: {  	[smem:$0x3FAF] =	sst s1  }
0xa: {  	[smem:$0x3FB0] =	sst s2  }
0xb: {  	[smem:$0x3FB1] =	sst s3  }
0xc: {  	[smem:$0x3FB2] =	sst s4  }
0xd: {  	[smem:$0x3FB3] =	sst s5  }
0xe: {  	[smem:$0x3FB4] =	sst s6  }
0xf: {  	[smem:$0x3FB5] =	sst s7  }
0x10: {  	[smem:$0x3FB6] =	sst s8  }
0x11: {  	[smem:$0x3FB7] =	sst s9;
	s0 =	simm.s32 @!p0 $0x0  }
0x12: {  	s1 =	sld [smem:$0x3F9D];
	s0 =	simm.s32 @p0 $0x1  }
0x13: {  	[smem:$0x3FB8] =	sst s0;
	s0 =	simm.s32 @!p1 $0x0  }
0x14: {  	s2 =	sld [smem:$0x3F9C];
	s0 =	simm.s32 @p1 $0x1  }
0x15: {  	[smem:$0x3FB9] =	sst s0;
	s0 =	simm.s32 @!p2 $0x0  }
0x16: {  	s3 =	sld [smem:$0x3FDB];
	s0 =	simm.s32 @p2 $0x1  }
0x17: {  	s4 =	simm.s32 $0x1BF5;
	[smem:$0x3FBB] =	sst s0  }
0x18: {  	s0 =	sld [smem:$0x3F9E];
	_ =	swait.ge [sflag:s4], $0x0  }
0x19: {  	s7 =	sld [smem:$0x3F9F]  }
0x1a: {  	s8 =	sadd.s32 $0xFFFFE003, lr  }
0x1b: {  	s9 =	sadd.s32 $0xFFFFFEF7, lr;
	s5 =	simm.s32 $0xFFFFFFFF;
	p2 =	slt.u32 s8, $0xFFFFF086  }
0x1c: {  	p1 =	slt.u32 s9, $0xF7A;
	s5 =	simm.s32 @!p2 $0x0  }
0x1d: {  	s5 =	simm.s32 @p1 $0x1;
	p0 =	seq.s32 s7, s2  }
0x1e: {  	s7 =	smul.u32 @!p0 $0xF7A, s2;
	p2 =	seq.s32 @!p0 s5, $0x0  }
0x1f: {  	s9 =	smul.u32 $0xF7A, s1;
	s8 =	simm.s32 @!p0 $0x1BF5;
	p2 =	por !p2, p0  }
0x20: {  	[sflag:s8] =	ssyncset.s32 @!p0 $0xFFFFF086;
	s6 =	sadd.s32 @!p0 s3, s7;
	s7 =	simm.s32 @!p0 $0x108  }
0x21: {  	s3 =	sadd.s32 s3, s9;
	s6 =	sadd.s32 @!p0 $0x88, s6;
	s7 =	simm.s32 @p2 $0x1082  }
0x22: {  	[simem:s7], [sflag:s8] =	dma.local @!p0 [hbm:s6], $0xF7A  }
0x23: {  	s9 =	sor.u32 $0xD0000000, s2;
	s6 =	simm.s32 $0x108;
	_ =	swait.ge @!p0 [sflag:s8], $0x0  }
0x24: {  	s3 =	sadd.s32 $0x88, s3;
	s6 =	simm.s32 @!p1 $0x1082;
	[sflag:s4] =	ssyncset.s32 $0xFFFFF086  }
0x25: {  	[simem:s6], [sflag:s4] =	dma.local [hbm:s3], $0xF7A  }
0x26: {  	[smem:$0x3F9F] =	sst s1;
	(tag) =	ssettag s2;
	_ =	strace s9  }
0x27: {  	s1 =	sld [smem:$0x3FAF]  }
0x28: {  	s2 =	sld [smem:$0x3FB0]  }
0x29: {  	s4 =	sld [smem:$0x3FB2]  }
0x2a: {  	p0 =	seq.s32 s5, $0x0;
	s5 =	sld [smem:$0x3FB3]  }
0x2b: {  	s6 =	sld [smem:$0x3FB4]  }
0x2c: {  	s7 =	sld [smem:$0x3FB5]  }
0x2d: {  	s3 =	simm.s32 $0x108;
	s8 =	sld [smem:$0x3FB6]  }
0x2e: {  	s3 =	simm.s32 @!p0 $0x1082;
	s9 =	sld [smem:$0x3FB7]  }
0x2f: {  	lr =	sadd.s32 s0, s3;
	s0 =	sld [smem:$0x3FAE]  }
0x30: {  	s3 =	sld [smem:$0x3FB1]  }
0x31: {  	[smem:$0x3FBA] =	sst s10  }
0x32: {  	s10 =	sld [smem:$0x3FB8];
	_ =	sdelay $0x3  }
0x33: {  	p0 =	seq.s32 s10, $0x1;
	s10 =	sld [smem:$0x3FBA];
	_ =	sdelay $0x3  }
0x34: {  	[smem:$0x3FBA] =	sst s10  }
0x35: {  	s10 =	sld [smem:$0x3FB9];
	_ =	sdelay $0x3  }
0x36: {  	p1 =	seq.s32 s10, $0x1;
	s10 =	sld [smem:$0x3FBA];
	_ =	sdelay $0x3  }
0x37: {  	[smem:$0x3FBA] =	sst s10  }
0x38: {  	s10 =	sld [smem:$0x3FBB]  }
0x39: {  	_ = 	snop;
	(pc) =	sbr.ind lr, $3  }
0x3a: {  	_ = 	snop  }
0x3b: {  	_ = 	snop  }
0x3c: {  	p2 =	seq.s32 s10, $0x1;
	s10 =	sld [smem:$0x3FBA]  }
0x3d: {  	_ =	shalt  }
0x3e: {  	_ =	shalt  }
0x3f: {  	_ =	shalt  }
0x40: {  	_ =	shalt  }
0x41: {  	_ =	shalt  }
0x42: {  	_ =	shalt  }
0x43: {  	_ =	shalt  }
0x44: {  	_ =	shalt  }
0x45: {  	_ =	shalt  }
0x46: {  	_ =	shalt  }
0x47: {  	_ =	shalt  }
0x48: {  	_ =	shalt  }
0x49: {  	_ =	shalt  }
0x4a: {  	_ =	shalt  }
0x4b: {  	_ =	shalt  }
0x4c: {  	_ =	shalt  }
0x4d: {  	_ =	shalt  }
0x4e: {  	_ =	shalt  }
0x4f: {  	_ =	shalt  }
0x50: {  	_ =	shalt  }
0x51: {  	_ =	shalt  }
0x52: {  	_ =	shalt  }
0x53: {  	_ =	shalt  }
0x54: {  	_ =	shalt  }
0x55: {  	_ =	shalt  }
0x56: {  	_ =	shalt  }
0x57: {  	_ =	shalt  }
0x58: {  	_ =	shalt  }
0x59: {  	_ =	shalt  }
0x5a: {  	_ =	shalt  }
0x5b: {  	_ =	shalt  }
0x5c: {  	_ =	shalt  }
0x5d: {  	_ =	shalt  }
0x5e: {  	_ =	shalt  }
0x5f: {  	_ =	shalt  }
0x60: {  	_ =	shalt  }
0x61: {  	_ =	shalt  }
0x62: {  	_ =	shalt  }
0x63: {  	_ =	shalt  }
0x64: {  	_ =	shalt  }
0x65: {  	_ =	shalt  }
0x66: {  	_ =	shalt  }
0x67: {  	_ =	shalt  }
0x68: {  	_ =	shalt  }
0x69: {  	_ =	shalt  }
0x6a: {  	_ =	shalt  }
0x6b: {  	_ =	shalt  }
0x6c: {  	_ =	shalt  }
0x6d: {  	_ =	shalt  }
0x6e: {  	_ =	shalt  }
0x6f: {  	_ =	shalt  }
0x70: {  	_ =	shalt  }
0x71: {  	_ =	shalt  }
0x72: {  	_ =	shalt  }
0x73: {  	_ =	shalt  }
0x74: {  	_ =	shalt  }
0x75: {  	_ =	shalt  }
0x76: {  	_ =	shalt  }
0x77: {  	_ =	shalt  }
0x78: {  	_ =	shalt  }
0x79: {  	_ =	shalt  }
0x7a: {  	_ =	shalt  }
0x7b: {  	_ =	shalt  }
0x7c: {  	_ =	shalt  }
0x7d: {  	_ =	shalt  }
0x7e: {  	_ =	shalt  }
0x7f: {  	_ =	shalt  }
0x80: {  	_ =	shalt  }
0x81: {  	_ =	shalt  }
0x82: {  	_ =	shalt  }
0x83: {  	_ =	shalt  }
0x84: {  	_ =	shalt  }
0x85: {  	_ =	shalt  }
0x86: {  	_ =	shalt  }
0x87: {  	_ =	shalt  }
.Lfunc_end0:
.L_simem_size_0:
called_computation_lowered:
.L_overlay_start_0:
0x88: {  	s2 =	sld [smem:$0x3FD9]  }
0x89: {  	s3 =	sld [smem:$0x3FFE];
	_ =	sdelay $0x1  }
0x8a: {  	s1 =	srdreg.scid  }
0x8b: {  	s0 =	sand.u32 $0x1, s1  }
0x8c: {  	s18 =	sshll.u32 s0, $0xA;
	s2 =	sadd.s32 s3, s2  }
0x8d: {  	s2 =	sadd.s32 s2, s18  }
0x8e: {  	[smem:$0x3FC6] =	sst s2  }
0x8f: {  	_ = 	snop  }
0x90: {  	s2 =	sld [smem:$0x3FC9]  }
0x91: {  	s19 =	sld [smem:$0x3FC8]  }
0x92: {  	s4 =	sld [smem:$0x3FD0];
	(tm) =	ssettm $0x1  }
0x93: {  	s5 =	sld [smem:$0x3FFB];
	_ =	sdelay $0x3  }
0x94: {  	_ =	strace s5  }
0x95: {  	s5 =	sld [smem:$0x3FFC];
	_ =	sdelay $0x3  }
0x96: {  	_ =	strace s5  }
0x97: {  	s5 =	sld [smem:$0x3FFD];
	_ =	sdelay $0x3  }
0x98: {  	_ =	strace s5  }
0x99: {  	_ =	strace $0x8FFFFFFF  }
0x9a: {  	s20 =	sld [smem:$0x3FDB];
	_ =	sdelay $0x1  }
0x9b: {  	s6 =	simm.s32 $_scs_section_size  }
0x9c: {  	s7 =	simm.s32 $_size__tile_overlayer_lowered;
	s8 =	simm.s32 $_tile_overlayer_lowered  }
0x9d: {  	s23 =	simm.s32 $0x1BFF;
	s22 =	sshll.u32 s8, $0x1;
	s5 =	sadd.s32 s6, s20  }
0x9e: {  	s9 =	simm.s32 $0x0;
	s21 =	sshll.u32 s7, $0x1;
	s7 =	sadd.s32 s22, s5  }
0x9f: {  	[timem:s9], [sflag:s23] =	dma.local [hbm:s7], s21  }
0xa0: {  	_ =	swait.ge [sflag:s23], s21  }
0xa1: {  	s6 =	ssub.s32 $0x0, s21;
	[sflag:s23] =	ssyncset.done $0x0  }
0xa2: {  	[sflag:s23] =	ssyncadd.s32 s6;
	_ =	sdelay $0x1  }
0xa3: {  	s24 =	simm.s32 $0x1B8B  }
0xa4: {  	_ =	swait.ge [sflag:s24], $0x1  }
0xa5: {  	[sflag:s24] =	ssyncset.done $0x0  }
0xa6: {  	s25 =	simm.s32 $0x1B8E;
	[sflag:s24] =	ssyncadd.s32 $0xFFFFFFFF  }
0xa7: {  	s26 =	simm.s32 $execute0_lowered;
	[smem:$0x3FD2] =	sst s25  }
0xa8: {  	s6 =	sshll.u32 s26, $0x1;
	_ =	strace $0x80000046;
	[dreg:$0x1] =	wrdreg $0xFFFFFFFF  }
0xa9: {  	s28 =	simm.s32 $_size_execute0_lowered;
	s5 =	sadd.s32 s5, s6;
	[dreg:$0x0] =	wrdreg $0x0  }
0xaa: {  	s6 =	sshll.u32 s28, $0x1;
	[dreg:$0x2] =	wrdreg s5  }
0xab: {  	[dreg:$0x3] =	wrdreg s6  }
0xac: {  	[dreg:$0x4] =	wrdreg $0xC0  }
0xad: {  	_ =	task [dreg:s9], $0x5FFFF  }
0xae: {  	[dreg:$0x1] =	wrdreg $0xFFFFFFFF  }
0xaf: {  	[dreg:$0x0] =	wrdreg $0x60  }
0xb0: {  	[dreg:$0x2] =	wrdreg s2  }
0xb1: {  	[dreg:$0x3] =	wrdreg s19  }
0xb2: {  	[dreg:$0x4] =	wrdreg s4  }
0xb3: {  	[dreg:$0x5] =	wrdreg $0x106000  }
0xb4: {  	[dreg:$0x6] =	wrdreg $0x126000  }
0xb5: {  	[dreg:$0x7] =	wrdreg $0x9  }
0xb6: {  	_ =	task.clear_ibuf [dreg:s9], $0x8FFFF;
	_ =	strace $0x90000046  }
0xb7: {  	s29 =	simm.s32 $0x9;
	_ =	strace $0x80000048  }
0xb8: {  	_ =	swait.ge [sflag:s29], $0x1  }
0xb9: {  	[sflag:s29] =	ssyncadd.s32 $0xFFFFFFFF  }
0xba: {  	_ =	strace $0x90000048  }
0xbb: {  	_ =	sfence  }
0xbc: {  	s30 =	sld [smem:$0x0];
	_ =	sdelay $0x2  }
0xbd: {  	s31 =	sshll.u32 s1, $0xD;
	s1 =	sshrl.u32 s1, $0x2  }
0xbe: {  	s3 =	sand.u32 $0x4000, s31;
	s1 =	sadd.s32 s1, s30  }
0xbf: {  	s0 =	sor.u32 s3, s0;
	s1 =	sshll.u32 s1, $0x11  }
0xc0: {  	s0 =	sor.u32 s1, s0  }
0xc1: {  	s0 =	sadd.s32 $0x8F2B, s0  }
0xc2: {  	[sflag:s0] =	ssyncadd.remote.s32 $0x1  }
0xc3: {  	_ =	sfence.sel $0xFFFF  }
0xc4: {  	[dreg:$0x0] =	wrdreg $0xFFFFFFFF;
	(pc) =	sbr.abs _section_cstart, $3  }
0xc5: {  	[dreg:$0x1] =	wrdreg $0xFFFFFFFF  }
0xc6: {  	_ =	task.clear_ibuf [dreg:s9], $0x2FFFF;
	_ =	strace $0x9FFFFFFF  }
0xc7: {  	(tm) =	ssettm $0x7FFFFFFF  }
tec
execute0_lowered:
.L_overlay_start_1:
0x0: {  	(tag) =	ssettag $0x1  }
0x1: {  	s1 =	rddreg [dreg:$0x0]  }
0x2: {  	s2 =	rddreg [dreg:$0x1]  }
0x3: {  	s19 =	rddreg [dreg:$0x2]  }
0x4: {  	s4 =	rddreg [dreg:$0x3]  }
0x5: {  	s20 =	rddreg [dreg:$0x4]  }
0x6: {  	s0 =	srdreg.scid;
	s7 =	simm.s32 $0x0;
	s5 =	stileid.u32  }
0x7: {  	s0 =	sand.u32 $0x1, s0;
	[smem:$0x7FF] =	sst s7;
	p0 =	seq.s32 s5, $0xF  }
0x8: {  	s23 =	sshll.u32 s5, $0xA;
	s5 =	sshll.u32 s5, $0xD;
	s8 =	smul.u32 $0x3E800, s0  }
0x9: {  	s3 =	ssub.s32 $0x2, s0;
	_ =	strace $0x80000047;
	s9 =	smul.u32 $0x1F40000, s0  }
0xa: {  	s11 =	sor.u32 $0x80, s23;
	s13 =	sor.u32 $0x100, s23;
	s18 =	sor.u32 $0x400, s5  }
0xb: {  	[dreg:$0x6] =	wrdreg s5;
	s6 =	sshrl.u32 s3, $0x1;
	s24 =	sadd.s32 s18, s4  }
0xc: {  	s14 =	sshll.u32 s13, $0x7;
	s26 =	sshll.u32 s11, $0x3;
	[dreg:$0xa] =	wrdreg s24  }
0xd: {  	s31 =	sshll.u32 s13, $0x3;
	s3 =	ssub.s32 s3, s6;
	[dreg:$0xc] =	wrdreg s26  }
0xe: {  	s10 =	sshrl.u32 s8, $0x3;
	s6 =	sor.u32 $0x180, s23;
	[dreg:$0xd] =	wrdreg s31  }
0xf: {  	s24 =	sadd.s32 s14, s9;
	s14 =	sor.u32 $0x1400, s5;
	s10 =	sadd.s32 s2, s10  }
0x10: {  	s15 =	sshll.u32 s6, $0x7;
	s3 =	smax.u32 s3, $0x1;
	[smem:$0x7F7] =	sst s14  }
0x11: {  	s21 =	sadd.s32 s11, s10;
	s22 =	sadd.s32 s13, s10;
	s23 =	sadd.s32 s6, s10  }
0x12: {  	s16 =	sadd.s32 $0x3C80, s10;
	s6 =	sshll.u32 s6, $0x3;
	[dreg:$0x14] =	wrdreg s3  }
0x13: {  	s17 =	sadd.s32 $0x3D00, s10;
	s21 =	smov.u32 @p0 s16;
	[dreg:$0xe] =	wrdreg s6  }
0x14: {  	s10 =	sadd.s32 $0x3D80, s10;
	s22 =	smov.u32 @p0 s17;
	[dreg:$0x7] =	wrdreg s21  }
0x15: {  	s23 =	smov.u32 @p0 s10;
	[dreg:$0x8] =	wrdreg s22  }
0x16: {  	s13 =	sor.u32 $0xC00, s5;
	s10 =	sadd.s32 s18, s20;
	[dreg:$0x9] =	wrdreg s23  }
0x17: {  	s16 =	sor.u32 $0x800, s5;
	s6 =	sadd.s32 s13, s20;
	[dreg:$0xf] =	wrdreg s10  }
0x18: {  	s12 =	sshll.u32 s11, $0x7;
	s25 =	sadd.s32 s16, s4;
	[dreg:$0x12] =	wrdreg s6  }
0x19: {  	s26 =	smul.u32 $0x1F4000, s0;
	s11 =	sadd.s32 s16, s20;
	[dreg:$0xb] =	wrdreg s25  }
0x1a: {  	s17 =	stileid.u32;
	s16 =	sadd.s32 s13, s4;
	[dreg:$0x10] =	wrdreg s11  }
0x1b: {  	s18 =	sshll.u32 s17, $0x11;
	[dreg:$0x11] =	wrdreg s16  }
0x1c: {  	s10 =	sadd.s32 $0x3D400, s26;
	[dreg:$0x13] =	wrdreg s18  }
0x1d: {  	s22 =	sadd.s32 s12, s9;
	s12 =	sor.u32 $0x1000, s5;
	[dreg:$0x1a] =	wrdreg s10  }
0x1e: {  	s11 =	sadd.s32 $0x5D4000, s9;
	[dreg:$0x1f] =	wrdreg s12  }
0x1f: {  	s6 =	sadd.s32 s18, s9;
	s13 =	sadd.s32 s12, s4;
	[dreg:$0x1d] =	wrdreg s11  }
0x20: {  	s10 =	sshll.u32 s0, $0x4;
	s16 =	sadd.s32 s14, s4;
	[smem:$0x7F2] =	sst s13  }
0x21: {  	s18 =	sshll.u32 s0, $0xB;
	s0 =	sadd.s32 s12, s20;
	[smem:$0x7F3] =	sst s16  }
0x22: {  	s25 =	sadd.s32 s15, s9;
	s15 =	sor.u32 $0x1800, s5;
	[smem:$0x7F6] =	sst s0  }
0x23: {  	s23 =	sshrl.u32 s22, $0x3;
	s22 =	sor.u32 $0x1C00, s5;
	[smem:$0x7F9] =	sst s15  }
0x24: {  	s29 =	simm.s32 $0x8000;
	[smem:$0x7FB] =	sst s22  }
0x25: {  	s28 =	simm.s32 $0x80;
	s21 =	sadd.s32 s5, s8;
	[dreg:$0x1b] =	wrdreg s10  }
0x26: {  	s3 =	sshrl.u32 s21, $0x3;
	s9 =	sadd.s32 s5, s4;
	[dreg:$0x1c] =	wrdreg s18  }
0x27: {  	s30 =	simm.s32 $0x8;
	s3 =	sadd.s32 s2, s3;
	[dreg:$0x1e] =	wrdreg s9  }
0x28: {  	s31 =	sshrl.u32 s24, $0x3;
	s21 =	sadd.s32 s15, s4;
	[dreg:$0x16] =	wrdreg s3  }
0x29: {  	s24 =	simm.s32 $0xD;
	s4 =	sadd.s32 s22, s4;
	[smem:$0x7F4] =	sst s21  }
0x2a: {  	s2 =	sshrl.u32 s25, $0x3;
	s25 =	sadd.s32 s14, s20;
	[smem:$0x7F5] =	sst s4  }
0x2b: {  	s6 =	sshrl.u32 s6, $0x3;
	s26 =	sadd.s32 s15, s20;
	[smem:$0x7F8] =	sst s25  }
0x2c: {  	p1 =	sne.s32 s17, $0xF;
	s6 =	sadd.s32 s1, s6;
	[smem:$0x7FA] =	sst s26  }
0x2d: {  	s12 =	simm.s32 $0x2;
	s3 =	sadd.s32 s1, s23;
	[dreg:$0x15] =	wrdreg s6  }
.Ltmp0:
0x2e: {  	s8 =	sadd.s32 s1, s2;
	[dreg:$0x17] =	wrdreg s3;
	(pc) =	sbr.rel .LBB2_1-.Ltmp0, $4  }
0x2f: {  	s23 =	sadd.s32 s5, s20;
	s26 =	simm.s32 $0x10000;
	[dreg:$0x19] =	wrdreg s8  }
0x30: {  	s21 =	simm.s32 $0x6;
	s3 =	sadd.s32 s1, s31;
	[smem:$0x7FD] =	sst s23  }
0x31: {  	s31 =	sadd.s32 s22, s20;
	s6 =	simm.s32 $0x10180;
	[dreg:$0x18] =	wrdreg s3  }
0x32: {  	v0 =	vimm.f32 $0.0e+00;
	s20 =	simm.s32 $0x10200;
	s1 =	simm.s32 $0x0;
	[smem:$0x7FC] =	sst s31  }
.LBB2_12:
0x33: {  	s0 =	simm.s32 $0xE  }
0x34: {  	_ =	swait.ge [sflag:s0], $0x280  }
0x35: {  	[sflag:s0] =	ssyncset.done $0x0  }
0x36: {  	s31 =	simm.s32 $0xF;
	[sflag:s0] =	ssyncadd.s32 $0xFFFFFD80  }
0x37: {  	_ =	swait.ge [sflag:s31], $0x280  }
0x38: {  	s17 =	stileid.u32;
	[sflag:s31] =	ssyncset.done $0x0;
	s9 =	rddreg [dreg:$0x1e]  }
0x39: {  	s10 =	smov.u32 s8;
	s1 =	sld [smem:$0x7F0];
	[sflag:s31] =	ssyncadd.s32 $0xFFFFFD80  }
.LBB2_13:
0x3a: {  	_ =	sdelay $0x1  }
0x3b: {  	s0 =	rddreg [dreg:$0x14];
	s1 =	sadd.s32 $0x1, s1  }
0x3c: {  	p2 =	sne.s32 s1, s0  }
.Ltmp1:
0x3d: {  	_ = 	snop;
	(pc) =	sbr.rel @!p2 .LBB2_14-.Ltmp1, $1  }
0x3e: {  	_ =	sdelay $0x3  }
.LBB2_1:
0x3f: {  	[tilespmem:$0x10200] =	vst v0  }
0x40: {  	[tilespmem:$0x10210] =	vst v0  }
0x41: {  	[tilespmem:$0x10220] =	vst v0  }
0x42: {  	[tilespmem:$0x10230] =	vst v0  }
0x43: {  	[tilespmem:$0x10240] =	vst v0  }
0x44: {  	[tilespmem:$0x10250] =	vst v0  }
0x45: {  	[tilespmem:$0x10260] =	vst v0  }
0x46: {  	[tilespmem:$0x10270] =	vst v0  }
0x47: {  	[tilespmem:$0x10280] =	vst v0  }
0x48: {  	[tilespmem:$0x10290] =	vst v0  }
0x49: {  	[tilespmem:$0x102A0] =	vst v0  }
0x4a: {  	[tilespmem:$0x102B0] =	vst v0  }
0x4b: {  	[tilespmem:$0x102C0] =	vst v0  }
0x4c: {  	[tilespmem:$0x102D0] =	vst v0  }
0x4d: {  	[tilespmem:$0x102E0] =	vst v0  }
0x4e: {  	[tilespmem:$0x102F0] =	vst v0  }
0x4f: {  	[tilespmem:$0x10300] =	vst v0  }
0x50: {  	[tilespmem:$0x10310] =	vst v0  }
0x51: {  	[tilespmem:$0x10320] =	vst v0  }
0x52: {  	[tilespmem:$0x10330] =	vst v0  }
0x53: {  	[tilespmem:$0x10340] =	vst v0  }
0x54: {  	[tilespmem:$0x10350] =	vst v0  }
0x55: {  	[tilespmem:$0x10360] =	vst v0  }
0x56: {  	[tilespmem:$0x10370] =	vst v0  }
0x57: {  	[tilespmem:$0x10380] =	vst v0  }
0x58: {  	[tilespmem:$0x10390] =	vst v0  }
0x59: {  	[tilespmem:$0x103A0] =	vst v0  }
0x5a: {  	[tilespmem:$0x103B0] =	vst v0  }
0x5b: {  	[tilespmem:$0x103C0] =	vst v0  }
0x5c: {  	[tilespmem:$0x103D0] =	vst v0  }
0x5d: {  	[tilespmem:$0x103E0] =	vst v0  }
0x5e: {  	[tilespmem:$0x103F0] =	vst v0  }
0x5f: {  	[tilespmem:$0x10400] =	vst v0  }
0x60: {  	[tilespmem:$0x10410] =	vst v0  }
0x61: {  	[tilespmem:$0x10420] =	vst v0  }
0x62: {  	[tilespmem:$0x10430] =	vst v0  }
0x63: {  	[tilespmem:$0x10440] =	vst v0  }
0x64: {  	[tilespmem:$0x10450] =	vst v0  }
0x65: {  	[tilespmem:$0x10460] =	vst v0  }
0x66: {  	[tilespmem:$0x10470] =	vst v0  }
0x67: {  	[tilespmem:$0x10480] =	vst v0  }
0x68: {  	[tilespmem:$0x10490] =	vst v0  }
0x69: {  	[tilespmem:$0x104A0] =	vst v0  }
0x6a: {  	[tilespmem:$0x104B0] =	vst v0  }
0x6b: {  	[tilespmem:$0x104C0] =	vst v0  }
0x6c: {  	[tilespmem:$0x104D0] =	vst v0  }
0x6d: {  	[tilespmem:$0x104E0] =	vst v0  }
0x6e: {  	[tilespmem:$0x104F0] =	vst v0  }
0x6f: {  	[tilespmem:$0x10500] =	vst v0  }
0x70: {  	[tilespmem:$0x10510] =	vst v0  }
0x71: {  	[tilespmem:$0x10520] =	vst v0  }
0x72: {  	[tilespmem:$0x10530] =	vst v0  }
0x73: {  	[tilespmem:$0x10540] =	vst v0  }
0x74: {  	[tilespmem:$0x10550] =	vst v0  }
0x75: {  	[tilespmem:$0x10560] =	vst v0  }
0x76: {  	[tilespmem:$0x10570] =	vst v0  }
0x77: {  	[tilespmem:$0x10580] =	vst v0  }
0x78: {  	[tilespmem:$0x10590] =	vst v0  }
0x79: {  	[tilespmem:$0x105A0] =	vst v0  }
0x7a: {  	[tilespmem:$0x105B0] =	vst v0  }
0x7b: {  	[smem:$0x7F0] =	sst s1;
	[tilespmem:$0x105C0] =	vst v0  }
0x7c: {  	[tilespmem:$0x105D0] =	vst v0;
	s0 =	rddreg [dreg:$0x15]  }
0x7d: {  	[tilespmem:$0x105E0] =	vst v0;
	s11 =	rddreg [dreg:$0x16]  }
0x7e: {  	[tilespmem:$0x105F0] =	vst v0;
	s13 =	rddreg [dreg:$0x17]  }
0x7f: {  	[tilespmem:s7], [sflag:$0x5] =	stream.linear.gather [hbm4b:s0+s7], $0x4000, $0x38;
	[tilespmem:$0x14600] =	vst v63  }
0x80: {  	s14 =	rddreg [dreg:$0x7]  }
0x81: {  	[tilespmem:s26], [sflag:$0x1] =	stream.linear.gather [hbm4b:s11+s7], $0x80, $0x38;
	[tilespmem:$0x14600] =	vst v63  }
0x82: {  	s4 =	simm.s32 $0x4000;
	s16 =	rddreg [dreg:$0x18]  }
0x83: {  	[tilespmem:s4], [sflag:$0x6] =	stream.linear.gather [hbm4b:s13+s7], $0x4000, $0x38;
	[tilespmem:$0x14600] =	vst v63  }
0x84: {  	s15 =	simm.s32 $0x10080;
	s22 =	rddreg [dreg:$0x8]  }
0x85: {  	[tilespmem:s15], [sflag:$0x2] =	stream.linear.gather [hbm4b:s14+s7], $0x80, $0x38;
	[tilespmem:$0x14600] =	vst v63  }
0x86: {  	s23 =	rddreg [dreg:$0x19]  }
0x87: {  	[tilespmem:s29], [sflag:$0x7] =	stream.linear.gather [hbm4b:s16+s7], $0x4000, $0x38;
	[tilespmem:$0x14600] =	vst v63  }
0x88: {  	s3 =	simm.s32 $0x10100;
	s25 =	simm.s32 $0xC000;
	s31 =	rddreg [dreg:$0x1d]  }
0x89: {  	[tilespmem:s3], [sflag:$0x3] =	stream.linear.gather [hbm4b:s22+s7], $0x80, $0x38;
	[tilespmem:$0x14600] =	vst v63  }
.Ltmp2:
0x8a: {  	s26 =	rddreg [dreg:$0x9];
	s29 =	simm.s32 $0x0;
	(pc) =	sbr.rel .LBB2_2-.Ltmp2, $4  }
0x8b: {  	s1 =	simm.s32 $0x0;
	s2 =	simm.s32 $0x7;
	[smem:$0x7F1] =	sst s29  }
0x8c: {  	[tilespmem:s25], [sflag:$0x8] =	stream.linear.gather [hbm4b:s23+s7], $0x4000, $0x38;
	[tilespmem:$0x14600] =	vst v63  }
0x8d: {  	s0 =	simm.s32 $0xC;
	s23 =	simm.s32 $0x1;
	s25 =	rddreg [dreg:$0x1a]  }
0x8e: {  	[tilespmem:s6], [sflag:$0x4] =	stream.linear.gather [hbm4b:s26+s7], $0x80, $0x38;
	[tilespmem:$0x14600] =	vst v63  }
.LBB2_10:
0x8f: {  	s1 =	sld [smem:$0x7EE];
	_ =	sdelay $0x1  }
0x90: {  	s2 =	sadd.s32 $0xFFFFFFFF, s2;
	s23 =	sadd.s32 $0x2, s23  }
0x91: {  	s25 =	sadd.s32 $0x3E800, s25;
	s31 =	sadd.s32 $0x3E8000, s31;
	s1 =	sadd.s32 $0x100, s1  }
.LBB2_2:
0x92: {  	p2 =	seq.s32 s2, $0x7  }
0x93: {  	p3 =	seq.s32 @!p2 s17, $0xF  }
0x94: {  	p4 =	por !p3, p2  }
0x95: {  	[smem:$0x7EC] =	sst s2;
	s15 =	simm.s32 @!p4 $0xE  }
0x96: {  	_ =	swait.ge @!p4 [sflag:s15], $0x280  }
0x97: {  	p3 =	por p3, p2;
	[sflag:s15] =	ssyncset.done @!p4 $0x0  }
0x98: {  	[sflag:s15] =	ssyncadd.s32 @!p4 $0xFFFFFD80;
	s15 =	simm.s32 @!p3 $0xE  }
0x99: {  	_ =	swait.ge @!p3 [sflag:s15], $0x400  }
0x9a: {  	[sflag:s15] =	ssyncset.done @!p3 $0x0  }
0x9b: {  	s4 =	rddreg [dreg:$0xa];
	[sflag:s15] =	ssyncadd.s32 @!p3 $0xFFFFFC00  }
0x9c: {  	[spmem:s9] =	stream.linear.scatter [tilespmem:s20], [sflag:$0xD], $0x400, $0x38;
	[tilespmem:$0x14600] =	vst v63  }
0x9d: {  	s14 =	rddreg [dreg:$0xb]  }
0x9e: {  	[spmem:s4] =	stream.linear.scatter [tilespmem:s20], [sflag:$0xD], $0x400, $0x38;
	[tilespmem:$0x14600] =	vst v63  }
0x9f: {  	s16 =	sld [smem:$0x7F2]  }
0xa0: {  	[spmem:s14] =	stream.linear.scatter [tilespmem:s20], [sflag:$0xD], $0x400, $0x38;
	[tilespmem:$0x14600] =	vst v63  }
0xa1: {  	s15 =	rddreg [dreg:$0x11]  }
0xa2: {  	[spmem:s15] =	stream.linear.scatter [tilespmem:s20], [sflag:$0xD], $0x400, $0x38;
	[tilespmem:$0x14600] =	vst v63  }
0xa3: {  	s17 =	sld [smem:$0x7F3]  }
0xa4: {  	[spmem:s16] =	stream.linear.scatter [tilespmem:s20], [sflag:$0xD], $0x400, $0x38;
	[tilespmem:$0x14600] =	vst v63  }
0xa5: {  	s22 =	sld [smem:$0x7F4]  }
0xa6: {  	[spmem:s17] =	stream.linear.scatter [tilespmem:s20], [sflag:$0xD], $0x400, $0x38;
	[tilespmem:$0x14600] =	vst v63  }
0xa7: {  	s26 =	sld [smem:$0x7F5]  }
0xa8: {  	[spmem:s22] =	stream.linear.scatter [tilespmem:s20], [sflag:$0xD], $0x400, $0x38;
	[tilespmem:$0x14600] =	vst v63  }
0xa9: {  	_ = 	snop  }
0xaa: {  	[spmem:s26] =	stream.linear.scatter [tilespmem:s20], [sflag:$0xD], $0x400, $0x38;
	[tilespmem:$0x14600] =	vst v63  }
0xab: {  	_ =	swait.ge [sflag:s24], $0x400  }
0xac: {  	[sflag:s24] =	ssyncset.done $0x0  }
0xad: {  	[sflag:s24] =	ssyncadd.s32 $0xFFFFFC00  }
0xae: {  	_ =	swait.ge [sflag:s24], $0x400  }
0xaf: {  	[sflag:s24] =	ssyncset.done $0x0  }
0xb0: {  	[sflag:s24] =	ssyncadd.s32 $0xFFFFFC00  }
0xb1: {  	_ =	swait.ge [sflag:s24], $0x400  }
0xb2: {  	[sflag:s24] =	ssyncset.done $0x0  }
0xb3: {  	[sflag:s24] =	ssyncadd.s32 $0xFFFFFC00  }
0xb4: {  	_ =	swait.ge [sflag:s24], $0x400  }
0xb5: {  	[sflag:s24] =	ssyncset.done $0x0  }
0xb6: {  	[sflag:s24] =	ssyncadd.s32 $0xFFFFFC00  }
0xb7: {  	_ =	swait.ge [sflag:s24], $0x400  }
0xb8: {  	[sflag:s24] =	ssyncset.done $0x0  }
0xb9: {  	[sflag:s24] =	ssyncadd.s32 $0xFFFFFC00  }
0xba: {  	_ =	swait.ge [sflag:s24], $0x400  }
0xbb: {  	[sflag:s24] =	ssyncset.done $0x0  }
0xbc: {  	[sflag:s24] =	ssyncadd.s32 $0xFFFFFC00  }
0xbd: {  	_ =	swait.ge [sflag:s24], $0x400  }
0xbe: {  	[sflag:s24] =	ssyncset.done $0x0  }
0xbf: {  	[sflag:s24] =	ssyncadd.s32 $0xFFFFFC00  }
0xc0: {  	_ =	swait.ge [sflag:s24], $0x400  }
.Ltmp3:
0xc1: {  	s29 =	sadd.s32 s23, s10;
	[sflag:s24] =	ssyncset.done $0x0;
	(pc) =	sbr.rel @p1 .LBB2_4-.Ltmp3, $4  }
0xc2: {  	[smem:$0x7ED] =	sst s29;
	[sflag:s24] =	ssyncadd.s32 $0xFFFFFC00  }
0xc3: {  	[bflag:$0x0] =	sbarrier.arrive $0xFFFF  }
0xc4: {  	[smem:$0x7EE] =	sst s1  }
0xc5: {  	s17 =	sadd.s32 $0xFFFFFFFF, s29;
	[smem:$0x7EF] =	sst s23  }
0xc6: {  	s22 =	simm.s32 $0x1  }
0xc7: {  	_ =	swait.ge [sflag:s22], $0x80  }
0xc8: {  	[sflag:s22] =	ssyncset.done $0x0  }
0xc9: {  	s8 =	smov.u32 s10;
	s10 =	simm.s32 $0x5;
	[sflag:s22] =	ssyncadd.s32 $0xFFFFFF80  }
0xca: {  	_ =	swait.ge [sflag:s10], $0x4000  }
0xcb: {  	[sflag:s10] =	ssyncset.done $0x0  }
0xcc: {  	[sflag:s10] =	ssyncadd.s32 $0xFFFFC000  }
0xcd: {  	s9 =	simm.s32 $0x10000;
	s4 =	rddreg [dreg:$0x3]  }
0xce: {  	[spmem:s4] =	stream.indirect.scatter.add.f32 [tilespmem:s7], [sflag:$0x9], $0x80, s9, s28, $0xb8;
	[tilespmem:$0x14600] =	vst v63  }
0xcf: {  	_ =	swait.ge [sflag:s12], $0x80  }
0xd0: {  	[sflag:s12] =	ssyncset.done $0x0  }
0xd1: {  	[sflag:s12] =	ssyncadd.s32 $0xFFFFFF80  }
0xd2: {  	_ =	swait.ge [sflag:s21], $0x4000  }
0xd3: {  	s13 =	simm.s32 $0x4000;
	[sflag:s21] =	ssyncset.done $0x0  }
0xd4: {  	s29 =	simm.s32 $0x10080;
	s15 =	simm.s32 $0x9;
	[sflag:s21] =	ssyncadd.s32 $0xFFFFC000  }
0xd5: {  	[spmem:s4] =	stream.indirect.scatter.add.f32 [tilespmem:s13], [sflag:$0xA], $0x80, s29, s28, $0xb8;
	[tilespmem:$0x14600] =	vst v63  }
0xd6: {  	_ =	swait.ge [sflag:s15], $0x4000  }
0xd7: {  	[sflag:s15] =	ssyncset.done $0x0  }
0xd8: {  	s16 =	sadd.s32 $0xFFC1C000, s31;
	[sflag:s15] =	ssyncadd.s32 $0xFFFFC000  }
0xd9: {  	s16 =	sshrl.u32 s16, $0x3;
	s1 =	rddreg [dreg:$0x0]  }
0xda: {  	s3 =	sshrl.u32 s17, $0x3;
	s2 =	sld [smem:$0x7EE];
	s16 =	sadd.s32 s1, s16  }
0xdb: {  	[tilespmem:s7], [sflag:$0x5] =	stream.linear.gather [hbm4b:s16+s7], $0x4000, $0x38;
	[tilespmem:$0x14600] =	vst v63  }
0xdc: {  	s16 =	smul.u32 $0x1F400, s3  }
0xdd: {  	s5 =	sand.u32 $0x300, s2  }
0xde: {  	s17 =	sor.u32 s5, s16  }
0xdf: {  	s17 =	sadd.s32 $0x1F000, s17  }
0xe0: {  	s2 =	rddreg [dreg:$0x1];
	s17 =	sshrl.u32 s17, $0x3  }
0xe1: {  	s3 =	simm.s32 $0x3;
	s17 =	sadd.s32 s2, s17  }
0xe2: {  	[tilespmem:s9], [sflag:$0x1] =	stream.linear.gather [hbm4b:s17+s7], $0x80, $0x38;
	[tilespmem:$0x14600] =	vst v63  }
0xe3: {  	_ =	swait.ge [sflag:s3], $0x80  }
0xe4: {  	[sflag:s3] =	ssyncset.done $0x0  }
0xe5: {  	s6 =	simm.s32 $0x7;
	[sflag:s3] =	ssyncadd.s32 $0xFFFFFF80  }
0xe6: {  	_ =	swait.ge [sflag:s6], $0x4000  }
0xe7: {  	s14 =	simm.s32 $0xA;
	[sflag:s6] =	ssyncset.done $0x0  }
0xe8: {  	s5 =	simm.s32 $0x8000;
	s3 =	simm.s32 $0x10100;
	[sflag:s6] =	ssyncadd.s32 $0xFFFFC000  }
0xe9: {  	[spmem:s4] =	stream.indirect.scatter.add.f32 [tilespmem:s5], [sflag:$0xB], $0x80, s3, s28, $0xb8;
	[tilespmem:$0x14600] =	vst v63  }
0xea: {  	_ =	swait.ge [sflag:s14], $0x4000  }
0xeb: {  	[sflag:s14] =	ssyncset.done $0x0  }
0xec: {  	s11 =	simm.s32 $0x4;
	[sflag:s14] =	ssyncadd.s32 $0xFFFFC000  }
0xed: {  	_ =	swait.ge [sflag:s11], $0x80  }
0xee: {  	[sflag:s11] =	ssyncset.done $0x0  }
0xef: {  	[sflag:s11] =	ssyncadd.s32 $0xFFFFFF80  }
0xf0: {  	_ =	swait.ge [sflag:s30], $0x4000  }
0xf1: {  	s26 =	simm.s32 $0xC000;
	[sflag:s30] =	ssyncset.done $0x0  }
0xf2: {  	s6 =	simm.s32 $0xB;
	s11 =	simm.s32 $0x10180;
	[sflag:s30] =	ssyncadd.s32 $0xFFFFC000  }
0xf3: {  	[spmem:s4] =	stream.indirect.scatter.add.f32 [tilespmem:s26], [sflag:$0xC], $0x80, s11, s28, $0xb8;
	[tilespmem:$0x14600] =	vst v63  }
0xf4: {  	_ =	swait.ge [sflag:s6], $0x4000  }
0xf5: {  	[sflag:s6] =	ssyncset.done $0x0  }
0xf6: {  	[sflag:s6] =	ssyncadd.s32 $0xFFFFC000  }
0xf7: {  	_ =	swait.ge [sflag:s22], $0x80  }
0xf8: {  	[sflag:s22] =	ssyncset.done $0x0  }
0xf9: {  	[sflag:s22] =	ssyncadd.s32 $0xFFFFFF80  }
0xfa: {  	_ =	swait.ge [sflag:s10], $0x4000  }
0xfb: {  	[sflag:s10] =	ssyncset.done $0x0  }
0xfc: {  	[sflag:s10] =	ssyncadd.s32 $0xFFFFC000  }
0xfd: {  	[spmem:s4] =	stream.indirect.scatter.add.f32 [tilespmem:s7], [sflag:$0x9], $0x80, s9, s28, $0xb8;
	[tilespmem:$0x14600] =	vst v63  }
0xfe: {  	_ =	swait.ge [sflag:s0], $0x4000  }
0xff: {  	[sflag:s0] =	ssyncset.done $0x0  }
0x100: {  	[sflag:s0] =	ssyncadd.s32 $0xFFFFC000  }
0x101: {  	s14 =	sadd.s32 $0xFFE00000, s31;
	_ =	swait.ge [sflag:s15], $0x4000  }
0x102: {  	s17 =	sshrl.u32 s14, $0x3;
	[sflag:s15] =	ssyncset.done $0x0;
	s22 =	sld [smem:$0x7EE]  }
0x103: {  	s17 =	sadd.s32 s1, s17;
	[sflag:s15] =	ssyncadd.s32 $0xFFFFC000  }
0x104: {  	[tilespmem:s7], [sflag:$0x5] =	stream.linear.gather [hbm4b:s17+s7], $0x4000, $0x38;
	[tilespmem:$0x14600] =	vst v63  }
0x105: {  	s4 =	sadd.s32 s22, s18  }
0x106: {  	s17 =	sadd.s32 $0x80, s4  }
0x107: {  	s17 =	sand.u32 $0x380, s17  }
0x108: {  	s16 =	sor.u32 s17, s16  }
0x109: {  	s17 =	sadd.s32 $0x1E000, s16  }
0x10a: {  	s17 =	sshrl.u32 s17, $0x3  }
0x10b: {  	s6 =	sadd.s32 $0xFFE04000, s31;
	s17 =	sadd.s32 s2, s17  }
0x10c: {  	[tilespmem:s9], [sflag:$0x1] =	stream.linear.gather [hbm4b:s17+s7], $0x80, $0x38;
	[tilespmem:$0x14600] =	vst v63  }
0x10d: {  	s17 =	sshrl.u32 s6, $0x3  }
0x10e: {  	s9 =	sadd.s32 $0x1E400, s16;
	s17 =	sadd.s32 s1, s17  }
0x10f: {  	[tilespmem:s13], [sflag:$0x6] =	stream.linear.gather [hbm4b:s17+s7], $0x4000, $0x38;
	[tilespmem:$0x14600] =	vst v63  }
0x110: {  	s17 =	sshrl.u32 s9, $0x3  }
0x111: {  	s10 =	sadd.s32 $0xFFE08000, s31;
	s17 =	sadd.s32 s2, s17  }
0x112: {  	[tilespmem:s29], [sflag:$0x2] =	stream.linear.gather [hbm4b:s17+s7], $0x80, $0x38;
	[tilespmem:$0x14600] =	vst v63  }
0x113: {  	s17 =	sshrl.u32 s10, $0x3  }
0x114: {  	s13 =	sadd.s32 $0x1E800, s16;
	s17 =	sadd.s32 s1, s17  }
0x115: {  	[tilespmem:s5], [sflag:$0x7] =	stream.linear.gather [hbm4b:s17+s7], $0x4000, $0x38;
	[tilespmem:$0x14600] =	vst v63  }
0x116: {  	s17 =	sshrl.u32 s13, $0x3  }
0x117: {  	s14 =	sadd.s32 $0xFFE0C000, s31;
	s17 =	sadd.s32 s2, s17  }
0x118: {  	[tilespmem:s3], [sflag:$0x3] =	stream.linear.gather [hbm4b:s17+s7], $0x80, $0x38;
	[tilespmem:$0x14600] =	vst v63  }
0x119: {  	s16 =	sadd.s32 $0x1EC00, s16;
	s17 =	sshrl.u32 s14, $0x3  }
0x11a: {  	s16 =	sshrl.u32 s16, $0x3;
	s17 =	sadd.s32 s1, s17  }
0x11b: {  	[tilespmem:s26], [sflag:$0x8] =	stream.linear.gather [hbm4b:s17+s7], $0x4000, $0x38;
	[tilespmem:$0x14600] =	vst v63  }
0x11c: {  	s16 =	sadd.s32 s2, s16  }
0x11d: {  	[tilespmem:s11], [sflag:$0x4] =	stream.linear.gather [hbm4b:s16+s7], $0x80, $0x38;
	[tilespmem:$0x14600] =	vst v63  }
0x11e: {  	s15 =	sadd.s32 $0xFFFE0C00, s25;
	[bflag:$0x0] =	sbarrier.arrive $0xFFFF  }
0x11f: {  	s16 =	sshrl.u32 s15, $0x3;
	s17 =	rddreg [dreg:$0x1e]  }
0x120: {  	s26 =	simm.s32 $0x1FCE;
	s16 =	sadd.s32 s19, s16;
	s22 =	sshrl.u32 s17, $0x3  }
0x121: {  	[hbm:s16], [sflag:s26] =	dma.local [spmem:s22], $0x280  }
.Ltmp4:
0x122: {  	_ = 	snop;
	(pc) =	sbr.rel .LBB2_5-.Ltmp4, $4  }
0x123: {  	s16 =	simm.s32 @!p2 $0xF  }
0x124: {  	s1 =	sld [smem:$0x7EE];
	_ =	swait.ge @!p2 [sflag:s16], $0x280  }
0x125: {  	[sflag:s16] =	ssyncset.done @!p2 $0x0  }
0x126: {  	s6 =	simm.s32 $0x10180;
	s29 =	simm.s32 $0x8000;
	[sflag:s16] =	ssyncadd.s32 @!p2 $0xFFFFFD80  }
.LBB2_4:
0x127: {  	s20 =	smov.u32 s25;
	s25 =	simm.s32 $0x1  }
0x128: {  	_ =	swait.ge [sflag:s25], $0x80  }
0x129: {  	[sflag:s25] =	ssyncset.done $0x0  }
0x12a: {  	s10 =	simm.s32 $0x5;
	[sflag:s25] =	ssyncadd.s32 $0xFFFFFF80  }
0x12b: {  	_ =	swait.ge [sflag:s10], $0x4000  }
0x12c: {  	[sflag:s10] =	ssyncset.done $0x0  }
0x12d: {  	[sflag:s10] =	ssyncadd.s32 $0xFFFFC000  }
0x12e: {  	s26 =	simm.s32 $0x10000;
	s4 =	rddreg [dreg:$0x3]  }
0x12f: {  	[spmem:s4] =	stream.indirect.scatter.add.f32 [tilespmem:s7], [sflag:$0x9], $0x80, s26, s28, $0xb8;
	[tilespmem:$0x14600] =	vst v63  }
0x130: {  	_ =	swait.ge [sflag:s12], $0x80  }
0x131: {  	[sflag:s12] =	ssyncset.done $0x0  }
0x132: {  	[sflag:s12] =	ssyncadd.s32 $0xFFFFFF80  }
0x133: {  	_ =	swait.ge [sflag:s21], $0x4000  }
0x134: {  	s9 =	simm.s32 $0x4000;
	s2 =	simm.s32 $0x10080;
	[sflag:s21] =	ssyncset.done $0x0  }
0x135: {  	s15 =	simm.s32 $0x9;
	s13 =	rddreg [dreg:$0x13];
	[sflag:s21] =	ssyncadd.s32 $0xFFFFC000  }
0x136: {  	[spmem:s4] =	stream.indirect.scatter.add.f32 [tilespmem:s9], [sflag:$0xA], $0x80, s2, s28, $0xb8;
	[tilespmem:$0x14600] =	vst v63  }
0x137: {  	s8 =	rddreg [dreg:$0x1b];
	_ =	swait.ge [sflag:s15], $0x4000  }
0x138: {  	s16 =	sadd.s32 s31, s13;
	[sflag:s15] =	ssyncset.done $0x0  }
0x139: {  	s18 =	sadd.s32 $0xFFA3C000, s16;
	[sflag:s15] =	ssyncadd.s32 $0xFFFFC000  }
0x13a: {  	s17 =	sshrl.u32 s17, $0x3;
	s18 =	sshrl.u32 s18, $0x3;
	s2 =	rddreg [dreg:$0x0]  }
0x13b: {  	s17 =	smul.u32 $0x1F400, s17;
	s19 =	rddreg [dreg:$0x1f];
	s18 =	sadd.s32 s2, s18  }
0x13c: {  	[tilespmem:s7], [sflag:$0x5] =	stream.linear.gather [hbm4b:s18+s7], $0x4000, $0x38;
	[tilespmem:$0x14600] =	vst v63  }
0x13d: {  	s19 =	sadd.s32 s19, s17;
	s18 =	sand.u32 $0x300, s1  }
0x13e: {  	s19 =	sor.u32 s18, s19  }
0x13f: {  	s23 =	rddreg [dreg:$0x1];
	s19 =	sshrl.u32 s19, $0x3  }
0x140: {  	s29 =	simm.s32 $0x3;
	s19 =	sadd.s32 s23, s19  }
0x141: {  	[tilespmem:s26], [sflag:$0x1] =	stream.linear.gather [hbm4b:s19+s7], $0x80, $0x38;
	[tilespmem:$0x14600] =	vst v63  }
0x142: {  	_ =	swait.ge [sflag:s29], $0x80  }
0x143: {  	[sflag:s29] =	ssyncset.done $0x0  }
0x144: {  	s14 =	simm.s32 $0x7;
	[sflag:s29] =	ssyncadd.s32 $0xFFFFFF80  }
0x145: {  	_ =	swait.ge [sflag:s14], $0x4000  }
0x146: {  	s5 =	simm.s32 $0x8000;
	[sflag:s14] =	ssyncset.done $0x0  }
0x147: {  	s22 =	simm.s32 $0xA;
	s13 =	simm.s32 $0x10100;
	[sflag:s14] =	ssyncadd.s32 $0xFFFFC000  }
0x148: {  	[spmem:s4] =	stream.indirect.scatter.add.f32 [tilespmem:s5], [sflag:$0xB], $0x80, s13, s28, $0xb8;
	[tilespmem:$0x14600] =	vst v63  }
0x149: {  	s1 =	sadd.s32 $0xFFA40000, s16;
	_ =	swait.ge [sflag:s22], $0x4000  }
0x14a: {  	s19 =	sshrl.u32 s1, $0x3;
	[sflag:s22] =	ssyncset.done $0x0;
	s6 =	sld [smem:$0x7F7]  }
0x14b: {  	s19 =	sadd.s32 s2, s19;
	[sflag:s22] =	ssyncadd.s32 $0xFFFFC000  }
0x14c: {  	[tilespmem:s9], [sflag:$0x6] =	stream.linear.gather [hbm4b:s19+s7], $0x4000, $0x38;
	[tilespmem:$0x14600] =	vst v63  }
0x14d: {  	s19 =	sadd.s32 s6, s17  }
0x14e: {  	s19 =	sor.u32 s18, s19  }
0x14f: {  	s19 =	sshrl.u32 s19, $0x3  }
0x150: {  	s3 =	simm.s32 $0x10080;
	s6 =	simm.s32 $0x4;
	s19 =	sadd.s32 s23, s19  }
0x151: {  	[tilespmem:s3], [sflag:$0x2] =	stream.linear.gather [hbm4b:s19+s7], $0x80, $0x38;
	[tilespmem:$0x14600] =	vst v63  }
0x152: {  	_ =	swait.ge [sflag:s6], $0x80  }
0x153: {  	[sflag:s6] =	ssyncset.done $0x0  }
0x154: {  	[sflag:s6] =	ssyncadd.s32 $0xFFFFFF80  }
0x155: {  	_ =	swait.ge [sflag:s30], $0x4000  }
0x156: {  	s11 =	simm.s32 $0x10180;
	[sflag:s30] =	ssyncset.done $0x0  }
0x157: {  	s1 =	simm.s32 $0xB;
	s3 =	simm.s32 $0xC000;
	[sflag:s30] =	ssyncadd.s32 $0xFFFFC000  }
0x158: {  	[spmem:s4] =	stream.indirect.scatter.add.f32 [tilespmem:s3], [sflag:$0xC], $0x80, s11, s28, $0xb8;
	[tilespmem:$0x14600] =	vst v63  }
0x159: {  	s19 =	sadd.s32 $0xFFA44000, s16;
	_ =	swait.ge [sflag:s1], $0x4000  }
0x15a: {  	s19 =	sshrl.u32 s19, $0x3;
	[sflag:s1] =	ssyncset.done $0x0  }
0x15b: {  	s19 =	sadd.s32 s2, s19;
	[sflag:s1] =	ssyncadd.s32 $0xFFFFC000  }
0x15c: {  	[tilespmem:s5], [sflag:$0x7] =	stream.linear.gather [hbm4b:s19+s7], $0x4000, $0x38;
	[tilespmem:$0x14600] =	vst v63  }
0x15d: {  	s19 =	sld [smem:$0x7F9];
	_ =	sdelay $0x2  }
0x15e: {  	s19 =	sadd.s32 s19, s17  }
0x15f: {  	s19 =	sor.u32 s18, s19  }
0x160: {  	s19 =	sshrl.u32 s19, $0x3  }
0x161: {  	s19 =	sadd.s32 s23, s19  }
0x162: {  	[tilespmem:s13], [sflag:$0x3] =	stream.linear.gather [hbm4b:s19+s7], $0x80, $0x38;
	[tilespmem:$0x14600] =	vst v63  }
0x163: {  	_ =	swait.ge [sflag:s25], $0x80  }
0x164: {  	[sflag:s25] =	ssyncset.done $0x0  }
0x165: {  	[sflag:s25] =	ssyncadd.s32 $0xFFFFFF80  }
0x166: {  	_ =	swait.ge [sflag:s10], $0x4000  }
0x167: {  	[sflag:s10] =	ssyncset.done $0x0  }
0x168: {  	[sflag:s10] =	ssyncadd.s32 $0xFFFFC000  }
0x169: {  	[spmem:s4] =	stream.indirect.scatter.add.f32 [tilespmem:s7], [sflag:$0x9], $0x80, s26, s28, $0xb8;
	[tilespmem:$0x14600] =	vst v63  }
0x16a: {  	s10 =	sadd.s32 $0xFFA48000, s16;
	_ =	swait.ge [sflag:s0], $0x4000  }
0x16b: {  	s19 =	sshrl.u32 s10, $0x3;
	[sflag:s0] =	ssyncset.done $0x0;
	s10 =	sld [smem:$0x7FB]  }
0x16c: {  	s19 =	sadd.s32 s2, s19;
	[sflag:s0] =	ssyncadd.s32 $0xFFFFC000  }
0x16d: {  	[tilespmem:s3], [sflag:$0x8] =	stream.linear.gather [hbm4b:s19+s7], $0x4000, $0x38;
	[tilespmem:$0x14600] =	vst v63  }
0x16e: {  	s19 =	sadd.s32 s10, s17  }
0x16f: {  	s18 =	sor.u32 s18, s19  }
0x170: {  	s18 =	sshrl.u32 s18, $0x3  }
0x171: {  	s18 =	sadd.s32 s23, s18  }
0x172: {  	[tilespmem:s11], [sflag:$0x4] =	stream.linear.gather [hbm4b:s18+s7], $0x80, $0x38;
	[tilespmem:$0x14600] =	vst v63  }
0x173: {  	_ =	swait.ge [sflag:s12], $0x80  }
0x174: {  	[sflag:s12] =	ssyncset.done $0x0  }
0x175: {  	[sflag:s12] =	ssyncadd.s32 $0xFFFFFF80  }
0x176: {  	_ =	swait.ge [sflag:s21], $0x4000  }
0x177: {  	[sflag:s21] =	ssyncset.done $0x0  }
0x178: {  	s19 =	simm.s32 $0x10080;
	[sflag:s21] =	ssyncadd.s32 $0xFFFFC000  }
0x179: {  	[spmem:s4] =	stream.indirect.scatter.add.f32 [tilespmem:s9], [sflag:$0xA], $0x80, s19, s28, $0xb8;
	[tilespmem:$0x14600] =	vst v63  }
0x17a: {  	_ =	swait.ge [sflag:s15], $0x4000  }
0x17b: {  	[sflag:s15] =	ssyncset.done $0x0  }
0x17c: {  	[sflag:s15] =	ssyncadd.s32 $0xFFFFC000  }
0x17d: {  	_ =	swait.ge [sflag:s29], $0x80  }
0x17e: {  	[sflag:s29] =	ssyncset.done $0x0  }
0x17f: {  	[sflag:s29] =	ssyncadd.s32 $0xFFFFFF80  }
0x180: {  	_ =	swait.ge [sflag:s14], $0x4000  }
0x181: {  	[sflag:s14] =	ssyncset.done $0x0  }
0x182: {  	[sflag:s14] =	ssyncadd.s32 $0xFFFFC000  }
0x183: {  	[spmem:s4] =	stream.indirect.scatter.add.f32 [tilespmem:s5], [sflag:$0xB], $0x80, s13, s28, $0xb8;
	[tilespmem:$0x14600] =	vst v63  }
0x184: {  	_ =	swait.ge [sflag:s22], $0x4000  }
0x185: {  	[sflag:s22] =	ssyncset.done $0x0  }
0x186: {  	[sflag:s22] =	ssyncadd.s32 $0xFFFFC000  }
0x187: {  	_ =	swait.ge [sflag:s6], $0x80  }
0x188: {  	[sflag:s6] =	ssyncset.done $0x0  }
0x189: {  	[sflag:s6] =	ssyncadd.s32 $0xFFFFFF80  }
0x18a: {  	_ =	swait.ge [sflag:s30], $0x4000  }
0x18b: {  	[sflag:s30] =	ssyncset.done $0x0  }
0x18c: {  	[sflag:s30] =	ssyncadd.s32 $0xFFFFC000  }
0x18d: {  	[spmem:s4] =	stream.indirect.scatter.add.f32 [tilespmem:s3], [sflag:$0xC], $0x80, s11, s28, $0xb8;
	[tilespmem:$0x14600] =	vst v63  }
0x18e: {  	_ =	swait.ge [sflag:s1], $0x4000  }
0x18f: {  	[sflag:s1] =	ssyncset.done $0x0  }
0x190: {  	[sflag:s1] =	ssyncadd.s32 $0xFFFFC000;
	s1 =	sld [smem:$0x7EE]  }
0x191: {  	s4 =	sadd.s32 $0xFFC20000, s16;
	_ =	swait.ge [sflag:s0], $0x4000  }
0x192: {  	s18 =	sshrl.u32 s4, $0x3;
	[sflag:s0] =	ssyncset.done $0x0;
	s6 =	rddreg [dreg:$0x1c]  }
0x193: {  	s18 =	sadd.s32 s2, s18;
	[sflag:s0] =	ssyncadd.s32 $0xFFFFC000;
	s14 =	sadd.s32 s1, s6  }
0x194: {  	[tilespmem:s7], [sflag:$0x5] =	stream.linear.gather [hbm4b:s18+s7], $0x4000, $0x38;
	[tilespmem:$0x14600] =	vst v63  }
0x195: {  	s15 =	rddreg [dreg:$0x6];
	s18 =	sadd.s32 $0x80, s14  }
0x196: {  	s22 =	sadd.s32 s15, s17;
	s18 =	sand.u32 $0x380, s18  }
0x197: {  	s19 =	sor.u32 s18, s22  }
0x198: {  	s19 =	sshrl.u32 s19, $0x3  }
0x199: {  	s19 =	sadd.s32 s23, s19  }
0x19a: {  	[tilespmem:s26], [sflag:$0x1] =	stream.linear.gather [hbm4b:s19+s7], $0x80, $0x38;
	[tilespmem:$0x14600] =	vst v63  }
0x19b: {  	s26 =	sadd.s32 $0xFFC24000, s16  }
0x19c: {  	s19 =	sshrl.u32 s26, $0x3  }
0x19d: {  	s6 =	rddreg [dreg:$0xc];
	s19 =	sadd.s32 s2, s19  }
0x19e: {  	[tilespmem:s9], [sflag:$0x6] =	stream.linear.gather [hbm4b:s19+s7], $0x4000, $0x38;
	[tilespmem:$0x14600] =	vst v63  }
0x19f: {  	s19 =	sadd.s32 s6, s17  }
0x1a0: {  	s19 =	sor.u32 s18, s19  }
0x1a1: {  	s19 =	sshrl.u32 s19, $0x3  }
0x1a2: {  	s10 =	simm.s32 $0x10080;
	s9 =	sadd.s32 $0xFFC28000, s16;
	s19 =	sadd.s32 s23, s19  }
0x1a3: {  	[tilespmem:s10], [sflag:$0x2] =	stream.linear.gather [hbm4b:s19+s7], $0x80, $0x38;
	[tilespmem:$0x14600] =	vst v63  }
0x1a4: {  	s19 =	sshrl.u32 s9, $0x3  }
0x1a5: {  	s10 =	rddreg [dreg:$0xd];
	s19 =	sadd.s32 s2, s19  }
0x1a6: {  	[tilespmem:s5], [sflag:$0x7] =	stream.linear.gather [hbm4b:s19+s7], $0x4000, $0x38;
	[tilespmem:$0x14600] =	vst v63  }
0x1a7: {  	s19 =	sadd.s32 s10, s17  }
0x1a8: {  	s19 =	sor.u32 s18, s19  }
0x1a9: {  	s16 =	sadd.s32 $0xFFC2C000, s16;
	s19 =	sshrl.u32 s19, $0x3  }
0x1aa: {  	s16 =	sshrl.u32 s16, $0x3;
	s19 =	sadd.s32 s23, s19  }
0x1ab: {  	[tilespmem:s13], [sflag:$0x3] =	stream.linear.gather [hbm4b:s19+s7], $0x80, $0x38;
	[tilespmem:$0x14600] =	vst v63  }
0x1ac: {  	s14 =	rddreg [dreg:$0xe];
	s16 =	sadd.s32 s2, s16  }
0x1ad: {  	[tilespmem:s3], [sflag:$0x8] =	stream.linear.gather [hbm4b:s16+s7], $0x4000, $0x38;
	[tilespmem:$0x14600] =	vst v63  }
0x1ae: {  	s16 =	sadd.s32 s14, s17  }
0x1af: {  	s25 =	smov.u32 s20;
	s16 =	sor.u32 s18, s16  }
0x1b0: {  	s15 =	sadd.s32 s25, s15;
	s16 =	sshrl.u32 s16, $0x3  }
0x1b1: {  	s19 =	rddreg [dreg:$0x2];
	s17 =	stileid.u32;
	s16 =	sadd.s32 s23, s16  }
0x1b2: {  	[tilespmem:s11], [sflag:$0x4] =	stream.linear.gather [hbm4b:s16+s7], $0x80, $0x38;
	[tilespmem:$0x14600] =	vst v63  }
0x1b3: {  	s23 =	sld [smem:$0x7EF];
	s16 =	sadd.s32 $0xFFFC2C00, s15;
	[bflag:$0x0] =	sbarrier.arrive $0xFFFF  }
0x1b4: {  	s18 =	sshll.u32 s17, $0x6;
	s16 =	sshrl.u32 s16, $0x3;
	s22 =	rddreg [dreg:$0x1e]  }
0x1b5: {  	s17 =	sor.u32 $0x1C0E, s18;
	s16 =	sadd.s32 s19, s16;
	s26 =	sshrl.u32 s22, $0x3  }
0x1b6: {  	[hbm:s16], [sflag:s17] =	dma.local [spmem:s26], $0x400  }
0x1b7: {  	s16 =	simm.s32 @!p2 $0xF  }
0x1b8: {  	s18 =	rddreg [dreg:$0x1c];
	_ =	swait.ge @!p2 [sflag:s16], $0x400  }
0x1b9: {  	s20 =	simm.s32 $0x10200;
	[sflag:s16] =	ssyncset.done @!p2 $0x0  }
0x1ba: {  	s29 =	simm.s32 $0x8000;
	s6 =	simm.s32 $0x10180;
	[sflag:s16] =	ssyncadd.s32 @!p2 $0xFFFFFC00  }
.LBB2_5:
0x1bb: {  	s13 =	sld [smem:$0x7FD];
	_ =	sdelay $0x1  }
0x1bc: {  	s4 =	rddreg [dreg:$0xf]  }
0x1bd: {  	[spmem:s13] =	stream.linear.scatter [tilespmem:s20], [sflag:$0xD], $0x400, $0x38;
	[tilespmem:$0x14600] =	vst v63  }
0x1be: {  	s14 =	rddreg [dreg:$0x10]  }
0x1bf: {  	[spmem:s4] =	stream.linear.scatter [tilespmem:s20], [sflag:$0xD], $0x400, $0x38;
	[tilespmem:$0x14600] =	vst v63  }
0x1c0: {  	s15 =	rddreg [dreg:$0x12]  }
0x1c1: {  	[spmem:s14] =	stream.linear.scatter [tilespmem:s20], [sflag:$0xD], $0x400, $0x38;
	[tilespmem:$0x14600] =	vst v63  }
0x1c2: {  	s16 =	sld [smem:$0x7F6]  }
0x1c3: {  	[spmem:s15] =	stream.linear.scatter [tilespmem:s20], [sflag:$0xD], $0x400, $0x38;
	[tilespmem:$0x14600] =	vst v63  }
0x1c4: {  	s17 =	sld [smem:$0x7F8]  }
0x1c5: {  	[spmem:s16] =	stream.linear.scatter [tilespmem:s20], [sflag:$0xD], $0x400, $0x38;
	[tilespmem:$0x14600] =	vst v63  }
0x1c6: {  	s22 =	sld [smem:$0x7FA]  }
0x1c7: {  	[spmem:s17] =	stream.linear.scatter [tilespmem:s20], [sflag:$0xD], $0x400, $0x38;
	[tilespmem:$0x14600] =	vst v63  }
0x1c8: {  	s26 =	sld [smem:$0x7FC]  }
0x1c9: {  	[spmem:s22] =	stream.linear.scatter [tilespmem:s20], [sflag:$0xD], $0x400, $0x38;
	[tilespmem:$0x14600] =	vst v63  }
0x1ca: {  	_ = 	snop  }
0x1cb: {  	[spmem:s26] =	stream.linear.scatter [tilespmem:s20], [sflag:$0xD], $0x400, $0x38;
	[tilespmem:$0x14600] =	vst v63  }
0x1cc: {  	_ =	swait.ge [sflag:s24], $0x400  }
0x1cd: {  	[sflag:s24] =	ssyncset.done $0x0  }
0x1ce: {  	[sflag:s24] =	ssyncadd.s32 $0xFFFFFC00  }
0x1cf: {  	_ =	swait.ge [sflag:s24], $0x400  }
0x1d0: {  	[sflag:s24] =	ssyncset.done $0x0  }
0x1d1: {  	[sflag:s24] =	ssyncadd.s32 $0xFFFFFC00  }
0x1d2: {  	_ =	swait.ge [sflag:s24], $0x400  }
0x1d3: {  	[sflag:s24] =	ssyncset.done $0x0  }
0x1d4: {  	[sflag:s24] =	ssyncadd.s32 $0xFFFFFC00  }
0x1d5: {  	_ =	swait.ge [sflag:s24], $0x400  }
0x1d6: {  	[sflag:s24] =	ssyncset.done $0x0  }
0x1d7: {  	[sflag:s24] =	ssyncadd.s32 $0xFFFFFC00  }
0x1d8: {  	_ =	swait.ge [sflag:s24], $0x400  }
0x1d9: {  	[sflag:s24] =	ssyncset.done $0x0  }
0x1da: {  	[sflag:s24] =	ssyncadd.s32 $0xFFFFFC00  }
0x1db: {  	_ =	swait.ge [sflag:s24], $0x400  }
0x1dc: {  	[sflag:s24] =	ssyncset.done $0x0  }
0x1dd: {  	[sflag:s24] =	ssyncadd.s32 $0xFFFFFC00  }
0x1de: {  	_ =	swait.ge [sflag:s24], $0x400  }
0x1df: {  	[sflag:s24] =	ssyncset.done $0x0  }
0x1e0: {  	[sflag:s24] =	ssyncadd.s32 $0xFFFFFC00  }
.Ltmp5:
0x1e1: {  	_ =	swait.ge [sflag:s24], $0x400;
	(pc) =	sbr.rel @!p0 .LBB2_6-.Ltmp5, $4  }
0x1e2: {  	[sflag:s24] =	ssyncset.done $0x0  }
0x1e3: {  	[sflag:s24] =	ssyncadd.s32 $0xFFFFFC00  }
0x1e4: {  	p2 =	sgt.u32 s23, $0xE;
	[bflag:$0x0] =	sbarrier.arrive $0xFFFF  }
0x1e5: {  	s16 =	sadd.s32 @!p2 s1, s18;
	s17 =	sadd.s32 @!p2 s23, s8  }
0x1e6: {  	s14 =	simm.s32 $0x1  }
0x1e7: {  	_ =	swait.ge [sflag:s14], $0x80  }
0x1e8: {  	[sflag:s14] =	ssyncset.done $0x0  }
0x1e9: {  	s10 =	simm.s32 $0x5;
	[sflag:s14] =	ssyncadd.s32 $0xFFFFFF80  }
0x1ea: {  	_ =	swait.ge [sflag:s10], $0x4000  }
0x1eb: {  	[sflag:s10] =	ssyncset.done $0x0  }
0x1ec: {  	[sflag:s10] =	ssyncadd.s32 $0xFFFFC000  }
0x1ed: {  	s9 =	simm.s32 $0x10000;
	s5 =	rddreg [dreg:$0x4]  }
0x1ee: {  	[spmem:s5] =	stream.indirect.scatter.add.f32 [tilespmem:s7], [sflag:$0x9], $0x80, s9, s28, $0xb8;
	[tilespmem:$0x14600] =	vst v63  }
0x1ef: {  	_ =	swait.ge [sflag:s12], $0x80  }
0x1f0: {  	[sflag:s12] =	ssyncset.done $0x0  }
0x1f1: {  	[sflag:s12] =	ssyncadd.s32 $0xFFFFFF80  }
0x1f2: {  	_ =	swait.ge [sflag:s21], $0x4000  }
0x1f3: {  	s4 =	simm.s32 $0x4000;
	[sflag:s21] =	ssyncset.done $0x0  }
0x1f4: {  	s2 =	simm.s32 $0x10080;
	s22 =	simm.s32 $0x9;
	[sflag:s21] =	ssyncadd.s32 $0xFFFFC000  }
0x1f5: {  	[spmem:s5] =	stream.indirect.scatter.add.f32 [tilespmem:s4], [sflag:$0xA], $0x80, s2, s28, $0xb8;
	[tilespmem:$0x14600] =	vst v63  }
0x1f6: {  	_ =	swait.ge [sflag:s22], $0x4000  }
0x1f7: {  	[sflag:s22] =	ssyncset.done $0x0;
	s3 =	sld [smem:$0x7ED]  }
0x1f8: {  	s15 =	sadd.s32 $0xFFE10000, s31;
	[sflag:s22] =	ssyncadd.s32 $0xFFFFC000  }
0x1f9: {  	s4 =	sshrl.u32 s15, $0x3;
	s2 =	rddreg [dreg:$0x0]  }
0x1fa: {  	s4 =	sadd.s32 s2, s4;
	s26 =	sshrl.u32 s3, $0x3  }
0x1fb: {  	[tilespmem:s7], [sflag:$0x5] =	stream.linear.gather [hbm4b:s4+s7], $0x4000, $0x38;
	[tilespmem:$0x14600] =	vst v63  }
0x1fc: {  	s15 =	sadd.s32 $0x80, s1;
	s4 =	smul.u32 $0x1F400, s26  }
0x1fd: {  	s15 =	sand.u32 $0x380, s15  }
0x1fe: {  	s4 =	sor.u32 s15, s4  }
0x1ff: {  	s4 =	sadd.s32 $0x1F000, s4  }
0x200: {  	s11 =	rddreg [dreg:$0x1];
	s4 =	sshrl.u32 s4, $0x3  }
0x201: {  	s1 =	simm.s32 $0x3;
	s4 =	sadd.s32 s11, s4  }
0x202: {  	[tilespmem:s9], [sflag:$0x1] =	stream.linear.gather [hbm4b:s4+s7], $0x80, $0x38;
	[tilespmem:$0x14600] =	vst v63  }
0x203: {  	_ =	swait.ge [sflag:s1], $0x80  }
0x204: {  	[sflag:s1] =	ssyncset.done $0x0  }
0x205: {  	s4 =	simm.s32 $0x7;
	[sflag:s1] =	ssyncadd.s32 $0xFFFFFF80  }
0x206: {  	_ =	swait.ge [sflag:s4], $0x4000  }
0x207: {  	[sflag:s4] =	ssyncset.done $0x0  }
0x208: {  	s26 =	simm.s32 $0xA;
	s15 =	simm.s32 $0x10100;
	[sflag:s4] =	ssyncadd.s32 $0xFFFFC000  }
0x209: {  	[spmem:s5] =	stream.indirect.scatter.add.f32 [tilespmem:s29], [sflag:$0xB], $0x80, s15, s28, $0xb8;
	[tilespmem:$0x14600] =	vst v63  }
0x20a: {  	_ =	swait.ge [sflag:s26], $0x4000  }
0x20b: {  	[sflag:s26] =	ssyncset.done $0x0  }
0x20c: {  	s1 =	simm.s32 $0x4;
	[sflag:s26] =	ssyncadd.s32 $0xFFFFC000  }
0x20d: {  	_ =	swait.ge [sflag:s1], $0x80  }
0x20e: {  	[sflag:s1] =	ssyncset.done $0x0  }
0x20f: {  	[sflag:s1] =	ssyncadd.s32 $0xFFFFFF80  }
0x210: {  	_ =	swait.ge [sflag:s30], $0x4000  }
0x211: {  	[sflag:s30] =	ssyncset.done $0x0  }
0x212: {  	s4 =	simm.s32 $0xC000;
	s15 =	simm.s32 $0xB;
	[sflag:s30] =	ssyncadd.s32 $0xFFFFC000  }
0x213: {  	[spmem:s5] =	stream.indirect.scatter.add.f32 [tilespmem:s4], [sflag:$0xC], $0x80, s6, s28, $0xb8;
	[tilespmem:$0x14600] =	vst v63  }
0x214: {  	_ =	swait.ge [sflag:s15], $0x4000  }
0x215: {  	[sflag:s15] =	ssyncset.done $0x0  }
0x216: {  	[sflag:s15] =	ssyncadd.s32 $0xFFFFC000  }
0x217: {  	_ =	swait.ge [sflag:s14], $0x80  }
0x218: {  	[sflag:s14] =	ssyncset.done $0x0  }
0x219: {  	[sflag:s14] =	ssyncadd.s32 $0xFFFFFF80  }
0x21a: {  	_ =	swait.ge [sflag:s10], $0x4000  }
0x21b: {  	[sflag:s10] =	ssyncset.done $0x0  }
0x21c: {  	[sflag:s10] =	ssyncadd.s32 $0xFFFFC000  }
0x21d: {  	[spmem:s5] =	stream.indirect.scatter.add.f32 [tilespmem:s7], [sflag:$0x9], $0x80, s9, s28, $0xb8;
	[tilespmem:$0x14600] =	vst v63  }
0x21e: {  	_ =	swait.ge [sflag:s0], $0x4000  }
0x21f: {  	[sflag:s0] =	ssyncset.done $0x0  }
0x220: {  	s4 =	sadd.s32 @!p2 $0xFFFF4000, s31;
	[sflag:s0] =	ssyncadd.s32 $0xFFFFC000  }
0x221: {  	s4 =	sshrl.u32 @!p2 s4, $0x3;
	_ =	swait.ge [sflag:s22], $0x4000  }
0x222: {  	s4 =	sadd.s32 @!p2 s2, s4;
	[sflag:s22] =	ssyncset.done $0x0  }
0x223: {  	s15 =	sadd.s32 @!p2 $0x1, s17;
	s17 =	simm.s32 @!p2 $0x0;
	[sflag:s22] =	ssyncadd.s32 $0xFFFFC000  }
0x224: {  	[tilespmem:s17], [sflag:$0x5] =	stream.linear.gather @!p2 [hbm4b:s4+s17], $0x4000, $0x38;
	[tilespmem:$0x14600] =	vst v63  }
0x225: {  	s4 =	sshrl.u32 @!p2 s15, $0x3  }
0x226: {  	s15 =	sadd.s32 @!p2 $0x100, s16;
	s4 =	smul.u32 @!p2 $0x1F400, s4  }
0x227: {  	s15 =	sand.u32 @!p2 $0x300, s15  }
0x228: {  	s4 =	sor.u32 @!p2 s15, s4  }
0x229: {  	s15 =	sadd.s32 @!p2 $0x1E000, s4  }
0x22a: {  	s15 =	sshrl.u32 @!p2 s15, $0x3  }
0x22b: {  	s16 =	simm.s32 @!p2 $0x10000;
	s15 =	sadd.s32 @!p2 s11, s15  }
0x22c: {  	[tilespmem:s16], [sflag:$0x1] =	stream.linear.gather @!p2 [hbm4b:s15+s17], $0x80, $0x38;
	[tilespmem:$0x14600] =	vst v63  }
0x22d: {  	s15 =	sadd.s32 @!p2 $0xFFFF8000, s31  }
0x22e: {  	s15 =	sshrl.u32 @!p2 s15, $0x3  }
0x22f: {  	s16 =	simm.s32 @!p2 $0x4000;
	s15 =	sadd.s32 @!p2 s2, s15  }
0x230: {  	[tilespmem:s16], [sflag:$0x6] =	stream.linear.gather @!p2 [hbm4b:s15+s17], $0x4000, $0x38;
	[tilespmem:$0x14600] =	vst v63  }
0x231: {  	s15 =	sadd.s32 @!p2 $0x1E400, s4  }
0x232: {  	s15 =	sshrl.u32 @!p2 s15, $0x3  }
0x233: {  	s16 =	simm.s32 @!p2 $0x10080;
	s15 =	sadd.s32 @!p2 s11, s15  }
0x234: {  	[tilespmem:s16], [sflag:$0x2] =	stream.linear.gather @!p2 [hbm4b:s15+s17], $0x80, $0x38;
	[tilespmem:$0x14600] =	vst v63  }
0x235: {  	s15 =	sadd.s32 @!p2 $0xFFFFC000, s31  }
0x236: {  	s15 =	sshrl.u32 @!p2 s15, $0x3  }
0x237: {  	s16 =	simm.s32 @!p2 $0x8000;
	s15 =	sadd.s32 @!p2 s2, s15  }
0x238: {  	[tilespmem:s16], [sflag:$0x7] =	stream.linear.gather @!p2 [hbm4b:s15+s17], $0x4000, $0x38;
	[tilespmem:$0x14600] =	vst v63  }
0x239: {  	s15 =	sadd.s32 @!p2 $0x1E800, s4  }
0x23a: {  	s15 =	sshrl.u32 @!p2 s15, $0x3  }
0x23b: {  	s16 =	simm.s32 @!p2 $0x10100;
	s15 =	sadd.s32 @!p2 s11, s15  }
0x23c: {  	[tilespmem:s16], [sflag:$0x3] =	stream.linear.gather @!p2 [hbm4b:s15+s17], $0x80, $0x38;
	[tilespmem:$0x14600] =	vst v63  }
0x23d: {  	s22 =	simm.s32 $0x1FCF;
	s4 =	sadd.s32 @!p2 $0x1EC00, s4;
	s15 =	sshrl.u32 @!p2 s31, $0x3  }
0x23e: {  	s4 =	sshrl.u32 @!p2 s4, $0x3;
	s16 =	simm.s32 @!p2 $0xC000;
	s15 =	sadd.s32 @!p2 s2, s15  }
0x23f: {  	[tilespmem:s16], [sflag:$0x8] =	stream.linear.gather @!p2 [hbm4b:s15+s17], $0x4000, $0x38;
	[tilespmem:$0x14600] =	vst v63  }
0x240: {  	s4 =	sadd.s32 @!p2 s11, s4;
	s15 =	simm.s32 @!p2 $0x10180;
	s16 =	sshrl.u32 s25, $0x3  }
0x241: {  	[tilespmem:s15], [sflag:$0x4] =	stream.linear.gather @!p2 [hbm4b:s4+s17], $0x80, $0x38;
	[tilespmem:$0x14600] =	vst v63  }
0x242: {  	s4 =	sadd.s32 s19, s16;
	s17 =	sshrl.u32 s13, $0x3;
	[bflag:$0x0] =	sbarrier.arrive $0xFFFF  }
0x243: {  	[hbm:s4], [sflag:s22] =	dma.local [spmem:s17], $0x280  }
0x244: {  	s2 =	sld [smem:$0x7EC];
	_ =	sdelay $0x2  }
0x245: {  	p2 =	seq.s32 s2, $0x0  }
.Ltmp6:
0x246: {  	_ = 	snop;
	(pc) =	sbr.rel @p2 .LBB2_12-.Ltmp6, $2  }
0x247: {  	_ =	sdelay $0x2  }
0x248: {  	s26 =	simm.s32 $0x10000  }
.Ltmp7:
0x249: {  	s1 =	sld [smem:$0x7F1];
	(pc) =	sbr.rel .LBB2_10-.Ltmp7, $3  }
0x24a: {  	_ =	sdelay $0x1  }
0x24b: {  	s9 =	rddreg [dreg:$0x1e];
	s1 =	sadd.s32 $0x1, s1  }
0x24c: {  	s17 =	stileid.u32;
	s10 =	smov.u32 s8;
	[smem:$0x7F1] =	sst s1  }
.LBB2_6:
0x24d: {  	[smem:$0x7EA] =	sst s25;
	s25 =	simm.s32 $0x1  }
0x24e: {  	_ =	swait.ge [sflag:s25], $0x80  }
0x24f: {  	[sflag:s25] =	ssyncset.done $0x0  }
0x250: {  	s10 =	simm.s32 $0x5;
	[sflag:s25] =	ssyncadd.s32 $0xFFFFFF80  }
0x251: {  	_ =	swait.ge [sflag:s10], $0x4000  }
0x252: {  	[sflag:s10] =	ssyncset.done $0x0  }
0x253: {  	[sflag:s10] =	ssyncadd.s32 $0xFFFFC000  }
0x254: {  	s9 =	simm.s32 $0x10000;
	s5 =	rddreg [dreg:$0x4]  }
0x255: {  	[spmem:s5] =	stream.indirect.scatter.add.f32 [tilespmem:s7], [sflag:$0x9], $0x80, s9, s28, $0xb8;
	[tilespmem:$0x14600] =	vst v63  }
0x256: {  	_ =	swait.ge [sflag:s12], $0x80  }
0x257: {  	[sflag:s12] =	ssyncset.done $0x0  }
0x258: {  	[sflag:s12] =	ssyncadd.s32 $0xFFFFFF80  }
0x259: {  	_ =	swait.ge [sflag:s21], $0x4000  }
0x25a: {  	s11 =	simm.s32 $0x10080;
	[sflag:s21] =	ssyncset.done $0x0  }
0x25b: {  	s29 =	simm.s32 $0x4000;
	s13 =	rddreg [dreg:$0x13];
	[sflag:s21] =	ssyncadd.s32 $0xFFFFC000  }
0x25c: {  	[spmem:s5] =	stream.indirect.scatter.add.f32 [tilespmem:s29], [sflag:$0xA], $0x80, s11, s28, $0xb8;
	[tilespmem:$0x14600] =	vst v63  }
0x25d: {  	[smem:$0x7EB] =	sst s16;
	s28 =	simm.s32 $0x9  }
0x25e: {  	s0 =	sld [smem:$0x7ED];
	_ =	swait.ge [sflag:s28], $0x4000  }
0x25f: {  	s18 =	sadd.s32 s31, s13;
	[sflag:s28] =	ssyncset.done $0x0  }
0x260: {  	s4 =	sadd.s32 $0x80, s1;
	s19 =	sadd.s32 $0xFFC30000, s18;
	[sflag:s28] =	ssyncadd.s32 $0xFFFFC000  }
0x261: {  	s15 =	sshrl.u32 s0, $0x3;
	s19 =	sshrl.u32 s19, $0x3;
	s2 =	rddreg [dreg:$0x0]  }
0x262: {  	s15 =	smul.u32 $0x1F400, s15;
	s8 =	rddreg [dreg:$0x1f];
	s19 =	sadd.s32 s2, s19  }
0x263: {  	[tilespmem:s7], [sflag:$0x5] =	stream.linear.gather [hbm4b:s19+s7], $0x4000, $0x38;
	[tilespmem:$0x14600] =	vst v63  }
0x264: {  	s4 =	sand.u32 $0x380, s4;
	s19 =	sadd.s32 s8, s15  }
0x265: {  	s19 =	sor.u32 s4, s19  }
0x266: {  	s23 =	rddreg [dreg:$0x1];
	s19 =	sshrl.u32 s19, $0x3  }
0x267: {  	s8 =	simm.s32 $0x3;
	s19 =	sadd.s32 s23, s19  }
0x268: {  	[tilespmem:s9], [sflag:$0x1] =	stream.linear.gather [hbm4b:s19+s7], $0x80, $0x38;
	[tilespmem:$0x14600] =	vst v63  }
0x269: {  	_ =	swait.ge [sflag:s8], $0x80  }
0x26a: {  	[sflag:s8] =	ssyncset.done $0x0  }
0x26b: {  	s14 =	simm.s32 $0x7;
	[sflag:s8] =	ssyncadd.s32 $0xFFFFFF80  }
0x26c: {  	_ =	swait.ge [sflag:s14], $0x4000  }
0x26d: {  	s26 =	simm.s32 $0x8000;
	s3 =	simm.s32 $0x10100;
	[sflag:s14] =	ssyncset.done $0x0  }
0x26e: {  	s22 =	simm.s32 $0xA;
	s0 =	simm.s32 $0x80;
	[sflag:s14] =	ssyncadd.s32 $0xFFFFC000  }
0x26f: {  	[spmem:s5] =	stream.indirect.scatter.add.f32 [tilespmem:s26], [sflag:$0xB], $0x80, s3, s0, $0xb8;
	[tilespmem:$0x14600] =	vst v63  }
0x270: {  	s12 =	sadd.s32 $0xFFC34000, s18;
	_ =	swait.ge [sflag:s22], $0x4000  }
0x271: {  	s19 =	sshrl.u32 s12, $0x3;
	[sflag:s22] =	ssyncset.done $0x0;
	s21 =	sld [smem:$0x7F7]  }
0x272: {  	s19 =	sadd.s32 s2, s19;
	[sflag:s22] =	ssyncadd.s32 $0xFFFFC000  }
0x273: {  	[tilespmem:s29], [sflag:$0x6] =	stream.linear.gather [hbm4b:s19+s7], $0x4000, $0x38;
	[tilespmem:$0x14600] =	vst v63  }
0x274: {  	s19 =	sadd.s32 s21, s15  }
0x275: {  	s19 =	sor.u32 s4, s19  }
0x276: {  	s19 =	sshrl.u32 s19, $0x3  }
0x277: {  	s30 =	simm.s32 $0x4;
	s19 =	sadd.s32 s23, s19  }
0x278: {  	[tilespmem:s11], [sflag:$0x2] =	stream.linear.gather [hbm4b:s19+s7], $0x80, $0x38;
	[tilespmem:$0x14600] =	vst v63  }
0x279: {  	_ =	swait.ge [sflag:s30], $0x80  }
0x27a: {  	[sflag:s30] =	ssyncset.done $0x0  }
0x27b: {  	s6 =	simm.s32 $0x8;
	[sflag:s30] =	ssyncadd.s32 $0xFFFFFF80  }
0x27c: {  	_ =	swait.ge [sflag:s6], $0x4000  }
0x27d: {  	s1 =	simm.s32 $0xB;
	[sflag:s6] =	ssyncset.done $0x0  }
0x27e: {  	s12 =	simm.s32 $0x10180;
	[sflag:s6] =	ssyncadd.s32 $0xFFFFC000;
	s6 =	simm.s32 $0xC000  }
0x27f: {  	[spmem:s5] =	stream.indirect.scatter.add.f32 [tilespmem:s6], [sflag:$0xC], $0x80, s12, s0, $0xb8;
	[tilespmem:$0x14600] =	vst v63  }
0x280: {  	s19 =	sadd.s32 $0xFFC38000, s18;
	_ =	swait.ge [sflag:s1], $0x4000  }
0x281: {  	s19 =	sshrl.u32 s19, $0x3;
	[sflag:s1] =	ssyncset.done $0x0  }
0x282: {  	s19 =	sadd.s32 s2, s19;
	[sflag:s1] =	ssyncadd.s32 $0xFFFFC000  }
0x283: {  	[tilespmem:s26], [sflag:$0x7] =	stream.linear.gather [hbm4b:s19+s7], $0x4000, $0x38;
	[tilespmem:$0x14600] =	vst v63  }
0x284: {  	s26 =	sld [smem:$0x7F9];
	_ =	sdelay $0x2  }
0x285: {  	s19 =	sadd.s32 s26, s15  }
0x286: {  	s19 =	sor.u32 s4, s19  }
0x287: {  	s19 =	sshrl.u32 s19, $0x3  }
0x288: {  	s19 =	sadd.s32 s23, s19  }
0x289: {  	[tilespmem:s3], [sflag:$0x3] =	stream.linear.gather [hbm4b:s19+s7], $0x80, $0x38;
	[tilespmem:$0x14600] =	vst v63  }
0x28a: {  	_ =	swait.ge [sflag:s25], $0x80  }
0x28b: {  	[sflag:s25] =	ssyncset.done $0x0  }
0x28c: {  	[sflag:s25] =	ssyncadd.s32 $0xFFFFFF80  }
0x28d: {  	_ =	swait.ge [sflag:s10], $0x4000  }
0x28e: {  	[sflag:s10] =	ssyncset.done $0x0  }
0x28f: {  	s16 =	simm.s32 $0xC;
	[sflag:s10] =	ssyncadd.s32 $0xFFFFC000  }
0x290: {  	[spmem:s5] =	stream.indirect.scatter.add.f32 [tilespmem:s7], [sflag:$0x9], $0x80, s9, s0, $0xb8;
	[tilespmem:$0x14600] =	vst v63  }
0x291: {  	s18 =	sadd.s32 $0xFFC3C000, s18;
	_ =	swait.ge [sflag:s16], $0x4000  }
0x292: {  	s18 =	sshrl.u32 s18, $0x3;
	[sflag:s16] =	ssyncset.done $0x0;
	s10 =	sld [smem:$0x7FB]  }
0x293: {  	s18 =	sadd.s32 s2, s18;
	[sflag:s16] =	ssyncadd.s32 $0xFFFFC000  }
0x294: {  	[tilespmem:s6], [sflag:$0x8] =	stream.linear.gather [hbm4b:s18+s7], $0x4000, $0x38;
	[tilespmem:$0x14600] =	vst v63  }
0x295: {  	s15 =	sadd.s32 s10, s15  }
0x296: {  	s4 =	sor.u32 s4, s15  }
0x297: {  	s4 =	sshrl.u32 s4, $0x3  }
0x298: {  	s21 =	simm.s32 $0x2;
	s4 =	sadd.s32 s23, s4  }
0x299: {  	[tilespmem:s12], [sflag:$0x4] =	stream.linear.gather [hbm4b:s4+s7], $0x80, $0x38;
	[tilespmem:$0x14600] =	vst v63  }
0x29a: {  	_ =	swait.ge [sflag:s21], $0x80  }
0x29b: {  	[sflag:s21] =	ssyncset.done $0x0  }
0x29c: {  	[sflag:s21] =	ssyncadd.s32 $0xFFFFFF80;
	s21 =	simm.s32 $0x6  }
0x29d: {  	_ =	swait.ge [sflag:s21], $0x4000  }
0x29e: {  	[sflag:s21] =	ssyncset.done $0x0  }
0x29f: {  	[sflag:s21] =	ssyncadd.s32 $0xFFFFC000  }
0x2a0: {  	[spmem:s5] =	stream.indirect.scatter.add.f32 [tilespmem:s29], [sflag:$0xA], $0x80, s11, s0, $0xb8;
	[tilespmem:$0x14600] =	vst v63  }
0x2a1: {  	_ =	swait.ge [sflag:s28], $0x4000  }
0x2a2: {  	[sflag:s28] =	ssyncset.done $0x0  }
0x2a3: {  	[sflag:s28] =	ssyncadd.s32 $0xFFFFC000  }
0x2a4: {  	_ =	swait.ge [sflag:s8], $0x80  }
0x2a5: {  	[sflag:s8] =	ssyncset.done $0x0  }
0x2a6: {  	[sflag:s8] =	ssyncadd.s32 $0xFFFFFF80  }
0x2a7: {  	_ =	swait.ge [sflag:s14], $0x4000  }
0x2a8: {  	[sflag:s14] =	ssyncset.done $0x0  }
0x2a9: {  	s16 =	simm.s32 $0x8000;
	s28 =	simm.s32 $0x80;
	[sflag:s14] =	ssyncadd.s32 $0xFFFFC000  }
0x2aa: {  	[spmem:s5] =	stream.indirect.scatter.add.f32 [tilespmem:s16], [sflag:$0xB], $0x80, s3, s28, $0xb8;
	[tilespmem:$0x14600] =	vst v63  }
0x2ab: {  	_ =	swait.ge [sflag:s22], $0x4000  }
0x2ac: {  	[sflag:s22] =	ssyncset.done $0x0  }
0x2ad: {  	[sflag:s22] =	ssyncadd.s32 $0xFFFFC000  }
0x2ae: {  	_ =	swait.ge [sflag:s30], $0x80  }
0x2af: {  	[sflag:s30] =	ssyncset.done $0x0  }
0x2b0: {  	[sflag:s30] =	ssyncadd.s32 $0xFFFFFF80;
	s30 =	simm.s32 $0x8  }
0x2b1: {  	_ =	swait.ge [sflag:s30], $0x4000  }
0x2b2: {  	[sflag:s30] =	ssyncset.done $0x0  }
0x2b3: {  	[sflag:s30] =	ssyncadd.s32 $0xFFFFC000  }
0x2b4: {  	[spmem:s5] =	stream.indirect.scatter.add.f32 [tilespmem:s6], [sflag:$0xC], $0x80, s12, s28, $0xb8;
	[tilespmem:$0x14600] =	vst v63  }
0x2b5: {  	_ =	swait.ge [sflag:s1], $0x4000  }
0x2b6: {  	[sflag:s1] =	ssyncset.done $0x0  }
0x2b7: {  	s4 =	sadd.s32 @!p2 s31, s13;
	s0 =	simm.s32 $0xC;
	[sflag:s1] =	ssyncadd.s32 $0xFFFFC000  }
0x2b8: {  	s17 =	sadd.s32 @!p2 $0x1, s17;
	s15 =	sadd.s32 @!p2 $0xFFE14000, s4;
	_ =	swait.ge [sflag:s0], $0x4000  }
0x2b9: {  	s18 =	simm.s32 @!p2 $0x0;
	s15 =	sshrl.u32 @!p2 s15, $0x3;
	[sflag:s0] =	ssyncset.done $0x0  }
0x2ba: {  	s15 =	sadd.s32 @!p2 s2, s15;
	s1 =	sld [smem:$0x7EB];
	[sflag:s0] =	ssyncadd.s32 $0xFFFFC000  }
0x2bb: {  	[tilespmem:s18], [sflag:$0x5] =	stream.linear.gather @!p2 [hbm4b:s15+s18], $0x4000, $0x38;
	[tilespmem:$0x14600] =	vst v63  }
0x2bc: {  	s15 =	sshrl.u32 @!p2 s17, $0x3  }
0x2bd: {  	s15 =	smul.u32 @!p2 $0x1F400, s15  }
0x2be: {  	s5 =	rddreg [dreg:$0x6];
	s16 =	sadd.s32 @!p2 $0x100, s1  }
0x2bf: {  	s16 =	sand.u32 @!p2 $0x300, s16;
	s17 =	sadd.s32 @!p2 s5, s15  }
0x2c0: {  	s17 =	sor.u32 @!p2 s16, s17  }
0x2c1: {  	s17 =	sshrl.u32 @!p2 s17, $0x3  }
0x2c2: {  	s19 =	simm.s32 @!p2 $0x10000;
	s17 =	sadd.s32 @!p2 s23, s17  }
0x2c3: {  	[tilespmem:s19], [sflag:$0x1] =	stream.linear.gather @!p2 [hbm4b:s17+s18], $0x80, $0x38;
	[tilespmem:$0x14600] =	vst v63  }
0x2c4: {  	s17 =	sadd.s32 @!p2 $0xFFE18000, s4  }
0x2c5: {  	s17 =	sshrl.u32 @!p2 s17, $0x3  }
0x2c6: {  	s19 =	simm.s32 @!p2 $0x4000;
	s17 =	sadd.s32 @!p2 s2, s17  }
0x2c7: {  	[tilespmem:s19], [sflag:$0x6] =	stream.linear.gather @!p2 [hbm4b:s17+s18], $0x4000, $0x38;
	[tilespmem:$0x14600] =	vst v63  }
0x2c8: {  	s17 =	rddreg [dreg:$0xc]  }
0x2c9: {  	s17 =	sadd.s32 @!p2 s17, s15  }
0x2ca: {  	s17 =	sor.u32 @!p2 s16, s17  }
0x2cb: {  	s17 =	sshrl.u32 @!p2 s17, $0x3  }
0x2cc: {  	s19 =	simm.s32 @!p2 $0x10080;
	s17 =	sadd.s32 @!p2 s23, s17  }
0x2cd: {  	[tilespmem:s19], [sflag:$0x2] =	stream.linear.gather @!p2 [hbm4b:s17+s18], $0x80, $0x38;
	[tilespmem:$0x14600] =	vst v63  }
0x2ce: {  	s17 =	sadd.s32 @!p2 $0xFFE1C000, s4  }
0x2cf: {  	s17 =	sshrl.u32 @!p2 s17, $0x3  }
0x2d0: {  	s19 =	simm.s32 @!p2 $0x8000;
	s17 =	sadd.s32 @!p2 s2, s17  }
0x2d1: {  	[tilespmem:s19], [sflag:$0x7] =	stream.linear.gather @!p2 [hbm4b:s17+s18], $0x4000, $0x38;
	[tilespmem:$0x14600] =	vst v63  }
0x2d2: {  	s17 =	rddreg [dreg:$0xd]  }
0x2d3: {  	s17 =	sadd.s32 @!p2 s17, s15  }
0x2d4: {  	s17 =	sor.u32 @!p2 s16, s17  }
0x2d5: {  	s4 =	sadd.s32 @!p2 $0xFFE20000, s4;
	s17 =	sshrl.u32 @!p2 s17, $0x3  }
0x2d6: {  	s4 =	sshrl.u32 @!p2 s4, $0x3;
	s19 =	simm.s32 @!p2 $0x10100;
	s17 =	sadd.s32 @!p2 s23, s17  }
0x2d7: {  	[tilespmem:s19], [sflag:$0x3] =	stream.linear.gather @!p2 [hbm4b:s17+s18], $0x80, $0x38;
	[tilespmem:$0x14600] =	vst v63  }
0x2d8: {  	s4 =	sadd.s32 @!p2 s2, s4;
	s17 =	simm.s32 @!p2 $0xC000  }
0x2d9: {  	[tilespmem:s17], [sflag:$0x8] =	stream.linear.gather @!p2 [hbm4b:s4+s18], $0x4000, $0x38;
	[tilespmem:$0x14600] =	vst v63  }
0x2da: {  	s4 =	rddreg [dreg:$0xe]  }
0x2db: {  	s4 =	sadd.s32 @!p2 s4, s15  }
0x2dc: {  	s4 =	sor.u32 @!p2 s16, s4  }
0x2dd: {  	s4 =	sshrl.u32 @!p2 s4, $0x3  }
0x2de: {  	s25 =	sld [smem:$0x7EA];
	s15 =	simm.s32 @!p2 $0x10180;
	s4 =	sadd.s32 @!p2 s23, s4  }
0x2df: {  	[tilespmem:s15], [sflag:$0x4] =	stream.linear.gather @!p2 [hbm4b:s4+s18], $0x80, $0x38;
	[tilespmem:$0x14600] =	vst v63  }
0x2e0: {  	[bflag:$0x0] =	sbarrier.arrive $0xFFFF  }
0x2e1: {  	s17 =	sadd.s32 s25, s5;
	s22 =	sld [smem:$0x7FD]  }
0x2e2: {  	s4 =	sadd.s32 $0xFFFE2000, s17;
	s17 =	stileid.u32  }
0x2e3: {  	s4 =	sshrl.u32 s4, $0x3;
	s18 =	sshll.u32 s17, $0x6;
	s19 =	rddreg [dreg:$0x2]  }
0x2e4: {  	s15 =	sor.u32 $0x1C0F, s18;
	s4 =	sadd.s32 s19, s4;
	s23 =	sshrl.u32 s22, $0x3  }
0x2e5: {  	[hbm:s4], [sflag:s15] =	dma.local [spmem:s23], $0x400  }
0x2e6: {  	s2 =	sld [smem:$0x7EC];
	_ =	sdelay $0x2  }
0x2e7: {  	p2 =	sne.s32 s2, $0x0  }
.Ltmp8:
0x2e8: {  	_ = 	snop;
	(pc) =	sbr.rel @!p2 .LBB2_11-.Ltmp8, $2  }
0x2e9: {  	_ =	sdelay $0x2  }
0x2ea: {  	s26 =	simm.s32 $0x10000;
	s29 =	simm.s32 $0x8000;
	s6 =	simm.s32 $0x10180  }
0x2eb: {  	s1 =	sld [smem:$0x7F1]  }
.Ltmp9:
0x2ec: {  	s10 =	rddreg [dreg:$0x1b];
	(pc) =	sbr.rel .LBB2_10-.Ltmp9, $4  }
0x2ed: {  	s18 =	rddreg [dreg:$0x1c]  }
0x2ee: {  	s9 =	rddreg [dreg:$0x1e]  }
0x2ef: {  	s23 =	sld [smem:$0x7EF];
	s1 =	sadd.s32 $0x1, s1  }
0x2f0: {  	s12 =	simm.s32 $0x2;
	[smem:$0x7F1] =	sst s1  }
.LBB2_11:
0x2f1: {  	s0 =	simm.s32 $0xE  }
0x2f2: {  	_ =	swait.ge [sflag:s0], $0x400  }
0x2f3: {  	[sflag:s0] =	ssyncset.done $0x0  }
0x2f4: {  	s31 =	simm.s32 $0xF;
	[sflag:s0] =	ssyncadd.s32 $0xFFFFFC00  }
.Ltmp10:
0x2f5: {  	_ =	swait.ge [sflag:s31], $0x400;
	(pc) =	sbr.rel .LBB2_13-.Ltmp10, $4  }
0x2f6: {  	s10 =	rddreg [dreg:$0x1b]  }
0x2f7: {  	s18 =	rddreg [dreg:$0x1c]  }
0x2f8: {  	[sflag:s31] =	ssyncset.done $0x0;
	s9 =	rddreg [dreg:$0x1e]  }
0x2f9: {  	s12 =	simm.s32 $0x2;
	s1 =	sld [smem:$0x7F0];
	[sflag:s31] =	ssyncadd.s32 $0xFFFFFC00  }
.LBB2_14:
0x2fa: {  	_ =	sfence.sel $0x180000  }
0x2fb: {  	[bflag:$0x0] =	sbarrier.arrive $0xFFFF  }
0x2fc: {  	_ =	strace $0x90000047  }
0x2fd: {  	[bflag:$0x2] =	sbarrier.arrive $0xFFFF  }
0x2fe: {  	p0 =	sne.s32 s17, $0x0;
	s0 =	rddreg [dreg:$0x5]  }
0x2ff: {  	s0 =	sadd.s32 @!p0 $0x100000, s0  }
0x300: {  	[sflag:s0] =	ssyncadd.tile.s32 @!p0 $0x1;
	_ =	shalt  }
.Lfunc_end2:
_tile_overlayer_lowered:
.L_overlay_start_2:
0x301: {  	(tag) =	ssettag $0x2  }
0x302: {  	s0 =	rddreg [dreg:$0x0];
	s2 =	stileid.u32  }
0x303: {  	s1 =	rddreg [dreg:$0x1];
	p0 =	sne.s32 s2, $0x0  }
0x304: {  	s3 =	rddreg [dreg:$0x2];
	[bflag:$0x3] =	sbarrier.arrive $0xFFFF;
	s2 =	simm.s32 @!p0 $0x1C10  }
0x305: {  	[timem:s3], [sflag:s2] =	dma.local @!p0 [hbm:s0], s1  }
0x306: {  	s0 =	simm.s32 @!p0 $0x10  }
0x307: {  	_ =	swait.ge @!p0 [sflag:s0], s1  }
0x308: {  	s1 =	ssub.s32 @!p0 $0x0, s1;
	[sflag:s0] =	ssyncset.done @!p0 $0x0  }
0x309: {  	[sflag:s0] =	ssyncadd.s32 @!p0 s1  }
0x30a: {  	[bflag:$0x3] =	sbarrier.arrive $0xFFFF  }
0x30b: {  	_ =	shalt  }

</sc_bundles>
